<compile_context>
chip_gen: v7x
topology: tpu7x:2x2x1
jax: 0.10.2.dev20260603
libtpu: 0.0.44.dev20260713+nightly
codegen_flags: <defaults>
</compile_context>

<pallas_src>
import jax
import jax.numpy as jnp
from jax import lax
from jax.experimental import pallas as pl
from jax.experimental.pallas import tpu as pltpu
from jax.experimental.pallas import tpu_sc as plsc

NC = 2
NS = 16
NW = NC * NS
BATCH = 4096
SEQ = 200
D = 64
SCALE = 8.0
LPW = BATCH // NW


def _body(seqT_hbm, table_hbm, p_hbm, out_hbm,
          p_v, i0, i1, r0, r1, t0, t1, is0, is1, g0, g1, w0, w1):
    wid = lax.axis_index("s") * NC + lax.axis_index("c")
    col0 = wid * LPW

    pltpu.sync_copy(p_hbm, p_v)

    idxs, rows, trans = [i0, i1], [r0, r1], [t0, t1]
    isems, gsems, wsems = [is0, is1], [g0, g1], [w0, w1]

    def idx_start(t, buf, sem):
        pltpu.async_copy(seqT_hbm.at[t, pl.ds(col0, LPW)], buf, sem)

    def idx_wait(t, buf, sem):
        pltpu.make_async_copy(seqT_hbm.at[t, pl.ds(col0, LPW)], buf, sem).wait()

    def g_start(ibuf, rbuf, sem):
        pltpu.async_copy(table_hbm.at[ibuf], rbuf, sem)

    def g_wait(ibuf, rbuf, sem):
        pltpu.make_async_copy(table_hbm.at[ibuf], rbuf, sem).wait()

    def wb_start(t, tbuf, sem):
        pltpu.async_copy(tbuf, out_hbm.at[t, pl.ds(0, 8), wid], sem)

    def wb_wait(t, tbuf, sem):
        pltpu.make_async_copy(tbuf, out_hbm.at[t, pl.ds(0, 8), wid], sem).wait()

    pltpu.sync_copy(seqT_hbm.at[0, pl.ds(col0, LPW)], i0)
    g_start(i0, r0, g0)
    idx_start(1, i1, is1)

    iota16 = jnp.arange(16, dtype=jnp.int32)

    def compute(t, ibuf, rbuf, tbuf):
        t16 = jnp.full((16,), t, jnp.int32)
        scales = []
        toks = []
        for c in range(LPW // 16):
            idx16 = ibuf[pl.ds(c * 16, 16)]
            scales.append(jnp.where(idx16 == 0, 0.0, SCALE).astype(jnp.float32))
            toks.append(iota16 + (c * 16))

        @plsc.parallel_loop(0, 16, 1, unroll=2)
        def rstep(r):
            base = iota16 ^ r
            for j0 in range(0, D, 16):
                jv = base + j0
                pj = plsc.load_gather(p_v, [t16, jv])
                jbv = jv >> 3
                jsv = jv & 7
                for c in range(LPW // 16):
                    val = plsc.load_gather(rbuf, [toks[c], jv])
                    plsc.store_scatter(tbuf, [jbv, jsv, toks[c]],
                                       val * scales[c] + pj)

    def step(s, carry):
        for r in range(2):
            t = 2 * s + r
            ibuf, rbuf, tbuf = idxs[r], rows[r], trans[r]
            isem, gsem, wsem = isems[r], gsems[r], wsems[r]
            nibuf, nrbuf = idxs[1 - r], rows[1 - r]

            g_wait(ibuf, rbuf, gsem)

            @pl.when(t + 1 < SEQ)
            def _():
                idx_wait(t + 1, nibuf, isems[1 - r])
                g_start(nibuf, nrbuf, gsems[1 - r])

            @pl.when(t + 2 < SEQ)
            def _():
                idx_start(t + 2, ibuf, isem)

            @pl.when(t >= 2)
            def _():
                wb_wait(t - 2, tbuf, wsem)

            compute(t, ibuf, rbuf, tbuf)
            wb_start(t, tbuf, wsem)
        return carry

    lax.fori_loop(0, SEQ // 2, step, 0)

    wb_wait(SEQ - 2, t0, w0)
    wb_wait(SEQ - 1, t1, w1)


def kernel(seq, table, p):
    mesh = plsc.VectorSubcoreMesh(core_axis_name="c", subcore_axis_name="s")
    f = pl.kernel(
        _body,
        out_type=jax.ShapeDtypeStruct((SEQ, D // 8, BATCH // 128, 8, 128),
                                      jnp.float32),
        mesh=mesh,
        compiler_params=pltpu.CompilerParams(needs_layout_passes=False,
                                             use_tc_tiling_on_sc=False),
        scratch_types=[
            pltpu.VMEM((SEQ, D), jnp.float32),
            pltpu.VMEM((LPW,), jnp.int32),
            pltpu.VMEM((LPW,), jnp.int32),
            pltpu.VMEM((LPW, D), jnp.float32),
            pltpu.VMEM((LPW, D), jnp.float32),
            pltpu.VMEM((D // 8, 8, 128), jnp.float32),
            pltpu.VMEM((D // 8, 8, 128), jnp.float32),
            pltpu.SemaphoreType.DMA,
            pltpu.SemaphoreType.DMA,
            pltpu.SemaphoreType.DMA,
            pltpu.SemaphoreType.DMA,
            pltpu.SemaphoreType.DMA,
            pltpu.SemaphoreType.DMA,
        ],
    )
    out5 = f(seq.T, table, p)
    return jnp.transpose(out5, (2, 4, 0, 1, 3)).reshape(BATCH, SEQ, D)

# --- scband reference (transcript-rebuilt; emitter-appended) ---
"""Pipeline reference for scband-src-embedding-21036749815916 (READ-ONLY COPY).

The authoritative reference and input builder live on the scoring server;
editing this copy changes nothing except your own understanding.
"""

import math
import jax, jax.numpy as jnp
import numpy as np

VOCAB = 1000000
EMBED_DIM = 64
MAX_SOURCE_LEN = 200
PAD_INDEX = 0
BATCH = 4096
SEQ_LEN = 200


def setup_inputs(seed: int = 0) -> dict:
    key = jax.random.key(seed)
    k1, k2, k3 = jax.random.split(key, 3)
    seq = jax.random.randint(k1, (BATCH, SEQ_LEN), 0, VOCAB, dtype=jnp.int64 if jax.config.jax_enable_x64 else jnp.int32).astype(jnp.int32)
    table = jax.random.normal(k2, (VOCAB, EMBED_DIM), dtype=jnp.float32) * 0.02
    p = jax.random.normal(k3, (MAX_SOURCE_LEN, EMBED_DIM), dtype=jnp.float32) * 0.02
    return {"seq": seq, "table": table, "p": p}


def reference(seq, table, p):
    # nn.Embedding with padding_idx: row PAD_INDEX is a zero vector
    tbl = table.at[PAD_INDEX].set(0.0)
    # embedding lookup (gather)
    c = jnp.take(tbl, seq, axis=0)
    # embedding_mul=True -> scale by sqrt(embedding_size)
    c = c * math.sqrt(EMBED_DIM)
    # old_PE=True -> learned positional embedding added
    pos = jnp.arange(seq.shape[1])
    c = c + jnp.take(p, pos, axis=0)[None, :, :]
    # dropout is a no-op in eval mode
    return c

if __name__ == "__main__":
    import jax
    _d = setup_inputs()
    print(jax.jit(kernel)(*tuple(_d.values())))

</pallas_src>

<mosaic_0001>
#map = affine_map<(d0, d1) -> (0, 0)>
#map1 = affine_map<(d0, d1) -> (0, 0, 0, 0, 0)>
module attributes {stable_mosaic.version = 14 : i64} {
  func.func @_body(%arg0: i32, %arg1: i32, %arg2: memref<200x4096xi32, #tpu.memory_space<hbm>>, %arg3: memref<1000000x64xf32, #tpu.memory_space<hbm>>, %arg4: memref<200x64xf32, #tpu.memory_space<hbm>>, %arg5: memref<200x8x32x8x128xf32, #tpu.memory_space<hbm>>, %arg6: memref<200x64xf32, #tpu.memory_space<vmem>>, %arg7: memref<128xi32, #tpu.memory_space<vmem>>, %arg8: memref<128xi32, #tpu.memory_space<vmem>>, %arg9: memref<128x64xf32, #tpu.memory_space<vmem>>, %arg10: memref<128x64xf32, #tpu.memory_space<vmem>>, %arg11: memref<8x8x128xf32, #tpu.memory_space<vmem>>, %arg12: memref<8x8x128xf32, #tpu.memory_space<vmem>>, %arg13: memref<!tpu.dma_semaphore, #tpu.memory_space<semaphore_mem>>, %arg14: memref<!tpu.dma_semaphore, #tpu.memory_space<semaphore_mem>>, %arg15: memref<!tpu.dma_semaphore, #tpu.memory_space<semaphore_mem>>, %arg16: memref<!tpu.dma_semaphore, #tpu.memory_space<semaphore_mem>>, %arg17: memref<!tpu.dma_semaphore, #tpu.memory_space<semaphore_mem>>, %arg18: memref<!tpu.dma_semaphore, #tpu.memory_space<semaphore_mem>>) attributes {dimension_semantics = [#tpu.dimension_semantics<core_parallel>, #tpu.dimension_semantics<subcore_parallel>], iteration_bounds = array<i64: 2, 16>, scalar_prefetch = 0 : i64, scratch_operands = 13 : i64, tpu.core_type = #tpu.core_type<sc_vector_subcore>, window_params = [{transform_indices = #map}, {transform_indices = #map}, {transform_indices = #map}, {transform_indices = #map1}]} {
    %mul3A = arith.constant 2 : i32
    %mul3A_0 = arith.muli %arg1, %mul3A : i32
    %add3A = arith.addi %mul3A_0, %arg0 : i32
    %mul3A_1 = arith.constant 128 : i32
    %mul3A_2 = arith.muli %add3A, %mul3A_1 : i32
    "tpu.region"() ({
      %run_scoped3A_36 = tpu.sem_alloc : memref<!tpu.dma_semaphore, #tpu.memory_space<semaphore_mem>>
      tpu.enqueue_dma source(%arg4 : memref<200x64xf32, #tpu.memory_space<hbm>>) target(%arg6 : memref<200x64xf32, #tpu.memory_space<vmem>>) target_semaphore(%run_scoped3A_36 : memref<!tpu.dma_semaphore, #tpu.memory_space<semaphore_mem>>)
      tpu.wait_dma2 semaphore(%run_scoped3A_36 : memref<!tpu.dma_semaphore, #tpu.memory_space<semaphore_mem>>) src(%arg4 : memref<200x64xf32, #tpu.memory_space<hbm>>) dst(%arg6 : memref<200x64xf32, #tpu.memory_space<vmem>>)
      tpu.yield
    }) : () -> ()
    %run_scoped3A = arith.constant 0 : i32
    "tpu.region"() ({
      %run_scoped3A_36 = tpu.sem_alloc : memref<!tpu.dma_semaphore, #tpu.memory_space<semaphore_mem>>
      %dma_start3A_37 = tpu.memref_slice %arg2[%run_scoped3A, %mul3A_2] : memref<200x4096xi32, #tpu.memory_space<hbm>> -> memref<1x128xi32, #tpu.memory_space<hbm>>
      %dma_start3A_38 = tpu.memref_squeeze %dma_start3A_37 : memref<1x128xi32, #tpu.memory_space<hbm>> -> memref<128xi32, #tpu.memory_space<hbm>>
      %dma_start3A_39 = tpu.memref_slice %arg2[%run_scoped3A, %mul3A_2] : memref<200x4096xi32, #tpu.memory_space<hbm>> -> memref<1x128xi32, #tpu.memory_space<hbm>>
      %dma_start3A_40 = tpu.memref_squeeze %dma_start3A_39 : memref<1x128xi32, #tpu.memory_space<hbm>> -> memref<128xi32, #tpu.memory_space<hbm>>
      tpu.enqueue_dma source(%dma_start3A_40 : memref<128xi32, #tpu.memory_space<hbm>>) target(%arg7 : memref<128xi32, #tpu.memory_space<vmem>>) target_semaphore(%run_scoped3A_36 : memref<!tpu.dma_semaphore, #tpu.memory_space<semaphore_mem>>)
      %dma_wait3A_41 = tpu.memref_slice %arg2[%run_scoped3A, %mul3A_2] : memref<200x4096xi32, #tpu.memory_space<hbm>> -> memref<1x128xi32, #tpu.memory_space<hbm>>
      %dma_wait3A_42 = tpu.memref_squeeze %dma_wait3A_41 : memref<1x128xi32, #tpu.memory_space<hbm>> -> memref<128xi32, #tpu.memory_space<hbm>>
      %dma_wait3A_43 = tpu.memref_slice %arg2[%run_scoped3A, %mul3A_2] : memref<200x4096xi32, #tpu.memory_space<hbm>> -> memref<1x128xi32, #tpu.memory_space<hbm>>
      %dma_wait3A_44 = tpu.memref_squeeze %dma_wait3A_43 : memref<1x128xi32, #tpu.memory_space<hbm>> -> memref<128xi32, #tpu.memory_space<hbm>>
      tpu.wait_dma2 semaphore(%run_scoped3A_36 : memref<!tpu.dma_semaphore, #tpu.memory_space<semaphore_mem>>) src(%dma_wait3A_44 : memref<128xi32, #tpu.memory_space<hbm>>) dst(%arg7 : memref<128xi32, #tpu.memory_space<vmem>>)
      tpu.yield
    }) : () -> ()
    %dma_start3A = arith.constant 0 : i32
    %dma_start3A_3 = arith.constant 0 : i32
    %dma_start3A_4 = tpu.memref_slice %arg3[%dma_start3A, %dma_start3A_3] : memref<1000000x64xf32, #tpu.memory_space<hbm>> -> memref<1000000x64xf32, #tpu.memory_space<hbm>>
    tpu.enqueue_indirect_dma source(%dma_start3A_4 : memref<1000000x64xf32, #tpu.memory_space<hbm>>) target(%arg9 : memref<128x64xf32, #tpu.memory_space<vmem>>) offsets(%arg7 : memref<128xi32, #tpu.memory_space<vmem>>) semaphore(%arg15 : memref<!tpu.dma_semaphore, #tpu.memory_space<semaphore_mem>>)
    %dma_start3A_5 = arith.constant 1 : i32
    %dma_start3A_6 = tpu.memref_slice %arg2[%dma_start3A_5, %mul3A_2] : memref<200x4096xi32, #tpu.memory_space<hbm>> -> memref<1x128xi32, #tpu.memory_space<hbm>>
    %dma_start3A_7 = tpu.memref_squeeze %dma_start3A_6 : memref<1x128xi32, #tpu.memory_space<hbm>> -> memref<128xi32, #tpu.memory_space<hbm>>
    %dma_start3A_8 = tpu.memref_slice %arg2[%dma_start3A_5, %mul3A_2] : memref<200x4096xi32, #tpu.memory_space<hbm>> -> memref<1x128xi32, #tpu.memory_space<hbm>>
    %dma_start3A_9 = tpu.memref_squeeze %dma_start3A_8 : memref<1x128xi32, #tpu.memory_space<hbm>> -> memref<128xi32, #tpu.memory_space<hbm>>
    tpu.enqueue_dma source(%dma_start3A_9 : memref<128xi32, #tpu.memory_space<hbm>>) target(%arg8 : memref<128xi32, #tpu.memory_space<vmem>>) target_semaphore(%arg14 : memref<!tpu.dma_semaphore, #tpu.memory_space<semaphore_mem>>)
    %iota3A = tpu.iota {dimensions = array<i32: 0>} : vector<16xi32>
    %scan3A = arith.constant 0 : i32
    %scan3A_10 = arith.constant 0 : i32
    %scan3A_11 = arith.constant 100 : i32
    %scan3A_12 = arith.addi %scan3A_10, %scan3A_11 : i32
    %scan3A_13 = arith.constant 1 : i32
    scf.for %scan3A_36 = %scan3A_10 to %scan3A_12 step %scan3A_13  : i32 {
      %mul3A_37 = arith.constant 2 : i32
      %mul3A_38 = arith.muli %mul3A_37, %scan3A_36 : i32
      %add3A_39 = arith.constant 0 : i32
      %add3A_40 = arith.addi %mul3A_38, %add3A_39 : i32
      %dma_wait3A_41 = arith.constant 0 : i32
      %dma_wait3A_42 = arith.constant 0 : i32
      %dma_wait3A_43 = tpu.memref_slice %arg3[%dma_wait3A_41, %dma_wait3A_42] : memref<1000000x64xf32, #tpu.memory_space<hbm>> -> memref<1000000x64xf32, #tpu.memory_space<hbm>>
      tpu.wait_indirect_dma semaphore(%arg15 : memref<!tpu.dma_semaphore, #tpu.memory_space<semaphore_mem>>) src(%dma_wait3A_43 : memref<1000000x64xf32, #tpu.memory_space<hbm>>) dst(%arg9 : memref<128x64xf32, #tpu.memory_space<vmem>>)
      %add3A_44 = arith.constant 1 : i32
      %add3A_45 = arith.addi %add3A_40, %add3A_44 : i32
      %lt3A = arith.constant 200 : i32
      %lt3A_46 = arith.cmpi slt, %add3A_45, %lt3A : i32
      %convert_element_type3A = arith.extui %lt3A_46 : i1 to i32
      %cond3A = arith.constant 0 : i32
      %cond3A_47 = arith.cmpi ne, %convert_element_type3A, %cond3A : i32
      scf.if %cond3A_47 {
        %add3A_315 = arith.constant 1 : i32
        %add3A_316 = arith.addi %add3A_40, %add3A_315 : i32
        %dma_wait3A_317 = tpu.memref_slice %arg2[%add3A_316, %mul3A_2] : memref<200x4096xi32, #tpu.memory_space<hbm>> -> memref<1x128xi32, #tpu.memory_space<hbm>>
        %dma_wait3A_318 = tpu.memref_squeeze %dma_wait3A_317 : memref<1x128xi32, #tpu.memory_space<hbm>> -> memref<128xi32, #tpu.memory_space<hbm>>
        %dma_wait3A_319 = tpu.memref_slice %arg2[%add3A_316, %mul3A_2] : memref<200x4096xi32, #tpu.memory_space<hbm>> -> memref<1x128xi32, #tpu.memory_space<hbm>>
        %dma_wait3A_320 = tpu.memref_squeeze %dma_wait3A_319 : memref<1x128xi32, #tpu.memory_space<hbm>> -> memref<128xi32, #tpu.memory_space<hbm>>
        tpu.wait_dma2 semaphore(%arg14 : memref<!tpu.dma_semaphore, #tpu.memory_space<semaphore_mem>>) src(%dma_wait3A_320 : memref<128xi32, #tpu.memory_space<hbm>>) dst(%arg8 : memref<128xi32, #tpu.memory_space<vmem>>)
        %dma_start3A_321 = arith.constant 0 : i32
        %dma_start3A_322 = arith.constant 0 : i32
        %dma_start3A_323 = tpu.memref_slice %arg3[%dma_start3A_321, %dma_start3A_322] : memref<1000000x64xf32, #tpu.memory_space<hbm>> -> memref<1000000x64xf32, #tpu.memory_space<hbm>>
        tpu.enqueue_indirect_dma source(%dma_start3A_323 : memref<1000000x64xf32, #tpu.memory_space<hbm>>) target(%arg10 : memref<128x64xf32, #tpu.memory_space<vmem>>) offsets(%arg8 : memref<128xi32, #tpu.memory_space<vmem>>) semaphore(%arg16 : memref<!tpu.dma_semaphore, #tpu.memory_space<semaphore_mem>>)
      } else {
      }
      %add3A_48 = arith.constant 2 : i32
      %add3A_49 = arith.addi %add3A_40, %add3A_48 : i32
      %lt3A_50 = arith.constant 200 : i32
      %lt3A_51 = arith.cmpi slt, %add3A_49, %lt3A_50 : i32
      %convert_element_type3A_52 = arith.extui %lt3A_51 : i1 to i32
      %cond3A_53 = arith.constant 0 : i32
      %cond3A_54 = arith.cmpi ne, %convert_element_type3A_52, %cond3A_53 : i32
      scf.if %cond3A_54 {
        %add3A_315 = arith.constant 2 : i32
        %add3A_316 = arith.addi %add3A_40, %add3A_315 : i32
        %dma_start3A_317 = tpu.memref_slice %arg2[%add3A_316, %mul3A_2] : memref<200x4096xi32, #tpu.memory_space<hbm>> -> memref<1x128xi32, #tpu.memory_space<hbm>>
        %dma_start3A_318 = tpu.memref_squeeze %dma_start3A_317 : memref<1x128xi32, #tpu.memory_space<hbm>> -> memref<128xi32, #tpu.memory_space<hbm>>
        %dma_start3A_319 = tpu.memref_slice %arg2[%add3A_316, %mul3A_2] : memref<200x4096xi32, #tpu.memory_space<hbm>> -> memref<1x128xi32, #tpu.memory_space<hbm>>
        %dma_start3A_320 = tpu.memref_squeeze %dma_start3A_319 : memref<1x128xi32, #tpu.memory_space<hbm>> -> memref<128xi32, #tpu.memory_space<hbm>>
        tpu.enqueue_dma source(%dma_start3A_320 : memref<128xi32, #tpu.memory_space<hbm>>) target(%arg7 : memref<128xi32, #tpu.memory_space<vmem>>) target_semaphore(%arg13 : memref<!tpu.dma_semaphore, #tpu.memory_space<semaphore_mem>>)
      } else {
      }
      %ge3A = arith.constant 2 : i32
      %ge3A_55 = arith.cmpi sge, %add3A_40, %ge3A : i32
      %convert_element_type3A_56 = arith.extui %ge3A_55 : i1 to i32
      %cond3A_57 = arith.constant 0 : i32
      %cond3A_58 = arith.cmpi ne, %convert_element_type3A_56, %cond3A_57 : i32
      scf.if %cond3A_58 {
        %sub3A = arith.constant 2 : i32
        %sub3A_315 = arith.subi %add3A_40, %sub3A : i32
        %dma_wait3A_316 = arith.constant 0 : i32
        %dma_wait3A_317 = arith.constant 0 : i32
        %dma_wait3A_318 = arith.constant 0 : i32
        %dma_wait3A_319 = tpu.memref_slice %arg5[%sub3A_315, %dma_wait3A_316, %add3A, %dma_wait3A_317, %dma_wait3A_318] : memref<200x8x32x8x128xf32, #tpu.memory_space<hbm>> -> memref<1x8x1x8x128xf32, #tpu.memory_space<hbm>>
        %dma_wait3A_320 = tpu.memref_squeeze %dma_wait3A_319 : memref<1x8x1x8x128xf32, #tpu.memory_space<hbm>> -> memref<8x8x128xf32, #tpu.memory_space<hbm>>
        %dma_wait3A_321 = arith.constant 0 : i32
        %dma_wait3A_322 = arith.constant 0 : i32
        %dma_wait3A_323 = arith.constant 0 : i32
        %dma_wait3A_324 = tpu.memref_slice %arg5[%sub3A_315, %dma_wait3A_321, %add3A, %dma_wait3A_322, %dma_wait3A_323] : memref<200x8x32x8x128xf32, #tpu.memory_space<hbm>> -> memref<1x8x1x8x128xf32, #tpu.memory_space<hbm>>
        %dma_wait3A_325 = tpu.memref_squeeze %dma_wait3A_324 : memref<1x8x1x8x128xf32, #tpu.memory_space<hbm>> -> memref<8x8x128xf32, #tpu.memory_space<hbm>>
        tpu.wait_dma2 semaphore(%arg17 : memref<!tpu.dma_semaphore, #tpu.memory_space<semaphore_mem>>) src(%arg11 : memref<8x8x128xf32, #tpu.memory_space<vmem>>) dst(%dma_wait3A_325 : memref<8x8x128xf32, #tpu.memory_space<hbm>>)
      } else {
      }
      %broadcast_in_dim3A = vector.broadcast %add3A_40 : i32 to vector<16xi32>
      %get3A = arith.constant 0 : index
      %get3A_59 = tpu.vector_load %arg7[%get3A] {strides = array<i32>} : memref<128xi32, #tpu.memory_space<vmem>>, vector<16xi32>,
      %eq3A = arith.constant 0 : i32
      %eq3A_60 = vector.broadcast %eq3A : i32 to vector<16xi32>
      %eq3A_61 = arith.cmpi eq, %get3A_59, %eq3A_60 : vector<16xi32>
      %jit3A = arith.constant 0.000000e+00 : f32
      %jit3A_62 = arith.constant 8.000000e+00 : f32
      %broadcast_in_dim3A_63 = vector.broadcast %jit3A : f32 to vector<16xf32>
      %broadcast_in_dim3A_64 = vector.broadcast %jit3A_62 : f32 to vector<16xf32>
      %select_n3A = arith.select %eq3A_61, %broadcast_in_dim3A_63, %broadcast_in_dim3A_64 : vector<16xi1>, vector<16xf32>
      %add3A_65 = arith.constant 0 : i32
      %add3A_66 = vector.broadcast %add3A_65 : i32 to vector<16xi32>
      %add3A_67 = arith.addi %iota3A, %add3A_66 : vector<16xi32>
      %get3A_68 = arith.constant 16 : index
      %get3A_69 = tpu.vector_load %arg7[%get3A_68] {strides = array<i32>} : memref<128xi32, #tpu.memory_space<vmem>>, vector<16xi32>,
      %eq3A_70 = arith.constant 0 : i32
      %eq3A_71 = vector.broadcast %eq3A_70 : i32 to vector<16xi32>
      %eq3A_72 = arith.cmpi eq, %get3A_69, %eq3A_71 : vector<16xi32>
      %jit3A_73 = arith.constant 0.000000e+00 : f32
      %jit3A_74 = arith.constant 8.000000e+00 : f32
      %broadcast_in_dim3A_75 = vector.broadcast %jit3A_73 : f32 to vector<16xf32>
      %broadcast_in_dim3A_76 = vector.broadcast %jit3A_74 : f32 to vector<16xf32>
      %select_n3A_77 = arith.select %eq3A_72, %broadcast_in_dim3A_75, %broadcast_in_dim3A_76 : vector<16xi1>, vector<16xf32>
      %add3A_78 = arith.constant 16 : i32
      %add3A_79 = vector.broadcast %add3A_78 : i32 to vector<16xi32>
      %add3A_80 = arith.addi %iota3A, %add3A_79 : vector<16xi32>
      %get3A_81 = arith.constant 32 : index
      %get3A_82 = tpu.vector_load %arg7[%get3A_81] {strides = array<i32>} : memref<128xi32, #tpu.memory_space<vmem>>, vector<16xi32>,
      %eq3A_83 = arith.constant 0 : i32
      %eq3A_84 = vector.broadcast %eq3A_83 : i32 to vector<16xi32>
      %eq3A_85 = arith.cmpi eq, %get3A_82, %eq3A_84 : vector<16xi32>
      %jit3A_86 = arith.constant 0.000000e+00 : f32
      %jit3A_87 = arith.constant 8.000000e+00 : f32
      %broadcast_in_dim3A_88 = vector.broadcast %jit3A_86 : f32 to vector<16xf32>
      %broadcast_in_dim3A_89 = vector.broadcast %jit3A_87 : f32 to vector<16xf32>
      %select_n3A_90 = arith.select %eq3A_85, %broadcast_in_dim3A_88, %broadcast_in_dim3A_89 : vector<16xi1>, vector<16xf32>
      %add3A_91 = arith.constant 32 : i32
      %add3A_92 = vector.broadcast %add3A_91 : i32 to vector<16xi32>
      %add3A_93 = arith.addi %iota3A, %add3A_92 : vector<16xi32>
      %get3A_94 = arith.constant 48 : index
      %get3A_95 = tpu.vector_load %arg7[%get3A_94] {strides = array<i32>} : memref<128xi32, #tpu.memory_space<vmem>>, vector<16xi32>,
      %eq3A_96 = arith.constant 0 : i32
      %eq3A_97 = vector.broadcast %eq3A_96 : i32 to vector<16xi32>
      %eq3A_98 = arith.cmpi eq, %get3A_95, %eq3A_97 : vector<16xi32>
      %jit3A_99 = arith.constant 0.000000e+00 : f32
      %jit3A_100 = arith.constant 8.000000e+00 : f32
      %broadcast_in_dim3A_101 = vector.broadcast %jit3A_99 : f32 to vector<16xf32>
      %broadcast_in_dim3A_102 = vector.broadcast %jit3A_100 : f32 to vector<16xf32>
      %select_n3A_103 = arith.select %eq3A_98, %broadcast_in_dim3A_101, %broadcast_in_dim3A_102 : vector<16xi1>, vector<16xf32>
      %add3A_104 = arith.constant 48 : i32
      %add3A_105 = vector.broadcast %add3A_104 : i32 to vector<16xi32>
      %add3A_106 = arith.addi %iota3A, %add3A_105 : vector<16xi32>
      %get3A_107 = arith.constant 64 : index
      %get3A_108 = tpu.vector_load %arg7[%get3A_107] {strides = array<i32>} : memref<128xi32, #tpu.memory_space<vmem>>, vector<16xi32>,
      %eq3A_109 = arith.constant 0 : i32
      %eq3A_110 = vector.broadcast %eq3A_109 : i32 to vector<16xi32>
      %eq3A_111 = arith.cmpi eq, %get3A_108, %eq3A_110 : vector<16xi32>
      %jit3A_112 = arith.constant 0.000000e+00 : f32
      %jit3A_113 = arith.constant 8.000000e+00 : f32
      %broadcast_in_dim3A_114 = vector.broadcast %jit3A_112 : f32 to vector<16xf32>
      %broadcast_in_dim3A_115 = vector.broadcast %jit3A_113 : f32 to vector<16xf32>
      %select_n3A_116 = arith.select %eq3A_111, %broadcast_in_dim3A_114, %broadcast_in_dim3A_115 : vector<16xi1>, vector<16xf32>
      %add3A_117 = arith.constant 64 : i32
      %add3A_118 = vector.broadcast %add3A_117 : i32 to vector<16xi32>
      %add3A_119 = arith.addi %iota3A, %add3A_118 : vector<16xi32>
      %get3A_120 = arith.constant 80 : index
      %get3A_121 = tpu.vector_load %arg7[%get3A_120] {strides = array<i32>} : memref<128xi32, #tpu.memory_space<vmem>>, vector<16xi32>,
      %eq3A_122 = arith.constant 0 : i32
      %eq3A_123 = vector.broadcast %eq3A_122 : i32 to vector<16xi32>
      %eq3A_124 = arith.cmpi eq, %get3A_121, %eq3A_123 : vector<16xi32>
      %jit3A_125 = arith.constant 0.000000e+00 : f32
      %jit3A_126 = arith.constant 8.000000e+00 : f32
      %broadcast_in_dim3A_127 = vector.broadcast %jit3A_125 : f32 to vector<16xf32>
      %broadcast_in_dim3A_128 = vector.broadcast %jit3A_126 : f32 to vector<16xf32>
      %select_n3A_129 = arith.select %eq3A_124, %broadcast_in_dim3A_127, %broadcast_in_dim3A_128 : vector<16xi1>, vector<16xf32>
      %add3A_130 = arith.constant 80 : i32
      %add3A_131 = vector.broadcast %add3A_130 : i32 to vector<16xi32>
      %add3A_132 = arith.addi %iota3A, %add3A_131 : vector<16xi32>
      %get3A_133 = arith.constant 96 : index
      %get3A_134 = tpu.vector_load %arg7[%get3A_133] {strides = array<i32>} : memref<128xi32, #tpu.memory_space<vmem>>, vector<16xi32>,
      %eq3A_135 = arith.constant 0 : i32
      %eq3A_136 = vector.broadcast %eq3A_135 : i32 to vector<16xi32>
      %eq3A_137 = arith.cmpi eq, %get3A_134, %eq3A_136 : vector<16xi32>
      %jit3A_138 = arith.constant 0.000000e+00 : f32
      %jit3A_139 = arith.constant 8.000000e+00 : f32
      %broadcast_in_dim3A_140 = vector.broadcast %jit3A_138 : f32 to vector<16xf32>
      %broadcast_in_dim3A_141 = vector.broadcast %jit3A_139 : f32 to vector<16xf32>
      %select_n3A_142 = arith.select %eq3A_137, %broadcast_in_dim3A_140, %broadcast_in_dim3A_141 : vector<16xi1>, vector<16xf32>
      %add3A_143 = arith.constant 96 : i32
      %add3A_144 = vector.broadcast %add3A_143 : i32 to vector<16xi32>
      %add3A_145 = arith.addi %iota3A, %add3A_144 : vector<16xi32>
      %get3A_146 = arith.constant 112 : index
      %get3A_147 = tpu.vector_load %arg7[%get3A_146] {strides = array<i32>} : memref<128xi32, #tpu.memory_space<vmem>>, vector<16xi32>,
      %eq3A_148 = arith.constant 0 : i32
      %eq3A_149 = vector.broadcast %eq3A_148 : i32 to vector<16xi32>
      %eq3A_150 = arith.cmpi eq, %get3A_147, %eq3A_149 : vector<16xi32>
      %jit3A_151 = arith.constant 0.000000e+00 : f32
      %jit3A_152 = arith.constant 8.000000e+00 : f32
      %broadcast_in_dim3A_153 = vector.broadcast %jit3A_151 : f32 to vector<16xf32>
      %broadcast_in_dim3A_154 = vector.broadcast %jit3A_152 : f32 to vector<16xf32>
      %select_n3A_155 = arith.select %eq3A_150, %broadcast_in_dim3A_153, %broadcast_in_dim3A_154 : vector<16xi1>, vector<16xf32>
      %add3A_156 = arith.constant 112 : i32
      %add3A_157 = vector.broadcast %add3A_156 : i32 to vector<16xi32>
      %add3A_158 = arith.addi %iota3A, %add3A_157 : vector<16xi32>
      %parallel_loop3A = arith.constant 0 : i32
      %parallel_loop3A_159 = arith.constant 16 : i32
      %parallel_loop3A_160 = arith.constant 1 : i32
      scf.for %parallel_loop3A_315 = %parallel_loop3A to %parallel_loop3A_159 step %parallel_loop3A_160  : i32 {
        %parallel_loop3A_316 = vector.broadcast %parallel_loop3A_315 : i32 to vector<16xi32>
        %parallel_loop3A_317 = arith.xori %iota3A, %parallel_loop3A_316 : vector<16xi32>
        %parallel_loop3A_318 = arith.constant 0 : i32
        %parallel_loop3A_319 = vector.broadcast %parallel_loop3A_318 : i32 to vector<16xi32>
        %parallel_loop3A_320 = arith.addi %parallel_loop3A_317, %parallel_loop3A_319 : vector<16xi32>
        %parallel_loop3A_321 = tpu.vector_load_idx %arg6[%broadcast_in_dim3A, %parallel_loop3A_320] : memref<200x64xf32, #tpu.memory_space<vmem>>[vector<16xi32>, vector<16xi32>], vector<16xf32>,
        %parallel_loop3A_322 = arith.constant 3 : i32
        %parallel_loop3A_323 = vector.broadcast %parallel_loop3A_322 : i32 to vector<16xi32>
        %parallel_loop3A_324 = arith.shrsi %parallel_loop3A_320, %parallel_loop3A_323 : vector<16xi32>
        %parallel_loop3A_325 = arith.constant 7 : i32
        %parallel_loop3A_326 = vector.broadcast %parallel_loop3A_325 : i32 to vector<16xi32>
        %parallel_loop3A_327 = arith.andi %parallel_loop3A_320, %parallel_loop3A_326 : vector<16xi32>
        %parallel_loop3A_328 = tpu.vector_load_idx %arg9[%add3A_67, %parallel_loop3A_320] : memref<128x64xf32, #tpu.memory_space<vmem>>[vector<16xi32>, vector<16xi32>], vector<16xf32>,
        %parallel_loop3A_329 = arith.mulf %parallel_loop3A_328, %select_n3A : vector<16xf32>
        %parallel_loop3A_330 = arith.addf %parallel_loop3A_329, %parallel_loop3A_321 : vector<16xf32>
        tpu.vector_store_idx %arg11[%parallel_loop3A_324, %parallel_loop3A_327, %add3A_67], %parallel_loop3A_330 : memref<8x8x128xf32, #tpu.memory_space<vmem>>[vector<16xi32>, vector<16xi32>, vector<16xi32>], vector<16xf32>,
        %parallel_loop3A_331 = tpu.vector_load_idx %arg9[%add3A_80, %parallel_loop3A_320] : memref<128x64xf32, #tpu.memory_space<vmem>>[vector<16xi32>, vector<16xi32>], vector<16xf32>,
        %parallel_loop3A_332 = arith.mulf %parallel_loop3A_331, %select_n3A_77 : vector<16xf32>
        %parallel_loop3A_333 = arith.addf %parallel_loop3A_332, %parallel_loop3A_321 : vector<16xf32>
        tpu.vector_store_idx %arg11[%parallel_loop3A_324, %parallel_loop3A_327, %add3A_80], %parallel_loop3A_333 : memref<8x8x128xf32, #tpu.memory_space<vmem>>[vector<16xi32>, vector<16xi32>, vector<16xi32>], vector<16xf32>,
        %parallel_loop3A_334 = tpu.vector_load_idx %arg9[%add3A_93, %parallel_loop3A_320] : memref<128x64xf32, #tpu.memory_space<vmem>>[vector<16xi32>, vector<16xi32>], vector<16xf32>,
        %parallel_loop3A_335 = arith.mulf %parallel_loop3A_334, %select_n3A_90 : vector<16xf32>
        %parallel_loop3A_336 = arith.addf %parallel_loop3A_335, %parallel_loop3A_321 : vector<16xf32>
        tpu.vector_store_idx %arg11[%parallel_loop3A_324, %parallel_loop3A_327, %add3A_93], %parallel_loop3A_336 : memref<8x8x128xf32, #tpu.memory_space<vmem>>[vector<16xi32>, vector<16xi32>, vector<16xi32>], vector<16xf32>,
        %parallel_loop3A_337 = tpu.vector_load_idx %arg9[%add3A_106, %parallel_loop3A_320] : memref<128x64xf32, #tpu.memory_space<vmem>>[vector<16xi32>, vector<16xi32>], vector<16xf32>,
        %parallel_loop3A_338 = arith.mulf %parallel_loop3A_337, %select_n3A_103 : vector<16xf32>
        %parallel_loop3A_339 = arith.addf %parallel_loop3A_338, %parallel_loop3A_321 : vector<16xf32>
        tpu.vector_store_idx %arg11[%parallel_loop3A_324, %parallel_loop3A_327, %add3A_106], %parallel_loop3A_339 : memref<8x8x128xf32, #tpu.memory_space<vmem>>[vector<16xi32>, vector<16xi32>, vector<16xi32>], vector<16xf32>,
        %parallel_loop3A_340 = tpu.vector_load_idx %arg9[%add3A_119, %parallel_loop3A_320] : memref<128x64xf32, #tpu.memory_space<vmem>>[vector<16xi32>, vector<16xi32>], vector<16xf32>,
        %parallel_loop3A_341 = arith.mulf %parallel_loop3A_340, %select_n3A_116 : vector<16xf32>
        %parallel_loop3A_342 = arith.addf %parallel_loop3A_341, %parallel_loop3A_321 : vector<16xf32>
        tpu.vector_store_idx %arg11[%parallel_loop3A_324, %parallel_loop3A_327, %add3A_119], %parallel_loop3A_342 : memref<8x8x128xf32, #tpu.memory_space<vmem>>[vector<16xi32>, vector<16xi32>, vector<16xi32>], vector<16xf32>,
        %parallel_loop3A_343 = tpu.vector_load_idx %arg9[%add3A_132, %parallel_loop3A_320] : memref<128x64xf32, #tpu.memory_space<vmem>>[vector<16xi32>, vector<16xi32>], vector<16xf32>,
        %parallel_loop3A_344 = arith.mulf %parallel_loop3A_343, %select_n3A_129 : vector<16xf32>
        %parallel_loop3A_345 = arith.addf %parallel_loop3A_344, %parallel_loop3A_321 : vector<16xf32>
        tpu.vector_store_idx %arg11[%parallel_loop3A_324, %parallel_loop3A_327, %add3A_132], %parallel_loop3A_345 : memref<8x8x128xf32, #tpu.memory_space<vmem>>[vector<16xi32>, vector<16xi32>, vector<16xi32>], vector<16xf32>,
        %parallel_loop3A_346 = tpu.vector_load_idx %arg9[%add3A_145, %parallel_loop3A_320] : memref<128x64xf32, #tpu.memory_space<vmem>>[vector<16xi32>, vector<16xi32>], vector<16xf32>,
        %parallel_loop3A_347 = arith.mulf %parallel_loop3A_346, %select_n3A_142 : vector<16xf32>
        %parallel_loop3A_348 = arith.addf %parallel_loop3A_347, %parallel_loop3A_321 : vector<16xf32>
        tpu.vector_store_idx %arg11[%parallel_loop3A_324, %parallel_loop3A_327, %add3A_145], %parallel_loop3A_348 : memref<8x8x128xf32, #tpu.memory_space<vmem>>[vector<16xi32>, vector<16xi32>, vector<16xi32>], vector<16xf32>,
        %parallel_loop3A_349 = tpu.vector_load_idx %arg9[%add3A_158, %parallel_loop3A_320] : memref<128x64xf32, #tpu.memory_space<vmem>>[vector<16xi32>, vector<16xi32>], vector<16xf32>,
        %parallel_loop3A_350 = arith.mulf %parallel_loop3A_349, %select_n3A_155 : vector<16xf32>
        %parallel_loop3A_351 = arith.addf %parallel_loop3A_350, %parallel_loop3A_321 : vector<16xf32>
        tpu.vector_store_idx %arg11[%parallel_loop3A_324, %parallel_loop3A_327, %add3A_158], %parallel_loop3A_351 : memref<8x8x128xf32, #tpu.memory_space<vmem>>[vector<16xi32>, vector<16xi32>, vector<16xi32>], vector<16xf32>,
        %parallel_loop3A_352 = arith.constant 16 : i32
        %parallel_loop3A_353 = vector.broadcast %parallel_loop3A_352 : i32 to vector<16xi32>
        %parallel_loop3A_354 = arith.addi %parallel_loop3A_317, %parallel_loop3A_353 : vector<16xi32>
        %parallel_loop3A_355 = tpu.vector_load_idx %arg6[%broadcast_in_dim3A, %parallel_loop3A_354] : memref<200x64xf32, #tpu.memory_space<vmem>>[vector<16xi32>, vector<16xi32>], vector<16xf32>,
        %parallel_loop3A_356 = arith.constant 3 : i32
        %parallel_loop3A_357 = vector.broadcast %parallel_loop3A_356 : i32 to vector<16xi32>
        %parallel_loop3A_358 = arith.shrsi %parallel_loop3A_354, %parallel_loop3A_357 : vector<16xi32>
        %parallel_loop3A_359 = arith.constant 7 : i32
        %parallel_loop3A_360 = vector.broadcast %parallel_loop3A_359 : i32 to vector<16xi32>
        %parallel_loop3A_361 = arith.andi %parallel_loop3A_354, %parallel_loop3A_360 : vector<16xi32>
        %parallel_loop3A_362 = tpu.vector_load_idx %arg9[%add3A_67, %parallel_loop3A_354] : memref<128x64xf32, #tpu.memory_space<vmem>>[vector<16xi32>, vector<16xi32>], vector<16xf32>,
        %parallel_loop3A_363 = arith.mulf %parallel_loop3A_362, %select_n3A : vector<16xf32>
        %parallel_loop3A_364 = arith.addf %parallel_loop3A_363, %parallel_loop3A_355 : vector<16xf32>
        tpu.vector_store_idx %arg11[%parallel_loop3A_358, %parallel_loop3A_361, %add3A_67], %parallel_loop3A_364 : memref<8x8x128xf32, #tpu.memory_space<vmem>>[vector<16xi32>, vector<16xi32>, vector<16xi32>], vector<16xf32>,
        %parallel_loop3A_365 = tpu.vector_load_idx %arg9[%add3A_80, %parallel_loop3A_354] : memref<128x64xf32, #tpu.memory_space<vmem>>[vector<16xi32>, vector<16xi32>], vector<16xf32>,
        %parallel_loop3A_366 = arith.mulf %parallel_loop3A_365, %select_n3A_77 : vector<16xf32>
        %parallel_loop3A_367 = arith.addf %parallel_loop3A_366, %parallel_loop3A_355 : vector<16xf32>
        tpu.vector_store_idx %arg11[%parallel_loop3A_358, %parallel_loop3A_361, %add3A_80], %parallel_loop3A_367 : memref<8x8x128xf32, #tpu.memory_space<vmem>>[vector<16xi32>, vector<16xi32>, vector<16xi32>], vector<16xf32>,
        %parallel_loop3A_368 = tpu.vector_load_idx %arg9[%add3A_93, %parallel_loop3A_354] : memref<128x64xf32, #tpu.memory_space<vmem>>[vector<16xi32>, vector<16xi32>], vector<16xf32>,
        %parallel_loop3A_369 = arith.mulf %parallel_loop3A_368, %select_n3A_90 : vector<16xf32>
        %parallel_loop3A_370 = arith.addf %parallel_loop3A_369, %parallel_loop3A_355 : vector<16xf32>
        tpu.vector_store_idx %arg11[%parallel_loop3A_358, %parallel_loop3A_361, %add3A_93], %parallel_loop3A_370 : memref<8x8x128xf32, #tpu.memory_space<vmem>>[vector<16xi32>, vector<16xi32>, vector<16xi32>], vector<16xf32>,
        %parallel_loop3A_371 = tpu.vector_load_idx %arg9[%add3A_106, %parallel_loop3A_354] : memref<128x64xf32, #tpu.memory_space<vmem>>[vector<16xi32>, vector<16xi32>], vector<16xf32>,
        %parallel_loop3A_372 = arith.mulf %parallel_loop3A_371, %select_n3A_103 : vector<16xf32>
        %parallel_loop3A_373 = arith.addf %parallel_loop3A_372, %parallel_loop3A_355 : vector<16xf32>
        tpu.vector_store_idx %arg11[%parallel_loop3A_358, %parallel_loop3A_361, %add3A_106], %parallel_loop3A_373 : memref<8x8x128xf32, #tpu.memory_space<vmem>>[vector<16xi32>, vector<16xi32>, vector<16xi32>], vector<16xf32>,
        %parallel_loop3A_374 = tpu.vector_load_idx %arg9[%add3A_119, %parallel_loop3A_354] : memref<128x64xf32, #tpu.memory_space<vmem>>[vector<16xi32>, vector<16xi32>], vector<16xf32>,
        %parallel_loop3A_375 = arith.mulf %parallel_loop3A_374, %select_n3A_116 : vector<16xf32>
        %parallel_loop3A_376 = arith.addf %parallel_loop3A_375, %parallel_loop3A_355 : vector<16xf32>
        tpu.vector_store_idx %arg11[%parallel_loop3A_358, %parallel_loop3A_361, %add3A_119], %parallel_loop3A_376 : memref<8x8x128xf32, #tpu.memory_space<vmem>>[vector<16xi32>, vector<16xi32>, vector<16xi32>], vector<16xf32>,
        %parallel_loop3A_377 = tpu.vector_load_idx %arg9[%add3A_132, %parallel_loop3A_354] : memref<128x64xf32, #tpu.memory_space<vmem>>[vector<16xi32>, vector<16xi32>], vector<16xf32>,
        %parallel_loop3A_378 = arith.mulf %parallel_loop3A_377, %select_n3A_129 : vector<16xf32>
        %parallel_loop3A_379 = arith.addf %parallel_loop3A_378, %parallel_loop3A_355 : vector<16xf32>
        tpu.vector_store_idx %arg11[%parallel_loop3A_358, %parallel_loop3A_361, %add3A_132], %parallel_loop3A_379 : memref<8x8x128xf32, #tpu.memory_space<vmem>>[vector<16xi32>, vector<16xi32>, vector<16xi32>], vector<16xf32>,
        %parallel_loop3A_380 = tpu.vector_load_idx %arg9[%add3A_145, %parallel_loop3A_354] : memref<128x64xf32, #tpu.memory_space<vmem>>[vector<16xi32>, vector<16xi32>], vector<16xf32>,
        %parallel_loop3A_381 = arith.mulf %parallel_loop3A_380, %select_n3A_142 : vector<16xf32>
        %parallel_loop3A_382 = arith.addf %parallel_loop3A_381, %parallel_loop3A_355 : vector<16xf32>
        tpu.vector_store_idx %arg11[%parallel_loop3A_358, %parallel_loop3A_361, %add3A_145], %parallel_loop3A_382 : memref<8x8x128xf32, #tpu.memory_space<vmem>>[vector<16xi32>, vector<16xi32>, vector<16xi32>], vector<16xf32>,
        %parallel_loop3A_383 = tpu.vector_load_idx %arg9[%add3A_158, %parallel_loop3A_354] : memref<128x64xf32, #tpu.memory_space<vmem>>[vector<16xi32>, vector<16xi32>], vector<16xf32>,
        %parallel_loop3A_384 = arith.mulf %parallel_loop3A_383, %select_n3A_155 : vector<16xf32>
        %parallel_loop3A_385 = arith.addf %parallel_loop3A_384, %parallel_loop3A_355 : vector<16xf32>
        tpu.vector_store_idx %arg11[%parallel_loop3A_358, %parallel_loop3A_361, %add3A_158], %parallel_loop3A_385 : memref<8x8x128xf32, #tpu.memory_space<vmem>>[vector<16xi32>, vector<16xi32>, vector<16xi32>], vector<16xf32>,
        %parallel_loop3A_386 = arith.constant 32 : i32
        %parallel_loop3A_387 = vector.broadcast %parallel_loop3A_386 : i32 to vector<16xi32>
        %parallel_loop3A_388 = arith.addi %parallel_loop3A_317, %parallel_loop3A_387 : vector<16xi32>
        %parallel_loop3A_389 = tpu.vector_load_idx %arg6[%broadcast_in_dim3A, %parallel_loop3A_388] : memref<200x64xf32, #tpu.memory_space<vmem>>[vector<16xi32>, vector<16xi32>], vector<16xf32>,
        %parallel_loop3A_390 = arith.constant 3 : i32
        %parallel_loop3A_391 = vector.broadcast %parallel_loop3A_390 : i32 to vector<16xi32>
        %parallel_loop3A_392 = arith.shrsi %parallel_loop3A_388, %parallel_loop3A_391 : vector<16xi32>
        %parallel_loop3A_393 = arith.constant 7 : i32
        %parallel_loop3A_394 = vector.broadcast %parallel_loop3A_393 : i32 to vector<16xi32>
        %parallel_loop3A_395 = arith.andi %parallel_loop3A_388, %parallel_loop3A_394 : vector<16xi32>
        %parallel_loop3A_396 = tpu.vector_load_idx %arg9[%add3A_67, %parallel_loop3A_388] : memref<128x64xf32, #tpu.memory_space<vmem>>[vector<16xi32>, vector<16xi32>], vector<16xf32>,
        %parallel_loop3A_397 = arith.mulf %parallel_loop3A_396, %select_n3A : vector<16xf32>
        %parallel_loop3A_398 = arith.addf %parallel_loop3A_397, %parallel_loop3A_389 : vector<16xf32>
        tpu.vector_store_idx %arg11[%parallel_loop3A_392, %parallel_loop3A_395, %add3A_67], %parallel_loop3A_398 : memref<8x8x128xf32, #tpu.memory_space<vmem>>[vector<16xi32>, vector<16xi32>, vector<16xi32>], vector<16xf32>,
        %parallel_loop3A_399 = tpu.vector_load_idx %arg9[%add3A_80, %parallel_loop3A_388] : memref<128x64xf32, #tpu.memory_space<vmem>>[vector<16xi32>, vector<16xi32>], vector<16xf32>,
        %parallel_loop3A_400 = arith.mulf %parallel_loop3A_399, %select_n3A_77 : vector<16xf32>
        %parallel_loop3A_401 = arith.addf %parallel_loop3A_400, %parallel_loop3A_389 : vector<16xf32>
        tpu.vector_store_idx %arg11[%parallel_loop3A_392, %parallel_loop3A_395, %add3A_80], %parallel_loop3A_401 : memref<8x8x128xf32, #tpu.memory_space<vmem>>[vector<16xi32>, vector<16xi32>, vector<16xi32>], vector<16xf32>,
        %parallel_loop3A_402 = tpu.vector_load_idx %arg9[%add3A_93, %parallel_loop3A_388] : memref<128x64xf32, #tpu.memory_space<vmem>>[vector<16xi32>, vector<16xi32>], vector<16xf32>,
        %parallel_loop3A_403 = arith.mulf %parallel_loop3A_402, %select_n3A_90 : vector<16xf32>
        %parallel_loop3A_404 = arith.addf %parallel_loop3A_403, %parallel_loop3A_389 : vector<16xf32>
        tpu.vector_store_idx %arg11[%parallel_loop3A_392, %parallel_loop3A_395, %add3A_93], %parallel_loop3A_404 : memref<8x8x128xf32, #tpu.memory_space<vmem>>[vector<16xi32>, vector<16xi32>, vector<16xi32>], vector<16xf32>,
        %parallel_loop3A_405 = tpu.vector_load_idx %arg9[%add3A_106, %parallel_loop3A_388] : memref<128x64xf32, #tpu.memory_space<vmem>>[vector<16xi32>, vector<16xi32>], vector<16xf32>,
        %parallel_loop3A_406 = arith.mulf %parallel_loop3A_405, %select_n3A_103 : vector<16xf32>
        %parallel_loop3A_407 = arith.addf %parallel_loop3A_406, %parallel_loop3A_389 : vector<16xf32>
        tpu.vector_store_idx %arg11[%parallel_loop3A_392, %parallel_loop3A_395, %add3A_106], %parallel_loop3A_407 : memref<8x8x128xf32, #tpu.memory_space<vmem>>[vector<16xi32>, vector<16xi32>, vector<16xi32>], vector<16xf32>,
        %parallel_loop3A_408 = tpu.vector_load_idx %arg9[%add3A_119, %parallel_loop3A_388] : memref<128x64xf32, #tpu.memory_space<vmem>>[vector<16xi32>, vector<16xi32>], vector<16xf32>,
        %parallel_loop3A_409 = arith.mulf %parallel_loop3A_408, %select_n3A_116 : vector<16xf32>
        %parallel_loop3A_410 = arith.addf %parallel_loop3A_409, %parallel_loop3A_389 : vector<16xf32>
        tpu.vector_store_idx %arg11[%parallel_loop3A_392, %parallel_loop3A_395, %add3A_119], %parallel_loop3A_410 : memref<8x8x128xf32, #tpu.memory_space<vmem>>[vector<16xi32>, vector<16xi32>, vector<16xi32>], vector<16xf32>,
        %parallel_loop3A_411 = tpu.vector_load_idx %arg9[%add3A_132, %parallel_loop3A_388] : memref<128x64xf32, #tpu.memory_space<vmem>>[vector<16xi32>, vector<16xi32>], vector<16xf32>,
        %parallel_loop3A_412 = arith.mulf %parallel_loop3A_411, %select_n3A_129 : vector<16xf32>
        %parallel_loop3A_413 = arith.addf %parallel_loop3A_412, %parallel_loop3A_389 : vector<16xf32>
        tpu.vector_store_idx %arg11[%parallel_loop3A_392, %parallel_loop3A_395, %add3A_132], %parallel_loop3A_413 : memref<8x8x128xf32, #tpu.memory_space<vmem>>[vector<16xi32>, vector<16xi32>, vector<16xi32>], vector<16xf32>,
        %parallel_loop3A_414 = tpu.vector_load_idx %arg9[%add3A_145, %parallel_loop3A_388] : memref<128x64xf32, #tpu.memory_space<vmem>>[vector<16xi32>, vector<16xi32>], vector<16xf32>,
        %parallel_loop3A_415 = arith.mulf %parallel_loop3A_414, %select_n3A_142 : vector<16xf32>
        %parallel_loop3A_416 = arith.addf %parallel_loop3A_415, %parallel_loop3A_389 : vector<16xf32>
        tpu.vector_store_idx %arg11[%parallel_loop3A_392, %parallel_loop3A_395, %add3A_145], %parallel_loop3A_416 : memref<8x8x128xf32, #tpu.memory_space<vmem>>[vector<16xi32>, vector<16xi32>, vector<16xi32>], vector<16xf32>,
        %parallel_loop3A_417 = tpu.vector_load_idx %arg9[%add3A_158, %parallel_loop3A_388] : memref<128x64xf32, #tpu.memory_space<vmem>>[vector<16xi32>, vector<16xi32>], vector<16xf32>,
        %parallel_loop3A_418 = arith.mulf %parallel_loop3A_417, %select_n3A_155 : vector<16xf32>
        %parallel_loop3A_419 = arith.addf %parallel_loop3A_418, %parallel_loop3A_389 : vector<16xf32>
        tpu.vector_store_idx %arg11[%parallel_loop3A_392, %parallel_loop3A_395, %add3A_158], %parallel_loop3A_419 : memref<8x8x128xf32, #tpu.memory_space<vmem>>[vector<16xi32>, vector<16xi32>, vector<16xi32>], vector<16xf32>,
        %parallel_loop3A_420 = arith.constant 48 : i32
        %parallel_loop3A_421 = vector.broadcast %parallel_loop3A_420 : i32 to vector<16xi32>
        %parallel_loop3A_422 = arith.addi %parallel_loop3A_317, %parallel_loop3A_421 : vector<16xi32>
        %parallel_loop3A_423 = tpu.vector_load_idx %arg6[%broadcast_in_dim3A, %parallel_loop3A_422] : memref<200x64xf32, #tpu.memory_space<vmem>>[vector<16xi32>, vector<16xi32>], vector<16xf32>,
        %parallel_loop3A_424 = arith.constant 3 : i32
        %parallel_loop3A_425 = vector.broadcast %parallel_loop3A_424 : i32 to vector<16xi32>
        %parallel_loop3A_426 = arith.shrsi %parallel_loop3A_422, %parallel_loop3A_425 : vector<16xi32>
        %parallel_loop3A_427 = arith.constant 7 : i32
        %parallel_loop3A_428 = vector.broadcast %parallel_loop3A_427 : i32 to vector<16xi32>
        %parallel_loop3A_429 = arith.andi %parallel_loop3A_422, %parallel_loop3A_428 : vector<16xi32>
        %parallel_loop3A_430 = tpu.vector_load_idx %arg9[%add3A_67, %parallel_loop3A_422] : memref<128x64xf32, #tpu.memory_space<vmem>>[vector<16xi32>, vector<16xi32>], vector<16xf32>,
        %parallel_loop3A_431 = arith.mulf %parallel_loop3A_430, %select_n3A : vector<16xf32>
        %parallel_loop3A_432 = arith.addf %parallel_loop3A_431, %parallel_loop3A_423 : vector<16xf32>
        tpu.vector_store_idx %arg11[%parallel_loop3A_426, %parallel_loop3A_429, %add3A_67], %parallel_loop3A_432 : memref<8x8x128xf32, #tpu.memory_space<vmem>>[vector<16xi32>, vector<16xi32>, vector<16xi32>], vector<16xf32>,
        %parallel_loop3A_433 = tpu.vector_load_idx %arg9[%add3A_80, %parallel_loop3A_422] : memref<128x64xf32, #tpu.memory_space<vmem>>[vector<16xi32>, vector<16xi32>], vector<16xf32>,
        %parallel_loop3A_434 = arith.mulf %parallel_loop3A_433, %select_n3A_77 : vector<16xf32>
        %parallel_loop3A_435 = arith.addf %parallel_loop3A_434, %parallel_loop3A_423 : vector<16xf32>
        tpu.vector_store_idx %arg11[%parallel_loop3A_426, %parallel_loop3A_429, %add3A_80], %parallel_loop3A_435 : memref<8x8x128xf32, #tpu.memory_space<vmem>>[vector<16xi32>, vector<16xi32>, vector<16xi32>], vector<16xf32>,
        %parallel_loop3A_436 = tpu.vector_load_idx %arg9[%add3A_93, %parallel_loop3A_422] : memref<128x64xf32, #tpu.memory_space<vmem>>[vector<16xi32>, vector<16xi32>], vector<16xf32>,
        %parallel_loop3A_437 = arith.mulf %parallel_loop3A_436, %select_n3A_90 : vector<16xf32>
        %parallel_loop3A_438 = arith.addf %parallel_loop3A_437, %parallel_loop3A_423 : vector<16xf32>
        tpu.vector_store_idx %arg11[%parallel_loop3A_426, %parallel_loop3A_429, %add3A_93], %parallel_loop3A_438 : memref<8x8x128xf32, #tpu.memory_space<vmem>>[vector<16xi32>, vector<16xi32>, vector<16xi32>], vector<16xf32>,
        %parallel_loop3A_439 = tpu.vector_load_idx %arg9[%add3A_106, %parallel_loop3A_422] : memref<128x64xf32, #tpu.memory_space<vmem>>[vector<16xi32>, vector<16xi32>], vector<16xf32>,
        %parallel_loop3A_440 = arith.mulf %parallel_loop3A_439, %select_n3A_103 : vector<16xf32>
        %parallel_loop3A_441 = arith.addf %parallel_loop3A_440, %parallel_loop3A_423 : vector<16xf32>
        tpu.vector_store_idx %arg11[%parallel_loop3A_426, %parallel_loop3A_429, %add3A_106], %parallel_loop3A_441 : memref<8x8x128xf32, #tpu.memory_space<vmem>>[vector<16xi32>, vector<16xi32>, vector<16xi32>], vector<16xf32>,
        %parallel_loop3A_442 = tpu.vector_load_idx %arg9[%add3A_119, %parallel_loop3A_422] : memref<128x64xf32, #tpu.memory_space<vmem>>[vector<16xi32>, vector<16xi32>], vector<16xf32>,
        %parallel_loop3A_443 = arith.mulf %parallel_loop3A_442, %select_n3A_116 : vector<16xf32>
        %parallel_loop3A_444 = arith.addf %parallel_loop3A_443, %parallel_loop3A_423 : vector<16xf32>
        tpu.vector_store_idx %arg11[%parallel_loop3A_426, %parallel_loop3A_429, %add3A_119], %parallel_loop3A_444 : memref<8x8x128xf32, #tpu.memory_space<vmem>>[vector<16xi32>, vector<16xi32>, vector<16xi32>], vector<16xf32>,
        %parallel_loop3A_445 = tpu.vector_load_idx %arg9[%add3A_132, %parallel_loop3A_422] : memref<128x64xf32, #tpu.memory_space<vmem>>[vector<16xi32>, vector<16xi32>], vector<16xf32>,
        %parallel_loop3A_446 = arith.mulf %parallel_loop3A_445, %select_n3A_129 : vector<16xf32>
        %parallel_loop3A_447 = arith.addf %parallel_loop3A_446, %parallel_loop3A_423 : vector<16xf32>
        tpu.vector_store_idx %arg11[%parallel_loop3A_426, %parallel_loop3A_429, %add3A_132], %parallel_loop3A_447 : memref<8x8x128xf32, #tpu.memory_space<vmem>>[vector<16xi32>, vector<16xi32>, vector<16xi32>], vector<16xf32>,
        %parallel_loop3A_448 = tpu.vector_load_idx %arg9[%add3A_145, %parallel_loop3A_422] : memref<128x64xf32, #tpu.memory_space<vmem>>[vector<16xi32>, vector<16xi32>], vector<16xf32>,
        %parallel_loop3A_449 = arith.mulf %parallel_loop3A_448, %select_n3A_142 : vector<16xf32>
        %parallel_loop3A_450 = arith.addf %parallel_loop3A_449, %parallel_loop3A_423 : vector<16xf32>
        tpu.vector_store_idx %arg11[%parallel_loop3A_426, %parallel_loop3A_429, %add3A_145], %parallel_loop3A_450 : memref<8x8x128xf32, #tpu.memory_space<vmem>>[vector<16xi32>, vector<16xi32>, vector<16xi32>], vector<16xf32>,
        %parallel_loop3A_451 = tpu.vector_load_idx %arg9[%add3A_158, %parallel_loop3A_422] : memref<128x64xf32, #tpu.memory_space<vmem>>[vector<16xi32>, vector<16xi32>], vector<16xf32>,
        %parallel_loop3A_452 = arith.mulf %parallel_loop3A_451, %select_n3A_155 : vector<16xf32>
        %parallel_loop3A_453 = arith.addf %parallel_loop3A_452, %parallel_loop3A_423 : vector<16xf32>
        tpu.vector_store_idx %arg11[%parallel_loop3A_426, %parallel_loop3A_429, %add3A_158], %parallel_loop3A_453 : memref<8x8x128xf32, #tpu.memory_space<vmem>>[vector<16xi32>, vector<16xi32>, vector<16xi32>], vector<16xf32>,
      } {sc.loop_unroll_factor = 2 : i64, sc.parallel_access}
      %dma_start3A_161 = arith.constant 0 : i32
      %dma_start3A_162 = arith.constant 0 : i32
      %dma_start3A_163 = arith.constant 0 : i32
      %dma_start3A_164 = tpu.memref_slice %arg5[%add3A_40, %dma_start3A_161, %add3A, %dma_start3A_162, %dma_start3A_163] : memref<200x8x32x8x128xf32, #tpu.memory_space<hbm>> -> memref<1x8x1x8x128xf32, #tpu.memory_space<hbm>>
      %dma_start3A_165 = tpu.memref_squeeze %dma_start3A_164 : memref<1x8x1x8x128xf32, #tpu.memory_space<hbm>> -> memref<8x8x128xf32, #tpu.memory_space<hbm>>
      %dma_start3A_166 = arith.constant 0 : i32
      %dma_start3A_167 = arith.constant 0 : i32
      %dma_start3A_168 = arith.constant 0 : i32
      %dma_start3A_169 = tpu.memref_slice %arg5[%add3A_40, %dma_start3A_166, %add3A, %dma_start3A_167, %dma_start3A_168] : memref<200x8x32x8x128xf32, #tpu.memory_space<hbm>> -> memref<1x8x1x8x128xf32, #tpu.memory_space<hbm>>
      %dma_start3A_170 = tpu.memref_squeeze %dma_start3A_169 : memref<1x8x1x8x128xf32, #tpu.memory_space<hbm>> -> memref<8x8x128xf32, #tpu.memory_space<hbm>>
      tpu.enqueue_dma source(%arg11 : memref<8x8x128xf32, #tpu.memory_space<vmem>>) target(%dma_start3A_170 : memref<8x8x128xf32, #tpu.memory_space<hbm>>) target_semaphore(%arg17 : memref<!tpu.dma_semaphore, #tpu.memory_space<semaphore_mem>>)
      %mul3A_171 = arith.constant 2 : i32
      %mul3A_172 = arith.muli %mul3A_171, %scan3A_36 : i32
      %add3A_173 = arith.constant 1 : i32
      %add3A_174 = arith.addi %mul3A_172, %add3A_173 : i32
      %dma_wait3A_175 = arith.constant 0 : i32
      %dma_wait3A_176 = arith.constant 0 : i32
      %dma_wait3A_177 = tpu.memref_slice %arg3[%dma_wait3A_175, %dma_wait3A_176] : memref<1000000x64xf32, #tpu.memory_space<hbm>> -> memref<1000000x64xf32, #tpu.memory_space<hbm>>
      tpu.wait_indirect_dma semaphore(%arg16 : memref<!tpu.dma_semaphore, #tpu.memory_space<semaphore_mem>>) src(%dma_wait3A_177 : memref<1000000x64xf32, #tpu.memory_space<hbm>>) dst(%arg10 : memref<128x64xf32, #tpu.memory_space<vmem>>)
      %add3A_178 = arith.constant 1 : i32
      %add3A_179 = arith.addi %add3A_174, %add3A_178 : i32
      %lt3A_180 = arith.constant 200 : i32
      %lt3A_181 = arith.cmpi slt, %add3A_179, %lt3A_180 : i32
      %convert_element_type3A_182 = arith.extui %lt3A_181 : i1 to i32
      %cond3A_183 = arith.constant 0 : i32
      %cond3A_184 = arith.cmpi ne, %convert_element_type3A_182, %cond3A_183 : i32
      scf.if %cond3A_184 {
        %add3A_315 = arith.constant 1 : i32
        %add3A_316 = arith.addi %add3A_174, %add3A_315 : i32
        %dma_wait3A_317 = tpu.memref_slice %arg2[%add3A_316, %mul3A_2] : memref<200x4096xi32, #tpu.memory_space<hbm>> -> memref<1x128xi32, #tpu.memory_space<hbm>>
        %dma_wait3A_318 = tpu.memref_squeeze %dma_wait3A_317 : memref<1x128xi32, #tpu.memory_space<hbm>> -> memref<128xi32, #tpu.memory_space<hbm>>
        %dma_wait3A_319 = tpu.memref_slice %arg2[%add3A_316, %mul3A_2] : memref<200x4096xi32, #tpu.memory_space<hbm>> -> memref<1x128xi32, #tpu.memory_space<hbm>>
        %dma_wait3A_320 = tpu.memref_squeeze %dma_wait3A_319 : memref<1x128xi32, #tpu.memory_space<hbm>> -> memref<128xi32, #tpu.memory_space<hbm>>
        tpu.wait_dma2 semaphore(%arg13 : memref<!tpu.dma_semaphore, #tpu.memory_space<semaphore_mem>>) src(%dma_wait3A_320 : memref<128xi32, #tpu.memory_space<hbm>>) dst(%arg7 : memref<128xi32, #tpu.memory_space<vmem>>)
        %dma_start3A_321 = arith.constant 0 : i32
        %dma_start3A_322 = arith.constant 0 : i32
        %dma_start3A_323 = tpu.memref_slice %arg3[%dma_start3A_321, %dma_start3A_322] : memref<1000000x64xf32, #tpu.memory_space<hbm>> -> memref<1000000x64xf32, #tpu.memory_space<hbm>>
        tpu.enqueue_indirect_dma source(%dma_start3A_323 : memref<1000000x64xf32, #tpu.memory_space<hbm>>) target(%arg9 : memref<128x64xf32, #tpu.memory_space<vmem>>) offsets(%arg7 : memref<128xi32, #tpu.memory_space<vmem>>) semaphore(%arg15 : memref<!tpu.dma_semaphore, #tpu.memory_space<semaphore_mem>>)
      } else {
      }
      %add3A_185 = arith.constant 2 : i32
      %add3A_186 = arith.addi %add3A_174, %add3A_185 : i32
      %lt3A_187 = arith.constant 200 : i32
      %lt3A_188 = arith.cmpi slt, %add3A_186, %lt3A_187 : i32
      %convert_element_type3A_189 = arith.extui %lt3A_188 : i1 to i32
      %cond3A_190 = arith.constant 0 : i32
      %cond3A_191 = arith.cmpi ne, %convert_element_type3A_189, %cond3A_190 : i32
      scf.if %cond3A_191 {
        %add3A_315 = arith.constant 2 : i32
        %add3A_316 = arith.addi %add3A_174, %add3A_315 : i32
        %dma_start3A_317 = tpu.memref_slice %arg2[%add3A_316, %mul3A_2] : memref<200x4096xi32, #tpu.memory_space<hbm>> -> memref<1x128xi32, #tpu.memory_space<hbm>>
        %dma_start3A_318 = tpu.memref_squeeze %dma_start3A_317 : memref<1x128xi32, #tpu.memory_space<hbm>> -> memref<128xi32, #tpu.memory_space<hbm>>
        %dma_start3A_319 = tpu.memref_slice %arg2[%add3A_316, %mul3A_2] : memref<200x4096xi32, #tpu.memory_space<hbm>> -> memref<1x128xi32, #tpu.memory_space<hbm>>
        %dma_start3A_320 = tpu.memref_squeeze %dma_start3A_319 : memref<1x128xi32, #tpu.memory_space<hbm>> -> memref<128xi32, #tpu.memory_space<hbm>>
        tpu.enqueue_dma source(%dma_start3A_320 : memref<128xi32, #tpu.memory_space<hbm>>) target(%arg8 : memref<128xi32, #tpu.memory_space<vmem>>) target_semaphore(%arg14 : memref<!tpu.dma_semaphore, #tpu.memory_space<semaphore_mem>>)
      } else {
      }
      %ge3A_192 = arith.constant 2 : i32
      %ge3A_193 = arith.cmpi sge, %add3A_174, %ge3A_192 : i32
      %convert_element_type3A_194 = arith.extui %ge3A_193 : i1 to i32
      %cond3A_195 = arith.constant 0 : i32
      %cond3A_196 = arith.cmpi ne, %convert_element_type3A_194, %cond3A_195 : i32
      scf.if %cond3A_196 {
        %sub3A = arith.constant 2 : i32
        %sub3A_315 = arith.subi %add3A_174, %sub3A : i32
        %dma_wait3A_316 = arith.constant 0 : i32
        %dma_wait3A_317 = arith.constant 0 : i32
        %dma_wait3A_318 = arith.constant 0 : i32
        %dma_wait3A_319 = tpu.memref_slice %arg5[%sub3A_315, %dma_wait3A_316, %add3A, %dma_wait3A_317, %dma_wait3A_318] : memref<200x8x32x8x128xf32, #tpu.memory_space<hbm>> -> memref<1x8x1x8x128xf32, #tpu.memory_space<hbm>>
        %dma_wait3A_320 = tpu.memref_squeeze %dma_wait3A_319 : memref<1x8x1x8x128xf32, #tpu.memory_space<hbm>> -> memref<8x8x128xf32, #tpu.memory_space<hbm>>
        %dma_wait3A_321 = arith.constant 0 : i32
        %dma_wait3A_322 = arith.constant 0 : i32
        %dma_wait3A_323 = arith.constant 0 : i32
        %dma_wait3A_324 = tpu.memref_slice %arg5[%sub3A_315, %dma_wait3A_321, %add3A, %dma_wait3A_322, %dma_wait3A_323] : memref<200x8x32x8x128xf32, #tpu.memory_space<hbm>> -> memref<1x8x1x8x128xf32, #tpu.memory_space<hbm>>
        %dma_wait3A_325 = tpu.memref_squeeze %dma_wait3A_324 : memref<1x8x1x8x128xf32, #tpu.memory_space<hbm>> -> memref<8x8x128xf32, #tpu.memory_space<hbm>>
        tpu.wait_dma2 semaphore(%arg18 : memref<!tpu.dma_semaphore, #tpu.memory_space<semaphore_mem>>) src(%arg12 : memref<8x8x128xf32, #tpu.memory_space<vmem>>) dst(%dma_wait3A_325 : memref<8x8x128xf32, #tpu.memory_space<hbm>>)
      } else {
      }
      %broadcast_in_dim3A_197 = vector.broadcast %add3A_174 : i32 to vector<16xi32>
      %get3A_198 = arith.constant 0 : index
      %get3A_199 = tpu.vector_load %arg8[%get3A_198] {strides = array<i32>} : memref<128xi32, #tpu.memory_space<vmem>>, vector<16xi32>,
      %eq3A_200 = arith.constant 0 : i32
      %eq3A_201 = vector.broadcast %eq3A_200 : i32 to vector<16xi32>
      %eq3A_202 = arith.cmpi eq, %get3A_199, %eq3A_201 : vector<16xi32>
      %jit3A_203 = arith.constant 0.000000e+00 : f32
      %jit3A_204 = arith.constant 8.000000e+00 : f32
      %broadcast_in_dim3A_205 = vector.broadcast %jit3A_203 : f32 to vector<16xf32>
      %broadcast_in_dim3A_206 = vector.broadcast %jit3A_204 : f32 to vector<16xf32>
      %select_n3A_207 = arith.select %eq3A_202, %broadcast_in_dim3A_205, %broadcast_in_dim3A_206 : vector<16xi1>, vector<16xf32>
      %add3A_208 = arith.constant 0 : i32
      %add3A_209 = vector.broadcast %add3A_208 : i32 to vector<16xi32>
      %add3A_210 = arith.addi %iota3A, %add3A_209 : vector<16xi32>
      %get3A_211 = arith.constant 16 : index
      %get3A_212 = tpu.vector_load %arg8[%get3A_211] {strides = array<i32>} : memref<128xi32, #tpu.memory_space<vmem>>, vector<16xi32>,
      %eq3A_213 = arith.constant 0 : i32
      %eq3A_214 = vector.broadcast %eq3A_213 : i32 to vector<16xi32>
      %eq3A_215 = arith.cmpi eq, %get3A_212, %eq3A_214 : vector<16xi32>
      %jit3A_216 = arith.constant 0.000000e+00 : f32
      %jit3A_217 = arith.constant 8.000000e+00 : f32
      %broadcast_in_dim3A_218 = vector.broadcast %jit3A_216 : f32 to vector<16xf32>
      %broadcast_in_dim3A_219 = vector.broadcast %jit3A_217 : f32 to vector<16xf32>
      %select_n3A_220 = arith.select %eq3A_215, %broadcast_in_dim3A_218, %broadcast_in_dim3A_219 : vector<16xi1>, vector<16xf32>
      %add3A_221 = arith.constant 16 : i32
      %add3A_222 = vector.broadcast %add3A_221 : i32 to vector<16xi32>
      %add3A_223 = arith.addi %iota3A, %add3A_222 : vector<16xi32>
      %get3A_224 = arith.constant 32 : index
      %get3A_225 = tpu.vector_load %arg8[%get3A_224] {strides = array<i32>} : memref<128xi32, #tpu.memory_space<vmem>>, vector<16xi32>,
      %eq3A_226 = arith.constant 0 : i32
      %eq3A_227 = vector.broadcast %eq3A_226 : i32 to vector<16xi32>
      %eq3A_228 = arith.cmpi eq, %get3A_225, %eq3A_227 : vector<16xi32>
      %jit3A_229 = arith.constant 0.000000e+00 : f32
      %jit3A_230 = arith.constant 8.000000e+00 : f32
      %broadcast_in_dim3A_231 = vector.broadcast %jit3A_229 : f32 to vector<16xf32>
      %broadcast_in_dim3A_232 = vector.broadcast %jit3A_230 : f32 to vector<16xf32>
      %select_n3A_233 = arith.select %eq3A_228, %broadcast_in_dim3A_231, %broadcast_in_dim3A_232 : vector<16xi1>, vector<16xf32>
      %add3A_234 = arith.constant 32 : i32
      %add3A_235 = vector.broadcast %add3A_234 : i32 to vector<16xi32>
      %add3A_236 = arith.addi %iota3A, %add3A_235 : vector<16xi32>
      %get3A_237 = arith.constant 48 : index
      %get3A_238 = tpu.vector_load %arg8[%get3A_237] {strides = array<i32>} : memref<128xi32, #tpu.memory_space<vmem>>, vector<16xi32>,
      %eq3A_239 = arith.constant 0 : i32
      %eq3A_240 = vector.broadcast %eq3A_239 : i32 to vector<16xi32>
      %eq3A_241 = arith.cmpi eq, %get3A_238, %eq3A_240 : vector<16xi32>
      %jit3A_242 = arith.constant 0.000000e+00 : f32
      %jit3A_243 = arith.constant 8.000000e+00 : f32
      %broadcast_in_dim3A_244 = vector.broadcast %jit3A_242 : f32 to vector<16xf32>
      %broadcast_in_dim3A_245 = vector.broadcast %jit3A_243 : f32 to vector<16xf32>
      %select_n3A_246 = arith.select %eq3A_241, %broadcast_in_dim3A_244, %broadcast_in_dim3A_245 : vector<16xi1>, vector<16xf32>
      %add3A_247 = arith.constant 48 : i32
      %add3A_248 = vector.broadcast %add3A_247 : i32 to vector<16xi32>
      %add3A_249 = arith.addi %iota3A, %add3A_248 : vector<16xi32>
      %get3A_250 = arith.constant 64 : index
      %get3A_251 = tpu.vector_load %arg8[%get3A_250] {strides = array<i32>} : memref<128xi32, #tpu.memory_space<vmem>>, vector<16xi32>,
      %eq3A_252 = arith.constant 0 : i32
      %eq3A_253 = vector.broadcast %eq3A_252 : i32 to vector<16xi32>
      %eq3A_254 = arith.cmpi eq, %get3A_251, %eq3A_253 : vector<16xi32>
      %jit3A_255 = arith.constant 0.000000e+00 : f32
      %jit3A_256 = arith.constant 8.000000e+00 : f32
      %broadcast_in_dim3A_257 = vector.broadcast %jit3A_255 : f32 to vector<16xf32>
      %broadcast_in_dim3A_258 = vector.broadcast %jit3A_256 : f32 to vector<16xf32>
      %select_n3A_259 = arith.select %eq3A_254, %broadcast_in_dim3A_257, %broadcast_in_dim3A_258 : vector<16xi1>, vector<16xf32>
      %add3A_260 = arith.constant 64 : i32
      %add3A_261 = vector.broadcast %add3A_260 : i32 to vector<16xi32>
      %add3A_262 = arith.addi %iota3A, %add3A_261 : vector<16xi32>
      %get3A_263 = arith.constant 80 : index
      %get3A_264 = tpu.vector_load %arg8[%get3A_263] {strides = array<i32>} : memref<128xi32, #tpu.memory_space<vmem>>, vector<16xi32>,
      %eq3A_265 = arith.constant 0 : i32
      %eq3A_266 = vector.broadcast %eq3A_265 : i32 to vector<16xi32>
      %eq3A_267 = arith.cmpi eq, %get3A_264, %eq3A_266 : vector<16xi32>
      %jit3A_268 = arith.constant 0.000000e+00 : f32
      %jit3A_269 = arith.constant 8.000000e+00 : f32
      %broadcast_in_dim3A_270 = vector.broadcast %jit3A_268 : f32 to vector<16xf32>
      %broadcast_in_dim3A_271 = vector.broadcast %jit3A_269 : f32 to vector<16xf32>
      %select_n3A_272 = arith.select %eq3A_267, %broadcast_in_dim3A_270, %broadcast_in_dim3A_271 : vector<16xi1>, vector<16xf32>
      %add3A_273 = arith.constant 80 : i32
      %add3A_274 = vector.broadcast %add3A_273 : i32 to vector<16xi32>
      %add3A_275 = arith.addi %iota3A, %add3A_274 : vector<16xi32>
      %get3A_276 = arith.constant 96 : index
      %get3A_277 = tpu.vector_load %arg8[%get3A_276] {strides = array<i32>} : memref<128xi32, #tpu.memory_space<vmem>>, vector<16xi32>,
      %eq3A_278 = arith.constant 0 : i32
      %eq3A_279 = vector.broadcast %eq3A_278 : i32 to vector<16xi32>
      %eq3A_280 = arith.cmpi eq, %get3A_277, %eq3A_279 : vector<16xi32>
      %jit3A_281 = arith.constant 0.000000e+00 : f32
      %jit3A_282 = arith.constant 8.000000e+00 : f32
      %broadcast_in_dim3A_283 = vector.broadcast %jit3A_281 : f32 to vector<16xf32>
      %broadcast_in_dim3A_284 = vector.broadcast %jit3A_282 : f32 to vector<16xf32>
      %select_n3A_285 = arith.select %eq3A_280, %broadcast_in_dim3A_283, %broadcast_in_dim3A_284 : vector<16xi1>, vector<16xf32>
      %add3A_286 = arith.constant 96 : i32
      %add3A_287 = vector.broadcast %add3A_286 : i32 to vector<16xi32>
      %add3A_288 = arith.addi %iota3A, %add3A_287 : vector<16xi32>
      %get3A_289 = arith.constant 112 : index
      %get3A_290 = tpu.vector_load %arg8[%get3A_289] {strides = array<i32>} : memref<128xi32, #tpu.memory_space<vmem>>, vector<16xi32>,
      %eq3A_291 = arith.constant 0 : i32
      %eq3A_292 = vector.broadcast %eq3A_291 : i32 to vector<16xi32>
      %eq3A_293 = arith.cmpi eq, %get3A_290, %eq3A_292 : vector<16xi32>
      %jit3A_294 = arith.constant 0.000000e+00 : f32
      %jit3A_295 = arith.constant 8.000000e+00 : f32
      %broadcast_in_dim3A_296 = vector.broadcast %jit3A_294 : f32 to vector<16xf32>
      %broadcast_in_dim3A_297 = vector.broadcast %jit3A_295 : f32 to vector<16xf32>
      %select_n3A_298 = arith.select %eq3A_293, %broadcast_in_dim3A_296, %broadcast_in_dim3A_297 : vector<16xi1>, vector<16xf32>
      %add3A_299 = arith.constant 112 : i32
      %add3A_300 = vector.broadcast %add3A_299 : i32 to vector<16xi32>
      %add3A_301 = arith.addi %iota3A, %add3A_300 : vector<16xi32>
      %parallel_loop3A_302 = arith.constant 0 : i32
      %parallel_loop3A_303 = arith.constant 16 : i32
      %parallel_loop3A_304 = arith.constant 1 : i32
      scf.for %parallel_loop3A_315 = %parallel_loop3A_302 to %parallel_loop3A_303 step %parallel_loop3A_304  : i32 {
        %parallel_loop3A_316 = vector.broadcast %parallel_loop3A_315 : i32 to vector<16xi32>
        %parallel_loop3A_317 = arith.xori %iota3A, %parallel_loop3A_316 : vector<16xi32>
        %parallel_loop3A_318 = arith.constant 0 : i32
        %parallel_loop3A_319 = vector.broadcast %parallel_loop3A_318 : i32 to vector<16xi32>
        %parallel_loop3A_320 = arith.addi %parallel_loop3A_317, %parallel_loop3A_319 : vector<16xi32>
        %parallel_loop3A_321 = tpu.vector_load_idx %arg6[%broadcast_in_dim3A_197, %parallel_loop3A_320] : memref<200x64xf32, #tpu.memory_space<vmem>>[vector<16xi32>, vector<16xi32>], vector<16xf32>,
        %parallel_loop3A_322 = arith.constant 3 : i32
        %parallel_loop3A_323 = vector.broadcast %parallel_loop3A_322 : i32 to vector<16xi32>
        %parallel_loop3A_324 = arith.shrsi %parallel_loop3A_320, %parallel_loop3A_323 : vector<16xi32>
        %parallel_loop3A_325 = arith.constant 7 : i32
        %parallel_loop3A_326 = vector.broadcast %parallel_loop3A_325 : i32 to vector<16xi32>
        %parallel_loop3A_327 = arith.andi %parallel_loop3A_320, %parallel_loop3A_326 : vector<16xi32>
        %parallel_loop3A_328 = tpu.vector_load_idx %arg10[%add3A_210, %parallel_loop3A_320] : memref<128x64xf32, #tpu.memory_space<vmem>>[vector<16xi32>, vector<16xi32>], vector<16xf32>,
        %parallel_loop3A_329 = arith.mulf %parallel_loop3A_328, %select_n3A_207 : vector<16xf32>
        %parallel_loop3A_330 = arith.addf %parallel_loop3A_329, %parallel_loop3A_321 : vector<16xf32>
        tpu.vector_store_idx %arg12[%parallel_loop3A_324, %parallel_loop3A_327, %add3A_210], %parallel_loop3A_330 : memref<8x8x128xf32, #tpu.memory_space<vmem>>[vector<16xi32>, vector<16xi32>, vector<16xi32>], vector<16xf32>,
        %parallel_loop3A_331 = tpu.vector_load_idx %arg10[%add3A_223, %parallel_loop3A_320] : memref<128x64xf32, #tpu.memory_space<vmem>>[vector<16xi32>, vector<16xi32>], vector<16xf32>,
        %parallel_loop3A_332 = arith.mulf %parallel_loop3A_331, %select_n3A_220 : vector<16xf32>
        %parallel_loop3A_333 = arith.addf %parallel_loop3A_332, %parallel_loop3A_321 : vector<16xf32>
        tpu.vector_store_idx %arg12[%parallel_loop3A_324, %parallel_loop3A_327, %add3A_223], %parallel_loop3A_333 : memref<8x8x128xf32, #tpu.memory_space<vmem>>[vector<16xi32>, vector<16xi32>, vector<16xi32>], vector<16xf32>,
        %parallel_loop3A_334 = tpu.vector_load_idx %arg10[%add3A_236, %parallel_loop3A_320] : memref<128x64xf32, #tpu.memory_space<vmem>>[vector<16xi32>, vector<16xi32>], vector<16xf32>,
        %parallel_loop3A_335 = arith.mulf %parallel_loop3A_334, %select_n3A_233 : vector<16xf32>
        %parallel_loop3A_336 = arith.addf %parallel_loop3A_335, %parallel_loop3A_321 : vector<16xf32>
        tpu.vector_store_idx %arg12[%parallel_loop3A_324, %parallel_loop3A_327, %add3A_236], %parallel_loop3A_336 : memref<8x8x128xf32, #tpu.memory_space<vmem>>[vector<16xi32>, vector<16xi32>, vector<16xi32>], vector<16xf32>,
        %parallel_loop3A_337 = tpu.vector_load_idx %arg10[%add3A_249, %parallel_loop3A_320] : memref<128x64xf32, #tpu.memory_space<vmem>>[vector<16xi32>, vector<16xi32>], vector<16xf32>,
        %parallel_loop3A_338 = arith.mulf %parallel_loop3A_337, %select_n3A_246 : vector<16xf32>
        %parallel_loop3A_339 = arith.addf %parallel_loop3A_338, %parallel_loop3A_321 : vector<16xf32>
        tpu.vector_store_idx %arg12[%parallel_loop3A_324, %parallel_loop3A_327, %add3A_249], %parallel_loop3A_339 : memref<8x8x128xf32, #tpu.memory_space<vmem>>[vector<16xi32>, vector<16xi32>, vector<16xi32>], vector<16xf32>,
        %parallel_loop3A_340 = tpu.vector_load_idx %arg10[%add3A_262, %parallel_loop3A_320] : memref<128x64xf32, #tpu.memory_space<vmem>>[vector<16xi32>, vector<16xi32>], vector<16xf32>,
        %parallel_loop3A_341 = arith.mulf %parallel_loop3A_340, %select_n3A_259 : vector<16xf32>
        %parallel_loop3A_342 = arith.addf %parallel_loop3A_341, %parallel_loop3A_321 : vector<16xf32>
        tpu.vector_store_idx %arg12[%parallel_loop3A_324, %parallel_loop3A_327, %add3A_262], %parallel_loop3A_342 : memref<8x8x128xf32, #tpu.memory_space<vmem>>[vector<16xi32>, vector<16xi32>, vector<16xi32>], vector<16xf32>,
        %parallel_loop3A_343 = tpu.vector_load_idx %arg10[%add3A_275, %parallel_loop3A_320] : memref<128x64xf32, #tpu.memory_space<vmem>>[vector<16xi32>, vector<16xi32>], vector<16xf32>,
        %parallel_loop3A_344 = arith.mulf %parallel_loop3A_343, %select_n3A_272 : vector<16xf32>
        %parallel_loop3A_345 = arith.addf %parallel_loop3A_344, %parallel_loop3A_321 : vector<16xf32>
        tpu.vector_store_idx %arg12[%parallel_loop3A_324, %parallel_loop3A_327, %add3A_275], %parallel_loop3A_345 : memref<8x8x128xf32, #tpu.memory_space<vmem>>[vector<16xi32>, vector<16xi32>, vector<16xi32>], vector<16xf32>,
        %parallel_loop3A_346 = tpu.vector_load_idx %arg10[%add3A_288, %parallel_loop3A_320] : memref<128x64xf32, #tpu.memory_space<vmem>>[vector<16xi32>, vector<16xi32>], vector<16xf32>,
        %parallel_loop3A_347 = arith.mulf %parallel_loop3A_346, %select_n3A_285 : vector<16xf32>
        %parallel_loop3A_348 = arith.addf %parallel_loop3A_347, %parallel_loop3A_321 : vector<16xf32>
        tpu.vector_store_idx %arg12[%parallel_loop3A_324, %parallel_loop3A_327, %add3A_288], %parallel_loop3A_348 : memref<8x8x128xf32, #tpu.memory_space<vmem>>[vector<16xi32>, vector<16xi32>, vector<16xi32>], vector<16xf32>,
        %parallel_loop3A_349 = tpu.vector_load_idx %arg10[%add3A_301, %parallel_loop3A_320] : memref<128x64xf32, #tpu.memory_space<vmem>>[vector<16xi32>, vector<16xi32>], vector<16xf32>,
        %parallel_loop3A_350 = arith.mulf %parallel_loop3A_349, %select_n3A_298 : vector<16xf32>
        %parallel_loop3A_351 = arith.addf %parallel_loop3A_350, %parallel_loop3A_321 : vector<16xf32>
        tpu.vector_store_idx %arg12[%parallel_loop3A_324, %parallel_loop3A_327, %add3A_301], %parallel_loop3A_351 : memref<8x8x128xf32, #tpu.memory_space<vmem>>[vector<16xi32>, vector<16xi32>, vector<16xi32>], vector<16xf32>,
        %parallel_loop3A_352 = arith.constant 16 : i32
        %parallel_loop3A_353 = vector.broadcast %parallel_loop3A_352 : i32 to vector<16xi32>
        %parallel_loop3A_354 = arith.addi %parallel_loop3A_317, %parallel_loop3A_353 : vector<16xi32>
        %parallel_loop3A_355 = tpu.vector_load_idx %arg6[%broadcast_in_dim3A_197, %parallel_loop3A_354] : memref<200x64xf32, #tpu.memory_space<vmem>>[vector<16xi32>, vector<16xi32>], vector<16xf32>,
        %parallel_loop3A_356 = arith.constant 3 : i32
        %parallel_loop3A_357 = vector.broadcast %parallel_loop3A_356 : i32 to vector<16xi32>
        %parallel_loop3A_358 = arith.shrsi %parallel_loop3A_354, %parallel_loop3A_357 : vector<16xi32>
        %parallel_loop3A_359 = arith.constant 7 : i32
        %parallel_loop3A_360 = vector.broadcast %parallel_loop3A_359 : i32 to vector<16xi32>
        %parallel_loop3A_361 = arith.andi %parallel_loop3A_354, %parallel_loop3A_360 : vector<16xi32>
        %parallel_loop3A_362 = tpu.vector_load_idx %arg10[%add3A_210, %parallel_loop3A_354] : memref<128x64xf32, #tpu.memory_space<vmem>>[vector<16xi32>, vector<16xi32>], vector<16xf32>,
        %parallel_loop3A_363 = arith.mulf %parallel_loop3A_362, %select_n3A_207 : vector<16xf32>
        %parallel_loop3A_364 = arith.addf %parallel_loop3A_363, %parallel_loop3A_355 : vector<16xf32>
        tpu.vector_store_idx %arg12[%parallel_loop3A_358, %parallel_loop3A_361, %add3A_210], %parallel_loop3A_364 : memref<8x8x128xf32, #tpu.memory_space<vmem>>[vector<16xi32>, vector<16xi32>, vector<16xi32>], vector<16xf32>,
        %parallel_loop3A_365 = tpu.vector_load_idx %arg10[%add3A_223, %parallel_loop3A_354] : memref<128x64xf32, #tpu.memory_space<vmem>>[vector<16xi32>, vector<16xi32>], vector<16xf32>,
        %parallel_loop3A_366 = arith.mulf %parallel_loop3A_365, %select_n3A_220 : vector<16xf32>
        %parallel_loop3A_367 = arith.addf %parallel_loop3A_366, %parallel_loop3A_355 : vector<16xf32>
        tpu.vector_store_idx %arg12[%parallel_loop3A_358, %parallel_loop3A_361, %add3A_223], %parallel_loop3A_367 : memref<8x8x128xf32, #tpu.memory_space<vmem>>[vector<16xi32>, vector<16xi32>, vector<16xi32>], vector<16xf32>,
        %parallel_loop3A_368 = tpu.vector_load_idx %arg10[%add3A_236, %parallel_loop3A_354] : memref<128x64xf32, #tpu.memory_space<vmem>>[vector<16xi32>, vector<16xi32>], vector<16xf32>,
        %parallel_loop3A_369 = arith.mulf %parallel_loop3A_368, %select_n3A_233 : vector<16xf32>
        %parallel_loop3A_370 = arith.addf %parallel_loop3A_369, %parallel_loop3A_355 : vector<16xf32>
        tpu.vector_store_idx %arg12[%parallel_loop3A_358, %parallel_loop3A_361, %add3A_236], %parallel_loop3A_370 : memref<8x8x128xf32, #tpu.memory_space<vmem>>[vector<16xi32>, vector<16xi32>, vector<16xi32>], vector<16xf32>,
        %parallel_loop3A_371 = tpu.vector_load_idx %arg10[%add3A_249, %parallel_loop3A_354] : memref<128x64xf32, #tpu.memory_space<vmem>>[vector<16xi32>, vector<16xi32>], vector<16xf32>,
        %parallel_loop3A_372 = arith.mulf %parallel_loop3A_371, %select_n3A_246 : vector<16xf32>
        %parallel_loop3A_373 = arith.addf %parallel_loop3A_372, %parallel_loop3A_355 : vector<16xf32>
        tpu.vector_store_idx %arg12[%parallel_loop3A_358, %parallel_loop3A_361, %add3A_249], %parallel_loop3A_373 : memref<8x8x128xf32, #tpu.memory_space<vmem>>[vector<16xi32>, vector<16xi32>, vector<16xi32>], vector<16xf32>,
        %parallel_loop3A_374 = tpu.vector_load_idx %arg10[%add3A_262, %parallel_loop3A_354] : memref<128x64xf32, #tpu.memory_space<vmem>>[vector<16xi32>, vector<16xi32>], vector<16xf32>,
        %parallel_loop3A_375 = arith.mulf %parallel_loop3A_374, %select_n3A_259 : vector<16xf32>
        %parallel_loop3A_376 = arith.addf %parallel_loop3A_375, %parallel_loop3A_355 : vector<16xf32>
        tpu.vector_store_idx %arg12[%parallel_loop3A_358, %parallel_loop3A_361, %add3A_262], %parallel_loop3A_376 : memref<8x8x128xf32, #tpu.memory_space<vmem>>[vector<16xi32>, vector<16xi32>, vector<16xi32>], vector<16xf32>,
        %parallel_loop3A_377 = tpu.vector_load_idx %arg10[%add3A_275, %parallel_loop3A_354] : memref<128x64xf32, #tpu.memory_space<vmem>>[vector<16xi32>, vector<16xi32>], vector<16xf32>,
        %parallel_loop3A_378 = arith.mulf %parallel_loop3A_377, %select_n3A_272 : vector<16xf32>
        %parallel_loop3A_379 = arith.addf %parallel_loop3A_378, %parallel_loop3A_355 : vector<16xf32>
        tpu.vector_store_idx %arg12[%parallel_loop3A_358, %parallel_loop3A_361, %add3A_275], %parallel_loop3A_379 : memref<8x8x128xf32, #tpu.memory_space<vmem>>[vector<16xi32>, vector<16xi32>, vector<16xi32>], vector<16xf32>,
        %parallel_loop3A_380 = tpu.vector_load_idx %arg10[%add3A_288, %parallel_loop3A_354] : memref<128x64xf32, #tpu.memory_space<vmem>>[vector<16xi32>, vector<16xi32>], vector<16xf32>,
        %parallel_loop3A_381 = arith.mulf %parallel_loop3A_380, %select_n3A_285 : vector<16xf32>
        %parallel_loop3A_382 = arith.addf %parallel_loop3A_381, %parallel_loop3A_355 : vector<16xf32>
        tpu.vector_store_idx %arg12[%parallel_loop3A_358, %parallel_loop3A_361, %add3A_288], %parallel_loop3A_382 : memref<8x8x128xf32, #tpu.memory_space<vmem>>[vector<16xi32>, vector<16xi32>, vector<16xi32>], vector<16xf32>,
        %parallel_loop3A_383 = tpu.vector_load_idx %arg10[%add3A_301, %parallel_loop3A_354] : memref<128x64xf32, #tpu.memory_space<vmem>>[vector<16xi32>, vector<16xi32>], vector<16xf32>,
        %parallel_loop3A_384 = arith.mulf %parallel_loop3A_383, %select_n3A_298 : vector<16xf32>
        %parallel_loop3A_385 = arith.addf %parallel_loop3A_384, %parallel_loop3A_355 : vector<16xf32>
        tpu.vector_store_idx %arg12[%parallel_loop3A_358, %parallel_loop3A_361, %add3A_301], %parallel_loop3A_385 : memref<8x8x128xf32, #tpu.memory_space<vmem>>[vector<16xi32>, vector<16xi32>, vector<16xi32>], vector<16xf32>,
        %parallel_loop3A_386 = arith.constant 32 : i32
        %parallel_loop3A_387 = vector.broadcast %parallel_loop3A_386 : i32 to vector<16xi32>
        %parallel_loop3A_388 = arith.addi %parallel_loop3A_317, %parallel_loop3A_387 : vector<16xi32>
        %parallel_loop3A_389 = tpu.vector_load_idx %arg6[%broadcast_in_dim3A_197, %parallel_loop3A_388] : memref<200x64xf32, #tpu.memory_space<vmem>>[vector<16xi32>, vector<16xi32>], vector<16xf32>,
        %parallel_loop3A_390 = arith.constant 3 : i32
        %parallel_loop3A_391 = vector.broadcast %parallel_loop3A_390 : i32 to vector<16xi32>
        %parallel_loop3A_392 = arith.shrsi %parallel_loop3A_388, %parallel_loop3A_391 : vector<16xi32>
        %parallel_loop3A_393 = arith.constant 7 : i32
        %parallel_loop3A_394 = vector.broadcast %parallel_loop3A_393 : i32 to vector<16xi32>
        %parallel_loop3A_395 = arith.andi %parallel_loop3A_388, %parallel_loop3A_394 : vector<16xi32>
        %parallel_loop3A_396 = tpu.vector_load_idx %arg10[%add3A_210, %parallel_loop3A_388] : memref<128x64xf32, #tpu.memory_space<vmem>>[vector<16xi32>, vector<16xi32>], vector<16xf32>,
        %parallel_loop3A_397 = arith.mulf %parallel_loop3A_396, %select_n3A_207 : vector<16xf32>
        %parallel_loop3A_398 = arith.addf %parallel_loop3A_397, %parallel_loop3A_389 : vector<16xf32>
        tpu.vector_store_idx %arg12[%parallel_loop3A_392, %parallel_loop3A_395, %add3A_210], %parallel_loop3A_398 : memref<8x8x128xf32, #tpu.memory_space<vmem>>[vector<16xi32>, vector<16xi32>, vector<16xi32>], vector<16xf32>,
        %parallel_loop3A_399 = tpu.vector_load_idx %arg10[%add3A_223, %parallel_loop3A_388] : memref<128x64xf32, #tpu.memory_space<vmem>>[vector<16xi32>, vector<16xi32>], vector<16xf32>,
        %parallel_loop3A_400 = arith.mulf %parallel_loop3A_399, %select_n3A_220 : vector<16xf32>
        %parallel_loop3A_401 = arith.addf %parallel_loop3A_400, %parallel_loop3A_389 : vector<16xf32>
        tpu.vector_store_idx %arg12[%parallel_loop3A_392, %parallel_loop3A_395, %add3A_223], %parallel_loop3A_401 : memref<8x8x128xf32, #tpu.memory_space<vmem>>[vector<16xi32>, vector<16xi32>, vector<16xi32>], vector<16xf32>,
        %parallel_loop3A_402 = tpu.vector_load_idx %arg10[%add3A_236, %parallel_loop3A_388] : memref<128x64xf32, #tpu.memory_space<vmem>>[vector<16xi32>, vector<16xi32>], vector<16xf32>,
        %parallel_loop3A_403 = arith.mulf %parallel_loop3A_402, %select_n3A_233 : vector<16xf32>
        %parallel_loop3A_404 = arith.addf %parallel_loop3A_403, %parallel_loop3A_389 : vector<16xf32>
        tpu.vector_store_idx %arg12[%parallel_loop3A_392, %parallel_loop3A_395, %add3A_236], %parallel_loop3A_404 : memref<8x8x128xf32, #tpu.memory_space<vmem>>[vector<16xi32>, vector<16xi32>, vector<16xi32>], vector<16xf32>,
        %parallel_loop3A_405 = tpu.vector_load_idx %arg10[%add3A_249, %parallel_loop3A_388] : memref<128x64xf32, #tpu.memory_space<vmem>>[vector<16xi32>, vector<16xi32>], vector<16xf32>,
        %parallel_loop3A_406 = arith.mulf %parallel_loop3A_405, %select_n3A_246 : vector<16xf32>
        %parallel_loop3A_407 = arith.addf %parallel_loop3A_406, %parallel_loop3A_389 : vector<16xf32>
        tpu.vector_store_idx %arg12[%parallel_loop3A_392, %parallel_loop3A_395, %add3A_249], %parallel_loop3A_407 : memref<8x8x128xf32, #tpu.memory_space<vmem>>[vector<16xi32>, vector<16xi32>, vector<16xi32>], vector<16xf32>,
        %parallel_loop3A_408 = tpu.vector_load_idx %arg10[%add3A_262, %parallel_loop3A_388] : memref<128x64xf32, #tpu.memory_space<vmem>>[vector<16xi32>, vector<16xi32>], vector<16xf32>,
        %parallel_loop3A_409 = arith.mulf %parallel_loop3A_408, %select_n3A_259 : vector<16xf32>
        %parallel_loop3A_410 = arith.addf %parallel_loop3A_409, %parallel_loop3A_389 : vector<16xf32>
        tpu.vector_store_idx %arg12[%parallel_loop3A_392, %parallel_loop3A_395, %add3A_262], %parallel_loop3A_410 : memref<8x8x128xf32, #tpu.memory_space<vmem>>[vector<16xi32>, vector<16xi32>, vector<16xi32>], vector<16xf32>,
        %parallel_loop3A_411 = tpu.vector_load_idx %arg10[%add3A_275, %parallel_loop3A_388] : memref<128x64xf32, #tpu.memory_space<vmem>>[vector<16xi32>, vector<16xi32>], vector<16xf32>,
        %parallel_loop3A_412 = arith.mulf %parallel_loop3A_411, %select_n3A_272 : vector<16xf32>
        %parallel_loop3A_413 = arith.addf %parallel_loop3A_412, %parallel_loop3A_389 : vector<16xf32>
        tpu.vector_store_idx %arg12[%parallel_loop3A_392, %parallel_loop3A_395, %add3A_275], %parallel_loop3A_413 : memref<8x8x128xf32, #tpu.memory_space<vmem>>[vector<16xi32>, vector<16xi32>, vector<16xi32>], vector<16xf32>,
        %parallel_loop3A_414 = tpu.vector_load_idx %arg10[%add3A_288, %parallel_loop3A_388] : memref<128x64xf32, #tpu.memory_space<vmem>>[vector<16xi32>, vector<16xi32>], vector<16xf32>,
        %parallel_loop3A_415 = arith.mulf %parallel_loop3A_414, %select_n3A_285 : vector<16xf32>
        %parallel_loop3A_416 = arith.addf %parallel_loop3A_415, %parallel_loop3A_389 : vector<16xf32>
        tpu.vector_store_idx %arg12[%parallel_loop3A_392, %parallel_loop3A_395, %add3A_288], %parallel_loop3A_416 : memref<8x8x128xf32, #tpu.memory_space<vmem>>[vector<16xi32>, vector<16xi32>, vector<16xi32>], vector<16xf32>,
        %parallel_loop3A_417 = tpu.vector_load_idx %arg10[%add3A_301, %parallel_loop3A_388] : memref<128x64xf32, #tpu.memory_space<vmem>>[vector<16xi32>, vector<16xi32>], vector<16xf32>,
        %parallel_loop3A_418 = arith.mulf %parallel_loop3A_417, %select_n3A_298 : vector<16xf32>
        %parallel_loop3A_419 = arith.addf %parallel_loop3A_418, %parallel_loop3A_389 : vector<16xf32>
        tpu.vector_store_idx %arg12[%parallel_loop3A_392, %parallel_loop3A_395, %add3A_301], %parallel_loop3A_419 : memref<8x8x128xf32, #tpu.memory_space<vmem>>[vector<16xi32>, vector<16xi32>, vector<16xi32>], vector<16xf32>,
        %parallel_loop3A_420 = arith.constant 48 : i32
        %parallel_loop3A_421 = vector.broadcast %parallel_loop3A_420 : i32 to vector<16xi32>
        %parallel_loop3A_422 = arith.addi %parallel_loop3A_317, %parallel_loop3A_421 : vector<16xi32>
        %parallel_loop3A_423 = tpu.vector_load_idx %arg6[%broadcast_in_dim3A_197, %parallel_loop3A_422] : memref<200x64xf32, #tpu.memory_space<vmem>>[vector<16xi32>, vector<16xi32>], vector<16xf32>,
        %parallel_loop3A_424 = arith.constant 3 : i32
        %parallel_loop3A_425 = vector.broadcast %parallel_loop3A_424 : i32 to vector<16xi32>
        %parallel_loop3A_426 = arith.shrsi %parallel_loop3A_422, %parallel_loop3A_425 : vector<16xi32>
        %parallel_loop3A_427 = arith.constant 7 : i32
        %parallel_loop3A_428 = vector.broadcast %parallel_loop3A_427 : i32 to vector<16xi32>
        %parallel_loop3A_429 = arith.andi %parallel_loop3A_422, %parallel_loop3A_428 : vector<16xi32>
        %parallel_loop3A_430 = tpu.vector_load_idx %arg10[%add3A_210, %parallel_loop3A_422] : memref<128x64xf32, #tpu.memory_space<vmem>>[vector<16xi32>, vector<16xi32>], vector<16xf32>,
        %parallel_loop3A_431 = arith.mulf %parallel_loop3A_430, %select_n3A_207 : vector<16xf32>
        %parallel_loop3A_432 = arith.addf %parallel_loop3A_431, %parallel_loop3A_423 : vector<16xf32>
        tpu.vector_store_idx %arg12[%parallel_loop3A_426, %parallel_loop3A_429, %add3A_210], %parallel_loop3A_432 : memref<8x8x128xf32, #tpu.memory_space<vmem>>[vector<16xi32>, vector<16xi32>, vector<16xi32>], vector<16xf32>,
        %parallel_loop3A_433 = tpu.vector_load_idx %arg10[%add3A_223, %parallel_loop3A_422] : memref<128x64xf32, #tpu.memory_space<vmem>>[vector<16xi32>, vector<16xi32>], vector<16xf32>,
        %parallel_loop3A_434 = arith.mulf %parallel_loop3A_433, %select_n3A_220 : vector<16xf32>
        %parallel_loop3A_435 = arith.addf %parallel_loop3A_434, %parallel_loop3A_423 : vector<16xf32>
        tpu.vector_store_idx %arg12[%parallel_loop3A_426, %parallel_loop3A_429, %add3A_223], %parallel_loop3A_435 : memref<8x8x128xf32, #tpu.memory_space<vmem>>[vector<16xi32>, vector<16xi32>, vector<16xi32>], vector<16xf32>,
        %parallel_loop3A_436 = tpu.vector_load_idx %arg10[%add3A_236, %parallel_loop3A_422] : memref<128x64xf32, #tpu.memory_space<vmem>>[vector<16xi32>, vector<16xi32>], vector<16xf32>,
        %parallel_loop3A_437 = arith.mulf %parallel_loop3A_436, %select_n3A_233 : vector<16xf32>
        %parallel_loop3A_438 = arith.addf %parallel_loop3A_437, %parallel_loop3A_423 : vector<16xf32>
        tpu.vector_store_idx %arg12[%parallel_loop3A_426, %parallel_loop3A_429, %add3A_236], %parallel_loop3A_438 : memref<8x8x128xf32, #tpu.memory_space<vmem>>[vector<16xi32>, vector<16xi32>, vector<16xi32>], vector<16xf32>,
        %parallel_loop3A_439 = tpu.vector_load_idx %arg10[%add3A_249, %parallel_loop3A_422] : memref<128x64xf32, #tpu.memory_space<vmem>>[vector<16xi32>, vector<16xi32>], vector<16xf32>,
        %parallel_loop3A_440 = arith.mulf %parallel_loop3A_439, %select_n3A_246 : vector<16xf32>
        %parallel_loop3A_441 = arith.addf %parallel_loop3A_440, %parallel_loop3A_423 : vector<16xf32>
        tpu.vector_store_idx %arg12[%parallel_loop3A_426, %parallel_loop3A_429, %add3A_249], %parallel_loop3A_441 : memref<8x8x128xf32, #tpu.memory_space<vmem>>[vector<16xi32>, vector<16xi32>, vector<16xi32>], vector<16xf32>,
        %parallel_loop3A_442 = tpu.vector_load_idx %arg10[%add3A_262, %parallel_loop3A_422] : memref<128x64xf32, #tpu.memory_space<vmem>>[vector<16xi32>, vector<16xi32>], vector<16xf32>,
        %parallel_loop3A_443 = arith.mulf %parallel_loop3A_442, %select_n3A_259 : vector<16xf32>
        %parallel_loop3A_444 = arith.addf %parallel_loop3A_443, %parallel_loop3A_423 : vector<16xf32>
        tpu.vector_store_idx %arg12[%parallel_loop3A_426, %parallel_loop3A_429, %add3A_262], %parallel_loop3A_444 : memref<8x8x128xf32, #tpu.memory_space<vmem>>[vector<16xi32>, vector<16xi32>, vector<16xi32>], vector<16xf32>,
        %parallel_loop3A_445 = tpu.vector_load_idx %arg10[%add3A_275, %parallel_loop3A_422] : memref<128x64xf32, #tpu.memory_space<vmem>>[vector<16xi32>, vector<16xi32>], vector<16xf32>,
        %parallel_loop3A_446 = arith.mulf %parallel_loop3A_445, %select_n3A_272 : vector<16xf32>
        %parallel_loop3A_447 = arith.addf %parallel_loop3A_446, %parallel_loop3A_423 : vector<16xf32>
        tpu.vector_store_idx %arg12[%parallel_loop3A_426, %parallel_loop3A_429, %add3A_275], %parallel_loop3A_447 : memref<8x8x128xf32, #tpu.memory_space<vmem>>[vector<16xi32>, vector<16xi32>, vector<16xi32>], vector<16xf32>,
        %parallel_loop3A_448 = tpu.vector_load_idx %arg10[%add3A_288, %parallel_loop3A_422] : memref<128x64xf32, #tpu.memory_space<vmem>>[vector<16xi32>, vector<16xi32>], vector<16xf32>,
        %parallel_loop3A_449 = arith.mulf %parallel_loop3A_448, %select_n3A_285 : vector<16xf32>
        %parallel_loop3A_450 = arith.addf %parallel_loop3A_449, %parallel_loop3A_423 : vector<16xf32>
        tpu.vector_store_idx %arg12[%parallel_loop3A_426, %parallel_loop3A_429, %add3A_288], %parallel_loop3A_450 : memref<8x8x128xf32, #tpu.memory_space<vmem>>[vector<16xi32>, vector<16xi32>, vector<16xi32>], vector<16xf32>,
        %parallel_loop3A_451 = tpu.vector_load_idx %arg10[%add3A_301, %parallel_loop3A_422] : memref<128x64xf32, #tpu.memory_space<vmem>>[vector<16xi32>, vector<16xi32>], vector<16xf32>,
        %parallel_loop3A_452 = arith.mulf %parallel_loop3A_451, %select_n3A_298 : vector<16xf32>
        %parallel_loop3A_453 = arith.addf %parallel_loop3A_452, %parallel_loop3A_423 : vector<16xf32>
        tpu.vector_store_idx %arg12[%parallel_loop3A_426, %parallel_loop3A_429, %add3A_301], %parallel_loop3A_453 : memref<8x8x128xf32, #tpu.memory_space<vmem>>[vector<16xi32>, vector<16xi32>, vector<16xi32>], vector<16xf32>,
      } {sc.loop_unroll_factor = 2 : i64, sc.parallel_access}
      %dma_start3A_305 = arith.constant 0 : i32
      %dma_start3A_306 = arith.constant 0 : i32
      %dma_start3A_307 = arith.constant 0 : i32
      %dma_start3A_308 = tpu.memref_slice %arg5[%add3A_174, %dma_start3A_305, %add3A, %dma_start3A_306, %dma_start3A_307] : memref<200x8x32x8x128xf32, #tpu.memory_space<hbm>> -> memref<1x8x1x8x128xf32, #tpu.memory_space<hbm>>
      %dma_start3A_309 = tpu.memref_squeeze %dma_start3A_308 : memref<1x8x1x8x128xf32, #tpu.memory_space<hbm>> -> memref<8x8x128xf32, #tpu.memory_space<hbm>>
      %dma_start3A_310 = arith.constant 0 : i32
      %dma_start3A_311 = arith.constant 0 : i32
      %dma_start3A_312 = arith.constant 0 : i32
      %dma_start3A_313 = tpu.memref_slice %arg5[%add3A_174, %dma_start3A_310, %add3A, %dma_start3A_311, %dma_start3A_312] : memref<200x8x32x8x128xf32, #tpu.memory_space<hbm>> -> memref<1x8x1x8x128xf32, #tpu.memory_space<hbm>>
      %dma_start3A_314 = tpu.memref_squeeze %dma_start3A_313 : memref<1x8x1x8x128xf32, #tpu.memory_space<hbm>> -> memref<8x8x128xf32, #tpu.memory_space<hbm>>
      tpu.enqueue_dma source(%arg12 : memref<8x8x128xf32, #tpu.memory_space<vmem>>) target(%dma_start3A_314 : memref<8x8x128xf32, #tpu.memory_space<hbm>>) target_semaphore(%arg18 : memref<!tpu.dma_semaphore, #tpu.memory_space<semaphore_mem>>)
    }
    %scan3A_14 = arith.constant 100 : i32
    %dma_wait3A = arith.constant 198 : i32
    %dma_wait3A_15 = arith.constant 0 : i32
    %dma_wait3A_16 = arith.constant 0 : i32
    %dma_wait3A_17 = arith.constant 0 : i32
    %dma_wait3A_18 = tpu.memref_slice %arg5[%dma_wait3A, %dma_wait3A_15, %add3A, %dma_wait3A_16, %dma_wait3A_17] : memref<200x8x32x8x128xf32, #tpu.memory_space<hbm>> -> memref<1x8x1x8x128xf32, #tpu.memory_space<hbm>>
    %dma_wait3A_19 = tpu.memref_squeeze %dma_wait3A_18 : memref<1x8x1x8x128xf32, #tpu.memory_space<hbm>> -> memref<8x8x128xf32, #tpu.memory_space<hbm>>
    %dma_wait3A_20 = arith.constant 0 : i32
    %dma_wait3A_21 = arith.constant 0 : i32
    %dma_wait3A_22 = arith.constant 0 : i32
    %dma_wait3A_23 = tpu.memref_slice %arg5[%dma_wait3A, %dma_wait3A_20, %add3A, %dma_wait3A_21, %dma_wait3A_22] : memref<200x8x32x8x128xf32, #tpu.memory_space<hbm>> -> memref<1x8x1x8x128xf32, #tpu.memory_space<hbm>>
    %dma_wait3A_24 = tpu.memref_squeeze %dma_wait3A_23 : memref<1x8x1x8x128xf32, #tpu.memory_space<hbm>> -> memref<8x8x128xf32, #tpu.memory_space<hbm>>
    tpu.wait_dma2 semaphore(%arg17 : memref<!tpu.dma_semaphore, #tpu.memory_space<semaphore_mem>>) src(%arg11 : memref<8x8x128xf32, #tpu.memory_space<vmem>>) dst(%dma_wait3A_24 : memref<8x8x128xf32, #tpu.memory_space<hbm>>)
    %dma_wait3A_25 = arith.constant 199 : i32
    %dma_wait3A_26 = arith.constant 0 : i32
    %dma_wait3A_27 = arith.constant 0 : i32
    %dma_wait3A_28 = arith.constant 0 : i32
    %dma_wait3A_29 = tpu.memref_slice %arg5[%dma_wait3A_25, %dma_wait3A_26, %add3A, %dma_wait3A_27, %dma_wait3A_28] : memref<200x8x32x8x128xf32, #tpu.memory_space<hbm>> -> memref<1x8x1x8x128xf32, #tpu.memory_space<hbm>>
    %dma_wait3A_30 = tpu.memref_squeeze %dma_wait3A_29 : memref<1x8x1x8x128xf32, #tpu.memory_space<hbm>> -> memref<8x8x128xf32, #tpu.memory_space<hbm>>
    %dma_wait3A_31 = arith.constant 0 : i32
    %dma_wait3A_32 = arith.constant 0 : i32
    %dma_wait3A_33 = arith.constant 0 : i32
    %dma_wait3A_34 = tpu.memref_slice %arg5[%dma_wait3A_25, %dma_wait3A_31, %add3A, %dma_wait3A_32, %dma_wait3A_33] : memref<200x8x32x8x128xf32, #tpu.memory_space<hbm>> -> memref<1x8x1x8x128xf32, #tpu.memory_space<hbm>>
    %dma_wait3A_35 = tpu.memref_squeeze %dma_wait3A_34 : memref<1x8x1x8x128xf32, #tpu.memory_space<hbm>> -> memref<8x8x128xf32, #tpu.memory_space<hbm>>
    tpu.wait_dma2 semaphore(%arg18 : memref<!tpu.dma_semaphore, #tpu.memory_space<semaphore_mem>>) src(%arg12 : memref<8x8x128xf32, #tpu.memory_space<vmem>>) dst(%dma_wait3A_35 : memref<8x8x128xf32, #tpu.memory_space<hbm>>)
    return
  }
}

</mosaic_0001>

<sc_bundles>
// kernel: kernel.3.cloned.1.call-start
scs
__scs_entry_jumppad:
0x0: {  	(pc) =	sbr.rel $0x88, $3  }
0x1: {  	(tag) =	ssettag $0x0;
	lr =	simm.s32 $0x1  }
0x2: {  	[smem:$0x3F9E] =	sst lr;
	_ =	strace $0xD0000000  }
0x3: {  	_ = 	snop  }
0x4: {  	_ = 	snop  }
0x5: {  	_ = 	snop  }
0x6: {  	_ = 	snop  }
0x7: {  	_ = 	snop  }
__scs_overlays_trampoline_lowered:
0x8: {  	[smem:$0x3FAD] =	sst s0  }
0x9: {  	[smem:$0x3FAE] =	sst s1  }
0xa: {  	[smem:$0x3FAF] =	sst s2  }
0xb: {  	[smem:$0x3FB0] =	sst s3  }
0xc: {  	[smem:$0x3FB1] =	sst s4  }
0xd: {  	[smem:$0x3FB2] =	sst s5  }
0xe: {  	[smem:$0x3FB3] =	sst s6  }
0xf: {  	[smem:$0x3FB4] =	sst s7  }
0x10: {  	[smem:$0x3FB5] =	sst s8  }
0x11: {  	[smem:$0x3FB6] =	sst s9;
	s0 =	simm.s32 @!p0 $0x0  }
0x12: {  	s1 =	sld [smem:$0x3F9C];
	s0 =	simm.s32 @p0 $0x1  }
0x13: {  	[smem:$0x3FB7] =	sst s0;
	s0 =	simm.s32 @!p1 $0x0  }
0x14: {  	s2 =	sld [smem:$0x3F9B];
	s0 =	simm.s32 @p1 $0x1  }
0x15: {  	[smem:$0x3FB8] =	sst s0;
	s0 =	simm.s32 @!p2 $0x0  }
0x16: {  	s3 =	sld [smem:$0x3FDB];
	s0 =	simm.s32 @p2 $0x1  }
0x17: {  	s4 =	simm.s32 $0x1BF5;
	[smem:$0x3FBA] =	sst s0  }
0x18: {  	s0 =	sld [smem:$0x3F9D];
	_ =	swait.ge [sflag:s4], $0x0  }
0x19: {  	s7 =	sld [smem:$0x3F9E]  }
0x1a: {  	s8 =	sadd.s32 $0xFFFFE003, lr  }
0x1b: {  	s9 =	sadd.s32 $0xFFFFFEF7, lr;
	s5 =	simm.s32 $0xFFFFFFFF;
	p2 =	slt.u32 s8, $0xFFFFF086  }
0x1c: {  	p1 =	slt.u32 s9, $0xF7A;
	s5 =	simm.s32 @!p2 $0x0  }
0x1d: {  	s5 =	simm.s32 @p1 $0x1;
	p0 =	seq.s32 s7, s2  }
0x1e: {  	s7 =	smul.u32 @!p0 $0xF7A, s2;
	p2 =	seq.s32 @!p0 s5, $0x0  }
0x1f: {  	s9 =	smul.u32 $0xF7A, s1;
	s8 =	simm.s32 @!p0 $0x1BF5;
	p2 =	por !p2, p0  }
0x20: {  	[sflag:s8] =	ssyncset.s32 @!p0 $0xFFFFF086;
	s6 =	sadd.s32 @!p0 s3, s7;
	s7 =	simm.s32 @!p0 $0x108  }
0x21: {  	s3 =	sadd.s32 s3, s9;
	s6 =	sadd.s32 @!p0 $0x88, s6;
	s7 =	simm.s32 @p2 $0x1082  }
0x22: {  	[simem:s7], [sflag:s8] =	dma.local @!p0 [hbm:s6], $0xF7A  }
0x23: {  	s9 =	sor.u32 $0xD0000000, s2;
	s6 =	simm.s32 $0x108;
	_ =	swait.ge @!p0 [sflag:s8], $0x0  }
0x24: {  	s3 =	sadd.s32 $0x88, s3;
	s6 =	simm.s32 @!p1 $0x1082;
	[sflag:s4] =	ssyncset.s32 $0xFFFFF086  }
0x25: {  	[simem:s6], [sflag:s4] =	dma.local [hbm:s3], $0xF7A  }
0x26: {  	[smem:$0x3F9E] =	sst s1;
	(tag) =	ssettag s2;
	_ =	strace s9  }
0x27: {  	s1 =	sld [smem:$0x3FAE]  }
0x28: {  	s2 =	sld [smem:$0x3FAF]  }
0x29: {  	s4 =	sld [smem:$0x3FB1]  }
0x2a: {  	p0 =	seq.s32 s5, $0x0;
	s5 =	sld [smem:$0x3FB2]  }
0x2b: {  	s6 =	sld [smem:$0x3FB3]  }
0x2c: {  	s7 =	sld [smem:$0x3FB4]  }
0x2d: {  	s3 =	simm.s32 $0x108;
	s8 =	sld [smem:$0x3FB5]  }
0x2e: {  	s3 =	simm.s32 @!p0 $0x1082;
	s9 =	sld [smem:$0x3FB6]  }
0x2f: {  	lr =	sadd.s32 s0, s3;
	s0 =	sld [smem:$0x3FAD]  }
0x30: {  	s3 =	sld [smem:$0x3FB0]  }
0x31: {  	[smem:$0x3FB9] =	sst s10  }
0x32: {  	s10 =	sld [smem:$0x3FB7];
	_ =	sdelay $0x3  }
0x33: {  	p0 =	seq.s32 s10, $0x1;
	s10 =	sld [smem:$0x3FB9];
	_ =	sdelay $0x3  }
0x34: {  	[smem:$0x3FB9] =	sst s10  }
0x35: {  	s10 =	sld [smem:$0x3FB8];
	_ =	sdelay $0x3  }
0x36: {  	p1 =	seq.s32 s10, $0x1;
	s10 =	sld [smem:$0x3FB9];
	_ =	sdelay $0x3  }
0x37: {  	[smem:$0x3FB9] =	sst s10  }
0x38: {  	s10 =	sld [smem:$0x3FBA]  }
0x39: {  	_ = 	snop;
	(pc) =	sbr.ind lr, $3  }
0x3a: {  	_ = 	snop  }
0x3b: {  	_ = 	snop  }
0x3c: {  	p2 =	seq.s32 s10, $0x1;
	s10 =	sld [smem:$0x3FB9]  }
0x3d: {  	_ =	shalt  }
0x3e: {  	_ =	shalt  }
0x3f: {  	_ =	shalt  }
0x40: {  	_ =	shalt  }
0x41: {  	_ =	shalt  }
0x42: {  	_ =	shalt  }
0x43: {  	_ =	shalt  }
0x44: {  	_ =	shalt  }
0x45: {  	_ =	shalt  }
0x46: {  	_ =	shalt  }
0x47: {  	_ =	shalt  }
0x48: {  	_ =	shalt  }
0x49: {  	_ =	shalt  }
0x4a: {  	_ =	shalt  }
0x4b: {  	_ =	shalt  }
0x4c: {  	_ =	shalt  }
0x4d: {  	_ =	shalt  }
0x4e: {  	_ =	shalt  }
0x4f: {  	_ =	shalt  }
0x50: {  	_ =	shalt  }
0x51: {  	_ =	shalt  }
0x52: {  	_ =	shalt  }
0x53: {  	_ =	shalt  }
0x54: {  	_ =	shalt  }
0x55: {  	_ =	shalt  }
0x56: {  	_ =	shalt  }
0x57: {  	_ =	shalt  }
0x58: {  	_ =	shalt  }
0x59: {  	_ =	shalt  }
0x5a: {  	_ =	shalt  }
0x5b: {  	_ =	shalt  }
0x5c: {  	_ =	shalt  }
0x5d: {  	_ =	shalt  }
0x5e: {  	_ =	shalt  }
0x5f: {  	_ =	shalt  }
0x60: {  	_ =	shalt  }
0x61: {  	_ =	shalt  }
0x62: {  	_ =	shalt  }
0x63: {  	_ =	shalt  }
0x64: {  	_ =	shalt  }
0x65: {  	_ =	shalt  }
0x66: {  	_ =	shalt  }
0x67: {  	_ =	shalt  }
0x68: {  	_ =	shalt  }
0x69: {  	_ =	shalt  }
0x6a: {  	_ =	shalt  }
0x6b: {  	_ =	shalt  }
0x6c: {  	_ =	shalt  }
0x6d: {  	_ =	shalt  }
0x6e: {  	_ =	shalt  }
0x6f: {  	_ =	shalt  }
0x70: {  	_ =	shalt  }
0x71: {  	_ =	shalt  }
0x72: {  	_ =	shalt  }
0x73: {  	_ =	shalt  }
0x74: {  	_ =	shalt  }
0x75: {  	_ =	shalt  }
0x76: {  	_ =	shalt  }
0x77: {  	_ =	shalt  }
0x78: {  	_ =	shalt  }
0x79: {  	_ =	shalt  }
0x7a: {  	_ =	shalt  }
0x7b: {  	_ =	shalt  }
0x7c: {  	_ =	shalt  }
0x7d: {  	_ =	shalt  }
0x7e: {  	_ =	shalt  }
0x7f: {  	_ =	shalt  }
0x80: {  	_ =	shalt  }
0x81: {  	_ =	shalt  }
0x82: {  	_ =	shalt  }
0x83: {  	_ =	shalt  }
0x84: {  	_ =	shalt  }
0x85: {  	_ =	shalt  }
0x86: {  	_ =	shalt  }
0x87: {  	_ =	shalt  }
.Lfunc_end0:
.L_simem_size_0:
called_computation_lowered:
.L_overlay_start_0:
0x88: {  	s2 =	sld [smem:$0x3FD9]  }
0x89: {  	s3 =	sld [smem:$0x3FFE];
	_ =	sdelay $0x1  }
0x8a: {  	s1 =	srdreg.scid  }
0x8b: {  	s0 =	sand.u32 $0x1, s1  }
0x8c: {  	s17 =	sshll.u32 s0, $0xA;
	s2 =	sadd.s32 s3, s2  }
0x8d: {  	s2 =	sadd.s32 s2, s17  }
0x8e: {  	[smem:$0x3FC5] =	sst s2  }
0x8f: {  	_ = 	snop  }
0x90: {  	s2 =	sld [smem:$0x3FD0];
	(tm) =	ssettm $0x1  }
0x91: {  	s18 =	sld [smem:$0x3FFB];
	_ =	sdelay $0x3  }
0x92: {  	_ =	strace s18  }
0x93: {  	s3 =	sld [smem:$0x3FFC];
	_ =	sdelay $0x3  }
0x94: {  	_ =	strace s3  }
0x95: {  	s3 =	sld [smem:$0x3FFD];
	_ =	sdelay $0x3  }
0x96: {  	_ =	strace s3  }
0x97: {  	_ =	strace $0x8FFFFFFF  }
0x98: {  	s19 =	sld [smem:$0x3FDB];
	_ =	sdelay $0x1  }
0x99: {  	s4 =	simm.s32 $_scs_section_size  }
0x9a: {  	s5 =	simm.s32 $_size__tile_overlayer_lowered;
	s6 =	simm.s32 $_tile_overlayer_lowered  }
0x9b: {  	s22 =	simm.s32 $0x1BFF;
	s21 =	sshll.u32 s6, $0x1;
	s3 =	sadd.s32 s4, s19  }
0x9c: {  	s7 =	simm.s32 $0x0;
	s20 =	sshll.u32 s5, $0x1;
	s5 =	sadd.s32 s21, s3  }
0x9d: {  	[timem:s7], [sflag:s22] =	dma.local [hbm:s5], s20  }
0x9e: {  	_ =	swait.ge [sflag:s22], s20  }
0x9f: {  	s4 =	ssub.s32 $0x0, s20;
	[sflag:s22] =	ssyncset.done $0x0  }
0xa0: {  	[sflag:s22] =	ssyncadd.s32 s4;
	_ =	sdelay $0x1  }
0xa1: {  	s23 =	simm.s32 $0x1B8B  }
0xa2: {  	_ =	swait.ge [sflag:s23], $0x1  }
0xa3: {  	[sflag:s23] =	ssyncset.done $0x0  }
0xa4: {  	s25 =	simm.s32 $0x1B8E;
	s24 =	sld [smem:$0x3FFE];
	[sflag:s23] =	ssyncadd.s32 $0xFFFFFFFF  }
0xa5: {  	s26 =	simm.s32 $execute0_lowered;
	[smem:$0x3FD2] =	sst s25  }
0xa6: {  	s5 =	sshll.u32 s26, $0x1;
	_ =	strace $0x80000046;
	[dreg:$0x1] =	wrdreg $0xFFFFFFFF  }
0xa7: {  	s28 =	simm.s32 $_size_execute0_lowered;
	s3 =	sadd.s32 s3, s5;
	[dreg:$0x0] =	wrdreg $0x0  }
0xa8: {  	s5 =	sshll.u32 s28, $0x1;
	[dreg:$0x2] =	wrdreg s3  }
0xa9: {  	[dreg:$0x3] =	wrdreg s5  }
0xaa: {  	[dreg:$0x4] =	wrdreg $0xC0  }
0xab: {  	_ =	task [dreg:s7], $0x5FFFF  }
0xac: {  	[dreg:$0x1] =	wrdreg $0xFFFFFFFF  }
0xad: {  	[dreg:$0x0] =	wrdreg $0x60  }
0xae: {  	[dreg:$0x2] =	wrdreg s24  }
0xaf: {  	[dreg:$0x3] =	wrdreg s2  }
0xb0: {  	[dreg:$0x4] =	wrdreg $0x9  }
0xb1: {  	_ =	task.clear_ibuf [dreg:s7], $0x5FFFF;
	_ =	strace $0x90000046  }
0xb2: {  	s29 =	simm.s32 $0x9;
	_ =	strace $0x80000048  }
0xb3: {  	_ =	swait.ge [sflag:s29], $0x1  }
0xb4: {  	[sflag:s29] =	ssyncadd.s32 $0xFFFFFFFF  }
0xb5: {  	_ =	strace $0x90000048  }
0xb6: {  	_ =	sfence  }
0xb7: {  	s30 =	sld [smem:$0x0];
	_ =	sdelay $0x2  }
0xb8: {  	s31 =	sshll.u32 s1, $0xD;
	s1 =	sshrl.u32 s1, $0x2  }
0xb9: {  	s3 =	sand.u32 $0x4000, s31;
	s1 =	sadd.s32 s1, s30  }
0xba: {  	s0 =	sor.u32 s3, s0;
	s1 =	sshll.u32 s1, $0x11  }
0xbb: {  	s0 =	sor.u32 s1, s0  }
0xbc: {  	s0 =	sadd.s32 $0x8F2B, s0  }
0xbd: {  	[sflag:s0] =	ssyncadd.remote.s32 $0x1  }
0xbe: {  	_ =	sfence.sel $0xFFFF  }
0xbf: {  	[dreg:$0x0] =	wrdreg $0xFFFFFFFF;
	(pc) =	sbr.abs _section_cstart, $3  }
0xc0: {  	[dreg:$0x1] =	wrdreg $0xFFFFFFFF  }
0xc1: {  	_ =	task.clear_ibuf [dreg:s7], $0x2FFFF;
	_ =	strace $0x9FFFFFFF  }
0xc2: {  	(tm) =	ssettm $0x7FFFFFFF  }
0xc3: {  	_ =	shalt  }
tec
execute0_lowered:
.L_overlay_start_1:
0x0: {  	(tag) =	ssettag $0x1  }
0x1: {  	s0 =	rddreg [dreg:$0x0];
	s3 =	simm.s32 $0x0;
	v1 =	vlaneseq.u32  }
0x2: {  	[smem:$0x7FF] =	sst s3;
	v50 =	vor.u32 $0x10, v1  }
0x3: {  	s1 =	rddreg [dreg:$0x1];
	v7 =	vor.u32 $0x20, v1;
	_ =	strace $0x80000047;
	[tilespmem:$0x1FF40] =	vst v50  }
0x4: {  	v61 =	vor.u32 $0x30, v1;
	[tilespmem:$0x1FF60] =	vst v7  }
0x5: {  	v0 =	vmul.u32 $0x40, v1;
	v60 =	vor.u32 $0x40, v1;
	[tilespmem:$0x1FF80] =	vst v61  }
0x6: {  	s2 =	srdreg.scid;
	s5 =	stileid.u32;
	v62 =	vor.u32 $0x50, v1;
	[tilespmem:$0x1FFB0] =	vst v60  }
0x7: {  	s13 =	simm.s32 $0x7;
	s15 =	simm.s32 $0x80;
	s16 =	simm.s32 $0x3300;
	v13 =	vor.u32 $0x60, v1;
	[tilespmem:$0x1FFD0] =	vst v62;
	v25 =	vor.u32 $0x400, v0;
	v52 =	vor.u32 $0x800, v0  }
0x8: {  	s17 =	simm.s32 $0x3280;
	s18 =	simm.s32 $0x3;
	s20 =	simm.s32 $0x5300;
	[tilespmem:$0x1FFF0] =	vst v13;
	v6 =	vor.u32 $0xC00, v0;
	v4 =	vor.u32 $0x1000, v0;
	v16 =	vor.u32 $0x1400, v0  }
0x9: {  	s19 =	simm.s32 $0x2;
	s21 =	simm.s32 $0x7300;
	s22 =	simm.s32 $0x400;
	v32 =	vor.u32 $0x1800, v0;
	[tilespmem:$0x1FF10] =	vst v0;
	v12 =	vor.u32 $0x1C00, v0;
	v0 =	vor.u32 $0x70, v1  }
0xa: {  	s23 =	simm.s32 $0x8000;
	s24 =	simm.s32 $0x4;
	s25 =	simm.s32 $0x9300;
	[tilespmem:$0x1FF20] =	vst v0  }
0xb: {  	s26 =	simm.s32 $0x5;
	s28 =	simm.s32 $0x6;
	s29 =	simm.s32 $0x0;
	[tilespmem:$0x1FF30] =	vst v25  }
0xc: {  	s4 =	sadd.s32 $0x800, s0;
	s2 =	sand.u32 $0x1, s2;
	s6 =	sshll.u32 s5, $0x1;
	[tilespmem:$0x1FF50] =	vst v52  }
0xd: {  	s5 =	sadd.s32 $0xF42C00, s0;
	s0 =	sadd.s32 $0x19800, s0;
	s7 =	ssub.s32 $0x2, s2;
	[tilespmem:$0x1FF70] =	vst v6  }
0xe: {  	s2 =	sor.u32 s2, s6;
	[dreg:$0x3] =	wrdreg s0;
	s31 =	sshrl.u32 s7, $0x1;
	[tilespmem:$0x1FF90] =	vst v4  }
0xf: {  	s8 =	sshll.u32 s2, $0x4;
	s10 =	sshll.u32 s2, $0x7;
	s11 =	sshll.u32 s2, $0xA;
	[tilespmem:$0x1FFA0] =	vst v12  }
0x10: {  	s0 =	ssub.s32 s7, s31;
	s7 =	sadd.s32 s4, s8;
	s9 =	sor.u32 $0x2000, s10;
	[tilespmem:$0x1FFC0] =	vst v16  }
0x11: {  	s10 =	sor.u32 $0x3000, s10;
	[tilespmem:$0x1FFE0] =	vst v32;
	s8 =	sadd.s32 $0x200, s7;
	s12 =	smax.u32 s0, $0x1  }
.LBB2_1:
0x12: {  	s0 =	rddreg [dreg:$0x3]  }
0x13: {  	[tilespmem:s3], [sflag:$0x7] =	stream.linear.gather [hbm4b:s0+s3], $0x3200, $0x38;
	[tilespmem:$0xB300] =	vst v63  }
0x14: {  	_ =	swait.ge [sflag:s13], $0x3200  }
0x15: {  	[sflag:s13] =	ssyncset.done $0x0  }
0x16: {  	s31 =	simm.s32 $0x3200;
	[sflag:s13] =	ssyncadd.s32 $0xFFFFCE00  }
0x17: {  	[tilespmem:s31], [sflag:$0x7] =	stream.linear.gather [hbm4b:s7+s3], $0x80, $0x38;
	[tilespmem:$0xB300] =	vst v63  }
0x18: {  	_ =	swait.ge [sflag:s13], $0x80  }
0x19: {  	[sflag:s13] =	ssyncset.done $0x0  }
0x1a: {  	[sflag:s13] =	ssyncadd.s32 $0xFFFFFF80  }
0x1b: {  	[tilespmem:s16], [sflag:$0x3] =	stream.indirect.gather [hbm4b:s5+s15], $0x40, s31, s15, $0xb8;
	[tilespmem:$0xB300] =	vst v63  }
0x1c: {  	s30 =	simm.s32 $0x0  }
0x1d: {  	[tilespmem:s17], [sflag:$0x2] =	stream.linear.gather [hbm4b:s8+s3], $0x80, $0x38;
	[tilespmem:$0xB300] =	vst v63  }
.LBB2_2:
0x1e: {  	_ =	swait.ge [sflag:s18], $0x2000  }
0x1f: {  	p0 =	seq.s32 s30, $0x63;
	[sflag:s18] =	ssyncset.done $0x0  }
0x20: {  	p1 =	seq.s32 @!p0 s30, $0x0;
	[sflag:s18] =	ssyncadd.s32 $0xFFFFE000  }
0x21: {  	s0 =	sshll.u32 @!p0 s30, $0xD;
	p1 =	por p0, !p1;
	_ =	swait.ge [sflag:s19], $0x80  }
.Ltmp0:
0x22: {  	s2 =	sadd.s32 @!p0 s9, s0;
	[sflag:s19] =	ssyncset.done $0x0;
	(pc) =	sbr.rel @!p1 .LBB2_3-.Ltmp0, $4  }
0x23: {  	s2 =	sshrl.u32 @!p0 s2, $0x3;
	[sflag:s19] =	ssyncadd.s32 $0xFFFFFF80  }
0x24: {  	[tilespmem:s20], [sflag:$0x4] =	stream.indirect.gather [hbm4b:s5+s15], $0x40, s17, s15, $0xb8;
	[tilespmem:$0xB300] =	vst v63  }
0x25: {  	s14 =	simm.s32 @!p0 $0x0;
	s31 =	simm.s32 @!p0 $0x3200;
	s2 =	sadd.s32 @!p0 s4, s2  }
0x26: {  	[tilespmem:s31], [sflag:$0x1] =	stream.linear.gather @!p0 [hbm4b:s2+s14], $0x80, $0x38;
	[tilespmem:$0xB300] =	vst v63  }
.Ltmp1:
0x27: {  	(pc) =	sbr.rel .LBB2_5-.Ltmp1, $4  }
0x28: {  	_ = 	snop  }
0x29: {  	_ =	swait.ge [sflag:s26], $0x2000  }
0x2a: {  	[sflag:s26] =	ssyncset.done $0x0  }
0x2b: {  	p1 =	por $0x0, $0x0;
	[sflag:s26] =	ssyncadd.s32 $0xFFFFE000  }
.LBB2_3:
0x2c: {  	p1 =	por @!p0 $0x1, $0x1  }
.LBB2_5:
0x2d: {  	v11 =	vld [tilespmem:$0x1FF10];
	_ =	sdelay $0x1  }
0x2e: {  	s2 =	simm.s32 $0x0  }
0x2f: {  	v15 =	vxor.u32 s2, v1  }
0x30: {  	s14 =	sshll.u32 s30, $0x1;
	v0 =	vand.u32 $0xF, v15  }
0x31: {  	s2 =	sshll.u32 s14, $0x6;
	v2 =	vor.u32 v11, v0  }
0x32: {  	v5 =	vmov s2  }
0x33: {  	v17 =	vor.u32 v5, v0  }
0x34: {  	v18 =	vld [tilespmem:$0x3200];
	_ =	sdelay $0x1  }
0x35: {  	v2 =	vld.idx.msk [tilespmem:v2+s16+$0x0], $0xffff  }
0x36: {  	v19 =	vld [tilespmem:$0x3210];
	s6 =	simm.s32 $0x1  }
0x37: {  	v3 =	vxor.u32 s6, v1;
	v27 =	vshll.u32 v15, $0x7;
	v26 =	vld.idx.msk [tilespmem:v17+s3+$0x0], $0xffff  }
0x38: {  	v30 =	vld [tilespmem:$0x3240];
	v28 =	vand.u32 $0xF, v3;
	v8 =	vmovc v3;
	v3 =	vimm.f32 $8.000000000e+00;
	vm0 =	veq.s32 v18, $0x0  }
0x39: {  	v31 =	vld [tilespmem:$0x3250];
	v20 =	vor.u32 v1, v27;
	v21 =	vor.u32 v11, v28;
	v24 =	vsel vm0, $0x0, v3  }
0x3a: {  	v33 =	vld [tilespmem:$0x3260];
	v22 =	vor.u32 v25, v0;
	v2 =	vmul.f32 v2, v24  }
0x3b: {  	v34 =	vld [tilespmem:$0x3270];
	v23 =	vor.u32 v5, v28  }
0x3c: {  	v18 =	vld [tilespmem:$0x3230];
	v2 =	vadd.f32 v2, v26  }
0x3d: {  	v17 =	vld [tilespmem:$0x3220]  }
0x3e: {  	[tilespmem:v20+s21+$0x0] =	vst.idx.msk $0xffff, v2;
	v2 =	vld.idx.msk [tilespmem:v21+s16+$0x0], $0xffff  }
0x3f: {  	v20 =	vld.idx.msk [tilespmem:v22+s16+$0x0], $0xffff  }
0x40: {  	v35 =	vld.idx.msk [tilespmem:v23+s3+$0x0], $0xffff  }
0x41: {  	v37 =	vshll.u32 v8, $0x7;
	vm9 =	veq.s32 v19, $0x0  }
0x42: {  	v19 =	vor.u32 v1, v37;
	v23 =	vsel vm9, $0x0, v3  }
0x43: {  	v21 =	vor.u32 v50, v27;
	v22 =	vor.u32 v25, v28;
	v2 =	vmul.f32 v2, v24  }
0x44: {  	v36 =	vor.u32 v52, v0;
	v20 =	vmul.f32 v20, v23  }
0x45: {  	v2 =	vadd.f32 v2, v35  }
0x46: {  	v20 =	vadd.f32 v20, v26  }
0x47: {  	[tilespmem:v19+s21+$0x0] =	vst.idx.msk $0xffff, v2  }
0x48: {  	[tilespmem:v21+s21+$0x0] =	vst.idx.msk $0xffff, v20;
	v2 =	vld.idx.msk [tilespmem:v22+s16+$0x0], $0xffff  }
0x49: {  	v19 =	vld.idx.msk [tilespmem:v36+s16+$0x0], $0xffff;
	_ =	sdelay $0x1  }
0x4a: {  	vm10 =	veq.s32 v17, $0x0  }
0x4b: {  	v17 =	vor.u32 v50, v37;
	v10 =	vsel vm10, $0x0, v3  }
0x4c: {  	v20 =	vor.u32 v7, v27;
	v21 =	vor.u32 v52, v28;
	v2 =	vmul.f32 v2, v23  }
0x4d: {  	v48 =	vor.u32 v6, v0;
	v19 =	vmul.f32 v19, v10  }
0x4e: {  	v2 =	vadd.f32 v2, v35  }
0x4f: {  	v19 =	vadd.f32 v19, v26  }
0x50: {  	[tilespmem:v17+s21+$0x0] =	vst.idx.msk $0xffff, v2  }
0x51: {  	[tilespmem:v20+s21+$0x0] =	vst.idx.msk $0xffff, v19;
	v2 =	vld.idx.msk [tilespmem:v21+s16+$0x0], $0xffff  }
0x52: {  	v17 =	vld.idx.msk [tilespmem:v48+s16+$0x0], $0xffff;
	_ =	sdelay $0x1  }
0x53: {  	vm11 =	veq.s32 v18, $0x0  }
0x54: {  	v18 =	vor.u32 v7, v37;
	v29 =	vsel vm11, $0x0, v3  }
0x55: {  	v19 =	vor.u32 v61, v27;
	v20 =	vor.u32 v6, v28;
	v2 =	vmul.f32 v2, v10  }
0x56: {  	v49 =	vor.u32 v4, v0;
	v17 =	vmul.f32 v17, v29  }
0x57: {  	v2 =	vadd.f32 v2, v35  }
0x58: {  	v17 =	vadd.f32 v17, v26  }
0x59: {  	[tilespmem:v18+s21+$0x0] =	vst.idx.msk $0xffff, v2  }
0x5a: {  	[tilespmem:v19+s21+$0x0] =	vst.idx.msk $0xffff, v17;
	v2 =	vld.idx.msk [tilespmem:v20+s16+$0x0], $0xffff  }
0x5b: {  	v17 =	vld.idx.msk [tilespmem:v49+s16+$0x0], $0xffff;
	_ =	sdelay $0x2  }
0x5c: {  	vm12 =	veq.s32 v30, $0x0;
	v30 =	vor.u32 v4, v28;
	v18 =	vor.u32 v61, v37  }
0x5d: {  	v20 =	vsel vm12, $0x0, v3;
	v19 =	vor.u32 v60, v27;
	v2 =	vmul.f32 v2, v29  }
0x5e: {  	v51 =	vor.u32 v16, v0;
	v17 =	vmul.f32 v17, v20  }
0x5f: {  	v2 =	vadd.f32 v2, v35  }
0x60: {  	v17 =	vadd.f32 v17, v26  }
0x61: {  	[tilespmem:v18+s21+$0x0] =	vst.idx.msk $0xffff, v2  }
0x62: {  	[tilespmem:v19+s21+$0x0] =	vst.idx.msk $0xffff, v17;
	v2 =	vld.idx.msk [tilespmem:v30+s16+$0x0], $0xffff  }
0x63: {  	v17 =	vld.idx.msk [tilespmem:v51+s16+$0x0], $0xffff;
	_ =	sdelay $0x2  }
0x64: {  	vm13 =	veq.s32 v31, $0x0;
	v31 =	vor.u32 v16, v28;
	v18 =	vor.u32 v60, v37  }
0x65: {  	v21 =	vsel vm13, $0x0, v3;
	v30 =	vor.u32 v62, v27;
	v2 =	vmul.f32 v2, v20  }
0x66: {  	v53 =	vor.u32 v32, v0;
	v17 =	vmul.f32 v17, v21  }
0x67: {  	v2 =	vadd.f32 v2, v35  }
0x68: {  	v17 =	vadd.f32 v17, v26  }
0x69: {  	[tilespmem:v18+s21+$0x0] =	vst.idx.msk $0xffff, v2  }
0x6a: {  	[tilespmem:v30+s21+$0x0] =	vst.idx.msk $0xffff, v17;
	v2 =	vld.idx.msk [tilespmem:v31+s16+$0x0], $0xffff  }
0x6b: {  	v17 =	vld.idx.msk [tilespmem:v53+s16+$0x0], $0xffff;
	_ =	sdelay $0x2  }
0x6c: {  	v54 =	vor.u32 v32, v28;
	vm14 =	veq.s32 v33, $0x0;
	v30 =	vor.u32 v62, v37  }
0x6d: {  	v51 =	vsel vm14, $0x0, v3;
	v31 =	vor.u32 v13, v27;
	v2 =	vmul.f32 v2, v21  }
0x6e: {  	v17 =	vmul.f32 v17, v51  }
0x6f: {  	v0 =	vor.u32 v12, v0;
	v2 =	vadd.f32 v2, v35  }
0x70: {  	v17 =	vadd.f32 v17, v26  }
0x71: {  	[tilespmem:v30+s21+$0x0] =	vst.idx.msk $0xffff, v2  }
0x72: {  	vm15 =	veq.s32 v34, $0x0;
	[tilespmem:v31+s21+$0x0] =	vst.idx.msk $0xffff, v17;
	v2 =	vld.idx.msk [tilespmem:v54+s16+$0x0], $0xffff  }
0x73: {  	v17 =	vsel vm15, $0x0, v3;
	v3 =	vld [tilespmem:$0x1FF20]  }
0x74: {  	v0 =	vld.idx.msk [tilespmem:v0+s16+$0x0], $0xffff;
	_ =	sdelay $0x2  }
0x75: {  	v55 =	vor.u32 v13, v37;
	v28 =	vor.u32 v12, v28;
	v31 =	vor.u32 $0x10, v15  }
0x76: {  	v40 =	vand.u32 $0x1F, v31;
	v2 =	vmul.f32 v2, v51;
	v30 =	vor.u32 v3, v27  }
0x77: {  	v56 =	vor.u32 v11, v40;
	v0 =	vmul.f32 v0, v17  }
0x78: {  	v2 =	vadd.f32 v2, v35  }
0x79: {  	[tilespmem:$0x1FD80] =	vst v15;
	v57 =	vor.u32 v5, v40;
	v0 =	vadd.f32 v0, v26  }
0x7a: {  	[tilespmem:v55+s21+$0x0] =	vst.idx.msk $0xffff, v2  }
0x7b: {  	[tilespmem:v30+s21+$0x0] =	vst.idx.msk $0xffff, v0;
	v0 =	vld.idx.msk [tilespmem:v28+s16+$0x0], $0xffff  }
0x7c: {  	v2 =	vld.idx.msk [tilespmem:v56+s16+$0x0], $0xffff  }
0x7d: {  	v26 =	vshll.u32 v31, $0x7  }
0x7e: {  	v33 =	vand.u32 $0x380, v27;
	v27 =	vand.u32 $0xC00, v26;
	v28 =	vor.u32 $0x10, v8;
	v26 =	vld.idx.msk [tilespmem:v57+s3+$0x0], $0xffff  }
0x7f: {  	v39 =	vor.u32 v33, v27;
	v27 =	vor.u32 v3, v37;
	v38 =	vand.u32 $0x1F, v28  }
0x80: {  	v30 =	vor.u32 v1, v39;
	v31 =	vor.u32 v11, v38;
	v0 =	vmul.f32 v0, v17  }
0x81: {  	v58 =	vor.u32 v25, v40;
	v2 =	vmul.f32 v2, v24  }
0x82: {  	s14 =	simm.s32 $0x2;
	v59 =	vor.u32 v5, v38;
	v0 =	vadd.f32 v0, v35  }
0x83: {  	v22 =	vmovc v15;
	v15 =	vmov v12;
	v12 =	vxor.u32 s14, v1;
	[tilespmem:$0x1FD90] =	vst v8;
	v2 =	vadd.f32 v2, v26  }
0x84: {  	v36 =	vand.u32 $0xF, v12;
	[tilespmem:v27+s21+$0x0] =	vst.idx.msk $0xffff, v0  }
0x85: {  	v41 =	vor.u32 v11, v36;
	[tilespmem:v30+s21+$0x0] =	vst.idx.msk $0xffff, v2;
	v0 =	vld.idx.msk [tilespmem:v31+s16+$0x0], $0xffff  }
0x86: {  	v28 =	vshll.u32 v28, $0x7;
	v27 =	vor.u32 v5, v36;
	v30 =	vld.idx.msk [tilespmem:v58+s16+$0x0], $0xffff  }
0x87: {  	v9 =	vand.u32 $0x380, v37;
	v28 =	vand.u32 $0x7FFFFC00, v28;
	v2 =	vld.idx.msk [tilespmem:v59+s3+$0x0], $0xffff  }
0x88: {  	v37 =	vor.u32 v9, v28  }
0x89: {  	v63 =	vor.u32 v1, v37;
	[tilespmem:$0x1FDA0] =	vst v9  }
0x8a: {  	v48 =	vor.u32 v50, v39;
	v42 =	vor.u32 v25, v38;
	v31 =	vld.idx.msk [tilespmem:v41+s16+$0x0], $0xffff;
	v0 =	vmul.f32 v0, v24  }
0x8b: {  	v28 =	vld.idx.msk [tilespmem:v27+s3+$0x0], $0xffff;
	v27 =	vor.u32 v52, v40;
	v43 =	vmul.f32 v30, v23  }
0x8c: {  	v0 =	vadd.f32 v0, v2  }
0x8d: {  	[tilespmem:$0x1FDB0] =	vst v12;
	v43 =	vadd.f32 v43, v26  }
0x8e: {  	v30 =	vshll.u32 v12, $0x7;
	[tilespmem:v63+s21+$0x0] =	vst.idx.msk $0xffff, v0  }
0x8f: {  	v44 =	vor.u32 v1, v30;
	[tilespmem:v48+s21+$0x0] =	vst.idx.msk $0xffff, v43;
	v0 =	vld.idx.msk [tilespmem:v42+s16+$0x0], $0xffff  }
0x90: {  	v45 =	vor.u32 v25, v36;
	v31 =	vmul.f32 v31, v24;
	v27 =	vld.idx.msk [tilespmem:v27+s16+$0x0], $0xffff;
	_ =	sdelay $0x1  }
0x91: {  	v31 =	vadd.f32 v31, v28  }
0x92: {  	v53 =	vor.u32 v7, v39;
	v49 =	vor.u32 v50, v37  }
0x93: {  	v54 =	vor.u32 v52, v38;
	[tilespmem:v44+s21+$0x0] =	vst.idx.msk $0xffff, v31;
	v0 =	vmul.f32 v0, v23  }
0x94: {  	v55 =	vor.u32 v6, v40;
	v31 =	vld.idx.msk [tilespmem:v45+s16+$0x0], $0xffff;
	v27 =	vmul.f32 v27, v10  }
0x95: {  	s6 =	simm.s32 $0x3;
	v0 =	vadd.f32 v0, v2  }
0x96: {  	v19 =	vxor.u32 s6, v1;
	v27 =	vadd.f32 v27, v26  }
0x97: {  	[tilespmem:v49+s21+$0x0] =	vst.idx.msk $0xffff, v0;
	v0 =	vand.u32 $0xF, v19  }
0x98: {  	v56 =	vor.u32 v50, v30;
	[tilespmem:v53+s21+$0x0] =	vst.idx.msk $0xffff, v27;
	v27 =	vld.idx.msk [tilespmem:v54+s16+$0x0], $0xffff;
	v58 =	vor.u32 v11, v0  }
0x99: {  	v57 =	vor.u32 v52, v36;
	v31 =	vmul.f32 v31, v23;
	v41 =	vld.idx.msk [tilespmem:v55+s16+$0x0], $0xffff  }
0x9a: {  	v59 =	vor.u32 v5, v0  }
0x9b: {  	v31 =	vadd.f32 v31, v28  }
0x9c: {  	v47 =	vor.u32 v6, v38;
	v53 =	vor.u32 v7, v37  }
0x9d: {  	v54 =	vor.u32 v61, v39;
	[tilespmem:v56+s21+$0x0] =	vst.idx.msk $0xffff, v31;
	v46 =	vld.idx.msk [tilespmem:v58+s16+$0x0], $0xffff;
	v27 =	vmul.f32 v27, v10  }
0x9e: {  	v48 =	vor.u32 v4, v40;
	v63 =	vld.idx.msk [tilespmem:v57+s16+$0x0], $0xffff;
	v31 =	vmul.f32 v41, v29  }
0x9f: {  	v34 =	vld.idx.msk [tilespmem:v59+s3+$0x0], $0xffff;
	v27 =	vadd.f32 v27, v2  }
0xa0: {  	[tilespmem:$0x1FDE0] =	vst v19;
	v49 =	vadd.f32 v31, v26;
	v31 =	vshll.u32 v19, $0x7  }
0xa1: {  	v56 =	vor.u32 v7, v30;
	[tilespmem:v53+s21+$0x0] =	vst.idx.msk $0xffff, v27;
	v27 =	vor.u32 v1, v31  }
0xa2: {  	v58 =	vor.u32 v25, v0;
	[tilespmem:v54+s21+$0x0] =	vst.idx.msk $0xffff, v49;
	v44 =	vld.idx.msk [tilespmem:v47+s16+$0x0], $0xffff;
	v57 =	vmul.f32 v46, v24  }
0xa3: {  	v55 =	vor.u32 v6, v36;
	v43 =	vmul.f32 v63, v10;
	v59 =	vld.idx.msk [tilespmem:v48+s16+$0x0], $0xffff  }
0xa4: {  	v45 =	vadd.f32 v57, v34  }
0xa5: {  	v43 =	vadd.f32 v43, v28  }
0xa6: {  	v42 =	vor.u32 v60, v39;
	[tilespmem:v27+s21+$0x0] =	vst.idx.msk $0xffff, v45;
	v27 =	vor.u32 v61, v37  }
0xa7: {  	[tilespmem:v56+s21+$0x0] =	vst.idx.msk $0xffff, v43;
	v45 =	vor.u32 v4, v38;
	v43 =	vld.idx.msk [tilespmem:v58+s16+$0x0], $0xffff;
	v44 =	vmul.f32 v44, v29  }
0xa8: {  	v63 =	vor.u32 v16, v40;
	v41 =	vld.idx.msk [tilespmem:v55+s16+$0x0], $0xffff;
	v47 =	vmul.f32 v59, v20  }
0xa9: {  	v44 =	vadd.f32 v44, v2  }
0xaa: {  	v47 =	vadd.f32 v47, v26  }
0xab: {  	v53 =	vor.u32 v61, v30;
	[tilespmem:v27+s21+$0x0] =	vst.idx.msk $0xffff, v44;
	v27 =	vor.u32 v50, v31  }
0xac: {  	v59 =	vor.u32 v52, v0;
	[tilespmem:v42+s21+$0x0] =	vst.idx.msk $0xffff, v47;
	v58 =	vld.idx.msk [tilespmem:v45+s16+$0x0], $0xffff;
	v43 =	vmul.f32 v43, v23  }
0xad: {  	v35 =	vor.u32 v4, v36;
	v41 =	vmul.f32 v41, v29;
	v63 =	vld.idx.msk [tilespmem:v63+s16+$0x0], $0xffff  }
0xae: {  	v43 =	vadd.f32 v43, v34  }
0xaf: {  	v41 =	vadd.f32 v41, v28  }
0xb0: {  	v54 =	vor.u32 v16, v38;
	[tilespmem:v27+s21+$0x0] =	vst.idx.msk $0xffff, v43;
	v27 =	vor.u32 v60, v37  }
0xb1: {  	[tilespmem:v53+s21+$0x0] =	vst.idx.msk $0xffff, v41;
	v53 =	vor.u32 v62, v39;
	v44 =	vld.idx.msk [tilespmem:v59+s16+$0x0], $0xffff;
	v42 =	vmul.f32 v58, v20  }
0xb2: {  	v55 =	vor.u32 v32, v40;
	v41 =	vld.idx.msk [tilespmem:v35+s16+$0x0], $0xffff;
	v45 =	vmul.f32 v63, v21  }
0xb3: {  	v42 =	vadd.f32 v42, v2  }
0xb4: {  	v45 =	vadd.f32 v45, v26  }
0xb5: {  	v57 =	vor.u32 v60, v30;
	[tilespmem:v27+s21+$0x0] =	vst.idx.msk $0xffff, v42;
	v27 =	vor.u32 v7, v31  }
0xb6: {  	v63 =	vor.u32 v6, v0;
	[tilespmem:v53+s21+$0x0] =	vst.idx.msk $0xffff, v45;
	v42 =	vld.idx.msk [tilespmem:v54+s16+$0x0], $0xffff;
	v59 =	vmul.f32 v44, v10  }
0xb7: {  	v58 =	vor.u32 v16, v36;
	v41 =	vmul.f32 v41, v20;
	v45 =	vld.idx.msk [tilespmem:v55+s16+$0x0], $0xffff  }
0xb8: {  	v43 =	vadd.f32 v59, v34  }
0xb9: {  	v41 =	vadd.f32 v41, v28  }
0xba: {  	v49 =	vor.u32 v13, v39;
	[tilespmem:v27+s21+$0x0] =	vst.idx.msk $0xffff, v43;
	v27 =	vor.u32 v62, v37  }
0xbb: {  	v53 =	vor.u32 v32, v38;
	[tilespmem:v57+s21+$0x0] =	vst.idx.msk $0xffff, v41;
	v44 =	vld.idx.msk [tilespmem:v63+s16+$0x0], $0xffff;
	v42 =	vmul.f32 v42, v21  }
0xbc: {  	v40 =	vor.u32 v15, v40;
	v41 =	vld.idx.msk [tilespmem:v58+s16+$0x0], $0xffff;
	v45 =	vmul.f32 v45, v51  }
0xbd: {  	v42 =	vadd.f32 v42, v2  }
0xbe: {  	v45 =	vadd.f32 v45, v26  }
0xbf: {  	v54 =	vor.u32 v62, v30;
	[tilespmem:v27+s21+$0x0] =	vst.idx.msk $0xffff, v42;
	v27 =	vor.u32 v61, v31  }
0xc0: {  	v57 =	vor.u32 v4, v0;
	[tilespmem:v49+s21+$0x0] =	vst.idx.msk $0xffff, v45;
	v42 =	vld.idx.msk [tilespmem:v53+s16+$0x0], $0xffff;
	v55 =	vmul.f32 v44, v29  }
0xc1: {  	v58 =	vor.u32 v32, v36;
	v41 =	vmul.f32 v41, v21;
	v40 =	vld.idx.msk [tilespmem:v40+s16+$0x0], $0xffff  }
0xc2: {  	v43 =	vadd.f32 v55, v34  }
0xc3: {  	v48 =	vor.u32 $0x20, v22;
	v41 =	vadd.f32 v41, v28  }
0xc4: {  	v46 =	vand.u32 $0x2F, v48;
	v39 =	vor.u32 v3, v39;
	[tilespmem:v27+s21+$0x0] =	vst.idx.msk $0xffff, v43;
	v27 =	vor.u32 v13, v37  }
0xc5: {  	v38 =	vor.u32 v15, v38;
	[tilespmem:v54+s21+$0x0] =	vst.idx.msk $0xffff, v41;
	v59 =	vld.idx.msk [tilespmem:v57+s16+$0x0], $0xffff;
	v42 =	vmul.f32 v42, v51  }
0xc6: {  	v49 =	vor.u32 v11, v46;
	v63 =	vld.idx.msk [tilespmem:v58+s16+$0x0], $0xffff;
	v40 =	vmul.f32 v40, v17  }
0xc7: {  	v42 =	vadd.f32 v42, v2  }
0xc8: {  	v53 =	vor.u32 v5, v46;
	v26 =	vadd.f32 v40, v26  }
0xc9: {  	v55 =	vor.u32 v16, v0;
	[tilespmem:v27+s21+$0x0] =	vst.idx.msk $0xffff, v42;
	v27 =	vor.u32 v60, v31  }
0xca: {  	v57 =	vor.u32 v13, v30;
	[tilespmem:v39+s21+$0x0] =	vst.idx.msk $0xffff, v26;
	v26 =	vld.idx.msk [tilespmem:v38+s16+$0x0], $0xffff;
	v54 =	vmul.f32 v59, v20  }
0xcb: {  	v14 =	vmovc v51;
	v58 =	vmul.f32 v63, v51;
	v63 =	vor.u32 v15, v36;
	v51 =	vshll.u32 v48, $0x7;
	v59 =	vld.idx.msk [tilespmem:v49+s16+$0x0], $0xffff  }
0xcc: {  	v18 =	vmovc v8;
	v8 =	vmov v12;
	v44 =	vand.u32 $0x1400, v51;
	v38 =	vadd.f32 v54, v34  }
0xcd: {  	v12 =	vmovc v50;
	v47 =	vor.u32 $0x20, v18;
	v41 =	vadd.f32 v58, v28;
	v45 =	vor.u32 v33, v44;
	v36 =	vld.idx.msk [tilespmem:v53+s3+$0x0], $0xffff  }
0xce: {  	v50 =	vand.u32 $0x2F, v47;
	v53 =	vor.u32 v1, v45;
	[tilespmem:v27+s21+$0x0] =	vst.idx.msk $0xffff, v38;
	v27 =	vor.u32 v3, v37  }
0xcf: {  	v54 =	vor.u32 v11, v50;
	[tilespmem:v57+s21+$0x0] =	vst.idx.msk $0xffff, v41;
	v38 =	vld.idx.msk [tilespmem:v55+s16+$0x0], $0xffff;
	v26 =	vmul.f32 v26, v17  }
0xd0: {  	v40 =	vld.idx.msk [tilespmem:v63+s16+$0x0], $0xffff;
	v55 =	vor.u32 v25, v46;
	v42 =	vmul.f32 v59, v24  }
0xd1: {  	v2 =	vadd.f32 v26, v2;
	v26 =	vor.u32 v5, v50  }
0xd2: {  	v41 =	vor.u32 v3, v30;
	v57 =	vadd.f32 v42, v36  }
0xd3: {  	v59 =	vor.u32 v32, v0;
	[tilespmem:v27+s21+$0x0] =	vst.idx.msk $0xffff, v2;
	v2 =	vor.u32 v62, v31  }
0xd4: {  	v42 =	vor.u32 $0x10, v8;
	[tilespmem:v53+s21+$0x0] =	vst.idx.msk $0xffff, v57;
	v27 =	vld.idx.msk [tilespmem:v54+s16+$0x0], $0xffff;
	v58 =	vmul.f32 v38, v21  }
0xd5: {  	v40 =	vmul.f32 v40, v17;
	v48 =	vand.u32 $0x1F, v42;
	v53 =	vshll.u32 v47, $0x7;
	v63 =	vld.idx.msk [tilespmem:v55+s16+$0x0], $0xffff  }
0xd6: {  	v44 =	vor.u32 v11, v48;
	v54 =	vand.u32 $0x7FFFFC00, v53;
	v39 =	vld.idx.msk [tilespmem:v26+s3+$0x0], $0xffff;
	v26 =	vadd.f32 v58, v34  }
0xd7: {  	s14 =	simm.s32 $0x4;
	v28 =	vadd.f32 v40, v28;
	v49 =	vor.u32 v9, v54  }
0xd8: {  	v55 =	vor.u32 v5, v48;
	v9 =	vxor.u32 s14, v1;
	[tilespmem:v2+s21+$0x0] =	vst.idx.msk $0xffff, v26;
	v26 =	vor.u32 v1, v49  }
0xd9: {  	v57 =	vor.u32 v25, v50;
	v59 =	vld.idx.msk [tilespmem:v59+s16+$0x0], $0xffff;
	v27 =	vmul.f32 v27, v24;
	[tilespmem:$0x1FDF0] =	vst v9  }
0xda: {  	v8 =	vand.u32 $0x380, v30;
	v58 =	vor.u32 v12, v45;
	v63 =	vmul.f32 v63, v23;
	[tilespmem:v41+s21+$0x0] =	vst.idx.msk $0xffff, v28  }
0xdb: {  	v53 =	vor.u32 v52, v46;
	v2 =	vand.u32 $0xF, v9;
	v27 =	vadd.f32 v27, v39;
	v44 =	vld.idx.msk [tilespmem:v44+s16+$0x0], $0xffff  }
0xdc: {  	v42 =	vshll.u32 v42, $0x7;
	v28 =	vor.u32 v11, v2;
	[tilespmem:$0x1FDD0] =	vst v8;
	v54 =	vadd.f32 v63, v36  }
0xdd: {  	v38 =	vld.idx.msk [tilespmem:v55+s3+$0x0], $0xffff;
	[tilespmem:v26+s21+$0x0] =	vst.idx.msk $0xffff, v27;
	v26 =	vor.u32 v13, v31;
	v27 =	vand.u32 $0xC00, v42  }
0xde: {  	v0 =	vor.u32 v15, v0;
	v55 =	vld.idx.msk [tilespmem:v57+s16+$0x0], $0xffff;
	v59 =	vmul.f32 v59, v14;
	v41 =	vor.u32 v8, v27  }
0xdf: {  	v63 =	vor.u32 v5, v2;
	[tilespmem:v58+s21+$0x0] =	vst.idx.msk $0xffff, v54;
	v47 =	vor.u32 v1, v41  }
0xe0: {  	v58 =	vor.u32 v25, v48;
	v27 =	vld.idx.msk [tilespmem:v53+s16+$0x0], $0xffff;
	v57 =	vadd.f32 v59, v34;
	v44 =	vmul.f32 v44, v24;
	_ =	sdelay $0x1  }
0xe1: {  	v28 =	vld.idx.msk [tilespmem:v28+s16+$0x0], $0xffff;
	[tilespmem:v26+s21+$0x0] =	vst.idx.msk $0xffff, v57;
	v26 =	vor.u32 v12, v49;
	v44 =	vadd.f32 v44, v38  }
0xe2: {  	v59 =	vor.u32 v52, v50;
	v0 =	vld.idx.msk [tilespmem:v0+s16+$0x0], $0xffff;
	v42 =	vmul.f32 v55, v23  }
0xe3: {  	v56 =	vmov v29;
	v37 =	vshll.u32 v9, $0x7;
	v9 =	vld.idx.msk [tilespmem:v63+s3+$0x0], $0xffff;
	v63 =	vor.u32 v7, v45;
	[tilespmem:v47+s21+$0x0] =	vst.idx.msk $0xffff, v44  }
0xe4: {  	v29 =	vmovc v3;
	v51 =	vor.u32 $0x10, v19;
	v27 =	vmul.f32 v27, v10;
	v42 =	vadd.f32 v42, v39;
	v47 =	vld.idx.msk [tilespmem:v58+s16+$0x0], $0xffff  }
0xe5: {  	v3 =	vmovc v17;
	v54 =	vor.u32 v29, v31;
	v53 =	vor.u32 v1, v37;
	v57 =	vor.u32 v6, v46  }
0xe6: {  	v28 =	vmul.f32 v28, v24;
	v27 =	vadd.f32 v27, v36;
	[tilespmem:v26+s21+$0x0] =	vst.idx.msk $0xffff, v42;
	v42 =	vand.u32 $0x1F, v51  }
0xe7: {  	v55 =	vor.u32 v25, v2;
	v26 =	vld.idx.msk [tilespmem:v59+s16+$0x0], $0xffff;
	v0 =	vmul.f32 v0, v3;
	v58 =	vor.u32 v11, v42  }
0xe8: {  	v28 =	vadd.f32 v28, v9;
	[tilespmem:v63+s21+$0x0] =	vst.idx.msk $0xffff, v27;
	v27 =	vor.u32 v12, v41  }
0xe9: {  	v22 =	vmovc v52;
	v0 =	vadd.f32 v0, v34;
	v34 =	vor.u32 v5, v42;
	v59 =	vmul.f32 v47, v23  }
0xea: {  	v18 =	vmov v7;
	v44 =	vor.u32 v22, v48;
	[tilespmem:v53+s21+$0x0] =	vst.idx.msk $0xffff, v28;
	v28 =	vld.idx.msk [tilespmem:v57+s16+$0x0], $0xffff  }
0xeb: {  	[tilespmem:v54+s21+$0x0] =	vst.idx.msk $0xffff, v0;
	v0 =	vor.u32 v18, v49;
	v40 =	vadd.f32 v59, v38  }
0xec: {  	v57 =	vor.u32 v6, v50;
	v63 =	vld.idx.msk [tilespmem:v58+s16+$0x0], $0xffff;
	v26 =	vmul.f32 v26, v10  }
0xed: {  	v30 =	vmov v4;
	v4 =	vand.u32 $0x380, v31;
	v51 =	vshll.u32 v51, $0x7;
	v53 =	vld.idx.msk [tilespmem:v55+s16+$0x0], $0xffff;
	[tilespmem:v27+s21+$0x0] =	vst.idx.msk $0xffff, v40  }
0xee: {  	v58 =	vor.u32 v61, v45;
	v27 =	vand.u32 $0x7FFFFC00, v51;
	v40 =	vld.idx.msk [tilespmem:v34+s3+$0x0], $0xffff;
	v26 =	vadd.f32 v26, v39;
	[tilespmem:$0x1FE00] =	vst v4  }
0xef: {  	v31 =	vor.u32 v30, v46;
	v28 =	vmul.f32 v28, v56;
	v59 =	vld.idx.msk [tilespmem:v44+s16+$0x0], $0xffff;
	v44 =	vor.u32 v4, v27  }
0xf0: {  	[tilespmem:v0+s21+$0x0] =	vst.idx.msk $0xffff, v26;
	v0 =	vor.u32 v1, v44  }
0xf1: {  	v26 =	vadd.f32 v28, v36;
	v27 =	vld.idx.msk [tilespmem:v57+s16+$0x0], $0xffff;
	v28 =	vmul.f32 v63, v24;
	v63 =	vor.u32 v25, v42;
	_ =	sdelay $0x1  }
0xf2: {  	v34 =	vor.u32 v12, v37;
	[tilespmem:v58+s21+$0x0] =	vst.idx.msk $0xffff, v26;
	v26 =	vadd.f32 v28, v40  }
0xf3: {  	v53 =	vmul.f32 v53, v23;
	v28 =	vld.idx.msk [tilespmem:v31+s16+$0x0], $0xffff  }
0xf4: {  	v31 =	vor.u32 v22, v2;
	[tilespmem:v0+s21+$0x0] =	vst.idx.msk $0xffff, v26;
	v0 =	vor.u32 v61, v49  }
0xf5: {  	v17 =	vmov v10;
	v26 =	vadd.f32 v53, v9;
	v47 =	vld.idx.msk [tilespmem:v63+s16+$0x0], $0xffff;
	v27 =	vmul.f32 v27, v56  }
0xf6: {  	v43 =	vor.u32 v18, v41;
	v58 =	vor.u32 v30, v50;
	v51 =	vmul.f32 v59, v17  }
0xf7: {  	[tilespmem:v34+s21+$0x0] =	vst.idx.msk $0xffff, v26;
	v26 =	vor.u32 v60, v45;
	v27 =	vadd.f32 v27, v39  }
0xf8: {  	v57 =	vor.u32 v6, v48;
	v59 =	vor.u32 v16, v46;
	v28 =	vmul.f32 v28, v20  }
0xf9: {  	v51 =	vadd.f32 v51, v38;
	v31 =	vld.idx.msk [tilespmem:v31+s16+$0x0], $0xffff;
	[tilespmem:v0+s21+$0x0] =	vst.idx.msk $0xffff, v27;
	v0 =	vor.u32 v12, v44  }
0xfa: {  	v27 =	vadd.f32 v28, v36;
	v47 =	vmul.f32 v47, v23  }
0xfb: {  	v63 =	vor.u32 v22, v42;
	[tilespmem:v43+s21+$0x0] =	vst.idx.msk $0xffff, v51;
	v28 =	vld.idx.msk [tilespmem:v58+s16+$0x0], $0xffff  }
0xfc: {  	s6 =	simm.s32 $0x5;
	[tilespmem:v26+s21+$0x0] =	vst.idx.msk $0xffff, v27;
	v26 =	vadd.f32 v47, v40  }
0xfd: {  	v4 =	vxor.u32 s6, v1;
	v51 =	vld.idx.msk [tilespmem:v57+s16+$0x0], $0xffff;
	v47 =	vor.u32 v18, v37  }
0xfe: {  	v27 =	vor.u32 v6, v2;
	v34 =	vmul.f32 v31, v17;
	v52 =	vld.idx.msk [tilespmem:v59+s16+$0x0], $0xffff;
	[tilespmem:v0+s21+$0x0] =	vst.idx.msk $0xffff, v26  }
0xff: {  	v54 =	vand.u32 $0xF, v4;
	v0 =	vor.u32 v60, v49;
	[tilespmem:$0x1FE50] =	vst v4  }
0x100: {  	v43 =	vor.u32 v16, v50;
	v55 =	vadd.f32 v34, v9;
	v28 =	vmul.f32 v28, v20;
	v26 =	vld.idx.msk [tilespmem:v63+s16+$0x0], $0xffff  }
0x101: {  	v57 =	vor.u32 v11, v54;
	v58 =	vor.u32 v30, v48;
	v63 =	vor.u32 v61, v41  }
0x102: {  	v51 =	vmul.f32 v51, v56;
	v28 =	vadd.f32 v28, v39;
	[tilespmem:v47+s21+$0x0] =	vst.idx.msk $0xffff, v55  }
0x103: {  	v34 =	vor.u32 v5, v54;
	v47 =	vor.u32 v62, v45;
	v52 =	vmul.f32 v52, v21;
	v27 =	vld.idx.msk [tilespmem:v27+s16+$0x0], $0xffff  }
0x104: {  	v19 =	vmov v6;
	v51 =	vadd.f32 v51, v38;
	[tilespmem:v0+s21+$0x0] =	vst.idx.msk $0xffff, v28;
	v0 =	vor.u32 v18, v44  }
0x105: {  	v28 =	vor.u32 v32, v46;
	v52 =	vadd.f32 v52, v36;
	v59 =	vld.idx.msk [tilespmem:v43+s16+$0x0], $0xffff;
	v26 =	vmul.f32 v26, v17  }
0x106: {  	v43 =	vld.idx.msk [tilespmem:v57+s16+$0x0], $0xffff;
	[tilespmem:v63+s21+$0x0] =	vst.idx.msk $0xffff, v51;
	v63 =	vor.u32 v6, v42;
	v6 =	vor.u32 v29, v37  }
0x107: {  	v7 =	vmovc v13;
	v10 =	vmov v56;
	v4 =	vshll.u32 v4, $0x7;
	v58 =	vld.idx.msk [tilespmem:v58+s16+$0x0], $0xffff;
	[tilespmem:$0x1FE20] =	vst v6;
	v26 =	vadd.f32 v26, v40  }
0x108: {  	[tilespmem:v47+s21+$0x0] =	vst.idx.msk $0xffff, v52;
	v53 =	vld.idx.msk [tilespmem:v34+s3+$0x0], $0xffff;
	v52 =	vor.u32 v61, v37;
	v27 =	vmul.f32 v27, v10  }
0x109: {  	v47 =	vmov v61;
	v61 =	vor.u32 v30, v2;
	[tilespmem:v0+s21+$0x0] =	vst.idx.msk $0xffff, v26;
	v0 =	vor.u32 v62, v49  }
0x10a: {  	v26 =	vld.idx.msk [tilespmem:v28+s16+$0x0], $0xffff;
	v28 =	vor.u32 v1, v4;
	v34 =	vmul.f32 v59, v21;
	v59 =	vor.u32 v32, v50  }
0x10b: {  	v13 =	vmovc v9;
	v27 =	vadd.f32 v27, v9;
	v56 =	vmul.f32 v43, v24;
	v43 =	vor.u32 v25, v54  }
0x10c: {  	v31 =	vmovc v62;
	v9 =	vmov v60;
	v62 =	vor.u32 v16, v48;
	v57 =	vld.idx.msk [tilespmem:v63+s16+$0x0], $0xffff;
	v55 =	vadd.f32 v34, v39  }
0x10d: {  	v63 =	vor.u32 v9, v41;
	[tilespmem:v52+s21+$0x0] =	vst.idx.msk $0xffff, v27;
	v27 =	vadd.f32 v56, v53  }
0x10e: {  	v51 =	vmul.f32 v58, v20;
	v52 =	vor.u32 v7, v45;
	v1 =	vld [tilespmem:$0x1FD80];
	[tilespmem:v0+s21+$0x0] =	vst.idx.msk $0xffff, v55  }
0x10f: {  	v46 =	vor.u32 v15, v46;
	v0 =	vmul.f32 v26, v14;
	[tilespmem:v28+s21+$0x0] =	vst.idx.msk $0xffff, v27;
	v27 =	vld.idx.msk [tilespmem:v59+s16+$0x0], $0xffff  }
0x110: {  	v28 =	vadd.f32 v51, v38;
	v55 =	vor.u32 v47, v44;
	v56 =	vld.idx.msk [tilespmem:v43+s16+$0x0], $0xffff  }
0x111: {  	v57 =	vmul.f32 v57, v10;
	[tilespmem:$0x1FE10] =	vst v10;
	v43 =	vadd.f32 v0, v36  }
0x112: {  	v58 =	vor.u32 v30, v42;
	v60 =	vld.idx.msk [tilespmem:v61+s16+$0x0], $0xffff;
	[tilespmem:v63+s21+$0x0] =	vst.idx.msk $0xffff, v28  }
0x113: {  	v34 =	vor.u32 v7, v49;
	v61 =	vld.idx.msk [tilespmem:v62+s16+$0x0], $0xffff;
	v57 =	vadd.f32 v57, v40;
	[tilespmem:v52+s21+$0x0] =	vst.idx.msk $0xffff, v43  }
0x114: {  	v50 =	vor.u32 v15, v50;
	v45 =	vor.u32 v29, v45;
	v62 =	vld.idx.msk [tilespmem:v46+s16+$0x0], $0xffff;
	v27 =	vmul.f32 v27, v14  }
0x115: {  	v35 =	vmov v21;
	[tilespmem:v55+s21+$0x0] =	vst.idx.msk $0xffff, v57;
	v55 =	vor.u32 v12, v4;
	v56 =	vmul.f32 v56, v23  }
0x116: {  	v21 =	vmovc v32;
	v59 =	vor.u32 v9, v37;
	v0 =	vor.u32 v31, v41;
	v27 =	vadd.f32 v27, v39  }
0x117: {  	v57 =	vld.idx.msk [tilespmem:v58+s16+$0x0], $0xffff;
	v58 =	vor.u32 v22, v54;
	v52 =	vmul.f32 v60, v20;
	v56 =	vadd.f32 v56, v53  }
0x118: {  	v32 =	vor.u32 $0x30, v1;
	v61 =	vmul.f32 v61, v35;
	[tilespmem:v34+s21+$0x0] =	vst.idx.msk $0xffff, v27;
	v27 =	vor.u32 v21, v48  }
0x119: {  	v1 =	vand.u32 $0x3F, v32;
	v52 =	vadd.f32 v52, v13;
	v60 =	vmul.f32 v62, v3  }
0x11a: {  	v63 =	vor.u32 v11, v1;
	[tilespmem:v55+s21+$0x0] =	vst.idx.msk $0xffff, v56;
	v46 =	vadd.f32 v61, v38  }
0x11b: {  	v56 =	vor.u32 v9, v44;
	v50 =	vld.idx.msk [tilespmem:v50+s16+$0x0], $0xffff;
	[tilespmem:v59+s21+$0x0] =	vst.idx.msk $0xffff, v52;
	v36 =	vadd.f32 v60, v36  }
0x11c: {  	v57 =	vmul.f32 v57, v20;
	v58 =	vld.idx.msk [tilespmem:v58+s16+$0x0], $0xffff;
	v60 =	vor.u32 v16, v42;
	[tilespmem:v0+s21+$0x0] =	vst.idx.msk $0xffff, v46  }
0x11d: {  	v49 =	vor.u32 v29, v49;
	v51 =	vor.u32 v15, v2;
	[tilespmem:v45+s21+$0x0] =	vst.idx.msk $0xffff, v36;
	v27 =	vld.idx.msk [tilespmem:v27+s16+$0x0], $0xffff  }
0x11e: {  	v28 =	vor.u32 v21, v2;
	v61 =	vor.u32 v5, v1;
	v57 =	vadd.f32 v57, v40;
	v8 =	vld [tilespmem:$0x1FD90]  }
0x11f: {  	v2 =	vor.u32 v16, v2;
	v32 =	vshll.u32 v32, $0x7;
	v52 =	vor.u32 v18, v4  }
0x120: {  	v45 =	vor.u32 v15, v48;
	v48 =	vld.idx.msk [tilespmem:v63+s16+$0x0], $0xffff;
	[tilespmem:v56+s21+$0x0] =	vst.idx.msk $0xffff, v57;
	v50 =	vmul.f32 v50, v3  }
0x121: {  	v32 =	vand.u32 $0x1C00, v32;
	v58 =	vmul.f32 v58, v17;
	v57 =	vld.idx.msk [tilespmem:v60+s16+$0x0], $0xffff;
	v60 =	vor.u32 v7, v41  }
0x122: {  	v32 =	vor.u32 v33, v32;
	v33 =	vadd.f32 v50, v39;
	v27 =	vmul.f32 v27, v14  }
0x123: {  	v59 =	vor.u32 v19, v54;
	v56 =	vmovc v29;
	v29 =	vld.idx.msk [tilespmem:v61+s3+$0x0], $0xffff;
	v50 =	vadd.f32 v58, v53;
	v36 =	vor.u32 $0x30, v8  }
0x124: {  	v34 =	vmovc v3;
	v3 =	vlaneseq.u32;
	[tilespmem:v49+s21+$0x0] =	vst.idx.msk $0xffff, v33;
	v8 =	vand.u32 $0x3F, v36;
	v27 =	vadd.f32 v27, v38  }
0x125: {  	v2 =	vld.idx.msk [tilespmem:v2+s16+$0x0], $0xffff;
	v58 =	vor.u32 v3, v32;
	[tilespmem:v52+s21+$0x0] =	vst.idx.msk $0xffff, v50;
	v55 =	vor.u32 v11, v8  }
0x126: {  	v61 =	vor.u32 v25, v1;
	v48 =	vmul.f32 v48, v24;
	[tilespmem:v60+s21+$0x0] =	vst.idx.msk $0xffff, v27  }
0x127: {  	v6 =	vmov v20;
	v39 =	vor.u32 v5, v8;
	v20 =	vld [tilespmem:$0x1FDA0]  }
0x128: {  	v49 =	vor.u32 v31, v44;
	v48 =	vadd.f32 v48, v29  }
0x129: {  	v0 =	vor.u32 v31, v37;
	v52 =	vld.idx.msk [tilespmem:v59+s16+$0x0], $0xffff;
	v62 =	vmul.f32 v57, v35  }
0x12a: {  	s14 =	simm.s32 $0x6;
	v46 =	vmovc v15;
	v15 =	vlaneseq.u32;
	v2 =	vmul.f32 v2, v35;
	v36 =	vshll.u32 v36, $0x7;
	[tilespmem:v58+s21+$0x0] =	vst.idx.msk $0xffff, v48;
	v50 =	vld.idx.msk [tilespmem:v55+s16+$0x0], $0xffff  }
0x12b: {  	v43 =	vmovc v14;
	v3 =	vmovc v32;
	v63 =	vand.u32 $0x7FFFFC00, v36;
	v36 =	vxor.u32 s14, v15;
	v27 =	vadd.f32 v62, v40;
	v58 =	vld.idx.msk [tilespmem:v61+s16+$0x0], $0xffff  }
0x12c: {  	v59 =	vor.u32 v21, v42;
	v57 =	vmovc v35;
	v14 =	vshll.u32 v36, $0x7;
	v32 =	vld.idx.msk [tilespmem:v39+s3+$0x0], $0xffff;
	v35 =	vor.u32 v20, v63  }
0x12d: {  	[tilespmem:v49+s21+$0x0] =	vst.idx.msk $0xffff, v27;
	v55 =	vld.idx.msk [tilespmem:v45+s16+$0x0], $0xffff;
	v48 =	vor.u32 v15, v35;
	v15 =	vor.u32 v12, v14  }
0x12e: {  	v2 =	vadd.f32 v2, v13;
	[tilespmem:$0x1FEA0] =	vst v15;
	v15 =	vld [tilespmem:$0x1FDB0]  }
0x12f: {  	v60 =	vor.u32 v47, v4;
	v33 =	vmul.f32 v50, v24;
	v50 =	vor.u32 v25, v8  }
0x130: {  	v27 =	vmul.f32 v52, v10;
	[tilespmem:$0x1FEE0] =	vst v14  }
0x131: {  	v49 =	vor.u32 v30, v54;
	v59 =	vld.idx.msk [tilespmem:v59+s16+$0x0], $0xffff;
	[tilespmem:v0+s21+$0x0] =	vst.idx.msk $0xffff, v2;
	v45 =	vadd.f32 v33, v32  }
0x132: {  	v0 =	vor.u32 v56, v41;
	v2 =	vadd.f32 v27, v53;
	v41 =	vor.u32 v12, v3;
	v27 =	vld.idx.msk [tilespmem:v28+s16+$0x0], $0xffff  }
0x133: {  	v28 =	vmul.f32 v55, v34;
	v33 =	vmul.f32 v58, v23;
	[tilespmem:v48+s21+$0x0] =	vst.idx.msk $0xffff, v45;
	v52 =	vor.u32 $0x20, v15  }
0x134: {  	[tilespmem:v60+s21+$0x0] =	vst.idx.msk $0xffff, v2;
	v2 =	vld.idx.msk [tilespmem:v50+s16+$0x0], $0xffff;
	v50 =	vor.u32 v22, v1;
	v39 =	vand.u32 $0x2F, v52  }
0x135: {  	v55 =	vadd.f32 v33, v29;
	v33 =	vlaneseq.u32;
	v48 =	vor.u32 v11, v39  }
0x136: {  	v45 =	vld.idx.msk [tilespmem:v49+s16+$0x0], $0xffff;
	v49 =	vor.u32 v7, v44;
	v10 =	vor.u32 v33, v14  }
0x137: {  	v28 =	vadd.f32 v28, v38;
	v59 =	vmul.f32 v59, v43;
	[tilespmem:$0x1FE40] =	vst v10  }
0x138: {  	[tilespmem:v41+s21+$0x0] =	vst.idx.msk $0xffff, v55  }
0x139: {  	[tilespmem:v0+s21+$0x0] =	vst.idx.msk $0xffff, v28;
	v28 =	vadd.f32 v59, v40;
	v50 =	vld.idx.msk [tilespmem:v50+s16+$0x0], $0xffff  }
0x13a: {  	v55 =	vld.idx.msk [tilespmem:v48+s16+$0x0], $0xffff;
	[tilespmem:$0x1FDC0] =	vst v36  }
0x13b: {  	v58 =	vor.u32 v5, v39;
	[tilespmem:v49+s21+$0x0] =	vst.idx.msk $0xffff, v28  }
0x13c: {  	v15 =	vld [tilespmem:$0x1FDD0]  }
0x13d: {  	v42 =	vor.u32 v46, v42;
	v0 =	vshll.u32 v52, $0x7;
	v52 =	vor.u32 v12, v35  }
0x13e: {  	v61 =	vor.u32 v22, v8;
	v59 =	vor.u32 v9, v4;
	v2 =	vmul.f32 v2, v23  }
0x13f: {  	v46 =	vor.u32 v16, v54;
	v45 =	vmul.f32 v45, v6  }
0x140: {  	v26 =	vor.u32 v7, v37;
	v0 =	vand.u32 $0x1400, v0;
	v2 =	vadd.f32 v2, v32;
	v20 =	vld.idx.msk [tilespmem:v58+s3+$0x0], $0xffff  }
0x141: {  	v27 =	vmul.f32 v27, v43;
	v41 =	vor.u32 v15, v0;
	v0 =	vadd.f32 v45, v53  }
0x142: {  	v49 =	vld.idx.msk [tilespmem:v42+s16+$0x0], $0xffff;
	[tilespmem:v52+s21+$0x0] =	vst.idx.msk $0xffff, v2;
	v33 =	vor.u32 v33, v41  }
0x143: {  	v2 =	vadd.f32 v27, v13;
	v27 =	vmul.f32 v55, v24;
	[tilespmem:v59+s21+$0x0] =	vst.idx.msk $0xffff, v0;
	v0 =	vld.idx.msk [tilespmem:v61+s16+$0x0], $0xffff  }
0x144: {  	v61 =	vld.idx.msk [tilespmem:v46+s16+$0x0], $0xffff  }
0x145: {  	v52 =	vor.u32 v18, v3;
	v15 =	vld [tilespmem:$0x1FDE0];
	[tilespmem:v26+s21+$0x0] =	vst.idx.msk $0xffff, v2;
	v26 =	vadd.f32 v27, v20  }
0x146: {  	v2 =	vmul.f32 v50, v17;
	v27 =	vor.u32 v56, v44  }
0x147: {  	v10 =	vmov v17;
	v38 =	vmul.f32 v49, v34;
	v17 =	vld [tilespmem:$0x1FDF0];
	[tilespmem:v33+s21+$0x0] =	vst.idx.msk $0xffff, v26;
	v26 =	vor.u32 v18, v35  }
0x148: {  	v2 =	vadd.f32 v2, v29;
	v33 =	vld.idx.msk [tilespmem:v51+s16+$0x0], $0xffff;
	v51 =	vor.u32 v31, v4;
	v0 =	vmul.f32 v0, v10  }
0x149: {  	v40 =	vadd.f32 v38, v40;
	v61 =	vmul.f32 v61, v57  }
0x14a: {  	[tilespmem:v52+s21+$0x0] =	vst.idx.msk $0xffff, v2;
	v0 =	vadd.f32 v0, v32  }
0x14b: {  	[tilespmem:v27+s21+$0x0] =	vst.idx.msk $0xffff, v40;
	v52 =	vadd.f32 v61, v53  }
0x14c: {  	v58 =	vor.u32 v25, v39;
	[tilespmem:v26+s21+$0x0] =	vst.idx.msk $0xffff, v0  }
0x14d: {  	v55 =	vor.u32 v19, v1;
	[tilespmem:v51+s21+$0x0] =	vst.idx.msk $0xffff, v52  }
0x14e: {  	v0 =	vor.u32 v19, v8;
	v2 =	vld [tilespmem:$0x1FE00]  }
0x14f: {  	v59 =	vor.u32 $0x20, v15  }
0x150: {  	v45 =	vand.u32 $0x2F, v59  }
0x151: {  	v58 =	vld.idx.msk [tilespmem:v58+s16+$0x0], $0xffff;
	v49 =	vor.u32 v11, v45;
	v26 =	vmul.f32 v33, v34;
	v33 =	vshll.u32 v59, $0x7  }
0x152: {  	v55 =	vld.idx.msk [tilespmem:v55+s16+$0x0], $0xffff;
	v52 =	vand.u32 $0x7FFFFC00, v33  }
0x153: {  	v44 =	vor.u32 v5, v45;
	v15 =	vor.u32 v2, v52;
	v2 =	vld.idx.msk [tilespmem:v0+s16+$0x0], $0xffff  }
0x154: {  	v48 =	vand.u32 $0xF, v36;
	v0 =	vld [tilespmem:$0x1FE20]  }
0x155: {  	v60 =	vmov v43;
	v43 =	vor.u32 v5, v48;
	v50 =	vld [tilespmem:$0x1FE10]  }
0x156: {  	v28 =	vor.u32 v11, v48;
	v63 =	vor.u32 $0x10, v17;
	v51 =	vor.u32 v12, v41;
	v49 =	vld.idx.msk [tilespmem:v49+s16+$0x0], $0xffff  }
0x157: {  	v62 =	vor.u32 v21, v54;
	v38 =	vand.u32 $0x1F, v63;
	v58 =	vmul.f32 v58, v23  }
0x158: {  	v61 =	vor.u32 v11, v38;
	v40 =	vld.idx.msk [tilespmem:v44+s3+$0x0], $0xffff  }
0x159: {  	v36 =	vlaneseq.u32;
	v59 =	vor.u32 v47, v3;
	v58 =	vadd.f32 v58, v20  }
0x15a: {  	v33 =	vld.idx.msk [tilespmem:v43+s3+$0x0], $0xffff;
	v26 =	vadd.f32 v26, v13;
	v55 =	vmul.f32 v55, v50;
	v43 =	vor.u32 v36, v15  }
0x15b: {  	v28 =	vld.idx.msk [tilespmem:v28+s16+$0x0], $0xffff;
	v46 =	vor.u32 v22, v39;
	[tilespmem:v51+s21+$0x0] =	vst.idx.msk $0xffff, v58;
	v49 =	vmul.f32 v49, v24  }
0x15c: {  	v17 =	vand.u32 $0x380, v37;
	v62 =	vld.idx.msk [tilespmem:v62+s16+$0x0], $0xffff;
	v55 =	vadd.f32 v55, v29;
	[tilespmem:v0+s21+$0x0] =	vst.idx.msk $0xffff, v26  }
0x15d: {  	v49 =	vadd.f32 v49, v40;
	v37 =	vld.idx.msk [tilespmem:v61+s16+$0x0], $0xffff;
	[tilespmem:$0x1FE30] =	vst v17  }
0x15e: {  	[tilespmem:v59+s21+$0x0] =	vst.idx.msk $0xffff, v55  }
0x15f: {  	[tilespmem:v43+s21+$0x0] =	vst.idx.msk $0xffff, v49  }
0x160: {  	v13 =	vld [tilespmem:$0x1FE40]  }
0x161: {  	v27 =	vor.u32 v5, v38;
	v46 =	vld.idx.msk [tilespmem:v46+s16+$0x0], $0xffff  }
0x162: {  	v63 =	vshll.u32 v63, $0x7;
	v26 =	vor.u32 v25, v45;
	v49 =	vld [tilespmem:$0x1FFA0]  }
0x163: {  	v28 =	vmul.f32 v28, v24;
	v63 =	vand.u32 $0xC00, v63;
	v2 =	vmul.f32 v2, v50  }
0x164: {  	v14 =	vor.u32 v17, v63;
	v63 =	vor.u32 v18, v41;
	v0 =	vor.u32 v30, v1  }
0x165: {  	v28 =	vadd.f32 v28, v33;
	v2 =	vadd.f32 v2, v32;
	v43 =	vor.u32 v47, v35  }
0x166: {  	v17 =	vld.idx.msk [tilespmem:v27+s3+$0x0], $0xffff;
	v27 =	vor.u32 v7, v4;
	v55 =	vor.u32 v30, v8;
	v59 =	vmul.f32 v62, v60  }
0x167: {  	v62 =	vor.u32 v36, v14;
	v26 =	vld.idx.msk [tilespmem:v26+s16+$0x0], $0xffff;
	v46 =	vmul.f32 v46, v10;
	v54 =	vor.u32 v49, v54  }
0x168: {  	[tilespmem:v13+s21+$0x0] =	vst.idx.msk $0xffff, v28;
	v28 =	vmul.f32 v37, v24;
	v37 =	vor.u32 v19, v39  }
0x169: {  	v44 =	vmovc v47;
	v51 =	vmov v60;
	v58 =	vor.u32 v25, v48;
	v60 =	vadd.f32 v59, v53;
	v0 =	vld.idx.msk [tilespmem:v0+s16+$0x0], $0xffff  }
0x16a: {  	v42 =	vmov v33;
	v61 =	vor.u32 v25, v38;
	[tilespmem:v43+s21+$0x0] =	vst.idx.msk $0xffff, v2;
	v46 =	vadd.f32 v46, v20  }
0x16b: {  	v47 =	vor.u32 v12, v15;
	[tilespmem:v27+s21+$0x0] =	vst.idx.msk $0xffff, v60;
	v2 =	vadd.f32 v28, v17;
	v28 =	vld.idx.msk [tilespmem:v55+s16+$0x0], $0xffff  }
0x16c: {  	v60 =	vor.u32 v21, v1;
	v26 =	vmul.f32 v26, v23;
	[tilespmem:v63+s21+$0x0] =	vst.idx.msk $0xffff, v46;
	v43 =	vld.idx.msk [tilespmem:v54+s16+$0x0], $0xffff  }
0x16d: {  	v55 =	vor.u32 v22, v45;
	[tilespmem:v62+s21+$0x0] =	vst.idx.msk $0xffff, v2;
	v2 =	vor.u32 v9, v3;
	v33 =	vld.idx.msk [tilespmem:v37+s16+$0x0], $0xffff  }
0x16e: {  	v0 =	vmul.f32 v0, v6;
	v26 =	vadd.f32 v26, v40;
	v62 =	vor.u32 v16, v1;
	v37 =	vmovc v1;
	v1 =	vld [tilespmem:$0x1FE50]  }
0x16f: {  	v46 =	vor.u32 v9, v35;
	v61 =	vld.idx.msk [tilespmem:v61+s16+$0x0], $0xffff  }
0x170: {  	v0 =	vadd.f32 v0, v29;
	[tilespmem:v47+s21+$0x0] =	vst.idx.msk $0xffff, v26;
	v28 =	vmul.f32 v28, v6  }
0x171: {  	v56 =	vor.u32 v56, v4;
	v47 =	vor.u32 v16, v8;
	[tilespmem:$0x1FE60] =	vst v34  }
0x172: {  	v26 =	vmul.f32 v43, v34;
	v43 =	vld.idx.msk [tilespmem:v55+s16+$0x0], $0xffff;
	[tilespmem:v2+s21+$0x0] =	vst.idx.msk $0xffff, v0;
	v0 =	vadd.f32 v28, v32  }
0x173: {  	v55 =	vor.u32 v22, v38;
	v2 =	vor.u32 v12, v14;
	v28 =	vld.idx.msk [tilespmem:v58+s16+$0x0], $0xffff;
	v63 =	vor.u32 $0x10, v1  }
0x174: {  	v26 =	vadd.f32 v26, v53;
	v58 =	vmul.f32 v61, v23;
	v54 =	vand.u32 $0x1F, v63;
	[tilespmem:v46+s21+$0x0] =	vst.idx.msk $0xffff, v0  }
0x175: {  	v27 =	vor.u32 v44, v41;
	v34 =	vor.u32 v11, v54;
	[tilespmem:$0x1FE70] =	vst v5;
	v52 =	vor.u32 v5, v54  }
0x176: {  	v58 =	vadd.f32 v58, v17;
	[tilespmem:v56+s21+$0x0] =	vst.idx.msk $0xffff, v26;
	v26 =	vmul.f32 v33, v50  }
0x177: {  	v43 =	vmul.f32 v43, v10;
	v61 =	vld.idx.msk [tilespmem:v62+s16+$0x0], $0xffff;
	v56 =	vor.u32 v18, v15  }
0x178: {  	v5 =	vor.u32 v19, v45;
	v47 =	vld.idx.msk [tilespmem:v47+s16+$0x0], $0xffff;
	[tilespmem:v2+s21+$0x0] =	vst.idx.msk $0xffff, v58;
	v26 =	vadd.f32 v26, v20  }
0x179: {  	v0 =	vadd.f32 v43, v40;
	v43 =	vld.idx.msk [tilespmem:v55+s16+$0x0], $0xffff  }
0x17a: {  	v4 =	vand.u32 $0x380, v4;
	v33 =	vld.idx.msk [tilespmem:v34+s16+$0x0], $0xffff;
	[tilespmem:v27+s21+$0x0] =	vst.idx.msk $0xffff, v26  }
0x17b: {  	v53 =	vld.idx.msk [tilespmem:v52+s3+$0x0], $0xffff;
	[tilespmem:$0x1FE80] =	vst v4  }
0x17c: {  	[tilespmem:v56+s21+$0x0] =	vst.idx.msk $0xffff, v0  }
0x17d: {  	v56 =	vld.idx.msk [tilespmem:v5+s16+$0x0], $0xffff  }
0x17e: {  	v5 =	vld [tilespmem:$0x1FEA0];
	_ =	sdelay $0x3  }
0x17f: {  	v28 =	vmul.f32 v28, v23  }
0x180: {  	v2 =	vor.u32 v30, v39  }
0x181: {  	v63 =	vshll.u32 v63, $0x7;
	v28 =	vadd.f32 v28, v42;
	v34 =	vor.u32 v31, v3  }
0x182: {  	v1 =	vmovc v6;
	v6 =	vor.u32 v18, v14;
	v26 =	vand.u32 $0x7FFFFC00, v63;
	v27 =	vmul.f32 v61, v57;
	[tilespmem:$0x1FE90] =	vst v57  }
0x183: {  	v55 =	vor.u32 v4, v26;
	v0 =	vor.u32 v31, v35;
	[tilespmem:v5+s21+$0x0] =	vst.idx.msk $0xffff, v28  }
0x184: {  	v47 =	vmul.f32 v47, v57;
	v26 =	vor.u32 v36, v55;
	v27 =	vadd.f32 v27, v29;
	[tilespmem:$0x1FEB0] =	vst v24  }
0x185: {  	v52 =	vor.u32 v25, v54;
	v4 =	vor.u32 v21, v8;
	v28 =	vmul.f32 v33, v24;
	v2 =	vld.idx.msk [tilespmem:v2+s16+$0x0], $0xffff  }
0x186: {  	v11 =	vmov v48;
	v47 =	vadd.f32 v47, v32;
	v46 =	vmul.f32 v43, v10;
	[tilespmem:v34+s21+$0x0] =	vst.idx.msk $0xffff, v27  }
0x187: {  	v27 =	vor.u32 v22, v11;
	v28 =	vadd.f32 v28, v53;
	v34 =	vor.u32 v44, v15  }
0x188: {  	v63 =	vor.u32 v19, v38;
	v43 =	vmul.f32 v56, v50;
	[tilespmem:v0+s21+$0x0] =	vst.idx.msk $0xffff, v47  }
0x189: {  	v60 =	vld.idx.msk [tilespmem:v60+s16+$0x0], $0xffff;
	[tilespmem:v26+s21+$0x0] =	vst.idx.msk $0xffff, v28;
	v28 =	vadd.f32 v46, v17;
	v46 =	vor.u32 v9, v41  }
0x18a: {  	v47 =	vadd.f32 v43, v40;
	v26 =	vld.idx.msk [tilespmem:v4+s16+$0x0], $0xffff;
	[tilespmem:$0x1FEC0] =	vst v1;
	v2 =	vmul.f32 v2, v1  }
0x18b: {  	[tilespmem:v6+s21+$0x0] =	vst.idx.msk $0xffff, v28;
	v28 =	vld.idx.msk [tilespmem:v52+s16+$0x0], $0xffff  }
0x18c: {  	v27 =	vld.idx.msk [tilespmem:v27+s16+$0x0], $0xffff;
	[tilespmem:v34+s21+$0x0] =	vst.idx.msk $0xffff, v47;
	v2 =	vadd.f32 v2, v20  }
0x18d: {  	v6 =	vld.idx.msk [tilespmem:v63+s16+$0x0], $0xffff;
	[tilespmem:$0x1FED0] =	vst v51  }
0x18e: {  	v56 =	vor.u32 v7, v3;
	[tilespmem:v46+s21+$0x0] =	vst.idx.msk $0xffff, v2  }
0x18f: {  	v48 =	vmov v35;
	v52 =	vor.u32 v30, v45;
	v58 =	vmul.f32 v60, v51;
	v2 =	vld [tilespmem:$0x1FEE0]  }
0x190: {  	v13 =	vor.u32 v19, v11;
	v19 =	vmovc v45;
	v21 =	vor.u32 v21, v39;
	v36 =	vmovc v17;
	v33 =	vmov v15  }
0x191: {  	v5 =	vmovc v32;
	v0 =	vor.u32 v7, v35;
	v34 =	vor.u32 v16, v39;
	v60 =	vadd.f32 v58, v29  }
0x192: {  	v15 =	vmovc v3;
	v43 =	vmovc v20;
	v9 =	vmov v38;
	v4 =	vor.u32 v49, v37;
	v26 =	vmul.f32 v26, v51  }
0x193: {  	v37 =	vmov v39;
	v63 =	vor.u32 v30, v38;
	v47 =	vor.u32 v49, v8;
	[tilespmem:v56+s21+$0x0] =	vst.idx.msk $0xffff, v60  }
0x194: {  	v52 =	vld.idx.msk [tilespmem:v52+s16+$0x0], $0xffff;
	[tilespmem:$0x1FEF0] =	vst v23;
	v59 =	vmov v2;
	v18 =	vor.u32 v18, v2;
	v2 =	vadd.f32 v26, v32  }
0x195: {  	v60 =	vor.u32 v12, v55;
	[tilespmem:$0x1FF00] =	vst v10;
	v26 =	vmul.f32 v28, v23;
	v28 =	vmul.f32 v27, v10  }
0x196: {  	v56 =	vmul.f32 v6, v50;
	v61 =	vld.idx.msk [tilespmem:v34+s16+$0x0], $0xffff;
	[tilespmem:v0+s21+$0x0] =	vst.idx.msk $0xffff, v2;
	v0 =	vor.u32 v22, v54  }
0x197: {  	s31 =	sshllo.u32 s30, $0x1;
	s2 =	simm.s32 $0x8;
	s14 =	simm.s32 $0x7;
	v46 =	vld.idx.msk [tilespmem:v4+s16+$0x0], $0xffff;
	v2 =	vor.u32 v44, v14;
	v27 =	vadd.f32 v26, v53;
	v28 =	vadd.f32 v28, v42  }
.LBB2_6:
0x198: {  	v7 =	vld [tilespmem:$0x1FFB0]  }
0x199: {  	v49 =	vld [tilespmem:$0x1FEC0]  }
0x19a: {  	v8 =	vld [tilespmem:$0x1FFC0]  }
0x19b: {  	v10 =	vld [tilespmem:$0x1FF20]  }
0x19c: {  	v17 =	vld [tilespmem:$0x1FE60]  }
0x19d: {  	v12 =	vld [tilespmem:$0x1FF90]  }
0x19e: {  	v4 =	vld [tilespmem:$0x1FF80]  }
0x19f: {  	v22 =	vld [tilespmem:$0x1FFE0]  }
0x1a0: {  	v50 =	vld [tilespmem:$0x1FFF0]  }
0x1a1: {  	v1 =	vlaneseq.u32;
	v44 =	vmov v36;
	v56 =	vadd.f32 v56, v36;
	v36 =	vld [tilespmem:$0x1FE90]  }
0x1a2: {  	v26 =	vxor.u32 s14, v1;
	v1 =	vld [tilespmem:$0x1FF00]  }
0x1a3: {  	[tilespmem:v18+s21+$0x0] =	vst.idx.msk $0xffff, v28;
	v18 =	vld [tilespmem:$0x1FE70]  }
0x1a4: {  	v62 =	vmul.f32 v52, v49;
	v52 =	vld [tilespmem:$0x1FFD0]  }
0x1a5: {  	v3 =	vmov v19;
	[tilespmem:v60+s21+$0x0] =	vst.idx.msk $0xffff, v27;
	v27 =	vor.u32 v7, v33;
	v30 =	vor.u32 v8, v19;
	v19 =	vld [tilespmem:$0x1FF10]  }
0x1a6: {  	v47 =	vld.idx.msk [tilespmem:v47+s16+$0x0], $0xffff  }
0x1a7: {  	v60 =	vand.u32 $0xF, v26;
	v32 =	vor.u32 v10, v15;
	v15 =	vld [tilespmem:$0x1FF60]  }
0x1a8: {  	v0 =	vld.idx.msk [tilespmem:v0+s16+$0x0], $0xffff;
	[tilespmem:v2+s21+$0x0] =	vst.idx.msk $0xffff, v56;
	v58 =	vadd.f32 v62, v40;
	v34 =	vor.u32 v18, v60  }
0x1a9: {  	v2 =	vmul.f32 v61, v36;
	v57 =	vld.idx.msk [tilespmem:v13+s16+$0x0], $0xffff;
	v28 =	vor.u32 v52, v41  }
0x1aa: {  	v62 =	vld [tilespmem:$0x1FF70];
	v31 =	vor.u32 v19, v60;
	[tilespmem:v27+s21+$0x0] =	vst.idx.msk $0xffff, v58;
	v27 =	vmul.f32 v46, v17  }
0x1ab: {  	v35 =	vor.u32 v10, v48;
	v47 =	vmul.f32 v47, v17;
	v30 =	vld.idx.msk [tilespmem:v30+s16+$0x0], $0xffff  }
0x1ac: {  	v2 =	vadd.f32 v2, v43;
	v51 =	vor.u32 v15, v55;
	v27 =	vadd.f32 v27, v29;
	v29 =	vld.idx.msk [tilespmem:v63+s16+$0x0], $0xffff  }
0x1ad: {  	v0 =	vmul.f32 v0, v1;
	v56 =	vld.idx.msk [tilespmem:v34+s3+$0x0], $0xffff  }
0x1ae: {  	[tilespmem:v28+s21+$0x0] =	vst.idx.msk $0xffff, v2;
	v2 =	vadd.f32 v47, v5;
	v5 =	vld [tilespmem:$0x1FE10]  }
0x1af: {  	v0 =	vadd.f32 v0, v53;
	v31 =	vld.idx.msk [tilespmem:v31+s16+$0x0], $0xffff;
	[tilespmem:v32+s21+$0x0] =	vst.idx.msk $0xffff, v27  }
0x1b0: {  	v24 =	vmov v33;
	v33 =	vld.idx.msk [tilespmem:v21+s16+$0x0], $0xffff;
	[tilespmem:v35+s21+$0x0] =	vst.idx.msk $0xffff, v2  }
0x1b1: {  	v6 =	vlaneseq.u32;
	v61 =	vor.u32 v62, v54;
	v21 =	vld [tilespmem:$0x1FEB0];
	[tilespmem:v51+s21+$0x0] =	vst.idx.msk $0xffff, v0;
	v0 =	vor.u32 v52, v24  }
0x1b2: {  	v25 =	vld [tilespmem:$0x1FFA0];
	v38 =	vor.u32 v22, v3;
	v27 =	vor.u32 v4, v59;
	v30 =	vmul.f32 v30, v36  }
0x1b3: {  	v23 =	vld [tilespmem:$0x1FED0];
	v48 =	vor.u32 v50, v41;
	v1 =	vor.u32 v10, v59;
	v2 =	vmul.f32 v57, v5  }
0x1b4: {  	v16 =	vmovc v59;
	v13 =	vld [tilespmem:$0x1FF30];
	v28 =	vor.u32 v12, v11;
	v47 =	vshll.u32 v26, $0x7;
	v30 =	vadd.f32 v30, v40  }
0x1b5: {  	v45 =	vld [tilespmem:$0x1FF40];
	[tilespmem:$0x1FD10] =	vst v1;
	v32 =	vor.u32 v8, v9;
	v34 =	vor.u32 v6, v47;
	v2 =	vadd.f32 v2, v42  }
0x1b6: {  	v59 =	vor.u32 v7, v14;
	v35 =	vld.idx.msk [tilespmem:v61+s16+$0x0], $0xffff;
	v31 =	vmul.f32 v31, v21;
	[tilespmem:v0+s21+$0x0] =	vst.idx.msk $0xffff, v30  }
0x1b7: {  	v1 =	vld [tilespmem:$0x1FDB0];
	v51 =	vor.u32 v25, v37;
	[tilespmem:v27+s21+$0x0] =	vst.idx.msk $0xffff, v2;
	v27 =	vmul.f32 v29, v49  }
0x1b8: {  	v30 =	vor.u32 v4, v55;
	v4 =	vld [tilespmem:$0x1FDF0];
	v20 =	vadd.f32 v31, v56;
	v31 =	vmul.f32 v33, v23  }
0x1b9: {  	v39 =	vor.u32 v13, v60;
	v28 =	vld.idx.msk [tilespmem:v28+s16+$0x0], $0xffff;
	v27 =	vadd.f32 v27, v44  }
0x1ba: {  	v57 =	vor.u32 v12, v54;
	[tilespmem:v34+s21+$0x0] =	vst.idx.msk $0xffff, v20;
	v2 =	vmov v12;
	v31 =	vadd.f32 v31, v43;
	v12 =	vld [tilespmem:$0x1FEF0]  }
0x1bb: {  	v34 =	vld.idx.msk [tilespmem:v38+s16+$0x0], $0xffff;
	[tilespmem:v59+s21+$0x0] =	vst.idx.msk $0xffff, v27  }
0x1bc: {  	v35 =	vmul.f32 v35, v5;
	v32 =	vld.idx.msk [tilespmem:v32+s16+$0x0], $0xffff;
	[tilespmem:v48+s21+$0x0] =	vst.idx.msk $0xffff, v31  }
0x1bd: {  	v63 =	vmov v7;
	v58 =	vor.u32 v45, v47;
	v0 =	vor.u32 v50, v16;
	v33 =	vld.idx.msk [tilespmem:v51+s16+$0x0], $0xffff  }
0x1be: {  	v29 =	vor.u32 $0x30, v1;
	[tilespmem:$0x1FCF0] =	vst v0;
	v0 =	vor.u32 v25, v11;
	v35 =	vadd.f32 v35, v53;
	v39 =	vld.idx.msk [tilespmem:v39+s16+$0x0], $0xffff  }
0x1bf: {  	v37 =	vmovc v8;
	v5 =	vor.u32 v22, v9;
	v27 =	vor.u32 v22, v11;
	v59 =	vor.u32 v8, v11  }
0x1c0: {  	v46 =	vand.u32 $0x3F, v29;
	[tilespmem:v30+s21+$0x0] =	vst.idx.msk $0xffff, v35;
	v35 =	vor.u32 v50, v24;
	v20 =	vmovc v42;
	v48 =	vxor.u32 s2, v6  }
0x1c1: {  	v42 =	vor.u32 v25, v3;
	v31 =	vor.u32 v7, v16;
	v7 =	vmovc v48;
	v34 =	vmul.f32 v34, v23  }
0x1c2: {  	[tilespmem:$0x1FD00] =	vst v0;
	v11 =	vld [tilespmem:$0x1FF50];
	v8 =	vmovc v4;
	v4 =	vor.u32 v52, v14;
	v0 =	vand.u32 $0xF, v7;
	v33 =	vmul.f32 v33, v17  }
0x1c3: {  	v57 =	vld.idx.msk [tilespmem:v57+s16+$0x0], $0xffff;
	v39 =	vmul.f32 v39, v12;
	v34 =	vadd.f32 v34, v40;
	v32 =	vmul.f32 v32, v36  }
0x1c4: {  	v6 =	vld [tilespmem:$0x1FDC0];
	[tilespmem:$0x1FDC0] =	vst v7;
	v33 =	vadd.f32 v33, v43;
	v43 =	vshll.u32 v7, $0x7;
	v7 =	vor.u32 v62, v0  }
0x1c5: {  	v41 =	vor.u32 v10, v41;
	v30 =	vor.u32 v18, v46;
	v39 =	vadd.f32 v39, v56;
	[tilespmem:$0x1FD40] =	vst v7;
	v7 =	vld [tilespmem:$0x1FDE0]  }
0x1c6: {  	v3 =	vor.u32 v19, v46;
	[tilespmem:v35+s21+$0x0] =	vst.idx.msk $0xffff, v34;
	v32 =	vadd.f32 v32, v44  }
0x1c7: {  	v28 =	vmul.f32 v28, v49;
	v61 =	vor.u32 v11, v60;
	[tilespmem:v58+s21+$0x0] =	vst.idx.msk $0xffff, v39  }
0x1c8: {  	v38 =	vmul.f32 v57, v49;
	v35 =	vld.idx.msk [tilespmem:v42+s16+$0x0], $0xffff;
	[tilespmem:v4+s21+$0x0] =	vst.idx.msk $0xffff, v32;
	v4 =	vor.u32 v15, v43  }
0x1c9: {  	v48 =	vor.u32 v63, v55;
	v28 =	vadd.f32 v28, v20;
	[tilespmem:$0x1FD70] =	vst v4;
	v4 =	vld.idx.msk [tilespmem:v5+s16+$0x0], $0xffff  }
0x1ca: {  	v5 =	vadd.f32 v38, v53;
	[tilespmem:v41+s21+$0x0] =	vst.idx.msk $0xffff, v33;
	v38 =	vor.u32 $0x30, v7;
	v7 =	vld [tilespmem:$0x1FDD0]  }
0x1cb: {  	[tilespmem:v31+s21+$0x0] =	vst.idx.msk $0xffff, v28  }
0x1cc: {  	v3 =	vld.idx.msk [tilespmem:v3+s16+$0x0], $0xffff  }
0x1cd: {  	v51 =	vmov v6;
	v6 =	vor.u32 v37, v54;
	v39 =	vld.idx.msk [tilespmem:v61+s16+$0x0], $0xffff;
	v31 =	vshll.u32 v29, $0x7  }
0x1ce: {  	v32 =	vlaneseq.u32;
	[tilespmem:v48+s21+$0x0] =	vst.idx.msk $0xffff, v5;
	v29 =	vld.idx.msk [tilespmem:v30+s3+$0x0], $0xffff;
	v5 =	vand.u32 $0x1C00, v31;
	v48 =	vmul.f32 v35, v17  }
0x1cf: {  	v28 =	vor.u32 v25, v9;
	v58 =	vor.u32 v7, v5;
	v5 =	vor.u32 v50, v14  }
0x1d0: {  	v35 =	vld.idx.msk [tilespmem:v59+s16+$0x0], $0xffff;
	v4 =	vmul.f32 v4, v23;
	v59 =	vadd.f32 v48, v40;
	v48 =	vor.u32 v32, v58  }
0x1d1: {  	v9 =	vld [tilespmem:$0x1FF00];
	v31 =	vor.u32 v15, v47;
	v15 =	vmovc v26;
	v26 =	vor.u32 v13, v46;
	v3 =	vmul.f32 v3, v21  }
0x1d2: {  	v4 =	vadd.f32 v4, v44  }
0x1d3: {  	v3 =	vadd.f32 v3, v29  }
0x1d4: {  	v30 =	vor.u32 v10, v24;
	v6 =	vld.idx.msk [tilespmem:v6+s16+$0x0], $0xffff;
	[tilespmem:v5+s21+$0x0] =	vst.idx.msk $0xffff, v4;
	v4 =	vshll.u32 v38, $0x7  }
0x1d5: {  	v61 =	vand.u32 $0x3F, v38;
	v5 =	vld.idx.msk [tilespmem:v28+s16+$0x0], $0xffff;
	[tilespmem:v48+s21+$0x0] =	vst.idx.msk $0xffff, v3;
	v3 =	vand.u32 $0x7FFFFC00, v4;
	v4 =	vor.u32 v45, v43  }
0x1d6: {  	v34 =	vor.u32 v19, v61;
	v39 =	vmul.f32 v39, v9;
	[tilespmem:$0x1FD50] =	vst v4;
	v4 =	vld.idx.msk [tilespmem:v26+s16+$0x0], $0xffff  }
0x1d7: {  	v26 =	vld [tilespmem:$0x1FE00]  }
0x1d8: {  	v42 =	vld [tilespmem:$0x1FE50];
	v41 =	vor.u32 v62, v60;
	[tilespmem:$0x1FE50] =	vst v15;
	v39 =	vadd.f32 v39, v56  }
0x1d9: {  	v24 =	vld [tilespmem:$0x1FE30];
	v40 =	vor.u32 v18, v61;
	[tilespmem:v30+s21+$0x0] =	vst.idx.msk $0xffff, v59  }
0x1da: {  	v15 =	vld [tilespmem:$0x1FE10];
	v59 =	vmul.f32 v35, v36;
	[tilespmem:v31+s21+$0x0] =	vst.idx.msk $0xffff, v39  }
0x1db: {  	v57 =	vmov v37;
	v37 =	vor.u32 v22, v54;
	v30 =	vor.u32 v52, v55;
	v31 =	vld.idx.msk [tilespmem:v34+s16+$0x0], $0xffff  }
0x1dc: {  	v6 =	vmul.f32 v6, v36;
	v48 =	vor.u32 v26, v3;
	v3 =	vadd.f32 v59, v20;
	v59 =	vld [tilespmem:$0x1FF80]  }
0x1dd: {  	v1 =	vor.u32 v52, v16;
	v34 =	vld.idx.msk [tilespmem:v41+s16+$0x0], $0xffff  }
0x1de: {  	v6 =	vadd.f32 v6, v53;
	v35 =	vld.idx.msk [tilespmem:v40+s3+$0x0], $0xffff;
	_ =	sdelay $0x1  }
0x1df: {  	[tilespmem:v30+s21+$0x0] =	vst.idx.msk $0xffff, v6;
	v6 =	vor.u32 v32, v48  }
0x1e0: {  	[tilespmem:$0x1FDB0] =	vst v8;
	v30 =	vld.idx.msk [tilespmem:v37+s16+$0x0], $0xffff;
	v31 =	vmul.f32 v31, v21;
	v26 =	vor.u32 v59, v47  }
0x1e1: {  	v38 =	vor.u32 $0x20, v8;
	v37 =	vor.u32 v13, v61;
	v8 =	vld [tilespmem:$0x1FE80];
	[tilespmem:v1+s21+$0x0] =	vst.idx.msk $0xffff, v3;
	v1 =	vmul.f32 v34, v15  }
0x1e2: {  	v33 =	vmovc v24;
	v24 =	vmovc v43;
	v43 =	vand.u32 $0x2F, v38;
	v31 =	vadd.f32 v31, v35;
	v34 =	vor.u32 v10, v14  }
0x1e3: {  	[tilespmem:$0x1FD60] =	vst v0;
	v40 =	vor.u32 v19, v43;
	v5 =	vmul.f32 v5, v17;
	v1 =	vadd.f32 v1, v56  }
0x1e4: {  	v41 =	vor.u32 v45, v58;
	[tilespmem:v6+s21+$0x0] =	vst.idx.msk $0xffff, v31  }
0x1e5: {  	v4 =	vmul.f32 v4, v12;
	[tilespmem:v26+s21+$0x0] =	vst.idx.msk $0xffff, v1;
	v1 =	vadd.f32 v5, v44  }
0x1e6: {  	v28 =	vor.u32 v11, v46;
	v39 =	vmovc v8;
	v8 =	vlaneseq.u32;
	v32 =	vmovc v2;
	v3 =	vor.u32 v2, v60;
	v27 =	vld.idx.msk [tilespmem:v27+s16+$0x0], $0xffff  }
0x1e7: {  	v4 =	vadd.f32 v4, v29;
	v2 =	vor.u32 v8, v24;
	v6 =	vld.idx.msk [tilespmem:v37+s16+$0x0], $0xffff;
	[tilespmem:v34+s21+$0x0] =	vst.idx.msk $0xffff, v1  }
0x1e8: {  	v14 =	vmov v0;
	[tilespmem:$0x1FD20] =	vst v2;
	v2 =	vor.u32 v13, v0;
	v1 =	vshll.u32 v38, $0x7;
	v34 =	vld.idx.msk [tilespmem:v40+s16+$0x0], $0xffff  }
0x1e9: {  	v5 =	vor.u32 v50, v55;
	[tilespmem:v41+s21+$0x0] =	vst.idx.msk $0xffff, v4;
	v4 =	vor.u32 v18, v0;
	v1 =	vand.u32 $0x1400, v1;
	v0 =	vld [tilespmem:$0x1FCF0]  }
0x1ea: {  	v30 =	vmul.f32 v30, v23;
	v41 =	vor.u32 v33, v1;
	v1 =	vld [tilespmem:$0x1FD00]  }
0x1eb: {  	v7 =	vmov v42;
	v42 =	vor.u32 v18, v43;
	v3 =	vld.idx.msk [tilespmem:v3+s16+$0x0], $0xffff  }
0x1ec: {  	[tilespmem:$0x1FDF0] =	vst v51;
	v30 =	vadd.f32 v30, v53;
	v31 =	vor.u32 v25, v54  }
0x1ed: {  	[tilespmem:$0x1FDD0] =	vst v33;
	v27 =	vmul.f32 v27, v23  }
0x1ee: {  	v54 =	vor.u32 v57, v60;
	v28 =	vld.idx.msk [tilespmem:v28+s16+$0x0], $0xffff;
	[tilespmem:v5+s21+$0x0] =	vst.idx.msk $0xffff, v30;
	v5 =	vor.u32 v45, v48  }
0x1ef: {  	[tilespmem:$0x1FD30] =	vst v2;
	v27 =	vadd.f32 v27, v20;
	v38 =	vld [tilespmem:$0x1FF60];
	v30 =	vor.u32 v63, v47;
	v6 =	vmul.f32 v6, v12  }
0x1f0: {  	v37 =	vor.u32 v13, v43;
	v42 =	vld.idx.msk [tilespmem:v42+s3+$0x0], $0xffff;
	v63 =	vor.u32 v11, v61;
	v3 =	vmul.f32 v3, v49  }
0x1f1: {  	v40 =	vor.u32 v62, v46;
	v31 =	vld.idx.msk [tilespmem:v31+s16+$0x0], $0xffff;
	[tilespmem:v0+s21+$0x0] =	vst.idx.msk $0xffff, v27;
	v0 =	vadd.f32 v6, v35  }
0x1f2: {  	v2 =	vadd.f32 v3, v56;
	v3 =	vor.u32 v8, v41;
	v8 =	vor.u32 v45, v41;
	v1 =	vld.idx.msk [tilespmem:v1+s16+$0x0], $0xffff  }
0x1f3: {  	v28 =	vmul.f32 v28, v9;
	v27 =	vmul.f32 v34, v21;
	[tilespmem:v5+s21+$0x0] =	vst.idx.msk $0xffff, v0  }
0x1f4: {  	v6 =	vor.u32 v38, v58;
	v34 =	vor.u32 $0x20, v7;
	v0 =	vor.u32 $0x10, v51;
	[tilespmem:v30+s21+$0x0] =	vst.idx.msk $0xffff, v2  }
0x1f5: {  	[tilespmem:$0x1FDE0] =	vst v7;
	v51 =	vand.u32 $0x2F, v34;
	v27 =	vadd.f32 v27, v42;
	v2 =	vor.u32 v10, v55;
	v5 =	vld.idx.msk [tilespmem:v63+s16+$0x0], $0xffff  }
0x1f6: {  	v31 =	vmul.f32 v31, v17;
	v28 =	vadd.f32 v28, v29;
	v57 =	vor.u32 v19, v51;
	v30 =	vld.idx.msk [tilespmem:v54+s16+$0x0], $0xffff  }
0x1f7: {  	v7 =	vmov v9;
	[tilespmem:v3+s21+$0x0] =	vst.idx.msk $0xffff, v27;
	v27 =	vor.u32 v18, v51;
	v1 =	vmul.f32 v1, v17  }
0x1f8: {  	v26 =	vmovc v24;
	v44 =	vmov v7;
	v63 =	vor.u32 v19, v14;
	v3 =	vadd.f32 v31, v53;
	v24 =	vld.idx.msk [tilespmem:v37+s16+$0x0], $0xffff  }
0x1f9: {  	v9 =	vand.u32 $0x1F, v0;
	[tilespmem:v6+s21+$0x0] =	vst.idx.msk $0xffff, v28;
	v6 =	vor.u32 v38, v48;
	v1 =	vadd.f32 v1, v20;
	v20 =	vld [tilespmem:$0x1FD10]  }
0x1fa: {  	v28 =	vor.u32 v52, v47;
	[tilespmem:v2+s21+$0x0] =	vst.idx.msk $0xffff, v3;
	v2 =	vld.idx.msk [tilespmem:v40+s16+$0x0], $0xffff;
	v5 =	vmul.f32 v5, v7  }
0x1fb: {  	v55 =	vor.u32 v62, v61;
	v53 =	vld.idx.msk [tilespmem:v57+s16+$0x0], $0xffff;
	v30 =	vmul.f32 v30, v36;
	v7 =	vor.u32 v22, v60  }
0x1fc: {  	v54 =	vor.u32 v11, v43;
	v33 =	vor.u32 v19, v9;
	v40 =	vld.idx.msk [tilespmem:v27+s3+$0x0], $0xffff;
	v5 =	vadd.f32 v5, v35  }
0x1fd: {  	v3 =	vor.u32 v59, v58;
	v27 =	vshll.u32 v34, $0x7;
	v57 =	vld.idx.msk [tilespmem:v4+s3+$0x0], $0xffff;
	v4 =	vadd.f32 v30, v56  }
0x1fe: {  	v49 =	vmovc v43;
	v43 =	vlaneseq.u32;
	v27 =	vand.u32 $0x7FFFFC00, v27;
	v30 =	vld.idx.msk [tilespmem:v63+s16+$0x0], $0xffff;
	v63 =	vmul.f32 v24, v12;
	[tilespmem:v6+s21+$0x0] =	vst.idx.msk $0xffff, v5  }
0x1ff: {  	v14 =	vand.u32 $0x380, v16;
	v16 =	vld [tilespmem:$0x1FD20];
	v24 =	vor.u32 v39, v27;
	v2 =	vmul.f32 v2, v15;
	[tilespmem:v28+s21+$0x0] =	vst.idx.msk $0xffff, v4  }
0x200: {  	v31 =	vor.u32 v18, v9;
	v4 =	vor.u32 v43, v24;
	v6 =	vld.idx.msk [tilespmem:v7+s16+$0x0], $0xffff;
	v7 =	vadd.f32 v63, v42  }
0x201: {  	v5 =	vld.idx.msk [tilespmem:v55+s16+$0x0], $0xffff;
	[tilespmem:v20+s21+$0x0] =	vst.idx.msk $0xffff, v1;
	v1 =	vadd.f32 v2, v29;
	v2 =	vor.u32 v32, v46  }
0x202: {  	v27 =	vmul.f32 v53, v21;
	v53 =	vld.idx.msk [tilespmem:v33+s16+$0x0], $0xffff;
	[tilespmem:v8+s21+$0x0] =	vst.idx.msk $0xffff, v7  }
0x203: {  	v8 =	vld.idx.msk [tilespmem:v54+s16+$0x0], $0xffff;
	[tilespmem:v3+s21+$0x0] =	vst.idx.msk $0xffff, v1;
	v1 =	vmul.f32 v30, v21  }
0x204: {  	v28 =	vor.u32 v13, v51;
	v7 =	vadd.f32 v27, v40  }
0x205: {  	v20 =	vld.idx.msk [tilespmem:v31+s3+$0x0], $0xffff;
	v1 =	vadd.f32 v1, v57  }
0x206: {  	v3 =	vor.u32 v59, v48;
	[tilespmem:v4+s21+$0x0] =	vst.idx.msk $0xffff, v7;
	v2 =	vld.idx.msk [tilespmem:v2+s16+$0x0], $0xffff  }
0x207: {  	v0 =	vshll.u32 v0, $0x7;
	v4 =	vor.u32 v50, v47;
	v5 =	vmul.f32 v5, v15;
	[tilespmem:v16+s21+$0x0] =	vst.idx.msk $0xffff, v1;
	v16 =	vld [tilespmem:$0x1FD30]  }
0x208: {  	v0 =	vand.u32 $0xC00, v0;
	[tilespmem:$0x1FE30] =	vst v14;
	v27 =	vor.u32 v32, v61;
	v6 =	vmul.f32 v6, v23  }
0x209: {  	v14 =	vor.u32 v14, v0;
	v7 =	vld.idx.msk [tilespmem:v28+s16+$0x0], $0xffff;
	v28 =	vor.u32 v25, v60;
	v5 =	vadd.f32 v5, v35  }
0x20a: {  	v63 =	vmov v32;
	v32 =	vld [tilespmem:$0x1FFB0];
	v30 =	vor.u32 v43, v14;
	v6 =	vadd.f32 v6, v56  }
0x20b: {  	v0 =	vor.u32 v13, v9;
	v43 =	vld [tilespmem:$0x1FFC0];
	v1 =	vmul.f32 v53, v21;
	[tilespmem:v3+s21+$0x0] =	vst.idx.msk $0xffff, v5  }
0x20c: {  	v31 =	vor.u32 v38, v41;
	v60 =	vld [tilespmem:$0x1FEC0];
	[tilespmem:v4+s21+$0x0] =	vst.idx.msk $0xffff, v6  }
0x20d: {  	v8 =	vmul.f32 v8, v44;
	v1 =	vadd.f32 v1, v20;
	v4 =	vld.idx.msk [tilespmem:v27+s16+$0x0], $0xffff  }
0x20e: {  	v5 =	vld.idx.msk [tilespmem:v28+s16+$0x0], $0xffff  }
0x20f: {  	v37 =	vmov v59;
	v59 =	vmov v26;
	v6 =	vadd.f32 v8, v42;
	v26 =	vld.idx.msk [tilespmem:v16+s16+$0x0], $0xffff;
	[tilespmem:v30+s21+$0x0] =	vst.idx.msk $0xffff, v1  }
0x210: {  	v3 =	vor.u32 v45, v24;
	v7 =	vmul.f32 v7, v12;
	v0 =	vld.idx.msk [tilespmem:v0+s16+$0x0], $0xffff  }
0x211: {  	v55 =	vor.u32 v62, v49;
	[tilespmem:v31+s21+$0x0] =	vst.idx.msk $0xffff, v6;
	v31 =	vor.u32 v10, v47;
	v10 =	vld [tilespmem:$0x1FE50]  }
0x212: {  	v8 =	vor.u32 v11, v51;
	v6 =	vadd.f32 v7, v40;
	v7 =	vor.u32 v32, v58  }
0x213: {  	v1 =	vmul.f32 v2, v60  }
0x214: {  	v30 =	vor.u32 v43, v46  }
0x215: {  	v1 =	vadd.f32 v1, v29;
	[tilespmem:v3+s21+$0x0] =	vst.idx.msk $0xffff, v6;
	v3 =	vor.u32 v32, v48  }
0x216: {  	v4 =	vmul.f32 v4, v60;
	v5 =	vmul.f32 v5, v17;
	v27 =	vld.idx.msk [tilespmem:v55+s16+$0x0], $0xffff;
	v34 =	vor.u32 $0x10, v10  }
0x217: {  	v6 =	vld.idx.msk [tilespmem:v8+s16+$0x0], $0xffff;
	v8 =	vor.u32 v43, v61;
	[tilespmem:v7+s21+$0x0] =	vst.idx.msk $0xffff, v1;
	v54 =	vand.u32 $0x1F, v34  }
0x218: {  	v1 =	vadd.f32 v4, v35;
	v4 =	vor.u32 v45, v14;
	v53 =	vor.u32 v19, v54  }
0x219: {  	v5 =	vadd.f32 v5, v56;
	v0 =	vmul.f32 v0, v12;
	v7 =	vor.u32 v18, v54  }
0x21a: {  	[tilespmem:v3+s21+$0x0] =	vst.idx.msk $0xffff, v1  }
0x21b: {  	v30 =	vld.idx.msk [tilespmem:v30+s16+$0x0], $0xffff;
	v3 =	vor.u32 v38, v24;
	v0 =	vadd.f32 v0, v20;
	[tilespmem:v31+s21+$0x0] =	vst.idx.msk $0xffff, v5  }
0x21c: {  	[tilespmem:$0x1FE00] =	vst v39;
	v39 =	vmov v15;
	v33 =	vor.u32 v37, v41;
	v6 =	vmul.f32 v6, v44;
	v5 =	vld.idx.msk [tilespmem:v8+s16+$0x0], $0xffff  }
0x21d: {  	v15 =	vlaneseq.u32;
	v10 =	vmovc v43;
	v43 =	vor.u32 v11, v9;
	[tilespmem:v4+s21+$0x0] =	vst.idx.msk $0xffff, v0;
	v0 =	vshll.u32 v34, $0x7;
	v8 =	vld.idx.msk [tilespmem:v53+s16+$0x0], $0xffff  }
0x21e: {  	v4 =	vadd.f32 v6, v40;
	v0 =	vand.u32 $0x7FFFFC00, v0;
	v53 =	vld.idx.msk [tilespmem:v7+s3+$0x0], $0xffff;
	v7 =	vand.u32 $0x380, v47  }
0x21f: {  	v1 =	vmul.f32 v27, v39;
	v27 =	vor.u32 v62, v51;
	v55 =	vor.u32 v7, v0  }
0x220: {  	[tilespmem:v3+s21+$0x0] =	vst.idx.msk $0xffff, v4;
	v3 =	vor.u32 v15, v55;
	v15 =	vld [tilespmem:$0x1FD50]  }
0x221: {  	v26 =	vmul.f32 v26, v12  }
0x222: {  	v28 =	vor.u32 v63, v49;
	v17 =	vld [tilespmem:$0x1FD60];
	v1 =	vadd.f32 v1, v42;
	v0 =	vor.u32 v52, v48  }
0x223: {  	v2 =	vor.u32 v22, v46;
	v26 =	vadd.f32 v26, v57;
	v6 =	vld.idx.msk [tilespmem:v43+s16+$0x0], $0xffff;
	v5 =	vmul.f32 v5, v36  }
0x224: {  	v16 =	vmov v37;
	v19 =	vmov v51;
	v31 =	vor.u32 v52, v58;
	[tilespmem:v33+s21+$0x0] =	vst.idx.msk $0xffff, v1;
	v4 =	vld.idx.msk [tilespmem:v27+s16+$0x0], $0xffff  }
0x225: {  	v1 =	vmul.f32 v30, v36;
	v30 =	vor.u32 v38, v14;
	v33 =	vmovc v24;
	v5 =	vadd.f32 v5, v35  }
0x226: {  	v47 =	vor.u32 v25, v61;
	[tilespmem:$0x1FE80] =	vst v7;
	v7 =	vor.u32 v22, v61;
	v8 =	vmul.f32 v8, v21  }
0x227: {  	v43 =	vmov v42;
	v27 =	vor.u32 v13, v54;
	v1 =	vadd.f32 v1, v29;
	[tilespmem:v0+s21+$0x0] =	vst.idx.msk $0xffff, v5  }
0x228: {  	v28 =	vld.idx.msk [tilespmem:v28+s16+$0x0], $0xffff;
	v8 =	vadd.f32 v8, v53;
	[tilespmem:v15+s21+$0x0] =	vst.idx.msk $0xffff, v26;
	v26 =	vor.u32 v11, v17  }
0x229: {  	v36 =	vmov v20;
	v4 =	vmul.f32 v4, v39;
	[tilespmem:v31+s21+$0x0] =	vst.idx.msk $0xffff, v1;
	v1 =	vmul.f32 v6, v44  }
0x22a: {  	v0 =	vor.u32 v37, v24;
	[tilespmem:v3+s21+$0x0] =	vst.idx.msk $0xffff, v8;
	v6 =	vor.u32 v62, v9;
	v2 =	vld.idx.msk [tilespmem:v2+s16+$0x0], $0xffff  }
0x22b: {  	v21 =	vor.u32 v22, v49;
	v4 =	vadd.f32 v4, v40;
	v5 =	vld.idx.msk [tilespmem:v7+s16+$0x0], $0xffff;
	v1 =	vadd.f32 v1, v20  }
0x22c: {  	v3 =	vor.u32 v25, v46;
	v8 =	vor.u32 v63, v51;
	v63 =	vor.u32 v63, v9;
	v7 =	vld.idx.msk [tilespmem:v27+s16+$0x0], $0xffff  }
0x22d: {  	v27 =	vmul.f32 v28, v60;
	v26 =	vld.idx.msk [tilespmem:v26+s16+$0x0], $0xffff;
	[tilespmem:v30+s21+$0x0] =	vst.idx.msk $0xffff, v1;
	v1 =	vor.u32 v32, v41  }
0x22e: {  	v37 =	vmovc v49;
	v28 =	vor.u32 v10, v49;
	v60 =	vor.u32 v45, v55;
	v30 =	vor.u32 v50, v58  }
0x22f: {  	p2 =	slt.u32 s2, $0xE;
	[tilespmem:v0+s21+$0x0] =	vst.idx.msk $0xffff, v4;
	v4 =	vor.u32 v50, v48;
	v6 =	vld.idx.msk [tilespmem:v6+s16+$0x0], $0xffff;
	v2 =	vmul.f32 v2, v23  }
.Ltmp2:
0x230: {  	v18 =	vld [tilespmem:$0x1FD70];
	v15 =	vmovc v58;
	v0 =	vor.u32 v11, v54;
	v27 =	vadd.f32 v27, v42;
	v10 =	vmul.f32 v5, v23;
	(pc) =	sbr.rel @p2 .LBB2_6-.Ltmp2, $4  }
0x231: {  	v11 =	vmovc v17;
	v42 =	vmov v57;
	v52 =	vld.idx.msk [tilespmem:v8+s16+$0x0], $0xffff;
	v7 =	vmul.f32 v7, v12;
	v8 =	vadd.f32 v2, v29  }
0x232: {  	v13 =	vld [tilespmem:$0x1FD40];
	v5 =	vmov v35;
	v26 =	vmul.f32 v26, v44;
	[tilespmem:v1+s21+$0x0] =	vst.idx.msk $0xffff, v27;
	v1 =	vadd.f32 v10, v35  }
0x233: {  	v2 =	vor.u32 v16, v14;
	v27 =	vadd.f32 v7, v53;
	v61 =	vld.idx.msk [tilespmem:v28+s16+$0x0], $0xffff;
	[tilespmem:v30+s21+$0x0] =	vst.idx.msk $0xffff, v8  }
0x234: {  	s14 =	sadd.s32 $0x1, s2;
	s2 =	sadd.s32 $0x2, s2;
	v56 =	vmul.f32 v6, v39;
	v28 =	vadd.f32 v26, v57;
	v46 =	vld.idx.msk [tilespmem:v3+s16+$0x0], $0xffff;
	[tilespmem:v4+s21+$0x0] =	vst.idx.msk $0xffff, v1  }
0x235: {  	v20 =	vld [tilespmem:$0x1FF10];
	_ =	sdelay $0x1  }
0x236: {  	v7 =	vlaneseq.u32;
	v57 =	vld [tilespmem:$0x1FE70]  }
0x237: {  	v30 =	vxor.u32 s14, v7  }
0x238: {  	v1 =	vand.u32 $0xF, v30  }
0x239: {  	v3 =	vor.u32 v20, v1;
	_ =	sdelay $0x1  }
0x23a: {  	v4 =	vor.u32 v57, v1  }
0x23b: {  	v50 =	vmov v9;
	v9 =	vld [tilespmem:$0x1FEB0]  }
0x23c: {  	v12 =	vld [tilespmem:$0x1FF30]  }
0x23d: {  	v3 =	vld.idx.msk [tilespmem:v3+s16+$0x0], $0xffff;
	_ =	sdelay $0x1  }
0x23e: {  	v4 =	vld.idx.msk [tilespmem:v4+s3+$0x0], $0xffff  }
0x23f: {  	[tilespmem:$0x1FCE0] =	vst v5;
	v5 =	vshll.u32 v30, $0x7  }
0x240: {  	v6 =	vor.u32 v7, v5  }
0x241: {  	v45 =	vor.u32 v12, v1;
	v3 =	vmul.f32 v3, v9;
	_ =	sdelay $0x1  }
0x242: {  	v3 =	vadd.f32 v3, v4  }
0x243: {  	[tilespmem:$0x1FCA0] =	vst v30  }
0x244: {  	[tilespmem:v6+s21+$0x0] =	vst.idx.msk $0xffff, v3  }
0x245: {  	v3 =	vld.idx.msk [tilespmem:v45+s16+$0x0], $0xffff  }
0x246: {  	v16 =	vld [tilespmem:$0x1FF40]  }
0x247: {  	v39 =	vld [tilespmem:$0x1FEF0]  }
0x248: {  	v17 =	vld [tilespmem:$0x1FF50];
	_ =	sdelay $0x3  }
0x249: {  	v49 =	vor.u32 v16, v5  }
0x24a: {  	v3 =	vmul.f32 v3, v39;
	v51 =	vor.u32 v17, v1;
	_ =	sdelay $0x1  }
0x24b: {  	v3 =	vadd.f32 v3, v4;
	_ =	sdelay $0x1  }
0x24c: {  	[tilespmem:v49+s21+$0x0] =	vst.idx.msk $0xffff, v3  }
0x24d: {  	v3 =	vld.idx.msk [tilespmem:v51+s16+$0x0], $0xffff  }
0x24e: {  	v22 =	vld [tilespmem:$0x1FF60]  }
0x24f: {  	v23 =	vld [tilespmem:$0x1FF00];
	_ =	sdelay $0x2  }
0x250: {  	v32 =	vld [tilespmem:$0x1FF70]  }
0x251: {  	v58 =	vor.u32 v22, v5  }
0x252: {  	v3 =	vmul.f32 v3, v23;
	_ =	sdelay $0x1  }
0x253: {  	v3 =	vadd.f32 v3, v4  }
0x254: {  	[tilespmem:v18+s21+$0x0] =	vst.idx.msk $0xffff, v28;
	v62 =	vor.u32 v32, v1  }
0x255: {  	v8 =	vld.idx.msk [tilespmem:v13+s16+$0x0], $0xffff;
	[tilespmem:v58+s21+$0x0] =	vst.idx.msk $0xffff, v3  }
0x256: {  	v25 =	vld [tilespmem:$0x1FF80]  }
0x257: {  	v35 =	vld [tilespmem:$0x1FF90]  }
0x258: {  	v44 =	vld [tilespmem:$0x1FE10]  }
0x259: {  	v3 =	vld.idx.msk [tilespmem:v62+s16+$0x0], $0xffff;
	_ =	sdelay $0x2  }
0x25a: {  	v18 =	vor.u32 v25, v59  }
0x25b: {  	v38 =	vor.u32 v35, v11;
	v8 =	vmul.f32 v8, v44;
	v26 =	vor.u32 v25, v5  }
0x25c: {  	v3 =	vmul.f32 v3, v44  }
0x25d: {  	v8 =	vadd.f32 v8, v42  }
0x25e: {  	v3 =	vadd.f32 v3, v4  }
0x25f: {  	v28 =	vor.u32 v35, v1;
	[tilespmem:v18+s21+$0x0] =	vst.idx.msk $0xffff, v8  }
0x260: {  	[tilespmem:v26+s21+$0x0] =	vst.idx.msk $0xffff, v3;
	v6 =	vld.idx.msk [tilespmem:v38+s16+$0x0], $0xffff  }
0x261: {  	v51 =	vld [tilespmem:$0x1FFB0]  }
0x262: {  	v62 =	vld [tilespmem:$0x1FFC0]  }
0x263: {  	v18 =	vld [tilespmem:$0x1FEC0]  }
0x264: {  	v3 =	vld.idx.msk [tilespmem:v28+s16+$0x0], $0xffff;
	_ =	sdelay $0x2  }
0x265: {  	v49 =	vor.u32 v51, v59  }
0x266: {  	v58 =	vor.u32 v62, v11;
	v6 =	vmul.f32 v6, v18;
	v26 =	vor.u32 v51, v5  }
0x267: {  	v3 =	vmul.f32 v3, v18  }
0x268: {  	v6 =	vadd.f32 v6, v42  }
0x269: {  	v28 =	vor.u32 v62, v1;
	v3 =	vadd.f32 v3, v4  }
0x26a: {  	[tilespmem:v49+s21+$0x0] =	vst.idx.msk $0xffff, v6  }
0x26b: {  	[tilespmem:v26+s21+$0x0] =	vst.idx.msk $0xffff, v3;
	v6 =	vld.idx.msk [tilespmem:v58+s16+$0x0], $0xffff  }
0x26c: {  	v13 =	vld [tilespmem:$0x1FFD0]  }
0x26d: {  	v38 =	vld [tilespmem:$0x1FE90]  }
0x26e: {  	v3 =	vld.idx.msk [tilespmem:v28+s16+$0x0], $0xffff;
	_ =	sdelay $0x1  }
0x26f: {  	v10 =	vld [tilespmem:$0x1FFE0]  }
0x270: {  	v34 =	vor.u32 v13, v59  }
0x271: {  	v6 =	vmul.f32 v6, v38;
	v26 =	vor.u32 v13, v5  }
0x272: {  	v3 =	vmul.f32 v3, v38  }
0x273: {  	v6 =	vadd.f32 v6, v42  }
0x274: {  	v45 =	vor.u32 v10, v11;
	v3 =	vadd.f32 v3, v4  }
0x275: {  	v28 =	vor.u32 v10, v1;
	[tilespmem:v34+s21+$0x0] =	vst.idx.msk $0xffff, v6  }
0x276: {  	[tilespmem:v26+s21+$0x0] =	vst.idx.msk $0xffff, v3  }
0x277: {  	v10 =	vld [tilespmem:$0x1FFF0];
	_ =	sdelay $0x1  }
0x278: {  	v6 =	vld.idx.msk [tilespmem:v45+s16+$0x0], $0xffff  }
0x279: {  	v3 =	vld.idx.msk [tilespmem:v28+s16+$0x0], $0xffff  }
0x27a: {  	v28 =	vld [tilespmem:$0x1FFA0]  }
0x27b: {  	v24 =	vmov v59;
	v49 =	vor.u32 v10, v59;
	v59 =	vld [tilespmem:$0x1FED0];
	_ =	sdelay $0x4  }
0x27c: {  	v34 =	vor.u32 v28, v11;
	v26 =	vor.u32 v10, v5;
	v6 =	vmul.f32 v6, v59  }
0x27d: {  	v3 =	vmul.f32 v3, v59  }
0x27e: {  	v6 =	vadd.f32 v6, v42  }
0x27f: {  	v3 =	vadd.f32 v3, v4  }
0x280: {  	[tilespmem:v49+s21+$0x0] =	vst.idx.msk $0xffff, v6  }
0x281: {  	[tilespmem:v26+s21+$0x0] =	vst.idx.msk $0xffff, v3;
	v6 =	vld.idx.msk [tilespmem:v34+s16+$0x0], $0xffff  }
0x282: {  	v3 =	vld [tilespmem:$0x1FDC0]  }
0x283: {  	v1 =	vor.u32 v28, v1;
	v34 =	vld [tilespmem:$0x1FF20]  }
0x284: {  	v11 =	vld [tilespmem:$0x1FE60];
	_ =	sdelay $0x2  }
0x285: {  	v3 =	vor.u32 $0x10, v3  }
0x286: {  	v1 =	vld.idx.msk [tilespmem:v1+s16+$0x0], $0xffff;
	v45 =	vor.u32 v34, v24;
	v26 =	vand.u32 $0x1F, v3  }
0x287: {  	v6 =	vmul.f32 v6, v11;
	v49 =	vor.u32 v20, v26;
	_ =	sdelay $0x1  }
0x288: {  	v30 =	vor.u32 $0x10, v30;
	[tilespmem:$0x1FCD0] =	vst v48;
	v28 =	vor.u32 v57, v26;
	v6 =	vadd.f32 v6, v42  }
0x289: {  	v58 =	vand.u32 $0x1F, v30;
	[tilespmem:$0x1FC90] =	vst v40;
	v31 =	vor.u32 v34, v5  }
0x28a: {  	v40 =	vor.u32 v20, v58;
	v1 =	vmul.f32 v1, v11;
	[tilespmem:v45+s21+$0x0] =	vst.idx.msk $0xffff, v6  }
0x28b: {  	v6 =	vld.idx.msk [tilespmem:v49+s16+$0x0], $0xffff;
	v49 =	vand.u32 $0x380, v24  }
0x28c: {  	v3 =	vshll.u32 v3, $0x7;
	v1 =	vadd.f32 v1, v4;
	v4 =	vor.u32 v57, v58;
	[tilespmem:$0x1FCB0] =	vst v49  }
0x28d: {  	v3 =	vand.u32 $0xC00, v3;
	v45 =	vld.idx.msk [tilespmem:v28+s3+$0x0], $0xffff  }
0x28e: {  	v49 =	vor.u32 v49, v3;
	[tilespmem:v31+s21+$0x0] =	vst.idx.msk $0xffff, v1;
	v28 =	vlaneseq.u32  }
0x28f: {  	v1 =	vld.idx.msk [tilespmem:v40+s16+$0x0], $0xffff;
	v7 =	vor.u32 v28, v49  }
0x290: {  	v3 =	vor.u32 v12, v26;
	v40 =	vshll.u32 v30, $0x7;
	v6 =	vmul.f32 v6, v9  }
0x291: {  	v5 =	vand.u32 $0x380, v5;
	v24 =	vmov v9;
	v48 =	vld.idx.msk [tilespmem:v4+s3+$0x0], $0xffff;
	v9 =	vand.u32 $0x7FFFFC00, v40  }
0x292: {  	v42 =	vmov v34;
	v9 =	vor.u32 v5, v9;
	v34 =	vadd.f32 v6, v45  }
0x293: {  	[tilespmem:$0x1FCC0] =	vst v5;
	v5 =	vor.u32 v28, v9  }
0x294: {  	v40 =	vor.u32 v12, v58;
	v1 =	vmul.f32 v1, v24;
	[tilespmem:v7+s21+$0x0] =	vst.idx.msk $0xffff, v34  }
0x295: {  	v3 =	vld.idx.msk [tilespmem:v3+s16+$0x0], $0xffff  }
0x296: {  	v1 =	vadd.f32 v1, v48;
	_ =	sdelay $0x1  }
0x297: {  	[tilespmem:v5+s21+$0x0] =	vst.idx.msk $0xffff, v1  }
0x298: {  	v4 =	vor.u32 v16, v49;
	v1 =	vld.idx.msk [tilespmem:v40+s16+$0x0], $0xffff  }
0x299: {  	[tilespmem:v60+s21+$0x0] =	vst.idx.msk $0xffff, v27;
	v34 =	vor.u32 v17, v26;
	v3 =	vmul.f32 v3, v39  }
0x29a: {  	v0 =	vld.idx.msk [tilespmem:v0+s16+$0x0], $0xffff  }
0x29b: {  	v3 =	vadd.f32 v3, v45  }
0x29c: {  	v40 =	vor.u32 v16, v9  }
0x29d: {  	v60 =	vor.u32 v17, v58;
	v1 =	vmul.f32 v1, v39;
	[tilespmem:v4+s21+$0x0] =	vst.idx.msk $0xffff, v3  }
0x29e: {  	v3 =	vld.idx.msk [tilespmem:v34+s16+$0x0], $0xffff;
	v34 =	vor.u32 v22, v55  }
0x29f: {  	v0 =	vmul.f32 v0, v23;
	v39 =	vor.u32 v32, v54;
	v1 =	vadd.f32 v1, v48;
	_ =	sdelay $0x1  }
0x2a0: {  	v0 =	vadd.f32 v0, v53;
	[tilespmem:v40+s21+$0x0] =	vst.idx.msk $0xffff, v1  }
0x2a1: {  	v1 =	vld.idx.msk [tilespmem:v60+s16+$0x0], $0xffff  }
0x2a2: {  	v40 =	vor.u32 v22, v49;
	[tilespmem:v34+s21+$0x0] =	vst.idx.msk $0xffff, v0  }
0x2a3: {  	v60 =	vor.u32 v32, v26;
	v3 =	vmul.f32 v3, v23;
	v0 =	vld.idx.msk [tilespmem:v39+s16+$0x0], $0xffff;
	_ =	sdelay $0x1  }
0x2a4: {  	v3 =	vadd.f32 v3, v45  }
0x2a5: {  	v34 =	vor.u32 v22, v9;
	v39 =	vor.u32 v32, v58;
	v1 =	vmul.f32 v1, v23  }
0x2a6: {  	[tilespmem:v40+s21+$0x0] =	vst.idx.msk $0xffff, v3;
	v40 =	vadd.f32 v56, v36;
	v56 =	vor.u32 v25, v55  }
0x2a7: {  	v3 =	vld.idx.msk [tilespmem:v60+s16+$0x0], $0xffff;
	v60 =	vor.u32 v35, v54;
	v0 =	vmul.f32 v0, v44  }
0x2a8: {  	v1 =	vadd.f32 v1, v48  }
0x2a9: {  	[tilespmem:v2+s21+$0x0] =	vst.idx.msk $0xffff, v40;
	v0 =	vadd.f32 v0, v53  }
0x2aa: {  	[tilespmem:v34+s21+$0x0] =	vst.idx.msk $0xffff, v1;
	v2 =	vld.idx.msk [tilespmem:v63+s16+$0x0], $0xffff  }
0x2ab: {  	v1 =	vld.idx.msk [tilespmem:v39+s16+$0x0], $0xffff;
	[tilespmem:v56+s21+$0x0] =	vst.idx.msk $0xffff, v0  }
0x2ac: {  	v0 =	vld.idx.msk [tilespmem:v60+s16+$0x0], $0xffff  }
0x2ad: {  	v27 =	vor.u32 v62, v50;
	v63 =	vor.u32 v25, v49  }
0x2ae: {  	v40 =	vor.u32 v51, v14;
	v34 =	vor.u32 v35, v26;
	v3 =	vmul.f32 v3, v44  }
0x2af: {  	v39 =	vor.u32 v25, v9;
	v56 =	vor.u32 v51, v55;
	v2 =	vmul.f32 v2, v18  }
0x2b0: {  	v3 =	vadd.f32 v3, v45;
	v1 =	vmul.f32 v1, v44;
	v44 =	vor.u32 v35, v58  }
0x2b1: {  	v2 =	vadd.f32 v2, v36;
	v0 =	vmul.f32 v0, v18  }
0x2b2: {  	v60 =	vor.u32 v62, v54;
	[tilespmem:v63+s21+$0x0] =	vst.idx.msk $0xffff, v3;
	v1 =	vadd.f32 v1, v48  }
0x2b3: {  	v3 =	vld.idx.msk [tilespmem:v34+s16+$0x0], $0xffff;
	[tilespmem:v40+s21+$0x0] =	vst.idx.msk $0xffff, v2;
	v0 =	vadd.f32 v0, v53  }
0x2b4: {  	[tilespmem:v39+s21+$0x0] =	vst.idx.msk $0xffff, v1;
	v2 =	vld.idx.msk [tilespmem:v27+s16+$0x0], $0xffff  }
0x2b5: {  	v1 =	vld.idx.msk [tilespmem:v44+s16+$0x0], $0xffff;
	[tilespmem:v56+s21+$0x0] =	vst.idx.msk $0xffff, v0  }
0x2b6: {  	v17 =	vmov v36;
	v36 =	vld [tilespmem:$0x1FFE0]  }
0x2b7: {  	v0 =	vld.idx.msk [tilespmem:v60+s16+$0x0], $0xffff  }
0x2b8: {  	v63 =	vor.u32 v51, v49  }
0x2b9: {  	v34 =	vor.u32 v62, v26;
	v44 =	vor.u32 v13, v14;
	v3 =	vmul.f32 v3, v18  }
0x2ba: {  	v40 =	vor.u32 v51, v9;
	v60 =	vor.u32 v13, v55;
	v2 =	vmul.f32 v2, v38  }
0x2bb: {  	v3 =	vadd.f32 v3, v45;
	v1 =	vmul.f32 v1, v18;
	v27 =	vor.u32 v36, v50  }
0x2bc: {  	v2 =	vadd.f32 v2, v17;
	v0 =	vmul.f32 v0, v38  }
0x2bd: {  	v56 =	vor.u32 v62, v58;
	[tilespmem:v63+s21+$0x0] =	vst.idx.msk $0xffff, v3;
	v1 =	vadd.f32 v1, v48  }
0x2be: {  	v3 =	vld.idx.msk [tilespmem:v34+s16+$0x0], $0xffff;
	[tilespmem:v44+s21+$0x0] =	vst.idx.msk $0xffff, v2;
	v0 =	vadd.f32 v0, v53  }
0x2bf: {  	[tilespmem:v40+s21+$0x0] =	vst.idx.msk $0xffff, v1  }
0x2c0: {  	[tilespmem:v60+s21+$0x0] =	vst.idx.msk $0xffff, v0;
	v2 =	vld.idx.msk [tilespmem:v27+s16+$0x0], $0xffff  }
0x2c1: {  	v44 =	vld [tilespmem:$0x1FFA0]  }
0x2c2: {  	v34 =	vor.u32 v13, v49;
	v63 =	vor.u32 v36, v54;
	v1 =	vld.idx.msk [tilespmem:v56+s16+$0x0], $0xffff  }
0x2c3: {  	v39 =	vor.u32 v36, v26;
	v3 =	vmul.f32 v3, v38;
	_ =	sdelay $0x1  }
0x2c4: {  	v56 =	vor.u32 v10, v14;
	v3 =	vadd.f32 v3, v45  }
0x2c5: {  	v40 =	vor.u32 v13, v9;
	v27 =	vor.u32 v44, v50;
	v2 =	vmul.f32 v2, v59  }
0x2c6: {  	v60 =	vor.u32 v36, v58;
	v0 =	vld.idx.msk [tilespmem:v63+s16+$0x0], $0xffff;
	v1 =	vmul.f32 v1, v38;
	[tilespmem:v34+s21+$0x0] =	vst.idx.msk $0xffff, v3  }
0x2c7: {  	v3 =	vld.idx.msk [tilespmem:v39+s16+$0x0], $0xffff;
	v2 =	vadd.f32 v2, v17  }
0x2c8: {  	v1 =	vadd.f32 v1, v48  }
0x2c9: {  	[tilespmem:v56+s21+$0x0] =	vst.idx.msk $0xffff, v2  }
0x2ca: {  	v63 =	vor.u32 v10, v55;
	[tilespmem:v40+s21+$0x0] =	vst.idx.msk $0xffff, v1;
	v2 =	vld.idx.msk [tilespmem:v27+s16+$0x0], $0xffff  }
0x2cb: {  	v0 =	vmul.f32 v0, v59;
	v50 =	vor.u32 v10, v49;
	v1 =	vld.idx.msk [tilespmem:v60+s16+$0x0], $0xffff  }
0x2cc: {  	v3 =	vmul.f32 v3, v59  }
0x2cd: {  	v7 =	vor.u32 v51, v33;
	v0 =	vadd.f32 v0, v53  }
0x2ce: {  	v4 =	vor.u32 v10, v9;
	v34 =	vor.u32 v44, v54;
	v3 =	vadd.f32 v3, v45  }
0x2cf: {  	v51 =	vor.u32 v44, v26;
	v56 =	vld [tilespmem:$0x1FDF0];
	[tilespmem:v63+s21+$0x0] =	vst.idx.msk $0xffff, v0;
	v2 =	vmul.f32 v2, v11  }
0x2d0: {  	v60 =	vor.u32 v42, v14;
	v1 =	vmul.f32 v1, v59;
	[tilespmem:v50+s21+$0x0] =	vst.idx.msk $0xffff, v3  }
0x2d1: {  	v2 =	vadd.f32 v2, v17;
	v17 =	vld [tilespmem:$0x1FE50]  }
0x2d2: {  	v1 =	vadd.f32 v1, v48  }
0x2d3: {  	v0 =	vld.idx.msk [tilespmem:v34+s16+$0x0], $0xffff  }
0x2d4: {  	v30 =	vor.u32 v44, v58;
	[tilespmem:v4+s21+$0x0] =	vst.idx.msk $0xffff, v1  }
0x2d5: {  	v8 =	vld.idx.msk [tilespmem:v51+s16+$0x0], $0xffff;
	[tilespmem:v60+s21+$0x0] =	vst.idx.msk $0xffff, v2  }
0x2d6: {  	v63 =	vor.u32 $0x20, v17;
	v17 =	vld [tilespmem:$0x1FDC0]  }
0x2d7: {  	v39 =	vor.u32 v42, v55;
	v28 =	vor.u32 $0x20, v56  }
0x2d8: {  	v54 =	vand.u32 $0x2F, v28;
	v0 =	vmul.f32 v0, v11  }
0x2d9: {  	v31 =	vor.u32 v20, v54;
	v4 =	vld.idx.msk [tilespmem:v30+s16+$0x0], $0xffff;
	v30 =	vor.u32 v42, v49  }
0x2da: {  	v28 =	vshll.u32 v28, $0x7;
	v0 =	vadd.f32 v0, v53;
	v8 =	vmul.f32 v8, v11  }
0x2db: {  	v27 =	vor.u32 v62, v19;
	v1 =	vand.u32 $0x1400, v28;
	v28 =	vor.u32 $0x20, v17;
	v17 =	vld [tilespmem:$0x1FCA0]  }
0x2dc: {  	v62 =	vor.u32 v57, v54;
	v55 =	vand.u32 $0x2F, v63;
	[tilespmem:v39+s21+$0x0] =	vst.idx.msk $0xffff, v0;
	v0 =	vadd.f32 v8, v45  }
0x2dd: {  	v2 =	vor.u32 v20, v55;
	v39 =	vld [tilespmem:$0x1FE30]  }
0x2de: {  	v5 =	vld.idx.msk [tilespmem:v31+s16+$0x0], $0xffff;
	[tilespmem:v30+s21+$0x0] =	vst.idx.msk $0xffff, v0  }
0x2df: {  	v24 =	vmov v33;
	v26 =	vmul.f32 v52, v18;
	v31 =	vor.u32 v57, v55;
	v33 =	vld [tilespmem:$0x1FEB0]  }
0x2e0: {  	v8 =	vor.u32 v42, v9;
	v58 =	vand.u32 $0x2F, v28;
	v56 =	vor.u32 $0x20, v17  }
0x2e1: {  	v16 =	vmovc v57;
	v49 =	vld.idx.msk [tilespmem:v62+s3+$0x0], $0xffff;
	v45 =	vmovc v42;
	v52 =	vor.u32 v57, v58;
	v17 =	vlaneseq.u32;
	v57 =	vand.u32 $0x2F, v56  }
0x2e2: {  	v53 =	vor.u32 v39, v1;
	v1 =	vld.idx.msk [tilespmem:v2+s16+$0x0], $0xffff;
	v2 =	vmul.f32 v4, v11;
	v42 =	vor.u32 v20, v57  }
0x2e3: {  	v0 =	vor.u32 v17, v53  }
0x2e4: {  	v5 =	vmul.f32 v5, v33;
	v2 =	vadd.f32 v2, v48;
	_ =	sdelay $0x1  }
0x2e5: {  	v6 =	vor.u32 v20, v58;
	v48 =	vld [tilespmem:$0x1FE80];
	v5 =	vadd.f32 v5, v49;
	[tilespmem:v8+s21+$0x0] =	vst.idx.msk $0xffff, v2  }
0x2e6: {  	v4 =	vld.idx.msk [tilespmem:v42+s16+$0x0], $0xffff  }
0x2e7: {  	v42 =	vld [tilespmem:$0x1FC90];
	[tilespmem:v0+s21+$0x0] =	vst.idx.msk $0xffff, v5  }
0x2e8: {  	v30 =	vshll.u32 v63, $0x7;
	v0 =	vld [tilespmem:$0x1FCB0]  }
0x2e9: {  	v51 =	vld.idx.msk [tilespmem:v31+s3+$0x0], $0xffff;
	v30 =	vand.u32 $0x7FFFFC00, v30  }
0x2ea: {  	v6 =	vld.idx.msk [tilespmem:v6+s16+$0x0], $0xffff;
	v62 =	vor.u32 v48, v30  }
0x2eb: {  	v50 =	vshll.u32 v28, $0x7;
	v2 =	vor.u32 v17, v62;
	v17 =	vld [tilespmem:$0x1FCC0]  }
0x2ec: {  	v14 =	vmovc v37;
	v37 =	vlaneseq.u32;
	v3 =	vor.u32 v13, v41;
	v52 =	vld.idx.msk [tilespmem:v52+s3+$0x0], $0xffff;
	v8 =	vand.u32 $0x1400, v50  }
0x2ed: {  	v31 =	vor.u32 v16, v57;
	v1 =	vmul.f32 v1, v33;
	v63 =	vor.u32 v0, v8  }
0x2ee: {  	v23 =	vmovc v59;
	v34 =	vor.u32 v12, v54;
	v0 =	vshll.u32 v56, $0x7;
	v59 =	vor.u32 v37, v63  }
0x2ef: {  	v6 =	vmul.f32 v6, v33;
	v1 =	vadd.f32 v1, v51;
	v0 =	vand.u32 $0x7FFFFC00, v0  }
0x2f0: {  	v26 =	vadd.f32 v26, v42;
	v60 =	vor.u32 v17, v0;
	v0 =	vmul.f32 v61, v38  }
0x2f1: {  	v6 =	vadd.f32 v6, v52;
	[tilespmem:v2+s21+$0x0] =	vst.idx.msk $0xffff, v1  }
0x2f2: {  	v28 =	vor.u32 v12, v55;
	v50 =	vld.idx.msk [tilespmem:v31+s3+$0x0], $0xffff;
	[tilespmem:v7+s21+$0x0] =	vst.idx.msk $0xffff, v26;
	v0 =	vadd.f32 v0, v43  }
0x2f3: {  	v9 =	vld [tilespmem:$0x1FF40];
	[tilespmem:v59+s21+$0x0] =	vst.idx.msk $0xffff, v6  }
0x2f4: {  	v48 =	vld.idx.msk [tilespmem:v34+s16+$0x0], $0xffff;
	[tilespmem:v3+s21+$0x0] =	vst.idx.msk $0xffff, v0  }
0x2f5: {  	v30 =	vor.u32 v12, v58;
	v59 =	vld [tilespmem:$0x1FEF0];
	_ =	sdelay $0x1  }
0x2f6: {  	v2 =	vld.idx.msk [tilespmem:v28+s16+$0x0], $0xffff;
	v1 =	vor.u32 v37, v60  }
0x2f7: {  	v4 =	vmul.f32 v4, v33;
	v17 =	vld [tilespmem:$0x1FF50]  }
0x2f8: {  	v56 =	vor.u32 v9, v53  }
0x2f9: {  	v4 =	vadd.f32 v4, v50;
	v28 =	vor.u32 v12, v57;
	v5 =	vld.idx.msk [tilespmem:v30+s16+$0x0], $0xffff;
	v3 =	vmul.f32 v48, v59;
	_ =	sdelay $0x1  }
0x2fa: {  	[tilespmem:v1+s21+$0x0] =	vst.idx.msk $0xffff, v4;
	v2 =	vmul.f32 v2, v59;
	v1 =	vadd.f32 v3, v49  }
0x2fb: {  	v34 =	vor.u32 v9, v62;
	v0 =	vor.u32 v17, v54  }
0x2fc: {  	[tilespmem:v56+s21+$0x0] =	vst.idx.msk $0xffff, v1;
	v1 =	vadd.f32 v2, v51;
	v2 =	vor.u32 v9, v63  }
0x2fd: {  	v4 =	vld.idx.msk [tilespmem:v28+s16+$0x0], $0xffff;
	v5 =	vmul.f32 v5, v59  }
0x2fe: {  	v61 =	vld.idx.msk [tilespmem:v27+s16+$0x0], $0xffff;
	v3 =	vor.u32 v17, v55  }
0x2ff: {  	v5 =	vadd.f32 v5, v52  }
0x300: {  	v26 =	vld.idx.msk [tilespmem:v21+s16+$0x0], $0xffff;
	[tilespmem:v34+s21+$0x0] =	vst.idx.msk $0xffff, v1  }
0x301: {  	v0 =	vld.idx.msk [tilespmem:v0+s16+$0x0], $0xffff;
	v1 =	vor.u32 v9, v60;
	[tilespmem:v2+s21+$0x0] =	vst.idx.msk $0xffff, v5  }
0x302: {  	v7 =	vor.u32 v13, v24;
	v27 =	vor.u32 v17, v58;
	v4 =	vmul.f32 v4, v59;
	v34 =	vld [tilespmem:$0x1FF00]  }
0x303: {  	v6 =	vmul.f32 v61, v38;
	v48 =	vor.u32 v17, v57;
	v3 =	vld.idx.msk [tilespmem:v3+s16+$0x0], $0xffff  }
0x304: {  	v4 =	vadd.f32 v4, v50  }
0x305: {  	v26 =	vmul.f32 v26, v23;
	v2 =	vadd.f32 v6, v42  }
0x306: {  	v21 =	vmov v38;
	v61 =	vor.u32 v22, v53;
	v38 =	vor.u32 v22, v62;
	[tilespmem:v1+s21+$0x0] =	vst.idx.msk $0xffff, v4  }
0x307: {  	v56 =	vadd.f32 v26, v43;
	v26 =	vld.idx.msk [tilespmem:v27+s16+$0x0], $0xffff;
	[tilespmem:v7+s21+$0x0] =	vst.idx.msk $0xffff, v2;
	v0 =	vmul.f32 v0, v34  }
0x308: {  	v40 =	vmov v19;
	v7 =	vld.idx.msk [tilespmem:v48+s16+$0x0], $0xffff;
	v3 =	vmul.f32 v3, v34  }
0x309: {  	v30 =	vor.u32 v10, v41;
	v28 =	vor.u32 v36, v40;
	v0 =	vadd.f32 v0, v49  }
0x30a: {  	v2 =	vor.u32 v44, v14;
	v3 =	vadd.f32 v3, v51  }
0x30b: {  	v27 =	vor.u32 v22, v63;
	v1 =	vor.u32 v32, v54;
	[tilespmem:v61+s21+$0x0] =	vst.idx.msk $0xffff, v0  }
0x30c: {  	v0 =	vmul.f32 v26, v34;
	[tilespmem:v38+s21+$0x0] =	vst.idx.msk $0xffff, v3;
	v3 =	vor.u32 v22, v60  }
0x30d: {  	v61 =	vmul.f32 v7, v34  }
0x30e: {  	[tilespmem:v30+s21+$0x0] =	vst.idx.msk $0xffff, v56;
	v48 =	vld.idx.msk [tilespmem:v28+s16+$0x0], $0xffff;
	v0 =	vadd.f32 v0, v52  }
0x30f: {  	v56 =	vor.u32 v32, v55;
	v2 =	vld.idx.msk [tilespmem:v2+s16+$0x0], $0xffff;
	v19 =	vadd.f32 v61, v50  }
0x310: {  	v1 =	vld.idx.msk [tilespmem:v1+s16+$0x0], $0xffff;
	[tilespmem:v27+s21+$0x0] =	vst.idx.msk $0xffff, v0  }
0x311: {  	v28 =	vld [tilespmem:$0x1FDB0];
	[tilespmem:v3+s21+$0x0] =	vst.idx.msk $0xffff, v19  }
0x312: {  	v4 =	vor.u32 v32, v58;
	v17 =	vld [tilespmem:$0x1FE10]  }
0x313: {  	v7 =	vor.u32 v10, v24  }
0x314: {  	v8 =	vmul.f32 v48, v23;
	v26 =	vor.u32 v32, v57;
	v0 =	vld.idx.msk [tilespmem:v56+s16+$0x0], $0xffff  }
0x315: {  	v56 =	vor.u32 v45, v41  }
0x316: {  	v34 =	vadd.f32 v8, v42;
	v2 =	vmul.f32 v2, v11;
	v27 =	vor.u32 v25, v53  }
0x317: {  	v61 =	vor.u32 v44, v40;
	v3 =	vor.u32 v35, v54;
	v4 =	vld.idx.msk [tilespmem:v4+s16+$0x0], $0xffff;
	v1 =	vmul.f32 v1, v17  }
0x318: {  	v2 =	vadd.f32 v2, v43;
	v19 =	vor.u32 v25, v62;
	[tilespmem:v7+s21+$0x0] =	vst.idx.msk $0xffff, v34  }
0x319: {  	v34 =	vld.idx.msk [tilespmem:v26+s16+$0x0], $0xffff;
	v26 =	vor.u32 v35, v55;
	v0 =	vmul.f32 v0, v17;
	v1 =	vadd.f32 v1, v49  }
0x31a: {  	[tilespmem:v56+s21+$0x0] =	vst.idx.msk $0xffff, v2  }
0x31b: {  	v2 =	vor.u32 v25, v63;
	v0 =	vadd.f32 v0, v51;
	[tilespmem:v27+s21+$0x0] =	vst.idx.msk $0xffff, v1  }
0x31c: {  	v4 =	vmul.f32 v4, v17;
	v1 =	vld.idx.msk [tilespmem:v3+s16+$0x0], $0xffff  }
0x31d: {  	v28 =	vor.u32 $0x30, v28;
	[tilespmem:v19+s21+$0x0] =	vst.idx.msk $0xffff, v0;
	v3 =	vld.idx.msk [tilespmem:v61+s16+$0x0], $0xffff  }
0x31e: {  	v48 =	vmovc v39;
	v39 =	vand.u32 $0x3F, v28;
	v38 =	vshll.u32 v28, $0x7;
	v4 =	vadd.f32 v4, v52;
	v28 =	vld.idx.msk [tilespmem:v26+s16+$0x0], $0xffff  }
0x31f: {  	v56 =	vld [tilespmem:$0x1FFB0]  }
0x320: {  	v5 =	vor.u32 v35, v58;
	v8 =	vor.u32 v25, v60;
	v26 =	vld [tilespmem:$0x1FDE0];
	[tilespmem:v2+s21+$0x0] =	vst.idx.msk $0xffff, v4  }
0x321: {  	v0 =	vmul.f32 v34, v17;
	v61 =	vld [tilespmem:$0x1FFC0]  }
0x322: {  	v30 =	vor.u32 v20, v39  }
0x323: {  	v0 =	vadd.f32 v0, v50  }
0x324: {  	v34 =	vor.u32 v35, v57;
	v31 =	vor.u32 v56, v53  }
0x325: {  	v27 =	vor.u32 v16, v39;
	v5 =	vld.idx.msk [tilespmem:v5+s16+$0x0], $0xffff;
	[tilespmem:v8+s21+$0x0] =	vst.idx.msk $0xffff, v0;
	v1 =	vmul.f32 v1, v18  }
0x326: {  	v7 =	vor.u32 v45, v24;
	v8 =	vld [tilespmem:$0x1FDD0];
	v2 =	vor.u32 v61, v54  }
0x327: {  	v30 =	vld.idx.msk [tilespmem:v30+s16+$0x0], $0xffff;
	v3 =	vmul.f32 v3, v11;
	v1 =	vadd.f32 v1, v49  }
0x328: {  	v19 =	vand.u32 $0x1C00, v38;
	v41 =	vor.u32 $0x30, v26;
	v6 =	vor.u32 v56, v62  }
0x329: {  	v40 =	vmul.f32 v28, v18;
	v3 =	vadd.f32 v3, v42;
	[tilespmem:v31+s21+$0x0] =	vst.idx.msk $0xffff, v1;
	v1 =	vld.idx.msk [tilespmem:v34+s16+$0x0], $0xffff  }
0x32a: {  	v26 =	vld.idx.msk [tilespmem:v27+s3+$0x0], $0xffff;
	v38 =	vand.u32 $0x3F, v41;
	v43 =	vor.u32 v61, v55;
	v31 =	vor.u32 v56, v63  }
0x32b: {  	v27 =	vor.u32 v8, v19;
	[tilespmem:v7+s21+$0x0] =	vst.idx.msk $0xffff, v3;
	v3 =	vmul.f32 v5, v18;
	v2 =	vld.idx.msk [tilespmem:v2+s16+$0x0], $0xffff  }
0x32c: {  	v30 =	vmul.f32 v30, v33;
	v4 =	vadd.f32 v40, v51;
	v19 =	vor.u32 v37, v27  }
0x32d: {  	v28 =	vor.u32 v16, v38;
	v8 =	vor.u32 v56, v60;
	v3 =	vadd.f32 v3, v52  }
0x32e: {  	v40 =	vor.u32 v13, v53;
	[tilespmem:v6+s21+$0x0] =	vst.idx.msk $0xffff, v4;
	v1 =	vmul.f32 v1, v18  }
0x32f: {  	v42 =	vor.u32 v61, v57;
	v34 =	vadd.f32 v30, v26;
	v6 =	vld.idx.msk [tilespmem:v43+s16+$0x0], $0xffff;
	[tilespmem:v31+s21+$0x0] =	vst.idx.msk $0xffff, v3  }
0x330: {  	v3 =	vor.u32 v36, v54;
	v2 =	vmul.f32 v2, v21;
	v1 =	vadd.f32 v1, v50  }
0x331: {  	v0 =	vor.u32 v20, v38;
	v5 =	vor.u32 v61, v58;
	[tilespmem:v19+s21+$0x0] =	vst.idx.msk $0xffff, v34  }
0x332: {  	v30 =	vld.idx.msk [tilespmem:v28+s3+$0x0], $0xffff;
	v28 =	vshll.u32 v41, $0x7;
	v2 =	vadd.f32 v2, v49;
	[tilespmem:v8+s21+$0x0] =	vst.idx.msk $0xffff, v1  }
0x333: {  	v19 =	vor.u32 v13, v62;
	v34 =	vand.u32 $0x7FFFFC00, v28;
	v8 =	vld [tilespmem:$0x1FE00]  }
0x334: {  	v28 =	vor.u32 v36, v55;
	v6 =	vmul.f32 v6, v21;
	[tilespmem:v40+s21+$0x0] =	vst.idx.msk $0xffff, v2;
	v2 =	vld.idx.msk [tilespmem:v42+s16+$0x0], $0xffff  }
0x335: {  	v3 =	vld.idx.msk [tilespmem:v3+s16+$0x0], $0xffff  }
0x336: {  	v5 =	vld.idx.msk [tilespmem:v5+s16+$0x0], $0xffff;
	v6 =	vadd.f32 v6, v51  }
0x337: {  	v0 =	vld.idx.msk [tilespmem:v0+s16+$0x0], $0xffff  }
0x338: {  	v1 =	vor.u32 v12, v39;
	[tilespmem:v19+s21+$0x0] =	vst.idx.msk $0xffff, v6;
	v19 =	vor.u32 v13, v60  }
0x339: {  	v4 =	vld.idx.msk [tilespmem:v28+s16+$0x0], $0xffff;
	v28 =	vor.u32 v10, v53;
	v34 =	vor.u32 v8, v34;
	v2 =	vmul.f32 v2, v21  }
0x33a: {  	v7 =	vor.u32 v37, v34;
	v37 =	vor.u32 v13, v63;
	v3 =	vmul.f32 v3, v23  }
0x33b: {  	v31 =	vor.u32 v36, v58;
	v5 =	vmul.f32 v5, v21;
	v2 =	vadd.f32 v2, v50  }
0x33c: {  	v0 =	vmul.f32 v0, v33;
	v3 =	vadd.f32 v3, v49  }
0x33d: {  	v40 =	vor.u32 v12, v38;
	v5 =	vadd.f32 v5, v52;
	[tilespmem:v19+s21+$0x0] =	vst.idx.msk $0xffff, v2  }
0x33e: {  	v0 =	vadd.f32 v0, v30;
	[tilespmem:v28+s21+$0x0] =	vst.idx.msk $0xffff, v3  }
0x33f: {  	v1 =	vld.idx.msk [tilespmem:v1+s16+$0x0], $0xffff;
	[tilespmem:v37+s21+$0x0] =	vst.idx.msk $0xffff, v5  }
0x340: {  	v59 =	vmov v36;
	v36 =	vor.u32 v36, v57;
	[tilespmem:v7+s21+$0x0] =	vst.idx.msk $0xffff, v0;
	v0 =	vld.idx.msk [tilespmem:v31+s16+$0x0], $0xffff  }
0x341: {  	v42 =	vor.u32 v10, v62;
	v37 =	vor.u32 v44, v54;
	v54 =	vld [tilespmem:$0x1FEF0]  }
0x342: {  	v2 =	vmul.f32 v4, v23;
	v7 =	vld.idx.msk [tilespmem:v40+s16+$0x0], $0xffff;
	_ =	sdelay $0x1  }
0x343: {  	v3 =	vor.u32 v44, v55;
	v28 =	vor.u32 v10, v63;
	v2 =	vadd.f32 v2, v51  }
0x344: {  	v43 =	vld.idx.msk [tilespmem:v36+s16+$0x0], $0xffff;
	v36 =	vor.u32 v9, v27;
	v31 =	vor.u32 v44, v58;
	v0 =	vmul.f32 v0, v23  }
0x345: {  	[tilespmem:v42+s21+$0x0] =	vst.idx.msk $0xffff, v2;
	v2 =	vor.u32 v9, v34;
	v5 =	vld.idx.msk [tilespmem:v37+s16+$0x0], $0xffff;
	v1 =	vmul.f32 v1, v54  }
0x346: {  	v7 =	vmul.f32 v7, v54;
	v0 =	vadd.f32 v0, v52  }
0x347: {  	v1 =	vadd.f32 v1, v26  }
0x348: {  	v3 =	vld.idx.msk [tilespmem:v3+s16+$0x0], $0xffff;
	v37 =	vor.u32 v10, v60;
	v7 =	vadd.f32 v7, v30;
	[tilespmem:v28+s21+$0x0] =	vst.idx.msk $0xffff, v0  }
0x349: {  	v4 =	vmul.f32 v43, v23;
	v28 =	vor.u32 v45, v53;
	v0 =	vld [tilespmem:$0x1FDF0];
	[tilespmem:v36+s21+$0x0] =	vst.idx.msk $0xffff, v1  }
0x34a: {  	v5 =	vmul.f32 v5, v11;
	v1 =	vld.idx.msk [tilespmem:v31+s16+$0x0], $0xffff;
	[tilespmem:v2+s21+$0x0] =	vst.idx.msk $0xffff, v7  }
0x34b: {  	v4 =	vadd.f32 v4, v50;
	v6 =	vld [tilespmem:$0x1FE50]  }
0x34c: {  	v19 =	vmov v9;
	v9 =	vor.u32 v44, v57;
	v5 =	vadd.f32 v5, v49  }
0x34d: {  	v53 =	vld [tilespmem:$0x1FF50];
	[tilespmem:v37+s21+$0x0] =	vst.idx.msk $0xffff, v4  }
0x34e: {  	v31 =	vor.u32 v45, v62;
	[tilespmem:v28+s21+$0x0] =	vst.idx.msk $0xffff, v5  }
0x34f: {  	v58 =	vmovc v23;
	v3 =	vmul.f32 v3, v11;
	v37 =	vor.u32 v45, v63;
	v0 =	vor.u32 $0x30, v0;
	v23 =	vld [tilespmem:$0x1FDC0]  }
0x350: {  	v1 =	vmul.f32 v1, v11;
	v40 =	vand.u32 $0x3F, v0;
	v6 =	vor.u32 $0x30, v6  }
0x351: {  	v3 =	vadd.f32 v3, v51;
	v8 =	vld.idx.msk [tilespmem:v9+s16+$0x0], $0xffff;
	v2 =	vor.u32 v20, v40;
	v41 =	vand.u32 $0x3F, v6  }
0x352: {  	v0 =	vshll.u32 v0, $0x7;
	v1 =	vadd.f32 v1, v52;
	v4 =	vor.u32 v20, v41  }
0x353: {  	[tilespmem:v31+s21+$0x0] =	vst.idx.msk $0xffff, v3;
	v36 =	vor.u32 v16, v40;
	v0 =	vand.u32 $0x1C00, v0  }
0x354: {  	v62 =	vor.u32 v16, v41;
	v28 =	vor.u32 v48, v0;
	v48 =	vor.u32 $0x30, v23;
	v23 =	vld [tilespmem:$0x1FCA0];
	[tilespmem:v37+s21+$0x0] =	vst.idx.msk $0xffff, v1  }
0x355: {  	v14 =	vmov v21;
	v57 =	vmov v45;
	v21 =	vld [tilespmem:$0x1FE80]  }
0x356: {  	v3 =	vor.u32 v57, v60;
	v8 =	vmul.f32 v8, v11;
	v2 =	vld.idx.msk [tilespmem:v2+s16+$0x0], $0xffff  }
0x357: {  	v4 =	vld.idx.msk [tilespmem:v4+s16+$0x0], $0xffff  }
0x358: {  	v7 =	vor.u32 v53, v39;
	v43 =	vshll.u32 v6, $0x7;
	v8 =	vadd.f32 v8, v50;
	v31 =	vld.idx.msk [tilespmem:v36+s3+$0x0], $0xffff  }
0x359: {  	v55 =	vmovc v44;
	v50 =	vlaneseq.u32;
	v1 =	vand.u32 $0x7FFFFC00, v43;
	v44 =	vand.u32 $0x3F, v48;
	v36 =	vld.idx.msk [tilespmem:v62+s3+$0x0], $0xffff  }
0x35a: {  	v60 =	vor.u32 v50, v28;
	v63 =	vor.u32 v20, v44;
	v37 =	vor.u32 v21, v1  }
0x35b: {  	[tilespmem:v3+s21+$0x0] =	vst.idx.msk $0xffff, v8;
	v2 =	vmul.f32 v2, v33;
	v1 =	vor.u32 v50, v37  }
0x35c: {  	v52 =	vor.u32 $0x30, v23;
	v21 =	vld [tilespmem:$0x1FCB0];
	v4 =	vmul.f32 v4, v33  }
0x35d: {  	v6 =	vor.u32 v16, v44;
	v49 =	vand.u32 $0x3F, v52;
	v2 =	vadd.f32 v2, v31  }
0x35e: {  	v7 =	vld.idx.msk [tilespmem:v7+s16+$0x0], $0xffff;
	v5 =	vor.u32 v20, v49;
	v4 =	vadd.f32 v4, v36  }
0x35f: {  	v0 =	vor.u32 v53, v38;
	v8 =	vld.idx.msk [tilespmem:v63+s16+$0x0], $0xffff;
	v63 =	vshll.u32 v48, $0x7;
	[tilespmem:v60+s21+$0x0] =	vst.idx.msk $0xffff, v2  }
0x360: {  	v62 =	vor.u32 v16, v49;
	v51 =	vand.u32 $0x1C00, v63;
	v16 =	vld [tilespmem:$0x1FF00];
	[tilespmem:v1+s21+$0x0] =	vst.idx.msk $0xffff, v4  }
0x361: {  	v3 =	vor.u32 v12, v40;
	v43 =	vor.u32 v21, v51;
	v21 =	vld [tilespmem:$0x1FCC0]  }
0x362: {  	v48 =	vor.u32 v12, v41;
	v9 =	vld.idx.msk [tilespmem:v6+s3+$0x0], $0xffff  }
0x363: {  	v23 =	vlaneseq.u32;
	v5 =	vld.idx.msk [tilespmem:v5+s16+$0x0], $0xffff  }
0x364: {  	v0 =	vld.idx.msk [tilespmem:v0+s16+$0x0], $0xffff;
	v6 =	vor.u32 v32, v39;
	v2 =	vor.u32 v22, v27;
	v60 =	vshll.u32 v52, $0x7  }
0x365: {  	v1 =	vor.u32 v23, v43;
	v42 =	vld.idx.msk [tilespmem:v62+s3+$0x0], $0xffff;
	v62 =	vand.u32 $0x7FFFFC00, v60;
	v7 =	vmul.f32 v7, v16  }
0x366: {  	v50 =	vor.u32 v12, v44;
	v3 =	vld.idx.msk [tilespmem:v3+s16+$0x0], $0xffff;
	v8 =	vmul.f32 v8, v33;
	v45 =	vor.u32 v21, v62  }
0x367: {  	v24 =	vor.u32 v12, v49;
	v60 =	vld.idx.msk [tilespmem:v48+s16+$0x0], $0xffff;
	v63 =	vadd.f32 v7, v26;
	v62 =	vor.u32 v23, v45  }
0x368: {  	v52 =	vor.u32 v19, v37;
	v8 =	vadd.f32 v8, v9;
	v5 =	vmul.f32 v5, v33  }
0x369: {  	v0 =	vmul.f32 v0, v16;
	[tilespmem:v2+s21+$0x0] =	vst.idx.msk $0xffff, v63;
	v2 =	vor.u32 v22, v34  }
0x36a: {  	[tilespmem:v1+s21+$0x0] =	vst.idx.msk $0xffff, v8;
	v1 =	vadd.f32 v5, v42;
	v63 =	vor.u32 v19, v28;
	v4 =	vld.idx.msk [tilespmem:v6+s16+$0x0], $0xffff  }
0x36b: {  	v33 =	vor.u32 v53, v40;
	v3 =	vmul.f32 v3, v54;
	v50 =	vld.idx.msk [tilespmem:v50+s16+$0x0], $0xffff;
	v0 =	vadd.f32 v0, v30  }
0x36c: {  	v7 =	vmul.f32 v60, v54;
	[tilespmem:v62+s21+$0x0] =	vst.idx.msk $0xffff, v1;
	v1 =	vor.u32 v53, v41  }
0x36d: {  	v60 =	vor.u32 v32, v38;
	v3 =	vadd.f32 v3, v31;
	v24 =	vld.idx.msk [tilespmem:v24+s16+$0x0], $0xffff  }
0x36e: {  	[tilespmem:v2+s21+$0x0] =	vst.idx.msk $0xffff, v0;
	v0 =	vor.u32 v25, v27;
	v2 =	vadd.f32 v7, v36  }
0x36f: {  	[tilespmem:v63+s21+$0x0] =	vst.idx.msk $0xffff, v3;
	v3 =	vor.u32 v19, v43;
	v4 =	vmul.f32 v4, v17  }
0x370: {  	v62 =	vmul.f32 v50, v54;
	v5 =	vld.idx.msk [tilespmem:v33+s16+$0x0], $0xffff;
	[tilespmem:v52+s21+$0x0] =	vst.idx.msk $0xffff, v2;
	v2 =	vor.u32 v53, v44  }
0x371: {  	v63 =	vor.u32 v35, v39;
	v33 =	vor.u32 v19, v45;
	v4 =	vadd.f32 v4, v26;
	v1 =	vld.idx.msk [tilespmem:v1+s16+$0x0], $0xffff  }
0x372: {  	v6 =	vadd.f32 v62, v9;
	v23 =	vmul.f32 v24, v54;
	v24 =	vor.u32 v53, v49  }
0x373: {  	[tilespmem:v0+s21+$0x0] =	vst.idx.msk $0xffff, v4  }
0x374: {  	v48 =	vld.idx.msk [tilespmem:v60+s16+$0x0], $0xffff;
	v0 =	vor.u32 v22, v28;
	[tilespmem:v3+s21+$0x0] =	vst.idx.msk $0xffff, v6;
	v3 =	vadd.f32 v23, v42  }
0x375: {  	v60 =	vor.u32 v22, v37;
	v54 =	vor.u32 v32, v40;
	v5 =	vmul.f32 v5, v16;
	v2 =	vld.idx.msk [tilespmem:v2+s16+$0x0], $0xffff  }
0x376: {  	v7 =	vld.idx.msk [tilespmem:v63+s16+$0x0], $0xffff;
	v23 =	vor.u32 v32, v41;
	v1 =	vmul.f32 v1, v16;
	[tilespmem:v33+s21+$0x0] =	vst.idx.msk $0xffff, v3  }
0x377: {  	v62 =	vor.u32 v35, v38;
	v5 =	vadd.f32 v5, v31;
	v8 =	vld.idx.msk [tilespmem:v24+s16+$0x0], $0xffff  }
0x378: {  	v50 =	vmovc v19;
	v19 =	vor.u32 v56, v27;
	v24 =	vor.u32 v25, v34;
	v1 =	vadd.f32 v1, v36  }
0x379: {  	v52 =	vmov v53;
	v3 =	vmul.f32 v48, v17;
	[tilespmem:v0+s21+$0x0] =	vst.idx.msk $0xffff, v5;
	v0 =	vor.u32 v22, v43  }
0x37a: {  	v4 =	vld.idx.msk [tilespmem:v54+s16+$0x0], $0xffff;
	[tilespmem:v60+s21+$0x0] =	vst.idx.msk $0xffff, v1;
	v1 =	vor.u32 v32, v44;
	v2 =	vmul.f32 v2, v16  }
0x37b: {  	v3 =	vadd.f32 v3, v30;
	v63 =	vmul.f32 v7, v18;
	v33 =	vld.idx.msk [tilespmem:v23+s16+$0x0], $0xffff;
	v23 =	vor.u32 v22, v45  }
0x37c: {  	v53 =	vmovc v22;
	v22 =	vor.u32 v32, v49;
	v2 =	vadd.f32 v2, v9;
	v8 =	vmul.f32 v8, v16  }
0x37d: {  	[tilespmem:v24+s21+$0x0] =	vst.idx.msk $0xffff, v3;
	v3 =	vadd.f32 v63, v26  }
0x37e: {  	v24 =	vor.u32 v25, v28;
	v60 =	vld.idx.msk [tilespmem:v62+s16+$0x0], $0xffff;
	[tilespmem:v0+s21+$0x0] =	vst.idx.msk $0xffff, v2;
	v0 =	vadd.f32 v8, v42  }
0x37f: {  	v63 =	vor.u32 v25, v37;
	v62 =	vor.u32 v35, v40;
	v2 =	vmul.f32 v4, v17;
	v1 =	vld.idx.msk [tilespmem:v1+s16+$0x0], $0xffff  }
0x380: {  	v54 =	vmov v32;
	v32 =	vor.u32 v35, v41;
	[tilespmem:v23+s21+$0x0] =	vst.idx.msk $0xffff, v0;
	v0 =	vmul.f32 v33, v17  }
0x381: {  	[tilespmem:v19+s21+$0x0] =	vst.idx.msk $0xffff, v3;
	v2 =	vadd.f32 v2, v31;
	v3 =	vld.idx.msk [tilespmem:v22+s16+$0x0], $0xffff  }
0x382: {  	v33 =	vor.u32 v61, v39;
	v0 =	vadd.f32 v0, v36  }
0x383: {  	v22 =	vor.u32 v56, v34;
	[tilespmem:v24+s21+$0x0] =	vst.idx.msk $0xffff, v2;
	v2 =	vor.u32 v25, v43  }
0x384: {  	v4 =	vld.idx.msk [tilespmem:v62+s16+$0x0], $0xffff;
	[tilespmem:v63+s21+$0x0] =	vst.idx.msk $0xffff, v0;
	v0 =	vmul.f32 v1, v17;
	v1 =	vor.u32 v35, v44  }
0x385: {  	v19 =	vor.u32 v61, v38;
	v23 =	vor.u32 v25, v45;
	v5 =	vmul.f32 v60, v18;
	v7 =	vld.idx.msk [tilespmem:v32+s16+$0x0], $0xffff  }
0x386: {  	v21 =	vor.u32 v35, v49;
	v0 =	vadd.f32 v0, v9;
	v3 =	vmul.f32 v3, v17  }
0x387: {  	v16 =	vmov v61;
	v5 =	vadd.f32 v5, v30;
	v32 =	vor.u32 v56, v28  }
0x388: {  	v6 =	vld.idx.msk [tilespmem:v33+s16+$0x0], $0xffff;
	v33 =	vor.u32 v56, v37;
	[tilespmem:v2+s21+$0x0] =	vst.idx.msk $0xffff, v0;
	v0 =	vadd.f32 v3, v42  }
0x389: {  	[tilespmem:v22+s21+$0x0] =	vst.idx.msk $0xffff, v5;
	v2 =	vmul.f32 v4, v18;
	v3 =	vor.u32 v16, v40;
	v1 =	vld.idx.msk [tilespmem:v1+s16+$0x0], $0xffff  }
0x38a: {  	v22 =	vor.u32 v16, v41;
	v8 =	vld.idx.msk [tilespmem:v19+s16+$0x0], $0xffff;
	v7 =	vmul.f32 v7, v18;
	[tilespmem:v23+s21+$0x0] =	vst.idx.msk $0xffff, v0  }
0x38b: {  	v2 =	vadd.f32 v2, v31;
	v21 =	vld.idx.msk [tilespmem:v21+s16+$0x0], $0xffff  }
0x38c: {  	v60 =	vor.u32 v16, v44;
	v23 =	vor.u32 v13, v27;
	v7 =	vadd.f32 v7, v36  }
0x38d: {  	v61 =	vmov v35;
	v35 =	vor.u32 v56, v43;
	v6 =	vmul.f32 v6, v14;
	[tilespmem:v32+s21+$0x0] =	vst.idx.msk $0xffff, v2  }
0x38e: {  	v2 =	vor.u32 v13, v34;
	v3 =	vld.idx.msk [tilespmem:v3+s16+$0x0], $0xffff;
	[tilespmem:v33+s21+$0x0] =	vst.idx.msk $0xffff, v7;
	v1 =	vmul.f32 v1, v18  }
0x38f: {  	v62 =	vmul.f32 v8, v14;
	v6 =	vadd.f32 v6, v26;
	v63 =	vld.idx.msk [tilespmem:v22+s16+$0x0], $0xffff;
	v22 =	vor.u32 v56, v45  }
0x390: {  	v1 =	vadd.f32 v1, v9;
	v20 =	vmul.f32 v21, v18;
	v21 =	vor.u32 v16, v49  }
0x391: {  	v0 =	vor.u32 v59, v39;
	v7 =	vadd.f32 v62, v30;
	[tilespmem:v23+s21+$0x0] =	vst.idx.msk $0xffff, v6  }
0x392: {  	v23 =	vor.u32 v13, v28;
	[tilespmem:v35+s21+$0x0] =	vst.idx.msk $0xffff, v1;
	v1 =	vadd.f32 v20, v42  }
0x393: {  	v33 =	vor.u32 v59, v40;
	v3 =	vmul.f32 v3, v14;
	v20 =	vor.u32 v13, v37;
	v4 =	vld.idx.msk [tilespmem:v60+s16+$0x0], $0xffff  }
0x394: {  	[tilespmem:v22+s21+$0x0] =	vst.idx.msk $0xffff, v1;
	v1 =	vmul.f32 v63, v14  }
0x395: {  	[tilespmem:v2+s21+$0x0] =	vst.idx.msk $0xffff, v7;
	v35 =	vor.u32 v59, v41;
	v2 =	vadd.f32 v3, v31;
	v3 =	vld.idx.msk [tilespmem:v21+s16+$0x0], $0xffff  }
0x396: {  	v32 =	vor.u32 v59, v38;
	v0 =	vld.idx.msk [tilespmem:v0+s16+$0x0], $0xffff;
	v1 =	vadd.f32 v1, v36  }
0x397: {  	[tilespmem:v23+s21+$0x0] =	vst.idx.msk $0xffff, v2;
	v2 =	vor.u32 v13, v43  }
0x398: {  	v5 =	vld.idx.msk [tilespmem:v33+s16+$0x0], $0xffff;
	[tilespmem:v20+s21+$0x0] =	vst.idx.msk $0xffff, v1;
	v1 =	vmul.f32 v4, v14  }
0x399: {  	v62 =	vor.u32 v10, v27;
	v21 =	vor.u32 v13, v45;
	v20 =	vor.u32 v59, v44  }
0x39a: {  	v63 =	vor.u32 v59, v49;
	v8 =	vld.idx.msk [tilespmem:v35+s16+$0x0], $0xffff;
	v3 =	vmul.f32 v3, v14;
	v1 =	vadd.f32 v1, v9  }
0x39b: {  	v6 =	vld.idx.msk [tilespmem:v32+s16+$0x0], $0xffff;
	v0 =	vmul.f32 v0, v58  }
0x39c: {  	[tilespmem:v2+s21+$0x0] =	vst.idx.msk $0xffff, v1;
	v2 =	vadd.f32 v3, v42  }
0x39d: {  	v0 =	vadd.f32 v0, v26;
	v3 =	vmul.f32 v5, v58  }
0x39e: {  	v32 =	vor.u32 v10, v37;
	v22 =	vor.u32 v10, v34;
	v35 =	vld.idx.msk [tilespmem:v20+s16+$0x0], $0xffff;
	[tilespmem:v21+s21+$0x0] =	vst.idx.msk $0xffff, v2  }
0x39f: {  	[tilespmem:v62+s21+$0x0] =	vst.idx.msk $0xffff, v0;
	v33 =	vmul.f32 v8, v58;
	v0 =	vadd.f32 v3, v31;
	v3 =	vld.idx.msk [tilespmem:v63+s16+$0x0], $0xffff  }
0x3a0: {  	v6 =	vmul.f32 v6, v58;
	v1 =	vor.u32 v10, v28  }
0x3a1: {  	v60 =	vor.u32 v55, v39;
	v39 =	vadd.f32 v33, v36  }
0x3a2: {  	v62 =	vor.u32 v10, v43;
	v2 =	vadd.f32 v6, v30  }
0x3a3: {  	[tilespmem:v32+s21+$0x0] =	vst.idx.msk $0xffff, v39;
	v8 =	vmul.f32 v35, v58;
	v32 =	vor.u32 v10, v45  }
0x3a4: {  	[tilespmem:v22+s21+$0x0] =	vst.idx.msk $0xffff, v2;
	v3 =	vmul.f32 v3, v58  }
0x3a5: {  	[tilespmem:v1+s21+$0x0] =	vst.idx.msk $0xffff, v0;
	v8 =	vadd.f32 v8, v9  }
0x3a6: {  	v2 =	vor.u32 v55, v38;
	v33 =	vor.u32 v57, v15;
	v15 =	vld [tilespmem:$0x1FCD0];
	v3 =	vadd.f32 v3, v42  }
0x3a7: {  	v0 =	vld.idx.msk [tilespmem:v47+s16+$0x0], $0xffff;
	v1 =	vor.u32 v55, v40;
	[tilespmem:v62+s21+$0x0] =	vst.idx.msk $0xffff, v8  }
0x3a8: {  	v47 =	vld.idx.msk [tilespmem:v60+s16+$0x0], $0xffff;
	v60 =	vor.u32 v55, v41;
	[tilespmem:v32+s21+$0x0] =	vst.idx.msk $0xffff, v3  }
0x3a9: {  	v63 =	vor.u32 v55, v44;
	v3 =	vld [tilespmem:$0x1FCE0]  }
0x3aa: {  	v20 =	vor.u32 v55, v49  }
0x3ab: {  	v2 =	vld.idx.msk [tilespmem:v2+s16+$0x0], $0xffff;
	v22 =	vor.u32 v57, v15  }
0x3ac: {  	v0 =	vmul.f32 v0, v11;
	v1 =	vld.idx.msk [tilespmem:v1+s16+$0x0], $0xffff  }
0x3ad: {  	v23 =	vor.u32 v57, v27;
	v21 =	vmul.f32 v46, v11;
	v7 =	vld.idx.msk [tilespmem:v60+s16+$0x0], $0xffff  }
0x3ae: {  	v46 =	vor.u32 v57, v45;
	v44 =	vor.u32 v57, v43;
	v0 =	vadd.f32 v0, v3;
	v3 =	vld.idx.msk [tilespmem:v63+s16+$0x0], $0xffff  }
0x3af: {  	v35 =	vadd.f32 v21, v29;
	v39 =	vor.u32 v57, v34;
	v6 =	vmul.f32 v47, v11;
	v40 =	vld.idx.msk [tilespmem:v20+s16+$0x0], $0xffff  }
0x3b0: {  	[tilespmem:v22+s21+$0x0] =	vst.idx.msk $0xffff, v0;
	v0 =	vmul.f32 v2, v11;
	v2 =	vor.u32 v57, v28  }
0x3b1: {  	v41 =	vor.u32 v57, v37;
	v38 =	vadd.f32 v6, v26;
	v1 =	vmul.f32 v1, v11  }
0x3b2: {  	[tilespmem:v33+s21+$0x0] =	vst.idx.msk $0xffff, v35;
	v7 =	vmul.f32 v7, v11;
	v0 =	vadd.f32 v0, v30  }
0x3b3: {  	[tilespmem:v23+s21+$0x0] =	vst.idx.msk $0xffff, v38;
	v1 =	vadd.f32 v1, v31;
	v3 =	vmul.f32 v3, v11  }
0x3b4: {  	v47 =	vmul.f32 v40, v11;
	[tilespmem:v39+s21+$0x0] =	vst.idx.msk $0xffff, v0;
	v0 =	vadd.f32 v7, v36  }
0x3b5: {  	s2 =	sshll.u32 s30, $0x13;
	[tilespmem:v2+s21+$0x0] =	vst.idx.msk $0xffff, v1;
	v1 =	vadd.f32 v3, v9  }
0x3b6: {  	s2 =	sor.u32 s11, s2;
	[tilespmem:v41+s21+$0x0] =	vst.idx.msk $0xffff, v0;
	v0 =	vadd.f32 v47, v42  }
0x3b7: {  	s2 =	sshrl.u32 s2, $0x3;
	[tilespmem:v44+s21+$0x0] =	vst.idx.msk $0xffff, v1  }
0x3b8: {  	s2 =	sadd.s32 s1, s2;
	[tilespmem:v46+s21+$0x0] =	vst.idx.msk $0xffff, v0  }
0x3b9: {  	[hbm4b:s2+s22] =	stream.strided.scatter [tilespmem:s21], [sflag:$0x5], $0x2000, s23, s22, $0x38;
	[tilespmem:$0xB300] =	vst v63  }
0x3ba: {  	_ =	swait.ge [sflag:s24], $0x2000  }
0x3bb: {  	[sflag:s24] =	ssyncset.done $0x0  }
0x3bc: {  	s2 =	simm.s32 @!p0 $0x1;
	[sflag:s24] =	ssyncadd.s32 $0xFFFFE000  }
0x3bd: {  	s6 =	simm.s32 @!p0 $0x3300;
	_ =	swait.ge @!p0 [sflag:s2], $0x80  }
0x3be: {  	s0 =	sadd.s32 @!p0 s10, s0;
	s14 =	simm.s32 @!p0 $0x3200;
	[sflag:s2] =	ssyncset.done @!p0 $0x0  }
0x3bf: {  	s0 =	sshrl.u32 @!p0 s0, $0x3;
	[sflag:s2] =	ssyncadd.s32 @!p0 $0xFFFFFF80;
	s2 =	simm.s32 @!p0 $0x80  }
0x3c0: {  	[tilespmem:s6], [sflag:$0x3] =	stream.indirect.gather @!p0 [hbm4b:s5+s2], $0x40, s14, s2, $0xb8;
	[tilespmem:$0xB300] =	vst v63  }
0x3c1: {  	s0 =	sadd.s32 @!p0 s4, s0;
	s2 =	simm.s32 @!p0 $0x0;
	s6 =	simm.s32 @!p0 $0x3280  }
0x3c2: {  	[tilespmem:s6], [sflag:$0x2] =	stream.linear.gather @!p0 [hbm4b:s0+s2], $0x80, $0x38;
	[tilespmem:$0xB300] =	vst v63  }
0x3c3: {  	p0 =	por p0, !p1  }
0x3c4: {  	_ =	swait.ge @p0 [sflag:s28], $0x2000  }
0x3c5: {  	v60 =	vld [tilespmem:$0x1FF10];
	_ =	sdelay $0x1  }
0x3c6: {  	v0 =	vlaneseq.u32;
	s6 =	simm.s32 $0x0  }
0x3c7: {  	v32 =	vxor.u32 s6, v0  }
0x3c8: {  	v0 =	vand.u32 $0xF, v32  }
0x3c9: {  	s14 =	sshll.u32 s31, $0x6;
	v1 =	vor.u32 v60, v0  }
0x3ca: {  	v15 =	vmov s14;
	[sflag:s28] =	ssyncset.done @p0 $0x0  }
0x3cb: {  	[sflag:s28] =	ssyncadd.s32 @p0 $0xFFFFE000;
	v2 =	vor.u32 v15, v0  }
0x3cc: {  	v3 =	vld [tilespmem:$0x3280];
	_ =	sdelay $0x1  }
0x3cd: {  	v1 =	vld.idx.msk [tilespmem:v1+s20+$0x0], $0xffff  }
0x3ce: {  	v49 =	vlaneseq.u32;
	v41 =	vmov v56;
	s2 =	simm.s32 $0x1;
	v56 =	vld [tilespmem:$0x3290]  }
0x3cf: {  	v31 =	vimm.f32 $8.000000000e+00;
	v29 =	vxor.u32 s2, v49;
	v2 =	vld.idx.msk [tilespmem:v2+s3+$0x0], $0xffff  }
0x3d0: {  	v51 =	vmovc v12;
	v5 =	vshll.u32 v32, $0x7;
	v6 =	vand.u32 $0xF, v29;
	v57 =	vld [tilespmem:$0x32B0];
	vm0 =	veq.s32 v3, $0x0  }
0x3d1: {  	v22 =	vmovc v16;
	v36 =	vmovc v59;
	v58 =	vor.u32 v49, v5;
	v59 =	vld [tilespmem:$0x32C0];
	v17 =	vor.u32 v60, v6;
	v16 =	vsel vm0, $0x0, v31  }
0x3d2: {  	v34 =	vor.u32 v51, v0;
	v26 =	vld [tilespmem:$0x32D0];
	v1 =	vmul.f32 v1, v16  }
0x3d3: {  	v20 =	vor.u32 v15, v6;
	v27 =	vld [tilespmem:$0x32E0]  }
0x3d4: {  	v28 =	vld [tilespmem:$0x32F0];
	v1 =	vadd.f32 v1, v2  }
0x3d5: {  	v3 =	vld [tilespmem:$0x32A0]  }
0x3d6: {  	[tilespmem:v58+s25+$0x0] =	vst.idx.msk $0xffff, v1;
	v1 =	vld.idx.msk [tilespmem:v17+s20+$0x0], $0xffff  }
0x3d7: {  	v8 =	vld.idx.msk [tilespmem:v34+s20+$0x0], $0xffff  }
0x3d8: {  	v30 =	vld.idx.msk [tilespmem:v20+s3+$0x0], $0xffff  }
0x3d9: {  	v4 =	vshll.u32 v29, $0x7  }
0x3da: {  	v35 =	vor.u32 v50, v5;
	vm9 =	veq.s32 v56, $0x0;
	v17 =	vor.u32 v49, v4  }
0x3db: {  	v20 =	vor.u32 v51, v6;
	v24 =	vsel vm9, $0x0, v31;
	v1 =	vmul.f32 v1, v16  }
0x3dc: {  	v21 =	vor.u32 v52, v0;
	v8 =	vmul.f32 v8, v24  }
0x3dd: {  	v1 =	vadd.f32 v1, v30  }
0x3de: {  	v8 =	vadd.f32 v8, v2  }
0x3df: {  	[tilespmem:v17+s25+$0x0] =	vst.idx.msk $0xffff, v1  }
0x3e0: {  	[tilespmem:v35+s25+$0x0] =	vst.idx.msk $0xffff, v8;
	v1 =	vld.idx.msk [tilespmem:v20+s20+$0x0], $0xffff  }
0x3e1: {  	v8 =	vld.idx.msk [tilespmem:v21+s20+$0x0], $0xffff;
	_ =	sdelay $0x2  }
0x3e2: {  	v38 =	vor.u32 v52, v6;
	vm10 =	veq.s32 v3, $0x0;
	v3 =	vor.u32 v50, v4  }
0x3e3: {  	v48 =	vmovc v25;
	v25 =	vsel vm10, $0x0, v31;
	v17 =	vor.u32 v53, v5;
	v1 =	vmul.f32 v1, v24  }
0x3e4: {  	v20 =	vor.u32 v54, v0;
	v8 =	vmul.f32 v8, v25  }
0x3e5: {  	v1 =	vadd.f32 v1, v30  }
0x3e6: {  	v8 =	vadd.f32 v8, v2  }
0x3e7: {  	[tilespmem:v3+s25+$0x0] =	vst.idx.msk $0xffff, v1  }
0x3e8: {  	[tilespmem:v17+s25+$0x0] =	vst.idx.msk $0xffff, v8;
	v1 =	vld.idx.msk [tilespmem:v38+s20+$0x0], $0xffff  }
0x3e9: {  	v3 =	vld.idx.msk [tilespmem:v20+s20+$0x0], $0xffff;
	_ =	sdelay $0x2  }
0x3ea: {  	v39 =	vor.u32 v53, v4;
	v40 =	vor.u32 v48, v5;
	vm11 =	veq.s32 v57, $0x0  }
0x3eb: {  	v14 =	vmovc v51;
	v51 =	vsel vm11, $0x0, v31;
	v17 =	vor.u32 v54, v6;
	v1 =	vmul.f32 v1, v25  }
0x3ec: {  	v42 =	vor.u32 v61, v0;
	v3 =	vmul.f32 v3, v51  }
0x3ed: {  	v1 =	vadd.f32 v1, v30  }
0x3ee: {  	v3 =	vadd.f32 v3, v2  }
0x3ef: {  	[tilespmem:v39+s25+$0x0] =	vst.idx.msk $0xffff, v1  }
0x3f0: {  	[tilespmem:v40+s25+$0x0] =	vst.idx.msk $0xffff, v3;
	v1 =	vld.idx.msk [tilespmem:v17+s20+$0x0], $0xffff  }
0x3f1: {  	v3 =	vld.idx.msk [tilespmem:v42+s20+$0x0], $0xffff;
	_ =	sdelay $0x2  }
0x3f2: {  	v43 =	vor.u32 v48, v4;
	v44 =	vor.u32 v41, v5;
	vm12 =	veq.s32 v59, $0x0  }
0x3f3: {  	v33 =	vmovc v13;
	v13 =	vsel vm12, $0x0, v31;
	v17 =	vor.u32 v61, v6;
	v1 =	vmul.f32 v1, v51  }
0x3f4: {  	v45 =	vor.u32 v22, v0;
	v3 =	vmul.f32 v3, v13  }
0x3f5: {  	v1 =	vadd.f32 v1, v30  }
0x3f6: {  	v3 =	vadd.f32 v3, v2  }
0x3f7: {  	[tilespmem:v43+s25+$0x0] =	vst.idx.msk $0xffff, v1  }
0x3f8: {  	[tilespmem:v44+s25+$0x0] =	vst.idx.msk $0xffff, v3;
	v1 =	vld.idx.msk [tilespmem:v17+s20+$0x0], $0xffff  }
0x3f9: {  	v3 =	vld.idx.msk [tilespmem:v45+s20+$0x0], $0xffff;
	_ =	sdelay $0x2  }
0x3fa: {  	v46 =	vor.u32 v41, v4;
	v47 =	vor.u32 v33, v5;
	vm13 =	veq.s32 v26, $0x0  }
0x3fb: {  	v19 =	vsel vm13, $0x0, v31;
	v17 =	vor.u32 v22, v6;
	v1 =	vmul.f32 v1, v13  }
0x3fc: {  	v49 =	vor.u32 v36, v0;
	v3 =	vmul.f32 v3, v19  }
0x3fd: {  	v1 =	vadd.f32 v1, v30  }
0x3fe: {  	v3 =	vadd.f32 v3, v2  }
0x3ff: {  	[tilespmem:v46+s25+$0x0] =	vst.idx.msk $0xffff, v1  }
0x400: {  	[tilespmem:v47+s25+$0x0] =	vst.idx.msk $0xffff, v3;
	v1 =	vld.idx.msk [tilespmem:v17+s20+$0x0], $0xffff  }
0x401: {  	v3 =	vld.idx.msk [tilespmem:v49+s20+$0x0], $0xffff;
	_ =	sdelay $0x1  }
0x402: {  	v37 =	vmov v10  }
0x403: {  	v11 =	vmovc v52;
	v52 =	vor.u32 v33, v4;
	vm14 =	veq.s32 v27, $0x0;
	v56 =	vor.u32 v37, v5  }
0x404: {  	v63 =	vmovc v53;
	v53 =	vmovc v22;
	v22 =	vsel vm14, $0x0, v31;
	v17 =	vor.u32 v36, v6;
	v1 =	vmul.f32 v1, v19  }
0x405: {  	v3 =	vmul.f32 v3, v22  }
0x406: {  	v0 =	vor.u32 v55, v0;
	v1 =	vadd.f32 v1, v30  }
0x407: {  	v3 =	vadd.f32 v3, v2  }
0x408: {  	[tilespmem:v52+s25+$0x0] =	vst.idx.msk $0xffff, v1  }
0x409: {  	[tilespmem:v56+s25+$0x0] =	vst.idx.msk $0xffff, v3;
	v1 =	vld.idx.msk [tilespmem:v17+s20+$0x0], $0xffff  }
0x40a: {  	v18 =	vld [tilespmem:$0x1FF20]  }
0x40b: {  	v0 =	vld.idx.msk [tilespmem:v0+s20+$0x0], $0xffff;
	_ =	sdelay $0x1  }
0x40c: {  	vm15 =	veq.s32 v28, $0x0;
	v57 =	vor.u32 $0x10, v32  }
0x40d: {  	v9 =	vsel vm15, $0x0, v31;
	v58 =	vor.u32 v37, v4;
	v40 =	vand.u32 $0x1F, v57  }
0x40e: {  	v6 =	vor.u32 v55, v6;
	v1 =	vmul.f32 v1, v22;
	v3 =	vor.u32 v18, v5  }
0x40f: {  	v26 =	vor.u32 v60, v40;
	v0 =	vmul.f32 v0, v9  }
0x410: {  	v1 =	vadd.f32 v1, v30  }
0x411: {  	v27 =	vor.u32 v15, v40;
	v0 =	vadd.f32 v0, v2  }
0x412: {  	[tilespmem:v58+s25+$0x0] =	vst.idx.msk $0xffff, v1  }
0x413: {  	[tilespmem:v3+s25+$0x0] =	vst.idx.msk $0xffff, v0;
	v0 =	vld.idx.msk [tilespmem:v6+s20+$0x0], $0xffff  }
0x414: {  	v1 =	vld.idx.msk [tilespmem:v26+s20+$0x0], $0xffff  }
0x415: {  	v59 =	vlaneseq.u32;
	v2 =	vshll.u32 v57, $0x7  }
0x416: {  	v35 =	vand.u32 $0x380, v5;
	v2 =	vand.u32 $0xC00, v2;
	v3 =	vor.u32 $0x10, v29;
	v26 =	vld.idx.msk [tilespmem:v27+s3+$0x0], $0xffff  }
0x417: {  	v39 =	vor.u32 v35, v2;
	v2 =	vor.u32 v18, v4;
	v38 =	vand.u32 $0x1F, v3  }
0x418: {  	v21 =	vmovc v61;
	v61 =	vor.u32 v59, v39;
	v34 =	vor.u32 v60, v38;
	v0 =	vmul.f32 v0, v9  }
0x419: {  	s6 =	simm.s32 $0x2;
	v42 =	vor.u32 v14, v40;
	v1 =	vmul.f32 v1, v16  }
0x41a: {  	v59 =	vxor.u32 s6, v59;
	v43 =	vor.u32 v15, v38;
	v0 =	vadd.f32 v0, v30  }
0x41b: {  	v10 =	vmov v36;
	v36 =	vand.u32 $0xF, v59;
	v1 =	vadd.f32 v1, v26  }
0x41c: {  	v27 =	vor.u32 v60, v36;
	[tilespmem:v2+s25+$0x0] =	vst.idx.msk $0xffff, v0  }
0x41d: {  	[tilespmem:v61+s25+$0x0] =	vst.idx.msk $0xffff, v1;
	v0 =	vld.idx.msk [tilespmem:v34+s20+$0x0], $0xffff  }
0x41e: {  	v3 =	vshll.u32 v3, $0x7;
	v1 =	vor.u32 v15, v36;
	v5 =	vld.idx.msk [tilespmem:v42+s20+$0x0], $0xffff  }
0x41f: {  	v3 =	vand.u32 $0x7FFFFC00, v3;
	v2 =	vld.idx.msk [tilespmem:v43+s3+$0x0], $0xffff;
	v43 =	vand.u32 $0x380, v4  }
0x420: {  	v52 =	vlaneseq.u32;
	v61 =	vmov v37;
	v37 =	vor.u32 v43, v3;
	[tilespmem:$0x1FB30] =	vst v43  }
0x421: {  	v3 =	vld.idx.msk [tilespmem:v27+s20+$0x0], $0xffff;
	v44 =	vor.u32 v52, v37  }
0x422: {  	v45 =	vor.u32 v50, v39;
	v46 =	vor.u32 v14, v38;
	v0 =	vmul.f32 v0, v16  }
0x423: {  	v28 =	vld.idx.msk [tilespmem:v1+s3+$0x0], $0xffff;
	v1 =	vor.u32 v11, v40;
	v5 =	vmul.f32 v5, v24  }
0x424: {  	v30 =	vshll.u32 v59, $0x7;
	v0 =	vadd.f32 v0, v2  }
0x425: {  	v47 =	vor.u32 v52, v30;
	v5 =	vadd.f32 v5, v26  }
0x426: {  	v27 =	vor.u32 v14, v36;
	v3 =	vmul.f32 v3, v16;
	[tilespmem:v44+s25+$0x0] =	vst.idx.msk $0xffff, v0  }
0x427: {  	[tilespmem:v45+s25+$0x0] =	vst.idx.msk $0xffff, v5;
	v0 =	vld.idx.msk [tilespmem:v46+s20+$0x0], $0xffff  }
0x428: {  	v3 =	vadd.f32 v3, v28;
	v1 =	vld.idx.msk [tilespmem:v1+s20+$0x0], $0xffff;
	_ =	sdelay $0x1  }
0x429: {  	[tilespmem:v47+s25+$0x0] =	vst.idx.msk $0xffff, v3  }
0x42a: {  	v49 =	vor.u32 v50, v37;
	v3 =	vld.idx.msk [tilespmem:v27+s20+$0x0], $0xffff  }
0x42b: {  	v56 =	vor.u32 v63, v39;
	v58 =	vor.u32 v11, v38;
	v0 =	vmul.f32 v0, v24  }
0x42c: {  	v34 =	vor.u32 v54, v40;
	v1 =	vmul.f32 v1, v25  }
0x42d: {  	s14 =	simm.s32 $0x3;
	v0 =	vadd.f32 v0, v2  }
0x42e: {  	v17 =	vmovc v41;
	v41 =	vor.u32 v50, v30;
	v44 =	vxor.u32 s14, v52;
	v1 =	vadd.f32 v1, v26  }
0x42f: {  	v27 =	vor.u32 v11, v36;
	v3 =	vmul.f32 v3, v24;
	[tilespmem:v49+s25+$0x0] =	vst.idx.msk $0xffff, v0;
	v0 =	vand.u32 $0xF, v44  }
0x430: {  	[tilespmem:v56+s25+$0x0] =	vst.idx.msk $0xffff, v1;
	v1 =	vld.idx.msk [tilespmem:v58+s20+$0x0], $0xffff;
	v49 =	vor.u32 v60, v0  }
0x431: {  	v3 =	vadd.f32 v3, v28;
	v5 =	vld.idx.msk [tilespmem:v34+s20+$0x0], $0xffff  }
0x432: {  	v56 =	vor.u32 v15, v0  }
0x433: {  	[tilespmem:v41+s25+$0x0] =	vst.idx.msk $0xffff, v3  }
0x434: {  	v58 =	vor.u32 v63, v37;
	v3 =	vld.idx.msk [tilespmem:v27+s20+$0x0], $0xffff  }
0x435: {  	v45 =	vor.u32 v48, v39;
	v27 =	vor.u32 v54, v38;
	v4 =	vld.idx.msk [tilespmem:v49+s20+$0x0], $0xffff;
	v1 =	vmul.f32 v1, v25  }
0x436: {  	v46 =	vor.u32 v21, v40;
	v5 =	vmul.f32 v5, v51  }
0x437: {  	v31 =	vshll.u32 v44, $0x7;
	v34 =	vld.idx.msk [tilespmem:v56+s3+$0x0], $0xffff;
	v1 =	vadd.f32 v1, v2  }
0x438: {  	v47 =	vor.u32 v54, v36;
	v49 =	vor.u32 v63, v30;
	[tilespmem:$0x1FB70] =	vst v44;
	v5 =	vadd.f32 v5, v26  }
0x439: {  	v3 =	vmul.f32 v3, v25;
	[tilespmem:v58+s25+$0x0] =	vst.idx.msk $0xffff, v1;
	v1 =	vor.u32 v52, v31  }
0x43a: {  	v58 =	vor.u32 v14, v0;
	[tilespmem:v45+s25+$0x0] =	vst.idx.msk $0xffff, v5;
	v56 =	vld.idx.msk [tilespmem:v27+s20+$0x0], $0xffff;
	v4 =	vmul.f32 v4, v16  }
0x43b: {  	v3 =	vadd.f32 v3, v28;
	v8 =	vld.idx.msk [tilespmem:v46+s20+$0x0], $0xffff  }
0x43c: {  	v4 =	vadd.f32 v4, v34  }
0x43d: {  	[tilespmem:v49+s25+$0x0] =	vst.idx.msk $0xffff, v3  }
0x43e: {  	v3 =	vld.idx.msk [tilespmem:v47+s20+$0x0], $0xffff;
	[tilespmem:v1+s25+$0x0] =	vst.idx.msk $0xffff, v4;
	v1 =	vor.u32 v48, v37  }
0x43f: {  	v45 =	vor.u32 v17, v39;
	v47 =	vor.u32 v21, v38;
	v46 =	vld.idx.msk [tilespmem:v58+s20+$0x0], $0xffff;
	v5 =	vmul.f32 v56, v51  }
0x440: {  	v27 =	vor.u32 v53, v40;
	v8 =	vmul.f32 v8, v13  }
0x441: {  	v5 =	vadd.f32 v5, v2  }
0x442: {  	v49 =	vor.u32 v21, v36;
	v56 =	vor.u32 v48, v30;
	v8 =	vadd.f32 v8, v26  }
0x443: {  	v3 =	vmul.f32 v3, v51;
	[tilespmem:v1+s25+$0x0] =	vst.idx.msk $0xffff, v5;
	v1 =	vor.u32 v50, v31  }
0x444: {  	[tilespmem:v45+s25+$0x0] =	vst.idx.msk $0xffff, v8;
	v58 =	vld.idx.msk [tilespmem:v47+s20+$0x0], $0xffff;
	v45 =	vmul.f32 v46, v24;
	v46 =	vor.u32 v11, v0  }
0x445: {  	v3 =	vadd.f32 v3, v28;
	v47 =	vld.idx.msk [tilespmem:v27+s20+$0x0], $0xffff  }
0x446: {  	v5 =	vadd.f32 v45, v34  }
0x447: {  	[tilespmem:v56+s25+$0x0] =	vst.idx.msk $0xffff, v3  }
0x448: {  	v23 =	vmov v50;
	v3 =	vld.idx.msk [tilespmem:v49+s20+$0x0], $0xffff;
	[tilespmem:v1+s25+$0x0] =	vst.idx.msk $0xffff, v5;
	v1 =	vor.u32 v17, v37  }
0x449: {  	v50 =	vor.u32 v53, v38;
	v49 =	vor.u32 v33, v39;
	v6 =	vld.idx.msk [tilespmem:v46+s20+$0x0], $0xffff;
	v4 =	vmul.f32 v58, v13  }
0x44a: {  	v27 =	vor.u32 v10, v40;
	v7 =	vmul.f32 v47, v19  }
0x44b: {  	v4 =	vadd.f32 v4, v2  }
0x44c: {  	v56 =	vor.u32 v17, v30;
	v58 =	vor.u32 v53, v36;
	v7 =	vadd.f32 v7, v26  }
0x44d: {  	v3 =	vmul.f32 v3, v13;
	[tilespmem:v1+s25+$0x0] =	vst.idx.msk $0xffff, v4;
	v1 =	vor.u32 v63, v31  }
0x44e: {  	v46 =	vor.u32 v54, v0;
	[tilespmem:v49+s25+$0x0] =	vst.idx.msk $0xffff, v7;
	v4 =	vld.idx.msk [tilespmem:v50+s20+$0x0], $0xffff;
	v45 =	vmul.f32 v6, v25  }
0x44f: {  	v3 =	vadd.f32 v3, v28;
	v7 =	vld.idx.msk [tilespmem:v27+s20+$0x0], $0xffff  }
0x450: {  	v5 =	vadd.f32 v45, v34  }
0x451: {  	[tilespmem:v56+s25+$0x0] =	vst.idx.msk $0xffff, v3  }
0x452: {  	v3 =	vld.idx.msk [tilespmem:v58+s20+$0x0], $0xffff;
	[tilespmem:v1+s25+$0x0] =	vst.idx.msk $0xffff, v5;
	v1 =	vor.u32 v33, v37  }
0x453: {  	v47 =	vor.u32 v61, v39;
	v49 =	vor.u32 v10, v38;
	v6 =	vld.idx.msk [tilespmem:v46+s20+$0x0], $0xffff;
	v4 =	vmul.f32 v4, v19  }
0x454: {  	v27 =	vor.u32 v55, v40;
	v7 =	vmul.f32 v7, v22  }
0x455: {  	v4 =	vadd.f32 v4, v2  }
0x456: {  	v50 =	vor.u32 v33, v30;
	v7 =	vadd.f32 v7, v26  }
0x457: {  	v3 =	vmul.f32 v3, v19;
	[tilespmem:v1+s25+$0x0] =	vst.idx.msk $0xffff, v4;
	v1 =	vor.u32 v48, v31  }
0x458: {  	v58 =	vor.u32 v21, v0;
	[tilespmem:v47+s25+$0x0] =	vst.idx.msk $0xffff, v7;
	v4 =	vld.idx.msk [tilespmem:v49+s20+$0x0], $0xffff;
	v56 =	vmul.f32 v6, v51  }
0x459: {  	v3 =	vadd.f32 v3, v28;
	v42 =	vld.idx.msk [tilespmem:v27+s20+$0x0], $0xffff  }
0x45a: {  	v41 =	vor.u32 v10, v36;
	v5 =	vadd.f32 v56, v34  }
0x45b: {  	v62 =	vmov v48;
	[tilespmem:v50+s25+$0x0] =	vst.idx.msk $0xffff, v3  }
0x45c: {  	v48 =	vor.u32 v55, v38;
	v27 =	vor.u32 $0x20, v32;
	[tilespmem:v1+s25+$0x0] =	vst.idx.msk $0xffff, v5;
	v1 =	vor.u32 v61, v37  }
0x45d: {  	v46 =	vand.u32 $0x2F, v27;
	v3 =	vor.u32 v18, v39;
	v5 =	vld.idx.msk [tilespmem:v58+s20+$0x0], $0xffff;
	v4 =	vmul.f32 v4, v22  }
0x45e: {  	v49 =	vor.u32 v60, v46;
	v8 =	vmul.f32 v42, v9  }
0x45f: {  	v7 =	vld.idx.msk [tilespmem:v41+s20+$0x0], $0xffff;
	v4 =	vadd.f32 v4, v2  }
0x460: {  	v50 =	vor.u32 v15, v46;
	v8 =	vadd.f32 v8, v26  }
0x461: {  	[tilespmem:v1+s25+$0x0] =	vst.idx.msk $0xffff, v4;
	v1 =	vor.u32 v17, v31  }
0x462: {  	v58 =	vor.u32 v53, v0;
	[tilespmem:v3+s25+$0x0] =	vst.idx.msk $0xffff, v8;
	v3 =	vld.idx.msk [tilespmem:v48+s20+$0x0], $0xffff;
	v56 =	vmul.f32 v5, v13  }
0x463: {  	v40 =	vor.u32 v61, v30;
	v27 =	vshll.u32 v27, $0x7;
	v8 =	vld.idx.msk [tilespmem:v49+s20+$0x0], $0xffff  }
0x464: {  	v27 =	vand.u32 $0x1400, v27;
	v7 =	vmul.f32 v7, v22;
	v4 =	vadd.f32 v56, v34  }
0x465: {  	v41 =	vor.u32 $0x20, v29;
	v45 =	vor.u32 v35, v27;
	v26 =	vor.u32 v55, v36;
	v36 =	vld.idx.msk [tilespmem:v50+s3+$0x0], $0xffff  }
0x466: {  	v7 =	vadd.f32 v7, v28;
	v50 =	vand.u32 $0x2F, v41;
	[tilespmem:v1+s25+$0x0] =	vst.idx.msk $0xffff, v4;
	v1 =	vor.u32 v18, v37  }
0x467: {  	v48 =	vor.u32 v52, v45;
	v27 =	vor.u32 v60, v50;
	v5 =	vld.idx.msk [tilespmem:v58+s20+$0x0], $0xffff;
	v3 =	vmul.f32 v3, v9  }
0x468: {  	v49 =	vor.u32 v14, v46;
	v8 =	vmul.f32 v8, v16  }
0x469: {  	[tilespmem:v40+s25+$0x0] =	vst.idx.msk $0xffff, v7;
	v2 =	vadd.f32 v3, v2;
	v3 =	vor.u32 v15, v50  }
0x46a: {  	v6 =	vld.idx.msk [tilespmem:v26+s20+$0x0], $0xffff;
	v56 =	vadd.f32 v8, v36  }
0x46b: {  	[tilespmem:v1+s25+$0x0] =	vst.idx.msk $0xffff, v2;
	v1 =	vor.u32 v33, v31  }
0x46c: {  	v42 =	vor.u32 v10, v0;
	[tilespmem:v48+s25+$0x0] =	vst.idx.msk $0xffff, v56;
	v2 =	vld.idx.msk [tilespmem:v27+s20+$0x0], $0xffff;
	v58 =	vmul.f32 v5, v19  }
0x46d: {  	v47 =	vor.u32 v18, v30;
	v8 =	vor.u32 $0x10, v59;
	v27 =	vshll.u32 v41, $0x7;
	v26 =	vld.idx.msk [tilespmem:v49+s20+$0x0], $0xffff  }
0x46e: {  	v48 =	vand.u32 $0x1F, v8;
	v56 =	vand.u32 $0x7FFFFC00, v27;
	v39 =	vld.idx.msk [tilespmem:v3+s3+$0x0], $0xffff;
	v3 =	vadd.f32 v58, v34  }
0x46f: {  	v6 =	vmul.f32 v6, v9;
	v27 =	vor.u32 v60, v48;
	v49 =	vor.u32 v43, v56  }
0x470: {  	v4 =	vor.u32 v15, v48;
	[tilespmem:v1+s25+$0x0] =	vst.idx.msk $0xffff, v3;
	v1 =	vor.u32 v52, v49  }
0x471: {  	s2 =	simm.s32 $0x4;
	v3 =	vadd.f32 v6, v28;
	v28 =	vor.u32 v14, v50;
	v5 =	vld.idx.msk [tilespmem:v42+s20+$0x0], $0xffff;
	v58 =	vmul.f32 v2, v16  }
0x472: {  	v20 =	vxor.u32 s2, v52;
	v37 =	vor.u32 v23, v45;
	v26 =	vmul.f32 v26, v24  }
0x473: {  	v40 =	vor.u32 v11, v46;
	v2 =	vand.u32 $0xF, v20;
	[tilespmem:v47+s25+$0x0] =	vst.idx.msk $0xffff, v3;
	v3 =	vadd.f32 v58, v39  }
0x474: {  	v0 =	vor.u32 v55, v0;
	v6 =	vor.u32 v60, v2;
	v47 =	vadd.f32 v26, v36;
	v26 =	vld.idx.msk [tilespmem:v27+s20+$0x0], $0xffff  }
0x475: {  	v8 =	vshll.u32 v8, $0x7;
	v38 =	vld.idx.msk [tilespmem:v4+s3+$0x0], $0xffff;
	[tilespmem:v1+s25+$0x0] =	vst.idx.msk $0xffff, v3;
	v1 =	vor.u32 v61, v31  }
0x476: {  	v58 =	vand.u32 $0x380, v30;
	v3 =	vand.u32 $0xC00, v8;
	v4 =	vld.idx.msk [tilespmem:v28+s20+$0x0], $0xffff;
	v5 =	vmul.f32 v5, v22  }
0x477: {  	v56 =	vor.u32 v15, v2;
	[tilespmem:v37+s25+$0x0] =	vst.idx.msk $0xffff, v47;
	v41 =	vor.u32 v58, v3  }
0x478: {  	v3 =	vld.idx.msk [tilespmem:v40+s20+$0x0], $0xffff;
	v47 =	vor.u32 v52, v41;
	v5 =	vadd.f32 v5, v34  }
0x479: {  	v27 =	vor.u32 v14, v48;
	v6 =	vld.idx.msk [tilespmem:v6+s20+$0x0], $0xffff;
	v26 =	vmul.f32 v26, v16  }
0x47a: {  	v57 =	vmov v55;
	v37 =	vshll.u32 v20, $0x7;
	[tilespmem:v1+s25+$0x0] =	vst.idx.msk $0xffff, v5;
	v1 =	vor.u32 v23, v49  }
0x47b: {  	v55 =	vadd.f32 v26, v38;
	v0 =	vld.idx.msk [tilespmem:v0+s20+$0x0], $0xffff;
	v4 =	vmul.f32 v4, v24;
	v26 =	vor.u32 v11, v50  }
0x47c: {  	v8 =	vor.u32 v63, v45;
	v28 =	vor.u32 v52, v37;
	v43 =	vld.idx.msk [tilespmem:v56+s3+$0x0], $0xffff  }
0x47d: {  	v3 =	vmul.f32 v3, v25;
	[tilespmem:v47+s25+$0x0] =	vst.idx.msk $0xffff, v55;
	v4 =	vadd.f32 v4, v39  }
0x47e: {  	v56 =	vmul.f32 v6, v16;
	v6 =	vor.u32 v54, v46;
	v7 =	vld.idx.msk [tilespmem:v27+s20+$0x0], $0xffff;
	v27 =	vor.u32 $0x10, v44  }
0x47f: {  	v47 =	vor.u32 v18, v31;
	v3 =	vadd.f32 v3, v36;
	[tilespmem:v1+s25+$0x0] =	vst.idx.msk $0xffff, v4;
	v42 =	vand.u32 $0x1F, v27  }
0x480: {  	v1 =	vld.idx.msk [tilespmem:v26+s20+$0x0], $0xffff;
	v0 =	vmul.f32 v0, v9;
	v55 =	vor.u32 v60, v42  }
0x481: {  	v5 =	vadd.f32 v56, v43;
	[tilespmem:v8+s25+$0x0] =	vst.idx.msk $0xffff, v3  }
0x482: {  	v3 =	vor.u32 v23, v41;
	v56 =	vor.u32 v15, v42;
	v0 =	vadd.f32 v0, v34  }
0x483: {  	v26 =	vor.u32 v14, v2;
	[tilespmem:v28+s25+$0x0] =	vst.idx.msk $0xffff, v5;
	v5 =	vld.idx.msk [tilespmem:v6+s20+$0x0], $0xffff;
	v7 =	vmul.f32 v7, v24  }
0x484: {  	[tilespmem:v47+s25+$0x0] =	vst.idx.msk $0xffff, v0;
	v0 =	vor.u32 v63, v49  }
0x485: {  	v28 =	vor.u32 v54, v50;
	v7 =	vadd.f32 v7, v38;
	v4 =	vld.idx.msk [tilespmem:v55+s20+$0x0], $0xffff;
	v1 =	vmul.f32 v1, v25  }
0x486: {  	v27 =	vshll.u32 v27, $0x7;
	v34 =	vor.u32 v11, v48;
	v55 =	vor.u32 v62, v45  }
0x487: {  	v30 =	vand.u32 $0x380, v31;
	v40 =	vld.idx.msk [tilespmem:v56+s3+$0x0], $0xffff;
	[tilespmem:v3+s25+$0x0] =	vst.idx.msk $0xffff, v7;
	v1 =	vadd.f32 v1, v39;
	v3 =	vand.u32 $0x7FFFFC00, v27  }
0x488: {  	v26 =	vld.idx.msk [tilespmem:v26+s20+$0x0], $0xffff;
	v56 =	vor.u32 v21, v46;
	v5 =	vmul.f32 v5, v51;
	v44 =	vor.u32 v30, v3  }
0x489: {  	[tilespmem:v0+s25+$0x0] =	vst.idx.msk $0xffff, v1;
	v0 =	vor.u32 v52, v44  }
0x48a: {  	v1 =	vadd.f32 v5, v36;
	v5 =	vor.u32 v14, v42;
	v3 =	vld.idx.msk [tilespmem:v28+s20+$0x0], $0xffff;
	v4 =	vmul.f32 v4, v16  }
0x48b: {  	v6 =	vld.idx.msk [tilespmem:v34+s20+$0x0], $0xffff  }
0x48c: {  	v34 =	vor.u32 v23, v37;
	[tilespmem:v55+s25+$0x0] =	vst.idx.msk $0xffff, v1;
	v1 =	vadd.f32 v4, v40  }
0x48d: {  	v27 =	vor.u32 v63, v41;
	v26 =	vmul.f32 v26, v24;
	v55 =	vld.idx.msk [tilespmem:v56+s20+$0x0], $0xffff  }
0x48e: {  	v56 =	vor.u32 v11, v2;
	[tilespmem:v0+s25+$0x0] =	vst.idx.msk $0xffff, v1;
	v0 =	vor.u32 v62, v49  }
0x48f: {  	v1 =	vadd.f32 v26, v43;
	v26 =	vor.u32 v21, v50;
	v5 =	vld.idx.msk [tilespmem:v5+s20+$0x0], $0xffff;
	v3 =	vmul.f32 v3, v51  }
0x490: {  	v28 =	vor.u32 v54, v48;
	v6 =	vmul.f32 v6, v25  }
0x491: {  	[tilespmem:v34+s25+$0x0] =	vst.idx.msk $0xffff, v1;
	v1 =	vor.u32 v17, v45;
	v3 =	vadd.f32 v3, v39  }
0x492: {  	v6 =	vadd.f32 v6, v38;
	v34 =	vor.u32 v53, v46;
	v4 =	vmul.f32 v55, v13  }
0x493: {  	v7 =	vld.idx.msk [tilespmem:v56+s20+$0x0], $0xffff;
	[tilespmem:v0+s25+$0x0] =	vst.idx.msk $0xffff, v3;
	v0 =	vor.u32 v23, v44  }
0x494: {  	[tilespmem:v27+s25+$0x0] =	vst.idx.msk $0xffff, v6;
	v3 =	vadd.f32 v4, v36;
	v47 =	vld.idx.msk [tilespmem:v26+s20+$0x0], $0xffff;
	v5 =	vmul.f32 v5, v24  }
0x495: {  	v6 =	vld.idx.msk [tilespmem:v28+s20+$0x0], $0xffff;
	v26 =	vor.u32 v11, v42  }
0x496: {  	s6 =	simm.s32 $0x5;
	[tilespmem:v1+s25+$0x0] =	vst.idx.msk $0xffff, v3;
	v1 =	vadd.f32 v5, v40  }
0x497: {  	v12 =	vmovc v54;
	v3 =	vor.u32 v54, v2;
	v5 =	vor.u32 v63, v37;
	v8 =	vld.idx.msk [tilespmem:v34+s20+$0x0], $0xffff;
	v34 =	vxor.u32 s6, v52  }
0x498: {  	v7 =	vmul.f32 v7, v25;
	v54 =	vand.u32 $0xF, v34;
	[tilespmem:v0+s25+$0x0] =	vst.idx.msk $0xffff, v1;
	v0 =	vor.u32 v17, v49  }
0x499: {  	v27 =	vor.u32 v62, v41;
	v28 =	vor.u32 v60, v54;
	[tilespmem:$0x1FBD0] =	vst v34;
	v4 =	vmul.f32 v47, v13  }
0x49a: {  	v6 =	vmul.f32 v6, v51;
	v7 =	vadd.f32 v7, v43;
	v1 =	vld.idx.msk [tilespmem:v26+s20+$0x0], $0xffff;
	v26 =	vor.u32 v53, v50  }
0x49b: {  	v56 =	vor.u32 v21, v48;
	v4 =	vadd.f32 v4, v39  }
0x49c: {  	v55 =	vmov v53;
	v6 =	vadd.f32 v6, v38;
	[tilespmem:v5+s25+$0x0] =	vst.idx.msk $0xffff, v7;
	v8 =	vmul.f32 v8, v19  }
0x49d: {  	v5 =	vor.u32 v33, v45;
	v7 =	vor.u32 v15, v54;
	v3 =	vld.idx.msk [tilespmem:v3+s20+$0x0], $0xffff;
	[tilespmem:v0+s25+$0x0] =	vst.idx.msk $0xffff, v4  }
0x49e: {  	v0 =	vor.u32 v63, v44;
	v4 =	vor.u32 v10, v46;
	v53 =	vadd.f32 v8, v36;
	v8 =	vld.idx.msk [tilespmem:v28+s20+$0x0], $0xffff  }
0x49f: {  	[tilespmem:v27+s25+$0x0] =	vst.idx.msk $0xffff, v6;
	v26 =	vld.idx.msk [tilespmem:v26+s20+$0x0], $0xffff;
	v1 =	vmul.f32 v1, v25  }
0x4a0: {  	v27 =	vor.u32 v12, v42;
	v28 =	vld.idx.msk [tilespmem:v56+s20+$0x0], $0xffff;
	v56 =	vor.u32 v18, v37  }
0x4a1: {  	v47 =	vshll.u32 v34, $0x7;
	v34 =	vmov v55;
	[tilespmem:$0x1FBB0] =	vst v56;
	v1 =	vadd.f32 v1, v40  }
0x4a2: {  	v55 =	vor.u32 v55, v48;
	[tilespmem:v5+s25+$0x0] =	vst.idx.msk $0xffff, v53;
	v53 =	vld.idx.msk [tilespmem:v7+s3+$0x0], $0xffff;
	v5 =	vor.u32 v62, v37  }
0x4a3: {  	v3 =	vmul.f32 v3, v51;
	[tilespmem:v0+s25+$0x0] =	vst.idx.msk $0xffff, v1;
	v0 =	vor.u32 v33, v49;
	v1 =	vld.idx.msk [tilespmem:v4+s20+$0x0], $0xffff  }
0x4a4: {  	v31 =	vmovc v17;
	v7 =	vor.u32 v10, v50;
	v4 =	vor.u32 v52, v47;
	v6 =	vmul.f32 v26, v19  }
0x4a5: {  	v8 =	vmul.f32 v8, v16;
	v3 =	vadd.f32 v3, v43;
	v26 =	vld.idx.msk [tilespmem:v27+s20+$0x0], $0xffff;
	v27 =	vor.u32 v14, v54  }
0x4a6: {  	v56 =	vor.u32 v31, v41;
	v52 =	vor.u32 v21, v2;
	v6 =	vadd.f32 v6, v39  }
0x4a7: {  	[tilespmem:v5+s25+$0x0] =	vst.idx.msk $0xffff, v3;
	v3 =	vadd.f32 v8, v53;
	v8 =	vmul.f32 v28, v13  }
0x4a8: {  	v5 =	vor.u32 v61, v45;
	[tilespmem:v0+s25+$0x0] =	vst.idx.msk $0xffff, v6;
	v0 =	vmul.f32 v1, v22  }
0x4a9: {  	v1 =	vor.u32 v57, v46;
	[tilespmem:v4+s25+$0x0] =	vst.idx.msk $0xffff, v3;
	v4 =	vadd.f32 v8, v38;
	v3 =	vld.idx.msk [tilespmem:v7+s20+$0x0], $0xffff  }
0x4aa: {  	v6 =	vor.u32 v62, v44;
	v7 =	vld.idx.msk [tilespmem:v27+s20+$0x0], $0xffff;
	v46 =	vadd.f32 v0, v36;
	v0 =	vor.u32 v57, v2  }
0x4ab: {  	v52 =	vld.idx.msk [tilespmem:v52+s20+$0x0], $0xffff;
	v8 =	vmul.f32 v26, v51;
	v27 =	vor.u32 v21, v42;
	[tilespmem:$0x1FB90] =	vst v0  }
0x4ac: {  	v28 =	vor.u32 $0x30, v32;
	v32 =	vor.u32 v31, v37;
	v45 =	vor.u32 v18, v45;
	[tilespmem:v56+s25+$0x0] =	vst.idx.msk $0xffff, v4  }
0x4ad: {  	v8 =	vadd.f32 v8, v40;
	[tilespmem:v5+s25+$0x0] =	vst.idx.msk $0xffff, v46;
	v5 =	vor.u32 v61, v49;
	v55 =	vld.idx.msk [tilespmem:v55+s20+$0x0], $0xffff  }
0x4ae: {  	v26 =	vor.u32 v61, v37;
	v4 =	vor.u32 v10, v2;
	v1 =	vld.idx.msk [tilespmem:v1+s20+$0x0], $0xffff;
	v3 =	vmul.f32 v3, v22  }
0x4af: {  	[tilespmem:v6+s25+$0x0] =	vst.idx.msk $0xffff, v8;
	v6 =	vor.u32 v23, v47;
	v7 =	vmul.f32 v7, v24  }
0x4b0: {  	v0 =	vmov v61;
	v8 =	vld.idx.msk [tilespmem:v27+s20+$0x0], $0xffff;
	v27 =	vor.u32 v57, v50;
	v3 =	vadd.f32 v3, v39  }
0x4b1: {  	v61 =	vmovc v57;
	v50 =	vor.u32 v11, v54;
	v57 =	vor.u32 v33, v41;
	v7 =	vadd.f32 v7, v53  }
0x4b2: {  	v55 =	vmul.f32 v55, v19;
	[tilespmem:v5+s25+$0x0] =	vst.idx.msk $0xffff, v3;
	v3 =	vor.u32 v10, v48  }
0x4b3: {  	v17 =	vmovc v10;
	v2 =	vor.u32 v34, v2;
	v5 =	vmul.f32 v52, v13;
	v1 =	vmul.f32 v1, v9  }
0x4b4: {  	v46 =	vand.u32 $0x3F, v28;
	[tilespmem:v6+s25+$0x0] =	vst.idx.msk $0xffff, v7;
	v7 =	vor.u32 v31, v44;
	v6 =	vadd.f32 v55, v38  }
0x4b5: {  	v56 =	vor.u32 v60, v46;
	v27 =	vld.idx.msk [tilespmem:v27+s20+$0x0], $0xffff;
	v8 =	vmul.f32 v8, v13;
	v1 =	vadd.f32 v1, v36  }
0x4b6: {  	v52 =	vor.u32 v15, v46;
	v36 =	vld.idx.msk [tilespmem:v50+s20+$0x0], $0xffff;
	v5 =	vadd.f32 v5, v43;
	[tilespmem:v57+s25+$0x0] =	vst.idx.msk $0xffff, v6  }
0x4b7: {  	v10 =	vmov v9;
	v55 =	vshll.u32 v28, $0x7;
	v8 =	vadd.f32 v8, v40;
	[tilespmem:v45+s25+$0x0] =	vst.idx.msk $0xffff, v1;
	v1 =	vld.idx.msk [tilespmem:v3+s20+$0x0], $0xffff  }
0x4b8: {  	v9 =	vmovc v61;
	v50 =	vor.u32 v34, v42;
	v28 =	vor.u32 $0x30, v29;
	[tilespmem:v32+s25+$0x0] =	vst.idx.msk $0xffff, v5;
	v5 =	vand.u32 $0x1C00, v55  }
0x4b9: {  	v3 =	vor.u32 v61, v48;
	[tilespmem:v7+s25+$0x0] =	vst.idx.msk $0xffff, v8;
	v7 =	vor.u32 v18, v49;
	v61 =	vand.u32 $0x3F, v28  }
0x4ba: {  	v8 =	vor.u32 v63, v47;
	v32 =	vor.u32 v35, v5;
	v27 =	vmul.f32 v27, v10  }
0x4bb: {  	v45 =	vld.idx.msk [tilespmem:v56+s20+$0x0], $0xffff;
	v5 =	vor.u32 v0, v41;
	v48 =	vor.u32 v60, v61;
	v36 =	vmul.f32 v36, v25  }
0x4bc: {  	v29 =	vld.idx.msk [tilespmem:v52+s3+$0x0], $0xffff;
	v27 =	vadd.f32 v27, v39;
	v1 =	vmul.f32 v1, v22  }
0x4bd: {  	v49 =	vld.idx.msk [tilespmem:v50+s20+$0x0], $0xffff;
	v50 =	vor.u32 v12, v54;
	v36 =	vadd.f32 v36, v53  }
0x4be: {  	v2 =	vld.idx.msk [tilespmem:v2+s20+$0x0], $0xffff;
	[tilespmem:v7+s25+$0x0] =	vst.idx.msk $0xffff, v27;
	v1 =	vadd.f32 v1, v38  }
0x4bf: {  	v6 =	vor.u32 v33, v37;
	v57 =	vmovc v33;
	v55 =	vlaneseq.u32;
	v33 =	vor.u32 v15, v61;
	[tilespmem:v8+s25+$0x0] =	vst.idx.msk $0xffff, v36  }
0x4c0: {  	v39 =	vor.u32 v55, v32;
	v8 =	vld.idx.msk [tilespmem:v48+s20+$0x0], $0xffff;
	[tilespmem:v5+s25+$0x0] =	vst.idx.msk $0xffff, v1  }
0x4c1: {  	v45 =	vmul.f32 v45, v16;
	v7 =	vor.u32 v57, v44;
	v5 =	vld [tilespmem:$0x1FB30]  }
0x4c2: {  	v27 =	vld.idx.msk [tilespmem:v50+s20+$0x0], $0xffff;
	v48 =	vmul.f32 v49, v19  }
0x4c3: {  	v52 =	vor.u32 v14, v46;
	v2 =	vmul.f32 v2, v19;
	v45 =	vadd.f32 v45, v29  }
0x4c4: {  	s14 =	simm.s32 $0x6;
	v56 =	vor.u32 v17, v42;
	v28 =	vshll.u32 v28, $0x7;
	v33 =	vld.idx.msk [tilespmem:v33+s3+$0x0], $0xffff;
	v1 =	vadd.f32 v48, v40  }
0x4c5: {  	v28 =	vand.u32 $0x7FFFFC00, v28;
	v36 =	vxor.u32 s14, v55;
	v2 =	vadd.f32 v2, v43;
	v3 =	vld.idx.msk [tilespmem:v3+s20+$0x0], $0xffff;
	[tilespmem:v39+s25+$0x0] =	vst.idx.msk $0xffff, v45  }
0x4c6: {  	v45 =	vshll.u32 v36, $0x7;
	v8 =	vmul.f32 v8, v16;
	[tilespmem:v7+s25+$0x0] =	vst.idx.msk $0xffff, v1;
	v35 =	vor.u32 v5, v28  }
0x4c7: {  	v1 =	vmul.f32 v27, v51;
	v27 =	vor.u32 v23, v45;
	v5 =	vor.u32 v55, v35  }
0x4c8: {  	v39 =	vor.u32 v62, v47;
	v28 =	vld.idx.msk [tilespmem:v52+s20+$0x0], $0xffff;
	v52 =	vor.u32 v14, v61;
	[tilespmem:$0x1FC20] =	vst v27  }
0x4c9: {  	v8 =	vadd.f32 v8, v33;
	[tilespmem:$0x1FB40] =	vst v59;
	v55 =	vor.u32 v21, v54  }
0x4ca: {  	v1 =	vadd.f32 v1, v53;
	v27 =	vor.u32 $0x20, v59;
	v49 =	vld.idx.msk [tilespmem:v56+s20+$0x0], $0xffff;
	[tilespmem:v6+s25+$0x0] =	vst.idx.msk $0xffff, v2  }
0x4cb: {  	v3 =	vmul.f32 v3, v10;
	v59 =	vand.u32 $0x2F, v27;
	v2 =	vor.u32 v18, v41;
	v4 =	vld.idx.msk [tilespmem:v4+s20+$0x0], $0xffff  }
0x4cc: {  	v6 =	vor.u32 v23, v32;
	[tilespmem:v5+s25+$0x0] =	vst.idx.msk $0xffff, v8;
	v5 =	vor.u32 v60, v59  }
0x4cd: {  	[tilespmem:v39+s25+$0x0] =	vst.idx.msk $0xffff, v1;
	v8 =	vmul.f32 v28, v24;
	v28 =	vor.u32 v11, v46;
	v1 =	vld.idx.msk [tilespmem:v52+s20+$0x0], $0xffff  }
0x4ce: {  	v42 =	vor.u32 v9, v42;
	v41 =	vor.u32 v15, v59;
	v3 =	vadd.f32 v3, v38;
	v7 =	vld.idx.msk [tilespmem:v55+s20+$0x0], $0xffff  }
0x4cf: {  	v50 =	vor.u32 v0, v44;
	v52 =	vmul.f32 v49, v22;
	v8 =	vadd.f32 v8, v29  }
0x4d0: {  	[tilespmem:v2+s25+$0x0] =	vst.idx.msk $0xffff, v3;
	v2 =	vshll.u32 v27, $0x7;
	v27 =	vor.u32 v11, v61;
	v4 =	vmul.f32 v4, v22  }
0x4d1: {  	v3 =	vadd.f32 v52, v40;
	[tilespmem:v6+s25+$0x0] =	vst.idx.msk $0xffff, v8;
	v6 =	vor.u32 v23, v35;
	v5 =	vld.idx.msk [tilespmem:v5+s20+$0x0], $0xffff  }
0x4d2: {  	v8 =	vor.u32 v31, v47;
	v28 =	vld.idx.msk [tilespmem:v28+s20+$0x0], $0xffff;
	[tilespmem:$0x1FB50] =	vst v36;
	v1 =	vmul.f32 v1, v24  }
0x4d3: {  	v49 =	vor.u32 v34, v54;
	v2 =	vand.u32 $0x1400, v2;
	v7 =	vmul.f32 v7, v13;
	v38 =	vld.idx.msk [tilespmem:v41+s3+$0x0], $0xffff  }
0x4d4: {  	v55 =	vmovc v0;
	v0 =	vlaneseq.u32;
	[tilespmem:v50+s25+$0x0] =	vst.idx.msk $0xffff, v3;
	v41 =	vor.u32 v58, v2;
	v1 =	vadd.f32 v1, v33  }
0x4d5: {  	v50 =	vld.idx.msk [tilespmem:v42+s20+$0x0], $0xffff;
	[tilespmem:$0x1FB60] =	vst v58;
	v2 =	vadd.f32 v7, v53;
	v39 =	vor.u32 v0, v41  }
0x4d6: {  	[tilespmem:v6+s25+$0x0] =	vst.idx.msk $0xffff, v1;
	v1 =	vadd.f32 v4, v43;
	v48 =	vmul.f32 v5, v16  }
0x4d7: {  	[tilespmem:v8+s25+$0x0] =	vst.idx.msk $0xffff, v2;
	v2 =	vld.idx.msk [tilespmem:v27+s20+$0x0], $0xffff  }
0x4d8: {  	v8 =	vld [tilespmem:$0x1FB70];
	[tilespmem:v26+s25+$0x0] =	vst.idx.msk $0xffff, v1;
	v4 =	vadd.f32 v48, v38  }
0x4d9: {  	v27 =	vld.idx.msk [tilespmem:v49+s20+$0x0], $0xffff;
	[tilespmem:$0x1FB80] =	vst v20  }
0x4da: {  	v36 =	vand.u32 $0xF, v36;
	[tilespmem:v39+s25+$0x0] =	vst.idx.msk $0xffff, v4  }
0x4db: {  	v56 =	vor.u32 v0, v45;
	v3 =	vor.u32 v15, v36;
	v0 =	vld [tilespmem:$0x1FB90]  }
0x4dc: {  	v7 =	vor.u32 v14, v59;
	v6 =	vor.u32 v63, v32  }
0x4dd: {  	v5 =	vor.u32 v12, v46;
	v1 =	vmul.f32 v28, v25;
	v8 =	vor.u32 $0x20, v8  }
0x4de: {  	v26 =	vor.u32 v18, v44;
	v28 =	vmul.f32 v50, v10;
	v42 =	vand.u32 $0x2F, v8  }
0x4df: {  	v4 =	vor.u32 v63, v35;
	v1 =	vadd.f32 v1, v29;
	v44 =	vor.u32 v60, v42  }
0x4e0: {  	v50 =	vor.u32 v57, v47;
	v48 =	vld.idx.msk [tilespmem:v3+s3+$0x0], $0xffff;
	v2 =	vmul.f32 v2, v25;
	v57 =	vor.u32 v15, v42  }
0x4e1: {  	v28 =	vadd.f32 v28, v40;
	v7 =	vld.idx.msk [tilespmem:v7+s20+$0x0], $0xffff;
	v27 =	vmul.f32 v27, v19;
	[tilespmem:v6+s25+$0x0] =	vst.idx.msk $0xffff, v1  }
0x4e2: {  	v5 =	vld.idx.msk [tilespmem:v5+s20+$0x0], $0xffff;
	v2 =	vadd.f32 v2, v33  }
0x4e3: {  	[tilespmem:v26+s25+$0x0] =	vst.idx.msk $0xffff, v28;
	v26 =	vadd.f32 v27, v53;
	v0 =	vld.idx.msk [tilespmem:v0+s20+$0x0], $0xffff  }
0x4e4: {  	v8 =	vshll.u32 v8, $0x7;
	[tilespmem:v4+s25+$0x0] =	vst.idx.msk $0xffff, v2;
	v28 =	vld.idx.msk [tilespmem:v44+s20+$0x0], $0xffff  }
0x4e5: {  	v58 =	vor.u32 v60, v36;
	v49 =	vor.u32 $0x10, v20;
	v8 =	vand.u32 $0x7FFFFC00, v8;
	[tilespmem:v50+s25+$0x0] =	vst.idx.msk $0xffff, v26;
	v20 =	vld.idx.msk [tilespmem:v57+s3+$0x0], $0xffff  }
0x4e6: {  	v40 =	vor.u32 v30, v8;
	v2 =	vor.u32 v12, v61;
	[tilespmem:$0x1FBA0] =	vst v30;
	v30 =	vld [tilespmem:$0x1FBB0]  }
0x4e7: {  	v52 =	vand.u32 $0x1F, v49;
	v49 =	vshll.u32 v49, $0x7  }
0x4e8: {  	v39 =	vor.u32 v62, v32;
	v26 =	vor.u32 v23, v41;
	v44 =	vor.u32 v17, v54  }
0x4e9: {  	v1 =	vor.u32 v11, v59;
	v27 =	vor.u32 v60, v52;
	v7 =	vmul.f32 v7, v24  }
0x4ea: {  	v50 =	vlaneseq.u32;
	v5 =	vmul.f32 v5, v51;
	v3 =	vld.idx.msk [tilespmem:v58+s20+$0x0], $0xffff;
	v0 =	vmul.f32 v0, v10  }
0x4eb: {  	v6 =	vor.u32 v15, v52;
	v8 =	vor.u32 v50, v40;
	v7 =	vadd.f32 v7, v38;
	v2 =	vld.idx.msk [tilespmem:v2+s20+$0x0], $0xffff  }
0x4ec: {  	v57 =	vor.u32 v63, v41;
	v5 =	vadd.f32 v5, v29;
	v0 =	vadd.f32 v0, v43  }
0x4ed: {  	v58 =	vor.u32 v21, v46;
	[tilespmem:v26+s25+$0x0] =	vst.idx.msk $0xffff, v7;
	v28 =	vmul.f32 v28, v16;
	v4 =	vld.idx.msk [tilespmem:v44+s20+$0x0], $0xffff  }
0x4ee: {  	v7 =	vor.u32 v21, v61;
	[tilespmem:v30+s25+$0x0] =	vst.idx.msk $0xffff, v0;
	v0 =	vor.u32 v14, v42;
	v30 =	vand.u32 $0x380, v37  }
0x4ef: {  	v3 =	vmul.f32 v3, v16;
	v43 =	vand.u32 $0xC00, v49;
	v49 =	vadd.f32 v28, v20;
	v26 =	vld.idx.msk [tilespmem:v27+s20+$0x0], $0xffff;
	[tilespmem:$0x1FBC0] =	vst v30  }
0x4f0: {  	v2 =	vmul.f32 v2, v51;
	[tilespmem:v39+s25+$0x0] =	vst.idx.msk $0xffff, v5;
	v1 =	vld.idx.msk [tilespmem:v1+s20+$0x0], $0xffff;
	v5 =	vor.u32 v62, v35  }
0x4f1: {  	v3 =	vadd.f32 v3, v48;
	[tilespmem:v8+s25+$0x0] =	vst.idx.msk $0xffff, v49;
	v49 =	vld.idx.msk [tilespmem:v6+s3+$0x0], $0xffff;
	v6 =	vor.u32 v55, v47  }
0x4f2: {  	v2 =	vadd.f32 v2, v33;
	v44 =	vor.u32 v30, v43;
	v4 =	vmul.f32 v4, v22;
	v28 =	vld.idx.msk [tilespmem:v58+s20+$0x0], $0xffff  }
0x4f3: {  	v27 =	vor.u32 v14, v52;
	v8 =	vor.u32 v9, v54;
	v43 =	vor.u32 v50, v44;
	v0 =	vld.idx.msk [tilespmem:v0+s20+$0x0], $0xffff  }
0x4f4: {  	[tilespmem:v56+s25+$0x0] =	vst.idx.msk $0xffff, v3;
	v4 =	vadd.f32 v4, v53;
	v3 =	vmul.f32 v26, v16  }
0x4f5: {  	v1 =	vmul.f32 v1, v25;
	[tilespmem:v5+s25+$0x0] =	vst.idx.msk $0xffff, v2  }
0x4f6: {  	v37 =	vmov v9;
	v26 =	vor.u32 v12, v59;
	[tilespmem:v6+s25+$0x0] =	vst.idx.msk $0xffff, v4;
	v2 =	vadd.f32 v3, v49  }
0x4f7: {  	v6 =	vor.u32 v11, v42;
	v3 =	vor.u32 v23, v40;
	v58 =	vld.idx.msk [tilespmem:v7+s20+$0x0], $0xffff;
	v1 =	vadd.f32 v1, v38  }
0x4f8: {  	v5 =	vld.idx.msk [tilespmem:v8+s20+$0x0], $0xffff;
	v0 =	vmul.f32 v0, v24;
	[tilespmem:v43+s25+$0x0] =	vst.idx.msk $0xffff, v2;
	v2 =	vmul.f32 v28, v13  }
0x4f9: {  	v7 =	vor.u32 v31, v32;
	v8 =	vor.u32 v14, v36;
	v27 =	vld.idx.msk [tilespmem:v27+s20+$0x0], $0xffff;
	[tilespmem:v57+s25+$0x0] =	vst.idx.msk $0xffff, v1  }
0x4fa: {  	v9 =	vmovc v31;
	v0 =	vadd.f32 v0, v20;
	v1 =	vadd.f32 v2, v29;
	v2 =	vor.u32 v31, v35;
	v31 =	vld [tilespmem:$0x1FBD0]  }
0x4fb: {  	v30 =	vmov v34;
	v43 =	vor.u32 v34, v46  }
0x4fc: {  	v34 =	vmov v36;
	v36 =	vor.u32 v30, v61;
	v4 =	vmul.f32 v58, v13;
	[tilespmem:v3+s25+$0x0] =	vst.idx.msk $0xffff, v0  }
0x4fd: {  	v26 =	vld.idx.msk [tilespmem:v26+s20+$0x0], $0xffff;
	v58 =	vor.u32 v18, v47;
	v0 =	vmul.f32 v5, v10;
	[tilespmem:$0x1FBE0] =	vst v10  }
0x4fe: {  	v3 =	vld.idx.msk [tilespmem:v6+s20+$0x0], $0xffff;
	[tilespmem:v7+s25+$0x0] =	vst.idx.msk $0xffff, v1;
	v1 =	vadd.f32 v4, v33;
	v4 =	vor.u32 v23, v44  }
0x4ff: {  	v39 =	vmov v55;
	v18 =	vld.idx.msk [tilespmem:v8+s20+$0x0], $0xffff;
	v56 =	vmul.f32 v27, v24;
	v55 =	vor.u32 $0x10, v31  }
0x500: {  	v7 =	vor.u32 v11, v52;
	v0 =	vadd.f32 v0, v53;
	v54 =	vand.u32 $0x1F, v55;
	[tilespmem:v2+s25+$0x0] =	vst.idx.msk $0xffff, v1  }
0x501: {  	v1 =	vor.u32 v62, v41;
	v8 =	vadd.f32 v56, v49;
	v27 =	vor.u32 v60, v54;
	[tilespmem:$0x1FBF0] =	vst v15  }
0x502: {  	v2 =	vor.u32 v15, v54;
	v15 =	vld.idx.msk [tilespmem:v43+s20+$0x0], $0xffff;
	[tilespmem:v58+s25+$0x0] =	vst.idx.msk $0xffff, v0;
	v0 =	vmul.f32 v26, v51  }
0x503: {  	v26 =	vor.u32 v63, v40;
	v6 =	vld.idx.msk [tilespmem:v36+s20+$0x0], $0xffff;
	[tilespmem:v4+s25+$0x0] =	vst.idx.msk $0xffff, v8  }
0x504: {  	v3 =	vmul.f32 v3, v25;
	v0 =	vadd.f32 v0, v38;
	v10 =	vld [tilespmem:$0x1FFD0]  }
0x505: {  	v43 =	vand.u32 $0x380, v47;
	v47 =	vld.idx.msk [tilespmem:v7+s20+$0x0], $0xffff  }
0x506: {  	v3 =	vadd.f32 v3, v20;
	v8 =	vld.idx.msk [tilespmem:v27+s20+$0x0], $0xffff;
	[tilespmem:v1+s25+$0x0] =	vst.idx.msk $0xffff, v0  }
0x507: {  	v53 =	vld.idx.msk [tilespmem:v2+s3+$0x0], $0xffff;
	[tilespmem:$0x1FC00] =	vst v43  }
0x508: {  	[tilespmem:v26+s25+$0x0] =	vst.idx.msk $0xffff, v3  }
0x509: {  	v60 =	vld [tilespmem:$0x1FC20];
	_ =	sdelay $0x1  }
0x50a: {  	v31 =	vor.u32 v12, v42;
	_ =	sdelay $0x1  }
0x50b: {  	v28 =	vor.u32 v17, v46;
	v5 =	vmul.f32 v18, v24  }
0x50c: {  	v55 =	vshll.u32 v55, $0x7;
	v4 =	vor.u32 v21, v59;
	v27 =	vor.u32 v10, v32  }
0x50d: {  	v0 =	vand.u32 $0x7FFFFC00, v55;
	v2 =	vadd.f32 v5, v48;
	v1 =	vmul.f32 v15, v19  }
0x50e: {  	v46 =	vor.u32 v37, v46;
	v55 =	vor.u32 v43, v0;
	v58 =	vld.idx.msk [tilespmem:v31+s20+$0x0], $0xffff;
	[tilespmem:$0x1FC10] =	vst v19  }
0x50f: {  	v50 =	vlaneseq.u32;
	v0 =	vor.u32 v10, v35;
	v1 =	vadd.f32 v1, v29;
	[tilespmem:v60+s25+$0x0] =	vst.idx.msk $0xffff, v2  }
0x510: {  	v6 =	vmul.f32 v6, v19;
	v3 =	vor.u32 v50, v55;
	v26 =	vor.u32 v17, v61;
	[tilespmem:$0x1FC30] =	vst v16  }
0x511: {  	v18 =	vor.u32 v14, v54;
	v2 =	vmul.f32 v8, v16;
	v4 =	vld.idx.msk [tilespmem:v4+s20+$0x0], $0xffff;
	[tilespmem:v27+s25+$0x0] =	vst.idx.msk $0xffff, v1  }
0x512: {  	v6 =	vadd.f32 v6, v33;
	v5 =	vmul.f32 v47, v25;
	v27 =	vor.u32 v63, v44;
	v28 =	vld.idx.msk [tilespmem:v28+s20+$0x0], $0xffff  }
0x513: {  	v19 =	vor.u32 v62, v40;
	v1 =	vor.u32 v11, v34;
	v2 =	vadd.f32 v2, v53  }
0x514: {  	v36 =	vmul.f32 v58, v51;
	[tilespmem:v0+s25+$0x0] =	vst.idx.msk $0xffff, v6;
	v0 =	vor.u32 v12, v52  }
0x515: {  	v43 =	vor.u32 v9, v41;
	[tilespmem:v3+s25+$0x0] =	vst.idx.msk $0xffff, v2;
	v2 =	vld.idx.msk [tilespmem:v26+s20+$0x0], $0xffff;
	v3 =	vadd.f32 v5, v49  }
0x516: {  	v60 =	vor.u32 v39, v32;
	v6 =	vadd.f32 v36, v20;
	[tilespmem:$0x1FC40] =	vst v13;
	v4 =	vmul.f32 v4, v13  }
0x517: {  	v26 =	vor.u32 v21, v42;
	[tilespmem:v27+s25+$0x0] =	vst.idx.msk $0xffff, v3;
	v3 =	vld.idx.msk [tilespmem:v18+s20+$0x0], $0xffff;
	v18 =	vmul.f32 v28, v22  }
0x518: {  	v14 =	vor.u32 v63, v45;
	[tilespmem:v19+s25+$0x0] =	vst.idx.msk $0xffff, v6;
	v1 =	vld.idx.msk [tilespmem:v1+s20+$0x0], $0xffff;
	v4 =	vadd.f32 v4, v38  }
0x519: {  	v31 =	vmov v59;
	v27 =	vor.u32 v39, v35;
	v50 =	vld.idx.msk [tilespmem:v0+s20+$0x0], $0xffff;
	[tilespmem:$0x1FC50] =	vst v22;
	v8 =	vadd.f32 v18, v29  }
0x51a: {  	v19 =	vor.u32 v30, v31;
	v0 =	vmul.f32 v2, v22;
	[tilespmem:v43+s25+$0x0] =	vst.idx.msk $0xffff, v4  }
0x51b: {  	v15 =	vor.u32 v12, v34;
	v47 =	vor.u32 v37, v61;
	[tilespmem:v60+s25+$0x0] =	vst.idx.msk $0xffff, v8  }
0x51c: {  	v57 =	vmov v45;
	v0 =	vadd.f32 v0, v33;
	v60 =	vor.u32 v23, v55;
	v23 =	vld.idx.msk [tilespmem:v26+s20+$0x0], $0xffff;
	[tilespmem:$0x1FC60] =	vst v24  }
0x51d: {  	v59 =	vmovc v38;
	v12 =	vmov v40;
	v63 =	vor.u32 v21, v52;
	v39 =	vor.u32 v17, v31;
	[tilespmem:$0x1FC70] =	vst v25  }
0x51e: {  	v13 =	vmov v20;
	v3 =	vmul.f32 v3, v24;
	v1 =	vmul.f32 v1, v25;
	[tilespmem:v27+s25+$0x0] =	vst.idx.msk $0xffff, v0  }
0x51f: {  	v2 =	vor.u32 v11, v54;
	v43 =	vmov v52;
	v56 =	vmul.f32 v50, v51;
	v61 =	vld.idx.msk [tilespmem:v19+s20+$0x0], $0xffff;
	[tilespmem:$0x1FC80] =	vst v51  }
0x520: {  	s0 =	simm.s32 $0x8;
	s2 =	simm.s32 $0x7;
	v0 =	vor.u32 v62, v44;
	v27 =	vadd.f32 v3, v53;
	v28 =	vadd.f32 v1, v48;
	v46 =	vld.idx.msk [tilespmem:v46+s20+$0x0], $0xffff  }
.LBB2_8:
0x521: {  	v11 =	vld [tilespmem:$0x1FFB0]  }
0x522: {  	v37 =	vld [tilespmem:$0x1FC40]  }
0x523: {  	v17 =	vld [tilespmem:$0x1FFC0]  }
0x524: {  	v45 =	vld [tilespmem:$0x1FF10]  }
0x525: {  	v24 =	vld [tilespmem:$0x1FF20]  }
0x526: {  	v16 =	vld [tilespmem:$0x1FFD0]  }
0x527: {  	v50 =	vld [tilespmem:$0x1FC10]  }
0x528: {  	v52 =	vld [tilespmem:$0x1FF60]  }
0x529: {  	v40 =	vld [tilespmem:$0x1FC70]  }
0x52a: {  	v38 =	vld [tilespmem:$0x1FF70]  }
0x52b: {  	v51 =	vld [tilespmem:$0x1FF90]  }
0x52c: {  	v30 =	vld [tilespmem:$0x1FF80]  }
0x52d: {  	v19 =	vld [tilespmem:$0x1FC80]  }
0x52e: {  	v22 =	vld [tilespmem:$0x1FFF0]  }
0x52f: {  	v1 =	vlaneseq.u32;
	[tilespmem:v14+s25+$0x0] =	vst.idx.msk $0xffff, v28;
	v14 =	vld [tilespmem:$0x1FBF0]  }
0x530: {  	v26 =	vxor.u32 s2, v1;
	[tilespmem:v60+s25+$0x0] =	vst.idx.msk $0xffff, v27;
	v1 =	vor.u32 v11, v12;
	v4 =	vmul.f32 v23, v37;
	v23 =	vld [tilespmem:$0x1FBE0]  }
0x531: {  	v7 =	vadd.f32 v56, v49;
	v3 =	vld.idx.msk [tilespmem:v47+s20+$0x0], $0xffff;
	v60 =	vand.u32 $0xF, v26;
	v5 =	vor.u32 v17, v42  }
0x532: {  	v2 =	vld.idx.msk [tilespmem:v2+s20+$0x0], $0xffff;
	v6 =	vor.u32 v45, v60  }
0x533: {  	v25 =	vld [tilespmem:$0x1FFA0];
	v27 =	vor.u32 v16, v41;
	[tilespmem:v0+s25+$0x0] =	vst.idx.msk $0xffff, v7;
	v4 =	vadd.f32 v4, v13  }
0x534: {  	v8 =	vor.u32 v24, v32;
	v0 =	vmul.f32 v61, v50;
	v7 =	vld.idx.msk [tilespmem:v15+s20+$0x0], $0xffff;
	v28 =	vor.u32 v14, v60  }
0x535: {  	v20 =	vmov v13;
	v61 =	vor.u32 v24, v35;
	v15 =	vld [tilespmem:$0x1FC30];
	[tilespmem:v1+s25+$0x0] =	vst.idx.msk $0xffff, v4;
	v1 =	vmul.f32 v46, v23  }
0x536: {  	v62 =	vor.u32 v52, v55;
	v0 =	vadd.f32 v0, v59;
	v3 =	vmul.f32 v3, v23;
	v5 =	vld.idx.msk [tilespmem:v5+s20+$0x0], $0xffff  }
0x537: {  	v36 =	vor.u32 v38, v54;
	v2 =	vmul.f32 v2, v40;
	v6 =	vld.idx.msk [tilespmem:v6+s20+$0x0], $0xffff;
	v1 =	vadd.f32 v1, v29  }
0x538: {  	v13 =	vmov v55;
	v55 =	vmov v53;
	v29 =	vld.idx.msk [tilespmem:v63+s20+$0x0], $0xffff;
	[tilespmem:v27+s25+$0x0] =	vst.idx.msk $0xffff, v0;
	v0 =	vadd.f32 v3, v33  }
0x539: {  	v2 =	vadd.f32 v2, v55;
	v56 =	vld.idx.msk [tilespmem:v28+s3+$0x0], $0xffff;
	[tilespmem:v8+s25+$0x0] =	vst.idx.msk $0xffff, v1  }
0x53a: {  	[tilespmem:v61+s25+$0x0] =	vst.idx.msk $0xffff, v0;
	v27 =	vld.idx.msk [tilespmem:v39+s20+$0x0], $0xffff  }
0x53b: {  	[tilespmem:v62+s25+$0x0] =	vst.idx.msk $0xffff, v2;
	v62 =	vld [tilespmem:$0x1FFE0]  }
0x53c: {  	v18 =	vlaneseq.u32;
	v1 =	vor.u32 v30, v57;
	v0 =	vmul.f32 v7, v19;
	v7 =	vld.idx.msk [tilespmem:v36+s20+$0x0], $0xffff  }
0x53d: {  	v47 =	vshll.u32 v26, $0x7;
	v10 =	vor.u32 v24, v57;
	v3 =	vor.u32 v51, v34;
	v36 =	vld [tilespmem:$0x1FC50]  }
0x53e: {  	v9 =	vmovc v48;
	v2 =	vor.u32 v16, v12;
	v5 =	vmul.f32 v5, v50;
	v0 =	vadd.f32 v0, v48;
	v48 =	vld [tilespmem:$0x1FB40]  }
0x53f: {  	v58 =	vor.u32 v18, v47;
	[tilespmem:$0x1FAC0] =	vst v10;
	v10 =	vor.u32 v22, v41;
	v6 =	vmul.f32 v6, v15  }
0x540: {  	v21 =	vld [tilespmem:$0x1FF30];
	v63 =	vor.u32 v11, v44;
	v8 =	vor.u32 v17, v43;
	v5 =	vadd.f32 v5, v20  }
0x541: {  	[tilespmem:v1+s25+$0x0] =	vst.idx.msk $0xffff, v0;
	v0 =	vadd.f32 v6, v56;
	v1 =	vmul.f32 v29, v37  }
0x542: {  	[tilespmem:$0x1FAD0] =	vst v57;
	v29 =	vor.u32 v25, v31;
	v31 =	vld [tilespmem:$0x1FB50];
	v28 =	vor.u32 v62, v42;
	v27 =	vmul.f32 v27, v36  }
0x543: {  	[tilespmem:v2+s25+$0x0] =	vst.idx.msk $0xffff, v5;
	v3 =	vld.idx.msk [tilespmem:v3+s20+$0x0], $0xffff;
	v6 =	vor.u32 $0x30, v48;
	v1 =	vadd.f32 v1, v49  }
0x544: {  	[tilespmem:v58+s25+$0x0] =	vst.idx.msk $0xffff, v0;
	v7 =	vmul.f32 v7, v19;
	v48 =	vxor.u32 s0, v18;
	v18 =	vld [tilespmem:$0x1FF40];
	v19 =	vadd.f32 v27, v59  }
0x545: {  	v61 =	vor.u32 v21, v60;
	v58 =	vor.u32 v30, v13;
	v30 =	vld [tilespmem:$0x1FB80];
	[tilespmem:v63+s25+$0x0] =	vst.idx.msk $0xffff, v1  }
0x546: {  	v1 =	vld.idx.msk [tilespmem:v8+s20+$0x0], $0xffff;
	[tilespmem:v10+s25+$0x0] =	vst.idx.msk $0xffff, v19  }
0x547: {  	v32 =	vor.u32 v51, v54;
	v41 =	vor.u32 v24, v41;
	v0 =	vor.u32 v22, v57;
	v29 =	vld.idx.msk [tilespmem:v29+s20+$0x0], $0xffff  }
0x548: {  	v53 =	vmovc v59;
	v33 =	vor.u32 v17, v34;
	v46 =	vand.u32 $0x3F, v6;
	[tilespmem:$0x1FAA0] =	vst v0;
	v63 =	vmov v17;
	v17 =	vld [tilespmem:$0x1FC60]  }
0x549: {  	v0 =	vor.u32 v25, v34;
	v27 =	vor.u32 v62, v34;
	v7 =	vadd.f32 v7, v55;
	v5 =	vld.idx.msk [tilespmem:v28+s20+$0x0], $0xffff  }
0x54a: {  	v4 =	vor.u32 v14, v46;
	v59 =	vor.u32 v45, v46;
	v28 =	vld.idx.msk [tilespmem:v61+s20+$0x0], $0xffff;
	v61 =	vor.u32 v16, v44  }
0x54b: {  	v8 =	vor.u32 v11, v57;
	v19 =	vld [tilespmem:$0x1FF50];
	v34 =	vmovc v30;
	v30 =	vor.u32 v62, v43;
	v1 =	vmul.f32 v1, v50  }
0x54c: {  	[tilespmem:$0x1FAB0] =	vst v0;
	v2 =	vmovc v31;
	v31 =	vmov v48;
	v10 =	vor.u32 v16, v57;
	v29 =	vmul.f32 v29, v23  }
0x54d: {  	v48 =	vand.u32 $0xF, v31;
	v3 =	vmul.f32 v3, v37;
	[tilespmem:v58+s25+$0x0] =	vst.idx.msk $0xffff, v7;
	v1 =	vadd.f32 v1, v49  }
0x54e: {  	[tilespmem:$0x1FB50] =	vst v31;
	v7 =	vor.u32 v22, v12;
	v57 =	vor.u32 v18, v47;
	v29 =	vadd.f32 v29, v53  }
0x54f: {  	v32 =	vld.idx.msk [tilespmem:v32+s20+$0x0], $0xffff;
	v3 =	vadd.f32 v3, v9;
	v5 =	vmul.f32 v5, v36;
	[tilespmem:v61+s25+$0x0] =	vst.idx.msk $0xffff, v1  }
0x550: {  	v28 =	vmul.f32 v28, v17;
	v58 =	vor.u32 v19, v60;
	v1 =	vld.idx.msk [tilespmem:v30+s20+$0x0], $0xffff;
	[tilespmem:v41+s25+$0x0] =	vst.idx.msk $0xffff, v29  }
0x551: {  	v0 =	vor.u32 v38, v48;
	v5 =	vadd.f32 v5, v20;
	v29 =	vld [tilespmem:$0x1FB70];
	[tilespmem:v8+s25+$0x0] =	vst.idx.msk $0xffff, v3  }
0x552: {  	v39 =	vshll.u32 v31, $0x7;
	v31 =	vmov v38;
	[tilespmem:$0x1FB10] =	vst v0;
	v28 =	vadd.f32 v28, v56;
	v8 =	vld.idx.msk [tilespmem:v59+s20+$0x0], $0xffff  }
0x553: {  	v42 =	vor.u32 v25, v42;
	[tilespmem:v7+s25+$0x0] =	vst.idx.msk $0xffff, v5;
	v41 =	vor.u32 v31, v60;
	v59 =	vmov v31;
	v31 =	vld [tilespmem:$0x1FB60]  }
0x554: {  	[tilespmem:v57+s25+$0x0] =	vst.idx.msk $0xffff, v28;
	v57 =	vor.u32 v11, v13  }
0x555: {  	v0 =	vor.u32 v52, v39;
	v32 =	vmul.f32 v32, v37;
	v28 =	vld.idx.msk [tilespmem:v58+s20+$0x0], $0xffff;
	v58 =	vor.u32 v63, v54  }
0x556: {  	v6 =	vshll.u32 v6, $0x7;
	[tilespmem:$0x1FB00] =	vst v0;
	v0 =	vlaneseq.u32  }
0x557: {  	[tilespmem:$0x1FB80] =	vst v2;
	v2 =	vmovc v11;
	v30 =	vadd.f32 v32, v55;
	v11 =	vand.u32 $0x1C00, v6;
	v38 =	vor.u32 $0x30, v29;
	v29 =	vld.idx.msk [tilespmem:v4+s3+$0x0], $0xffff  }
0x558: {  	v7 =	vld.idx.msk [tilespmem:v42+s20+$0x0], $0xffff;
	v3 =	vor.u32 v25, v43;
	v4 =	vor.u32 v22, v44;
	v32 =	vor.u32 v31, v11  }
0x559: {  	v1 =	vmul.f32 v1, v36;
	[tilespmem:v57+s25+$0x0] =	vst.idx.msk $0xffff, v30;
	v42 =	vor.u32 v0, v32  }
0x55a: {  	v30 =	vld.idx.msk [tilespmem:v58+s20+$0x0], $0xffff;
	v58 =	vmov v26;
	v26 =	vor.u32 v21, v46;
	v8 =	vmul.f32 v8, v15  }
0x55b: {  	v1 =	vadd.f32 v1, v49  }
0x55c: {  	v37 =	vor.u32 v24, v12;
	v6 =	vor.u32 v52, v47;
	v8 =	vadd.f32 v8, v29  }
0x55d: {  	v33 =	vld.idx.msk [tilespmem:v33+s20+$0x0], $0xffff;
	v61 =	vand.u32 $0x3F, v38;
	v7 =	vmul.f32 v7, v23;
	[tilespmem:v4+s25+$0x0] =	vst.idx.msk $0xffff, v1  }
0x55e: {  	v28 =	vmul.f32 v28, v40;
	v35 =	vor.u32 v45, v61;
	v3 =	vld.idx.msk [tilespmem:v3+s20+$0x0], $0xffff;
	[tilespmem:v42+s25+$0x0] =	vst.idx.msk $0xffff, v8  }
0x55f: {  	v7 =	vadd.f32 v7, v20;
	v8 =	vld.idx.msk [tilespmem:v26+s20+$0x0], $0xffff  }
0x560: {  	v53 =	vmov v40;
	v40 =	vor.u32 v14, v61;
	v28 =	vadd.f32 v28, v56;
	v26 =	vld [tilespmem:$0x1FBA0]  }
0x561: {  	v20 =	vld [tilespmem:$0x1FBD0];
	[tilespmem:v37+s25+$0x0] =	vst.idx.msk $0xffff, v7  }
0x562: {  	v37 =	vld [tilespmem:$0x1FBC0];
	[tilespmem:v6+s25+$0x0] =	vst.idx.msk $0xffff, v28  }
0x563: {  	v57 =	vmul.f32 v33, v50;
	v1 =	vshll.u32 v38, $0x7;
	v6 =	vld.idx.msk [tilespmem:v35+s20+$0x0], $0xffff  }
0x564: {  	v1 =	vand.u32 $0x7FFFFC00, v1;
	v7 =	vld.idx.msk [tilespmem:v41+s20+$0x0], $0xffff  }
0x565: {  	v33 =	vld.idx.msk [tilespmem:v40+s3+$0x0], $0xffff;
	v35 =	vor.u32 v26, v1;
	v1 =	vadd.f32 v57, v9  }
0x566: {  	v5 =	vor.u32 v16, v13;
	v31 =	vmov v20;
	v20 =	vld [tilespmem:$0x1FF80]  }
0x567: {  	v28 =	vmul.f32 v30, v50;
	v30 =	vor.u32 v62, v54;
	[tilespmem:v10+s25+$0x0] =	vst.idx.msk $0xffff, v1;
	v10 =	vld [tilespmem:$0x1FC80]  }
0x568: {  	[tilespmem:$0x1FB40] =	vst v34  }
0x569: {  	[tilespmem:$0x1FBD0] =	vst v58;
	v58 =	vor.u32 v18, v39;
	v41 =	vadd.f32 v28, v55;
	v4 =	vor.u32 v0, v35;
	v0 =	vld [tilespmem:$0x1FC00]  }
0x56a: {  	[tilespmem:$0x1FB20] =	vst v58;
	v38 =	vor.u32 v24, v44;
	v6 =	vmul.f32 v6, v15  }
0x56b: {  	v43 =	vmovc v52;
	v52 =	vmov v37;
	v37 =	vor.u32 $0x20, v34;
	[tilespmem:v5+s25+$0x0] =	vst.idx.msk $0xffff, v41;
	v5 =	vor.u32 v20, v47  }
0x56c: {  	v26 =	vld.idx.msk [tilespmem:v30+s20+$0x0], $0xffff;
	v30 =	vor.u32 v21, v61;
	v6 =	vadd.f32 v6, v33;
	v1 =	vmul.f32 v7, v10  }
0x56d: {  	v34 =	vor.u32 v51, v60;
	v3 =	vmul.f32 v3, v23;
	v57 =	vmovc v9;
	v9 =	vand.u32 $0x2F, v37;
	v27 =	vld.idx.msk [tilespmem:v27+s20+$0x0], $0xffff  }
0x56e: {  	v58 =	vmov v0;
	[tilespmem:v4+s25+$0x0] =	vst.idx.msk $0xffff, v6;
	v0 =	vor.u32 v21, v48;
	v1 =	vadd.f32 v1, v56  }
0x56f: {  	v41 =	vor.u32 v18, v32;
	v8 =	vmul.f32 v8, v17;
	v40 =	vor.u32 v45, v9;
	[tilespmem:$0x1FAE0] =	vst v0;
	v0 =	vld [tilespmem:$0x1FAA0]  }
0x570: {  	[tilespmem:v5+s25+$0x0] =	vst.idx.msk $0xffff, v1;
	v1 =	vadd.f32 v3, v49;
	v3 =	vor.u32 v22, v13;
	v22 =	vld [tilespmem:$0x1FC40]  }
0x571: {  	v28 =	vor.u32 v19, v46;
	v49 =	vmul.f32 v26, v36;
	v4 =	vld.idx.msk [tilespmem:v30+s20+$0x0], $0xffff  }
0x572: {  	v44 =	vor.u32 v19, v61;
	v42 =	vor.u32 v14, v9;
	v8 =	vadd.f32 v8, v29;
	v5 =	vld.idx.msk [tilespmem:v34+s20+$0x0], $0xffff  }
0x573: {  	v27 =	vmul.f32 v27, v36;
	[tilespmem:v38+s25+$0x0] =	vst.idx.msk $0xffff, v1;
	v6 =	vadd.f32 v49, v55  }
0x574: {  	v51 =	vor.u32 v25, v54;
	v54 =	vor.u32 v63, v60;
	v30 =	vld.idx.msk [tilespmem:v40+s20+$0x0], $0xffff;
	[tilespmem:v41+s25+$0x0] =	vst.idx.msk $0xffff, v8  }
0x575: {  	v11 =	vlaneseq.u32;
	v27 =	vadd.f32 v27, v57;
	[tilespmem:v3+s25+$0x0] =	vst.idx.msk $0xffff, v6;
	v3 =	vor.u32 v18, v35  }
0x576: {  	v1 =	vshll.u32 v37, $0x7;
	v28 =	vld.idx.msk [tilespmem:v28+s20+$0x0], $0xffff;
	v6 =	vor.u32 v2, v47;
	v4 =	vmul.f32 v4, v17  }
0x577: {  	v26 =	vor.u32 v11, v39;
	v1 =	vand.u32 $0x1400, v1;
	v11 =	vld.idx.msk [tilespmem:v42+s3+$0x0], $0xffff;
	v5 =	vmul.f32 v5, v22  }
0x578: {  	[tilespmem:v0+s25+$0x0] =	vst.idx.msk $0xffff, v27;
	v41 =	vor.u32 v52, v1;
	v1 =	vld [tilespmem:$0x1FAB0];
	v0 =	vadd.f32 v4, v33  }
0x579: {  	v7 =	vld.idx.msk [tilespmem:v51+s20+$0x0], $0xffff;
	v2 =	vadd.f32 v5, v56  }
0x57a: {  	v34 =	vlaneseq.u32;
	[tilespmem:v3+s25+$0x0] =	vst.idx.msk $0xffff, v0  }
0x57b: {  	v63 =	vor.u32 v43, v32;
	v34 =	vor.u32 v34, v41;
	[tilespmem:v6+s25+$0x0] =	vst.idx.msk $0xffff, v2  }
0x57c: {  	v37 =	vor.u32 v21, v9;
	v27 =	vmul.f32 v30, v15;
	v30 =	vor.u32 $0x20, v31;
	v3 =	vld.idx.msk [tilespmem:v44+s20+$0x0], $0xffff  }
0x57d: {  	v28 =	vmul.f32 v28, v53;
	v42 =	vand.u32 $0x2F, v30;
	v6 =	vld.idx.msk [tilespmem:v54+s20+$0x0], $0xffff  }
0x57e: {  	v12 =	vmovc v16;
	v27 =	vadd.f32 v27, v11;
	v2 =	vor.u32 v24, v13;
	v7 =	vmul.f32 v7, v23  }
0x57f: {  	v38 =	vmovc v53;
	v5 =	vor.u32 v43, v35;
	v28 =	vadd.f32 v28, v29;
	v44 =	vor.u32 v45, v42  }
0x580: {  	v1 =	vld.idx.msk [tilespmem:v1+s20+$0x0], $0xffff;
	[tilespmem:v34+s25+$0x0] =	vst.idx.msk $0xffff, v27;
	v34 =	vadd.f32 v7, v55;
	v7 =	vor.u32 v14, v42  }
0x581: {  	v37 =	vld.idx.msk [tilespmem:v37+s20+$0x0], $0xffff;
	[tilespmem:v63+s25+$0x0] =	vst.idx.msk $0xffff, v28;
	v28 =	vor.u32 v12, v47;
	v3 =	vmul.f32 v3, v38  }
0x582: {  	[tilespmem:$0x1FB70] =	vst v31;
	v31 =	vor.u32 v62, v60;
	v6 =	vmul.f32 v6, v50  }
0x583: {  	v0 =	vld [tilespmem:$0x1FB80];
	[tilespmem:v2+s25+$0x0] =	vst.idx.msk $0xffff, v34;
	v3 =	vadd.f32 v3, v33  }
0x584: {  	v40 =	vor.u32 v59, v46;
	v53 =	vld.idx.msk [tilespmem:v44+s20+$0x0], $0xffff;
	v6 =	vadd.f32 v6, v56  }
0x585: {  	v4 =	vor.u32 v20, v32;
	v63 =	vmov v20;
	v20 =	vld.idx.msk [tilespmem:v7+s3+$0x0], $0xffff;
	[tilespmem:v5+s25+$0x0] =	vst.idx.msk $0xffff, v3  }
0x586: {  	v8 =	vor.u32 v14, v48;
	[tilespmem:v28+s25+$0x0] =	vst.idx.msk $0xffff, v6  }
0x587: {  	v49 =	vor.u32 v45, v48;
	v44 =	vshll.u32 v30, $0x7;
	v6 =	vld.idx.msk [tilespmem:v31+s20+$0x0], $0xffff  }
0x588: {  	v7 =	vand.u32 $0x7FFFFC00, v44;
	v31 =	vld [tilespmem:$0x1FAC0]  }
0x589: {  	v16 =	vmov v43;
	v12 =	vlaneseq.u32;
	v43 =	vor.u32 v58, v7  }
0x58a: {  	[tilespmem:$0x1FAF0] =	vst v48;
	v55 =	vor.u32 v59, v61;
	v0 =	vor.u32 $0x10, v0;
	v2 =	vld.idx.msk [tilespmem:v40+s20+$0x0], $0xffff;
	v3 =	vor.u32 v12, v43  }
0x58b: {  	[tilespmem:$0x1FB60] =	vst v52;
	v48 =	vld.idx.msk [tilespmem:v8+s3+$0x0], $0xffff;
	v52 =	vand.u32 $0x1F, v0;
	v28 =	vmul.f32 v53, v15  }
0x58c: {  	v8 =	vld.idx.msk [tilespmem:v49+s20+$0x0], $0xffff;
	v51 =	vor.u32 v45, v52;
	v1 =	vmul.f32 v1, v23  }
0x58d: {  	v34 =	vor.u32 v18, v41;
	v40 =	vld [tilespmem:$0x1FF90];
	v53 =	vadd.f32 v28, v20  }
0x58e: {  	v54 =	vor.u32 v19, v9;
	v30 =	vmul.f32 v37, v17;
	v44 =	vld [tilespmem:$0x1FAD0];
	v1 =	vadd.f32 v1, v57  }
0x58f: {  	v27 =	vor.u32 v14, v52;
	v2 =	vmul.f32 v2, v10;
	v5 =	vld.idx.msk [tilespmem:v55+s20+$0x0], $0xffff;
	[tilespmem:v3+s25+$0x0] =	vst.idx.msk $0xffff, v53  }
0x590: {  	v13 =	vmov v59;
	v59 =	vadd.f32 v30, v11;
	v53 =	vld [tilespmem:$0x1FAE0];
	[tilespmem:v31+s25+$0x0] =	vst.idx.msk $0xffff, v1  }
0x591: {  	v30 =	vor.u32 v21, v42;
	v1 =	vadd.f32 v2, v29;
	v31 =	vld.idx.msk [tilespmem:v51+s20+$0x0], $0xffff  }
0x592: {  	v0 =	vshll.u32 v0, $0x7;
	v2 =	vor.u32 v40, v46;
	[tilespmem:v34+s25+$0x0] =	vst.idx.msk $0xffff, v59;
	v59 =	vld [tilespmem:$0x1FFF0]  }
0x593: {  	v0 =	vand.u32 $0xC00, v0;
	v49 =	vand.u32 $0x380, v44;
	v28 =	vld.idx.msk [tilespmem:v54+s20+$0x0], $0xffff;
	[tilespmem:v4+s25+$0x0] =	vst.idx.msk $0xffff, v1;
	v1 =	vmul.f32 v8, v15  }
0x594: {  	[tilespmem:$0x1FBC0] =	vst v49;
	v44 =	vor.u32 v49, v0;
	v49 =	vld.idx.msk [tilespmem:v27+s3+$0x0], $0xffff  }
0x595: {  	[tilespmem:$0x1FBA0] =	vst v58;
	v58 =	vmov v10;
	v3 =	vor.u32 v63, v35;
	v1 =	vadd.f32 v1, v48  }
0x596: {  	v0 =	vor.u32 v21, v52;
	v7 =	vld.idx.msk [tilespmem:v30+s20+$0x0], $0xffff;
	v30 =	vor.u32 v12, v44;
	v5 =	vmul.f32 v5, v58  }
0x597: {  	v2 =	vld.idx.msk [tilespmem:v2+s20+$0x0], $0xffff;
	v55 =	vor.u32 v59, v47;
	[tilespmem:v26+s25+$0x0] =	vst.idx.msk $0xffff, v1;
	v1 =	vmul.f32 v31, v15  }
0x598: {  	v37 =	vor.u32 v40, v61;
	v6 =	vmul.f32 v6, v36;
	v5 =	vadd.f32 v5, v33  }
0x599: {  	v27 =	vor.u32 v25, v60;
	v1 =	vadd.f32 v1, v49  }
0x59a: {  	v6 =	vadd.f32 v6, v56;
	[tilespmem:v3+s25+$0x0] =	vst.idx.msk $0xffff, v5;
	v54 =	vor.u32 v16, v41  }
0x59b: {  	v31 =	vor.u32 v13, v9;
	v28 =	vmul.f32 v28, v38;
	v26 =	vld.idx.msk [tilespmem:v53+s20+$0x0], $0xffff;
	[tilespmem:v30+s25+$0x0] =	vst.idx.msk $0xffff, v1  }
0x59c: {  	[tilespmem:v55+s25+$0x0] =	vst.idx.msk $0xffff, v6;
	v0 =	vld.idx.msk [tilespmem:v0+s20+$0x0], $0xffff  }
0x59d: {  	v55 =	vadd.f32 v28, v11;
	v4 =	vld.idx.msk [tilespmem:v37+s20+$0x0], $0xffff  }
0x59e: {  	v5 =	vld.idx.msk [tilespmem:v27+s20+$0x0], $0xffff  }
0x59f: {  	[tilespmem:v54+s25+$0x0] =	vst.idx.msk $0xffff, v55;
	v55 =	vld [tilespmem:$0x1FFB0]  }
0x5a0: {  	v27 =	vld.idx.msk [tilespmem:v31+s20+$0x0], $0xffff  }
0x5a1: {  	v3 =	vor.u32 v18, v43;
	v31 =	vor.u32 v24, v47;
	v24 =	vld [tilespmem:$0x1FBD0]  }
0x5a2: {  	v7 =	vmul.f32 v7, v17;
	v37 =	vld [tilespmem:$0x1FFC0]  }
0x5a3: {  	v60 =	vor.u32 v19, v42  }
0x5a4: {  	v1 =	vmul.f32 v2, v22;
	v54 =	vadd.f32 v7, v20;
	v7 =	vor.u32 v55, v32  }
0x5a5: {  	v12 =	vmov v43;
	v43 =	vor.u32 v19, v52  }
0x5a6: {  	v1 =	vadd.f32 v1, v29;
	[tilespmem:v3+s25+$0x0] =	vst.idx.msk $0xffff, v54;
	v3 =	vor.u32 v55, v35;
	v34 =	vor.u32 $0x10, v24  }
0x5a7: {  	v57 =	vmovc v39;
	v30 =	vor.u32 v37, v46;
	v4 =	vmul.f32 v4, v22;
	v54 =	vand.u32 $0x1F, v34  }
0x5a8: {  	v6 =	vld.idx.msk [tilespmem:v60+s20+$0x0], $0xffff;
	v60 =	vor.u32 v37, v61;
	v5 =	vmul.f32 v5, v23;
	v39 =	vor.u32 v45, v54  }
0x5a9: {  	v45 =	vor.u32 v18, v44;
	[tilespmem:v7+s25+$0x0] =	vst.idx.msk $0xffff, v1;
	v1 =	vadd.f32 v4, v33  }
0x5aa: {  	v0 =	vmul.f32 v0, v17;
	v24 =	vmovc v55;
	v55 =	vor.u32 v63, v41;
	v5 =	vadd.f32 v5, v56  }
0x5ab: {  	v23 =	vmov v13;
	[tilespmem:v3+s25+$0x0] =	vst.idx.msk $0xffff, v1;
	v1 =	vmul.f32 v27, v58;
	v27 =	vor.u32 v13, v42;
	v13 =	vld [tilespmem:$0x1FFD0]  }
0x5ac: {  	v0 =	vadd.f32 v0, v49  }
0x5ad: {  	v56 =	vor.u32 v14, v54;
	v30 =	vld.idx.msk [tilespmem:v30+s20+$0x0], $0xffff;
	[tilespmem:v31+s25+$0x0] =	vst.idx.msk $0xffff, v5;
	v1 =	vadd.f32 v1, v11  }
0x5ae: {  	v6 =	vmul.f32 v6, v38;
	[tilespmem:v45+s25+$0x0] =	vst.idx.msk $0xffff, v0;
	v0 =	vshll.u32 v34, $0x7;
	v5 =	vld.idx.msk [tilespmem:v60+s20+$0x0], $0xffff  }
0x5af: {  	v47 =	vand.u32 $0x380, v47;
	v3 =	vor.u32 v16, v12;
	v45 =	vld.idx.msk [tilespmem:v43+s20+$0x0], $0xffff;
	v0 =	vand.u32 $0x7FFFFC00, v0;
	[tilespmem:v55+s25+$0x0] =	vst.idx.msk $0xffff, v1  }
0x5b0: {  	v55 =	vor.u32 v47, v0;
	v31 =	vor.u32 v13, v32;
	v0 =	vor.u32 v13, v35;
	v13 =	vld [tilespmem:$0x1FB20]  }
0x5b1: {  	v60 =	vld.idx.msk [tilespmem:v39+s20+$0x0], $0xffff  }
0x5b2: {  	v28 =	vor.u32 v40, v9;
	v26 =	vmul.f32 v26, v17;
	v34 =	vld [tilespmem:$0x1FAF0];
	v39 =	vadd.f32 v6, v20  }
0x5b3: {  	v2 =	vor.u32 v62, v46;
	v53 =	vld.idx.msk [tilespmem:v56+s3+$0x0], $0xffff;
	v5 =	vmul.f32 v5, v50  }
0x5b4: {  	v51 =	vlaneseq.u32;
	v26 =	vadd.f32 v26, v48;
	v1 =	vmul.f32 v30, v50;
	[tilespmem:v3+s25+$0x0] =	vst.idx.msk $0xffff, v39  }
0x5b5: {  	v30 =	vor.u32 v16, v44;
	v3 =	vor.u32 v51, v55;
	v4 =	vld.idx.msk [tilespmem:v27+s20+$0x0], $0xffff;
	v5 =	vadd.f32 v5, v33  }
0x5b6: {  	[tilespmem:$0x1FC00] =	vst v47;
	v47 =	vor.u32 v25, v61;
	v50 =	vor.u32 v62, v61;
	v8 =	vmul.f32 v60, v15  }
0x5b7: {  	v28 =	vld.idx.msk [tilespmem:v28+s20+$0x0], $0xffff;
	v27 =	vor.u32 v21, v54;
	v1 =	vadd.f32 v1, v29;
	[tilespmem:v0+s25+$0x0] =	vst.idx.msk $0xffff, v5  }
0x5b8: {  	v8 =	vadd.f32 v8, v53;
	[tilespmem:v13+s25+$0x0] =	vst.idx.msk $0xffff, v26;
	v26 =	vor.u32 v19, v34  }
0x5b9: {  	v51 =	vor.u32 v23, v52;
	[tilespmem:v31+s25+$0x0] =	vst.idx.msk $0xffff, v1;
	v1 =	vmul.f32 v45, v38  }
0x5ba: {  	v0 =	vor.u32 v63, v12;
	v4 =	vmul.f32 v4, v58;
	[tilespmem:v3+s25+$0x0] =	vst.idx.msk $0xffff, v8;
	v2 =	vld.idx.msk [tilespmem:v2+s20+$0x0], $0xffff  }
0x5bb: {  	v60 =	vor.u32 v18, v55;
	v3 =	vor.u32 v25, v46;
	v5 =	vld.idx.msk [tilespmem:v50+s20+$0x0], $0xffff;
	v1 =	vadd.f32 v1, v49  }
0x5bc: {  	v56 =	vld.idx.msk [tilespmem:v27+s20+$0x0], $0xffff;
	v50 =	vor.u32 v40, v42;
	v27 =	vmul.f32 v28, v22;
	v4 =	vadd.f32 v4, v20  }
0x5bd: {  	v43 =	vmov v52;
	v31 =	vmov v9;
	v26 =	vld.idx.msk [tilespmem:v26+s20+$0x0], $0xffff;
	[tilespmem:v30+s25+$0x0] =	vst.idx.msk $0xffff, v1;
	v1 =	vor.u32 v24, v41  }
0x5be: {  	v9 =	vmovc v63;
	v63 =	vor.u32 v40, v52;
	v28 =	vor.u32 v37, v31;
	v30 =	vor.u32 v59, v32  }
0x5bf: {  	p0 =	slt.u32 s0, $0xE;
	[tilespmem:v0+s25+$0x0] =	vst.idx.msk $0xffff, v4;
	v6 =	vld.idx.msk [tilespmem:v51+s20+$0x0], $0xffff;
	v51 =	vor.u32 v59, v35;
	v0 =	vmul.f32 v2, v36  }
.Ltmp3:
0x5c0: {  	v14 =	vld [tilespmem:$0x1FB00];
	v13 =	vmovc v20;
	v39 =	vor.u32 v62, v31;
	v27 =	vadd.f32 v27, v11;
	v5 =	vmul.f32 v5, v36;
	(pc) =	sbr.rel @p0 .LBB2_8-.Ltmp3, $4  }
0x5c1: {  	v23 =	vld.idx.msk [tilespmem:v50+s20+$0x0], $0xffff;
	v7 =	vmul.f32 v56, v17;
	v2 =	vor.u32 v19, v54;
	v52 =	vadd.f32 v0, v29  }
0x5c2: {  	v15 =	vld [tilespmem:$0x1FB10];
	v59 =	vmov v11;
	v26 =	vmul.f32 v26, v38;
	[tilespmem:v1+s25+$0x0] =	vst.idx.msk $0xffff, v27;
	v1 =	vadd.f32 v5, v33  }
0x5c3: {  	v0 =	vor.u32 v9, v44;
	v27 =	vadd.f32 v7, v53;
	v61 =	vld.idx.msk [tilespmem:v28+s20+$0x0], $0xffff;
	[tilespmem:v30+s25+$0x0] =	vst.idx.msk $0xffff, v52  }
0x5c4: {  	s2 =	sadd.s32 $0x1, s0;
	s0 =	sadd.s32 $0x2, s0;
	v56 =	vmul.f32 v6, v58;
	v28 =	vadd.f32 v26, v48;
	v46 =	vld.idx.msk [tilespmem:v3+s20+$0x0], $0xffff;
	[tilespmem:v51+s25+$0x0] =	vst.idx.msk $0xffff, v1  }
0x5c5: {  	v19 =	vld [tilespmem:$0x1FF10];
	_ =	sdelay $0x1  }
0x5c6: {  	v7 =	vlaneseq.u32;
	v25 =	vld [tilespmem:$0x1FBF0]  }
0x5c7: {  	v30 =	vxor.u32 s2, v7  }
0x5c8: {  	v1 =	vand.u32 $0xF, v30  }
0x5c9: {  	v3 =	vor.u32 v19, v1;
	_ =	sdelay $0x1  }
0x5ca: {  	v4 =	vor.u32 v25, v1  }
0x5cb: {  	v24 =	vld [tilespmem:$0x1FC30]  }
0x5cc: {  	v38 =	vld [tilespmem:$0x1FF30]  }
0x5cd: {  	v3 =	vld.idx.msk [tilespmem:v3+s20+$0x0], $0xffff;
	_ =	sdelay $0x1  }
0x5ce: {  	v4 =	vld.idx.msk [tilespmem:v4+s3+$0x0], $0xffff  }
0x5cf: {  	v5 =	vshll.u32 v30, $0x7  }
0x5d0: {  	v6 =	vor.u32 v7, v5  }
0x5d1: {  	v7 =	vor.u32 v38, v1;
	v3 =	vmul.f32 v3, v24;
	_ =	sdelay $0x1  }
0x5d2: {  	[tilespmem:$0x1FA60] =	vst v31;
	v3 =	vadd.f32 v3, v4  }
0x5d3: {  	[tilespmem:$0x1FA70] =	vst v30  }
0x5d4: {  	[tilespmem:v6+s25+$0x0] =	vst.idx.msk $0xffff, v3  }
0x5d5: {  	v3 =	vld.idx.msk [tilespmem:v7+s20+$0x0], $0xffff  }
0x5d6: {  	v17 =	vld [tilespmem:$0x1FF40]  }
0x5d7: {  	v58 =	vld [tilespmem:$0x1FC60]  }
0x5d8: {  	v18 =	vld [tilespmem:$0x1FF50];
	_ =	sdelay $0x3  }
0x5d9: {  	v6 =	vor.u32 v17, v5  }
0x5da: {  	v3 =	vmul.f32 v3, v58;
	v7 =	vor.u32 v18, v1;
	_ =	sdelay $0x1  }
0x5db: {  	v3 =	vadd.f32 v3, v4;
	_ =	sdelay $0x1  }
0x5dc: {  	[tilespmem:v6+s25+$0x0] =	vst.idx.msk $0xffff, v3  }
0x5dd: {  	v3 =	vld.idx.msk [tilespmem:v7+s20+$0x0], $0xffff  }
0x5de: {  	v36 =	vld [tilespmem:$0x1FF60]  }
0x5df: {  	v22 =	vld [tilespmem:$0x1FC70];
	_ =	sdelay $0x2  }
0x5e0: {  	v62 =	vld [tilespmem:$0x1FF70]  }
0x5e1: {  	v6 =	vor.u32 v36, v5  }
0x5e2: {  	v3 =	vmul.f32 v3, v22;
	_ =	sdelay $0x1  }
0x5e3: {  	v3 =	vadd.f32 v3, v4  }
0x5e4: {  	[tilespmem:v14+s25+$0x0] =	vst.idx.msk $0xffff, v28;
	v7 =	vor.u32 v62, v1  }
0x5e5: {  	v8 =	vld.idx.msk [tilespmem:v15+s20+$0x0], $0xffff;
	[tilespmem:v6+s25+$0x0] =	vst.idx.msk $0xffff, v3  }
0x5e6: {  	v20 =	vld [tilespmem:$0x1FF80]  }
0x5e7: {  	v10 =	vld [tilespmem:$0x1FF90]  }
0x5e8: {  	v21 =	vld [tilespmem:$0x1FC80]  }
0x5e9: {  	v3 =	vld.idx.msk [tilespmem:v7+s20+$0x0], $0xffff;
	_ =	sdelay $0x2  }
0x5ea: {  	v6 =	vor.u32 v20, v57  }
0x5eb: {  	v7 =	vor.u32 v10, v34;
	v8 =	vmul.f32 v8, v21;
	v26 =	vor.u32 v20, v5  }
0x5ec: {  	v3 =	vmul.f32 v3, v21  }
0x5ed: {  	v8 =	vadd.f32 v8, v48  }
0x5ee: {  	v3 =	vadd.f32 v3, v4  }
0x5ef: {  	v11 =	vor.u32 v10, v1;
	[tilespmem:v6+s25+$0x0] =	vst.idx.msk $0xffff, v8  }
0x5f0: {  	[tilespmem:v26+s25+$0x0] =	vst.idx.msk $0xffff, v3;
	v6 =	vld.idx.msk [tilespmem:v7+s20+$0x0], $0xffff  }
0x5f1: {  	v31 =	vld [tilespmem:$0x1FFB0]  }
0x5f2: {  	v9 =	vld [tilespmem:$0x1FFC0]  }
0x5f3: {  	v14 =	vld [tilespmem:$0x1FC40]  }
0x5f4: {  	v3 =	vld.idx.msk [tilespmem:v11+s20+$0x0], $0xffff;
	_ =	sdelay $0x2  }
0x5f5: {  	v7 =	vor.u32 v31, v57  }
0x5f6: {  	v8 =	vor.u32 v9, v34;
	v6 =	vmul.f32 v6, v14;
	v26 =	vor.u32 v31, v5  }
0x5f7: {  	v3 =	vmul.f32 v3, v14  }
0x5f8: {  	v6 =	vadd.f32 v6, v48  }
0x5f9: {  	v3 =	vadd.f32 v3, v4  }
0x5fa: {  	v37 =	vor.u32 v9, v1;
	[tilespmem:v7+s25+$0x0] =	vst.idx.msk $0xffff, v6  }
0x5fb: {  	[tilespmem:v26+s25+$0x0] =	vst.idx.msk $0xffff, v3;
	v6 =	vld.idx.msk [tilespmem:v8+s20+$0x0], $0xffff  }
0x5fc: {  	v16 =	vld [tilespmem:$0x1FFD0]  }
0x5fd: {  	v11 =	vld [tilespmem:$0x1FFE0]  }
0x5fe: {  	v10 =	vld [tilespmem:$0x1FC10]  }
0x5ff: {  	v3 =	vld.idx.msk [tilespmem:v37+s20+$0x0], $0xffff;
	_ =	sdelay $0x2  }
0x600: {  	v7 =	vor.u32 v16, v57  }
0x601: {  	v8 =	vor.u32 v11, v34;
	v6 =	vmul.f32 v6, v10;
	v26 =	vor.u32 v16, v5  }
0x602: {  	v3 =	vmul.f32 v3, v10;
	v40 =	vor.u32 v11, v1  }
0x603: {  	v6 =	vadd.f32 v6, v48  }
0x604: {  	v3 =	vadd.f32 v3, v4  }
0x605: {  	[tilespmem:v7+s25+$0x0] =	vst.idx.msk $0xffff, v6  }
0x606: {  	[tilespmem:v26+s25+$0x0] =	vst.idx.msk $0xffff, v3;
	v6 =	vld.idx.msk [tilespmem:v8+s20+$0x0], $0xffff  }
0x607: {  	v3 =	vld.idx.msk [tilespmem:v40+s20+$0x0], $0xffff  }
0x608: {  	v15 =	vld [tilespmem:$0x1FFF0]  }
0x609: {  	v40 =	vld [tilespmem:$0x1FFA0]  }
0x60a: {  	v9 =	vld [tilespmem:$0x1FC50];
	_ =	sdelay $0x3  }
0x60b: {  	v7 =	vor.u32 v15, v57  }
0x60c: {  	v8 =	vor.u32 v40, v34;
	v6 =	vmul.f32 v6, v9;
	v26 =	vor.u32 v15, v5  }
0x60d: {  	v3 =	vmul.f32 v3, v9  }
0x60e: {  	v6 =	vadd.f32 v6, v48  }
0x60f: {  	v3 =	vadd.f32 v3, v4  }
0x610: {  	[tilespmem:v7+s25+$0x0] =	vst.idx.msk $0xffff, v6  }
0x611: {  	[tilespmem:v26+s25+$0x0] =	vst.idx.msk $0xffff, v3;
	v6 =	vld.idx.msk [tilespmem:v8+s20+$0x0], $0xffff  }
0x612: {  	v3 =	vld [tilespmem:$0x1FB50]  }
0x613: {  	v51 =	vmov v12;
	v1 =	vor.u32 v40, v1;
	v12 =	vld [tilespmem:$0x1FF20]  }
0x614: {  	v11 =	vld [tilespmem:$0x1FBE0];
	_ =	sdelay $0x2  }
0x615: {  	v3 =	vor.u32 $0x10, v3  }
0x616: {  	v1 =	vld.idx.msk [tilespmem:v1+s20+$0x0], $0xffff;
	v7 =	vor.u32 v12, v57;
	v26 =	vand.u32 $0x1F, v3  }
0x617: {  	v6 =	vmul.f32 v6, v11;
	v8 =	vor.u32 v19, v26;
	_ =	sdelay $0x1  }
0x618: {  	v45 =	vor.u32 v25, v26;
	v6 =	vadd.f32 v6, v48  }
0x619: {  	v30 =	vor.u32 $0x10, v30  }
0x61a: {  	v37 =	vand.u32 $0x1F, v30;
	v1 =	vmul.f32 v1, v11;
	v48 =	vor.u32 v12, v5;
	[tilespmem:v7+s25+$0x0] =	vst.idx.msk $0xffff, v6  }
0x61b: {  	v50 =	vor.u32 v19, v37;
	v7 =	vand.u32 $0x380, v57;
	v6 =	vld.idx.msk [tilespmem:v8+s20+$0x0], $0xffff  }
0x61c: {  	v3 =	vshll.u32 v3, $0x7;
	v1 =	vadd.f32 v1, v4;
	v4 =	vor.u32 v25, v37;
	[tilespmem:$0x1FA80] =	vst v7  }
0x61d: {  	v3 =	vand.u32 $0xC00, v3;
	v45 =	vld.idx.msk [tilespmem:v45+s3+$0x0], $0xffff  }
0x61e: {  	v34 =	vlaneseq.u32;
	v52 =	vor.u32 v7, v3  }
0x61f: {  	v7 =	vor.u32 v34, v52;
	[tilespmem:v48+s25+$0x0] =	vst.idx.msk $0xffff, v1  }
0x620: {  	v3 =	vor.u32 v38, v26;
	v8 =	vshll.u32 v30, $0x7;
	v1 =	vld.idx.msk [tilespmem:v50+s20+$0x0], $0xffff;
	v6 =	vmul.f32 v6, v24  }
0x621: {  	v5 =	vand.u32 $0x380, v5;
	v48 =	vld.idx.msk [tilespmem:v4+s3+$0x0], $0xffff;
	v4 =	vand.u32 $0x7FFFFC00, v8  }
0x622: {  	v50 =	vor.u32 v5, v4;
	v4 =	vadd.f32 v6, v45  }
0x623: {  	[tilespmem:$0x1FA90] =	vst v5  }
0x624: {  	v5 =	vor.u32 v34, v50;
	[tilespmem:v7+s25+$0x0] =	vst.idx.msk $0xffff, v4  }
0x625: {  	v1 =	vmul.f32 v1, v24;
	v6 =	vor.u32 v38, v37;
	v3 =	vld.idx.msk [tilespmem:v3+s20+$0x0], $0xffff;
	_ =	sdelay $0x1  }
0x626: {  	v1 =	vadd.f32 v1, v48;
	_ =	sdelay $0x1  }
0x627: {  	v4 =	vor.u32 v17, v52;
	[tilespmem:v5+s25+$0x0] =	vst.idx.msk $0xffff, v1  }
0x628: {  	v5 =	vor.u32 v18, v26;
	v1 =	vld.idx.msk [tilespmem:v6+s20+$0x0], $0xffff;
	v3 =	vmul.f32 v3, v58;
	_ =	sdelay $0x1  }
0x629: {  	[tilespmem:v60+s25+$0x0] =	vst.idx.msk $0xffff, v27;
	v3 =	vadd.f32 v3, v45  }
0x62a: {  	v2 =	vld.idx.msk [tilespmem:v2+s20+$0x0], $0xffff  }
0x62b: {  	v6 =	vor.u32 v17, v50;
	[tilespmem:v4+s25+$0x0] =	vst.idx.msk $0xffff, v3  }
0x62c: {  	v1 =	vmul.f32 v1, v58;
	v3 =	vld.idx.msk [tilespmem:v5+s20+$0x0], $0xffff  }
0x62d: {  	v7 =	vor.u32 v18, v37  }
0x62e: {  	v1 =	vadd.f32 v1, v48;
	v4 =	vor.u32 v36, v55  }
0x62f: {  	v2 =	vmul.f32 v2, v22;
	v5 =	vor.u32 v62, v54  }
0x630: {  	[tilespmem:v6+s25+$0x0] =	vst.idx.msk $0xffff, v1;
	v6 =	vor.u32 v36, v52  }
0x631: {  	v2 =	vadd.f32 v2, v53;
	v3 =	vmul.f32 v3, v22  }
0x632: {  	v1 =	vld.idx.msk [tilespmem:v7+s20+$0x0], $0xffff  }
0x633: {  	v7 =	vor.u32 v62, v26;
	[tilespmem:v4+s25+$0x0] =	vst.idx.msk $0xffff, v2;
	v3 =	vadd.f32 v3, v45  }
0x634: {  	v2 =	vld.idx.msk [tilespmem:v5+s20+$0x0], $0xffff  }
0x635: {  	[tilespmem:v6+s25+$0x0] =	vst.idx.msk $0xffff, v3  }
0x636: {  	v4 =	vor.u32 v36, v50;
	v17 =	vld [tilespmem:$0x1FF90]  }
0x637: {  	v5 =	vor.u32 v62, v37;
	v1 =	vmul.f32 v1, v22  }
0x638: {  	v3 =	vld.idx.msk [tilespmem:v7+s20+$0x0], $0xffff;
	v7 =	vor.u32 v20, v55  }
0x639: {  	v1 =	vadd.f32 v1, v48;
	v2 =	vmul.f32 v2, v21  }
0x63a: {  	v6 =	vadd.f32 v56, v49  }
0x63b: {  	[tilespmem:v4+s25+$0x0] =	vst.idx.msk $0xffff, v1;
	v2 =	vadd.f32 v2, v53;
	v8 =	vor.u32 v17, v54  }
0x63c: {  	[tilespmem:v0+s25+$0x0] =	vst.idx.msk $0xffff, v6;
	v0 =	vld.idx.msk [tilespmem:v5+s20+$0x0], $0xffff  }
0x63d: {  	v1 =	vld.idx.msk [tilespmem:v63+s20+$0x0], $0xffff;
	[tilespmem:v7+s25+$0x0] =	vst.idx.msk $0xffff, v2  }
0x63e: {  	v18 =	vld [tilespmem:$0x1FFB0]  }
0x63f: {  	v4 =	vor.u32 v20, v52;
	v57 =	vld [tilespmem:$0x1FFC0]  }
0x640: {  	v3 =	vmul.f32 v3, v21;
	v2 =	vld.idx.msk [tilespmem:v8+s20+$0x0], $0xffff  }
0x641: {  	v5 =	vor.u32 v17, v26  }
0x642: {  	v6 =	vor.u32 v20, v50;
	v3 =	vadd.f32 v3, v45;
	v0 =	vmul.f32 v0, v21  }
0x643: {  	v1 =	vmul.f32 v1, v14;
	v8 =	vor.u32 v17, v37;
	v7 =	vor.u32 v18, v44  }
0x644: {  	[tilespmem:v4+s25+$0x0] =	vst.idx.msk $0xffff, v3;
	v27 =	vor.u32 v57, v43;
	v4 =	vor.u32 v18, v55  }
0x645: {  	v0 =	vadd.f32 v0, v48;
	v2 =	vmul.f32 v2, v14  }
0x646: {  	v1 =	vadd.f32 v1, v49;
	v3 =	vld.idx.msk [tilespmem:v5+s20+$0x0], $0xffff  }
0x647: {  	[tilespmem:v6+s25+$0x0] =	vst.idx.msk $0xffff, v0;
	v2 =	vadd.f32 v2, v53  }
0x648: {  	v0 =	vld.idx.msk [tilespmem:v8+s20+$0x0], $0xffff;
	[tilespmem:v7+s25+$0x0] =	vst.idx.msk $0xffff, v1  }
0x649: {  	v5 =	vor.u32 v57, v54;
	v1 =	vld.idx.msk [tilespmem:v27+s20+$0x0], $0xffff;
	[tilespmem:v4+s25+$0x0] =	vst.idx.msk $0xffff, v2  }
0x64a: {  	v6 =	vor.u32 v18, v52;
	v17 =	vld [tilespmem:$0x1FFE0]  }
0x64b: {  	v3 =	vmul.f32 v3, v14;
	v7 =	vor.u32 v57, v26;
	_ =	sdelay $0x1  }
0x64c: {  	v3 =	vadd.f32 v3, v45;
	v4 =	vor.u32 v18, v50  }
0x64d: {  	v8 =	vor.u32 v57, v37;
	v2 =	vld.idx.msk [tilespmem:v5+s20+$0x0], $0xffff;
	v5 =	vor.u32 v16, v44;
	v0 =	vmul.f32 v0, v14  }
0x64e: {  	[tilespmem:v6+s25+$0x0] =	vst.idx.msk $0xffff, v3;
	v1 =	vmul.f32 v1, v10;
	v27 =	vor.u32 v17, v43  }
0x64f: {  	v3 =	vld.idx.msk [tilespmem:v7+s20+$0x0], $0xffff;
	v0 =	vadd.f32 v0, v48  }
0x650: {  	v1 =	vadd.f32 v1, v49  }
0x651: {  	v6 =	vor.u32 v16, v55;
	[tilespmem:v4+s25+$0x0] =	vst.idx.msk $0xffff, v0  }
0x652: {  	v2 =	vmul.f32 v2, v10;
	v7 =	vor.u32 v17, v54;
	v0 =	vld.idx.msk [tilespmem:v8+s20+$0x0], $0xffff;
	[tilespmem:v5+s25+$0x0] =	vst.idx.msk $0xffff, v1  }
0x653: {  	v4 =	vor.u32 v16, v52;
	v1 =	vld.idx.msk [tilespmem:v27+s20+$0x0], $0xffff  }
0x654: {  	v5 =	vor.u32 v17, v26;
	v3 =	vmul.f32 v3, v10;
	v2 =	vadd.f32 v2, v53;
	_ =	sdelay $0x1  }
0x655: {  	v3 =	vadd.f32 v3, v45;
	[tilespmem:v6+s25+$0x0] =	vst.idx.msk $0xffff, v2;
	v6 =	vor.u32 v16, v50  }
0x656: {  	v8 =	vor.u32 v17, v37;
	v2 =	vld.idx.msk [tilespmem:v7+s20+$0x0], $0xffff;
	v7 =	vor.u32 v15, v44;
	v0 =	vmul.f32 v0, v10  }
0x657: {  	v27 =	vor.u32 v40, v43;
	[tilespmem:v4+s25+$0x0] =	vst.idx.msk $0xffff, v3;
	v1 =	vmul.f32 v1, v9  }
0x658: {  	v3 =	vld.idx.msk [tilespmem:v5+s20+$0x0], $0xffff;
	v0 =	vadd.f32 v0, v48  }
0x659: {  	v1 =	vadd.f32 v1, v49  }
0x65a: {  	[tilespmem:v6+s25+$0x0] =	vst.idx.msk $0xffff, v0  }
0x65b: {  	v4 =	vor.u32 v15, v55;
	v0 =	vld.idx.msk [tilespmem:v8+s20+$0x0], $0xffff;
	[tilespmem:v7+s25+$0x0] =	vst.idx.msk $0xffff, v1  }
0x65c: {  	v5 =	vor.u32 v40, v54;
	v6 =	vor.u32 v15, v52;
	v2 =	vmul.f32 v2, v9;
	v1 =	vld.idx.msk [tilespmem:v27+s20+$0x0], $0xffff  }
0x65d: {  	v3 =	vmul.f32 v3, v9;
	v7 =	vor.u32 v18, v51;
	v18 =	vld [tilespmem:$0x1FB80]  }
0x65e: {  	v2 =	vadd.f32 v2, v53  }
0x65f: {  	v3 =	vadd.f32 v3, v45  }
0x660: {  	[tilespmem:v4+s25+$0x0] =	vst.idx.msk $0xffff, v2;
	v4 =	vor.u32 v15, v50  }
0x661: {  	v0 =	vmul.f32 v0, v9;
	[tilespmem:v6+s25+$0x0] =	vst.idx.msk $0xffff, v3;
	v2 =	vld.idx.msk [tilespmem:v5+s20+$0x0], $0xffff;
	v5 =	vor.u32 v12, v44  }
0x662: {  	v63 =	vor.u32 $0x20, v18;
	v1 =	vmul.f32 v1, v11;
	v18 =	vld [tilespmem:$0x1FBD0]  }
0x663: {  	v60 =	vmov v40;
	v0 =	vadd.f32 v0, v48  }
0x664: {  	v8 =	vor.u32 v60, v26;
	v1 =	vadd.f32 v1, v49  }
0x665: {  	[tilespmem:v4+s25+$0x0] =	vst.idx.msk $0xffff, v0  }
0x666: {  	v62 =	vmov v60;
	v60 =	vor.u32 v12, v55;
	[tilespmem:v5+s25+$0x0] =	vst.idx.msk $0xffff, v1  }
0x667: {  	v2 =	vmul.f32 v2, v11;
	v34 =	vor.u32 $0x20, v18;
	v18 =	vld [tilespmem:$0x1FA70]  }
0x668: {  	v26 =	vmul.f32 v23, v14;
	v23 =	vor.u32 v62, v37;
	v54 =	vand.u32 $0x2F, v63  }
0x669: {  	v27 =	vor.u32 v57, v42;
	v8 =	vld.idx.msk [tilespmem:v8+s20+$0x0], $0xffff;
	v57 =	vor.u32 v19, v54;
	v2 =	vadd.f32 v2, v53;
	_ =	sdelay $0x1  }
0x66a: {  	v3 =	vor.u32 v16, v41;
	v44 =	vmov v16;
	v6 =	vor.u32 v25, v54;
	v16 =	vld [tilespmem:$0x1FB50];
	[tilespmem:v60+s25+$0x0] =	vst.idx.msk $0xffff, v2  }
0x66b: {  	v55 =	vand.u32 $0x2F, v34;
	v56 =	vor.u32 $0x20, v18;
	v18 =	vld [tilespmem:$0x1FBC0]  }
0x66c: {  	v37 =	vmov v62;
	v62 =	vor.u32 v12, v52;
	v4 =	vld.idx.msk [tilespmem:v23+s20+$0x0], $0xffff;
	v1 =	vor.u32 v19, v55  }
0x66d: {  	v8 =	vmul.f32 v8, v11;
	v5 =	vld.idx.msk [tilespmem:v57+s20+$0x0], $0xffff  }
0x66e: {  	v28 =	vshll.u32 v63, $0x7  }
0x66f: {  	v0 =	vand.u32 $0x1400, v28;
	v2 =	vadd.f32 v8, v45;
	v49 =	vld.idx.msk [tilespmem:v6+s3+$0x0], $0xffff  }
0x670: {  	v23 =	vlaneseq.u32;
	v8 =	vor.u32 v12, v50;
	v53 =	vor.u32 v18, v0  }
0x671: {  	[tilespmem:v62+s25+$0x0] =	vst.idx.msk $0xffff, v2;
	v0 =	vld.idx.msk [tilespmem:v1+s20+$0x0], $0xffff;
	v1 =	vmul.f32 v4, v11;
	v2 =	vor.u32 v23, v53  }
0x672: {  	v5 =	vmul.f32 v5, v24  }
0x673: {  	v63 =	vor.u32 v25, v55;
	v1 =	vadd.f32 v1, v48  }
0x674: {  	v28 =	vor.u32 $0x20, v16;
	v5 =	vadd.f32 v5, v49;
	v18 =	vld [tilespmem:$0x1FC00]  }
0x675: {  	v57 =	vand.u32 $0x2F, v28;
	[tilespmem:v8+s25+$0x0] =	vst.idx.msk $0xffff, v1  }
0x676: {  	v6 =	vor.u32 v19, v57;
	[tilespmem:v2+s25+$0x0] =	vst.idx.msk $0xffff, v5  }
0x677: {  	v45 =	vshll.u32 v34, $0x7;
	v34 =	vor.u32 v38, v54;
	v2 =	vld [tilespmem:$0x1FA80]  }
0x678: {  	v40 =	vmov v51;
	v30 =	vand.u32 $0x7FFFFC00, v45;
	v51 =	vld.idx.msk [tilespmem:v63+s3+$0x0], $0xffff  }
0x679: {  	v43 =	vand.u32 $0x2F, v56;
	v52 =	vor.u32 v25, v57;
	v62 =	vor.u32 v18, v30  }
0x67a: {  	v4 =	vor.u32 v19, v43;
	v8 =	vshll.u32 v28, $0x7;
	v1 =	vor.u32 v23, v62  }
0x67b: {  	v31 =	vor.u32 v25, v43;
	v6 =	vld.idx.msk [tilespmem:v6+s20+$0x0], $0xffff;
	v0 =	vmul.f32 v0, v24;
	v8 =	vand.u32 $0x1400, v8  }
0x67c: {  	v63 =	vor.u32 v2, v8;
	v8 =	vld.idx.msk [tilespmem:v34+s20+$0x0], $0xffff  }
0x67d: {  	v0 =	vadd.f32 v0, v51;
	v34 =	vld [tilespmem:$0x1FA90]  }
0x67e: {  	v26 =	vadd.f32 v26, v13;
	v52 =	vld.idx.msk [tilespmem:v52+s3+$0x0], $0xffff  }
0x67f: {  	v45 =	vlaneseq.u32;
	v28 =	vor.u32 v38, v55;
	v4 =	vld.idx.msk [tilespmem:v4+s20+$0x0], $0xffff;
	[tilespmem:v1+s25+$0x0] =	vst.idx.msk $0xffff, v0  }
0x680: {  	v50 =	vld.idx.msk [tilespmem:v31+s3+$0x0], $0xffff;
	v2 =	vshll.u32 v56, $0x7;
	[tilespmem:v7+s25+$0x0] =	vst.idx.msk $0xffff, v26;
	v5 =	vor.u32 v45, v63  }
0x681: {  	v6 =	vmul.f32 v6, v24;
	v56 =	vor.u32 v38, v57;
	v2 =	vand.u32 $0x7FFFFC00, v2;
	v18 =	vld [tilespmem:$0x1FF40]  }
0x682: {  	v60 =	vor.u32 v34, v2;
	v2 =	vmul.f32 v61, v10  }
0x683: {  	v48 =	vmov v38;
	v6 =	vadd.f32 v6, v52;
	v0 =	vor.u32 v45, v60  }
0x684: {  	v4 =	vmul.f32 v4, v24;
	v38 =	vor.u32 v38, v43;
	v1 =	vld.idx.msk [tilespmem:v28+s20+$0x0], $0xffff;
	v2 =	vadd.f32 v2, v59  }
0x685: {  	[tilespmem:v5+s25+$0x0] =	vst.idx.msk $0xffff, v6  }
0x686: {  	v4 =	vadd.f32 v4, v50;
	v7 =	vor.u32 v18, v53;
	v5 =	vld.idx.msk [tilespmem:v56+s20+$0x0], $0xffff;
	[tilespmem:v3+s25+$0x0] =	vst.idx.msk $0xffff, v2  }
0x687: {  	v3 =	vmul.f32 v8, v58;
	v23 =	vld [tilespmem:$0x1FF50]  }
0x688: {  	v8 =	vor.u32 v18, v62;
	[tilespmem:v0+s25+$0x0] =	vst.idx.msk $0xffff, v4  }
0x689: {  	v1 =	vmul.f32 v1, v58;
	v0 =	vadd.f32 v3, v49;
	v4 =	vld.idx.msk [tilespmem:v38+s20+$0x0], $0xffff  }
0x68a: {  	v6 =	vld.idx.msk [tilespmem:v27+s20+$0x0], $0xffff  }
0x68b: {  	[tilespmem:v7+s25+$0x0] =	vst.idx.msk $0xffff, v0;
	v0 =	vadd.f32 v1, v51  }
0x68c: {  	v5 =	vmul.f32 v5, v58;
	v1 =	vor.u32 v18, v63;
	v2 =	vor.u32 v23, v54  }
0x68d: {  	v3 =	vor.u32 v23, v55;
	[tilespmem:v8+s25+$0x0] =	vst.idx.msk $0xffff, v0;
	v0 =	vor.u32 v18, v60  }
0x68e: {  	v26 =	vld.idx.msk [tilespmem:v39+s20+$0x0], $0xffff;
	v7 =	vor.u32 v44, v40;
	v4 =	vmul.f32 v4, v58  }
0x68f: {  	v6 =	vmul.f32 v6, v10;
	v5 =	vadd.f32 v5, v52  }
0x690: {  	v27 =	vor.u32 v23, v57;
	v4 =	vadd.f32 v4, v50  }
0x691: {  	[tilespmem:v1+s25+$0x0] =	vst.idx.msk $0xffff, v5;
	v1 =	vadd.f32 v6, v13;
	v2 =	vld.idx.msk [tilespmem:v2+s20+$0x0], $0xffff  }
0x692: {  	v3 =	vld.idx.msk [tilespmem:v3+s20+$0x0], $0xffff;
	[tilespmem:v0+s25+$0x0] =	vst.idx.msk $0xffff, v4  }
0x693: {  	v26 =	vmul.f32 v26, v9;
	v18 =	vld [tilespmem:$0x1FF70];
	[tilespmem:v7+s25+$0x0] =	vst.idx.msk $0xffff, v1  }
0x694: {  	v8 =	vor.u32 v23, v43;
	v1 =	vld [tilespmem:$0x1FA60]  }
0x695: {  	v5 =	vadd.f32 v26, v59;
	v6 =	vor.u32 v36, v53;
	v26 =	vld.idx.msk [tilespmem:v27+s20+$0x0], $0xffff  }
0x696: {  	v61 =	vor.u32 v15, v41;
	v2 =	vmul.f32 v2, v22  }
0x697: {  	v56 =	vor.u32 v17, v42  }
0x698: {  	v4 =	vor.u32 v36, v62;
	v0 =	vor.u32 v18, v54;
	v2 =	vadd.f32 v2, v49  }
0x699: {  	v27 =	vor.u32 v36, v63;
	v7 =	vld.idx.msk [tilespmem:v8+s20+$0x0], $0xffff;
	v3 =	vmul.f32 v3, v22;
	v1 =	vor.u32 v37, v1  }
0x69a: {  	[tilespmem:v6+s25+$0x0] =	vst.idx.msk $0xffff, v2;
	v2 =	vmul.f32 v26, v22  }
0x69b: {  	[tilespmem:v61+s25+$0x0] =	vst.idx.msk $0xffff, v5;
	v5 =	vor.u32 v18, v55;
	v3 =	vadd.f32 v3, v51  }
0x69c: {  	v8 =	vld.idx.msk [tilespmem:v56+s20+$0x0], $0xffff;
	v2 =	vadd.f32 v2, v52  }
0x69d: {  	[tilespmem:v4+s25+$0x0] =	vst.idx.msk $0xffff, v3;
	v3 =	vor.u32 v36, v60;
	v0 =	vld.idx.msk [tilespmem:v0+s20+$0x0], $0xffff  }
0x69e: {  	v6 =	vmul.f32 v7, v22;
	v1 =	vld.idx.msk [tilespmem:v1+s20+$0x0], $0xffff;
	[tilespmem:v27+s25+$0x0] =	vst.idx.msk $0xffff, v2  }
0x69f: {  	v61 =	vld [tilespmem:$0x1FF80]  }
0x6a0: {  	v7 =	vor.u32 v15, v40;
	v2 =	vld.idx.msk [tilespmem:v5+s20+$0x0], $0xffff;
	v5 =	vadd.f32 v6, v50  }
0x6a1: {  	v8 =	vmul.f32 v8, v9;
	v4 =	vor.u32 v18, v57  }
0x6a2: {  	v26 =	vor.u32 v18, v43;
	v31 =	vld [tilespmem:$0x1FB40];
	[tilespmem:v3+s25+$0x0] =	vst.idx.msk $0xffff, v5  }
0x6a3: {  	v6 =	vadd.f32 v8, v13;
	v8 =	vor.u32 v12, v41;
	v56 =	vld [tilespmem:$0x1FF90]  }
0x6a4: {  	v1 =	vmul.f32 v1, v11;
	v27 =	vor.u32 v61, v53  }
0x6a5: {  	[tilespmem:v7+s25+$0x0] =	vst.idx.msk $0xffff, v6;
	v0 =	vmul.f32 v0, v21;
	v6 =	vor.u32 v61, v62  }
0x6a6: {  	v4 =	vld.idx.msk [tilespmem:v4+s20+$0x0], $0xffff;
	v2 =	vmul.f32 v2, v21;
	v1 =	vadd.f32 v1, v59  }
0x6a7: {  	v7 =	vld.idx.msk [tilespmem:v26+s20+$0x0], $0xffff;
	v0 =	vadd.f32 v0, v49  }
0x6a8: {  	v3 =	vor.u32 v56, v54;
	[tilespmem:v8+s25+$0x0] =	vst.idx.msk $0xffff, v1;
	v1 =	vadd.f32 v2, v51  }
0x6a9: {  	v5 =	vor.u32 v37, v42;
	[tilespmem:v27+s25+$0x0] =	vst.idx.msk $0xffff, v0  }
0x6aa: {  	v26 =	vor.u32 v56, v55;
	v2 =	vor.u32 v61, v63;
	[tilespmem:v6+s25+$0x0] =	vst.idx.msk $0xffff, v1  }
0x6ab: {  	v4 =	vmul.f32 v4, v21;
	v8 =	vor.u32 v61, v60;
	v59 =	vld [tilespmem:$0x1FFB0]  }
0x6ac: {  	v1 =	vmul.f32 v7, v21;
	v42 =	vld [tilespmem:$0x1FB70]  }
0x6ad: {  	v34 =	vor.u32 $0x30, v31;
	v4 =	vadd.f32 v4, v52;
	v0 =	vld.idx.msk [tilespmem:v3+s20+$0x0], $0xffff  }
0x6ae: {  	v39 =	vand.u32 $0x3F, v34;
	v3 =	vld.idx.msk [tilespmem:v5+s20+$0x0], $0xffff;
	v1 =	vadd.f32 v1, v50  }
0x6af: {  	v41 =	vor.u32 v19, v39;
	v28 =	vld.idx.msk [tilespmem:v26+s20+$0x0], $0xffff;
	[tilespmem:v2+s25+$0x0] =	vst.idx.msk $0xffff, v4  }
0x6b0: {  	v5 =	vor.u32 v56, v57;
	v20 =	vld [tilespmem:$0x1FFC0];
	[tilespmem:v8+s25+$0x0] =	vst.idx.msk $0xffff, v1  }
0x6b1: {  	v27 =	vor.u32 v25, v39;
	v8 =	vld [tilespmem:$0x1FB60]  }
0x6b2: {  	v6 =	vshll.u32 v34, $0x7;
	v34 =	vor.u32 v56, v43;
	v31 =	vor.u32 v59, v53  }
0x6b3: {  	v0 =	vmul.f32 v0, v14  }
0x6b4: {  	v7 =	vor.u32 v12, v40;
	v30 =	vld.idx.msk [tilespmem:v41+s20+$0x0], $0xffff;
	v4 =	vand.u32 $0x1C00, v6;
	v6 =	vor.u32 v59, v62  }
0x6b5: {  	v3 =	vmul.f32 v3, v11;
	v5 =	vld.idx.msk [tilespmem:v5+s20+$0x0], $0xffff;
	v2 =	vor.u32 v20, v54;
	v0 =	vadd.f32 v0, v49  }
0x6b6: {  	v26 =	vld.idx.msk [tilespmem:v27+s3+$0x0], $0xffff;
	v27 =	vor.u32 v8, v4;
	v4 =	vmul.f32 v28, v14;
	v8 =	vor.u32 v20, v55  }
0x6b7: {  	v3 =	vadd.f32 v3, v13;
	[tilespmem:v31+s25+$0x0] =	vst.idx.msk $0xffff, v0;
	v0 =	vld.idx.msk [tilespmem:v34+s20+$0x0], $0xffff  }
0x6b8: {  	v41 =	vor.u32 $0x30, v42;
	v4 =	vadd.f32 v4, v51  }
0x6b9: {  	v38 =	vand.u32 $0x3F, v41;
	v34 =	vor.u32 v59, v63;
	[tilespmem:v7+s25+$0x0] =	vst.idx.msk $0xffff, v3  }
0x6ba: {  	v7 =	vor.u32 v45, v27;
	v3 =	vmul.f32 v5, v14;
	v2 =	vld.idx.msk [tilespmem:v2+s20+$0x0], $0xffff;
	[tilespmem:v6+s25+$0x0] =	vst.idx.msk $0xffff, v4  }
0x6bb: {  	v30 =	vmul.f32 v30, v24;
	v1 =	vor.u32 v19, v38;
	v6 =	vld.idx.msk [tilespmem:v8+s20+$0x0], $0xffff;
	v8 =	vor.u32 v59, v60  }
0x6bc: {  	v3 =	vadd.f32 v3, v52;
	v0 =	vmul.f32 v0, v14  }
0x6bd: {  	v5 =	vor.u32 v20, v57;
	v4 =	vadd.f32 v30, v26  }
0x6be: {  	v28 =	vor.u32 v25, v38;
	[tilespmem:v34+s25+$0x0] =	vst.idx.msk $0xffff, v3;
	v0 =	vadd.f32 v0, v50  }
0x6bf: {  	v40 =	vor.u32 v44, v53;
	v36 =	vor.u32 v20, v43;
	[tilespmem:v7+s25+$0x0] =	vst.idx.msk $0xffff, v4  }
0x6c0: {  	v1 =	vld.idx.msk [tilespmem:v1+s20+$0x0], $0xffff;
	v3 =	vor.u32 v17, v54;
	v2 =	vmul.f32 v2, v10;
	[tilespmem:v8+s25+$0x0] =	vst.idx.msk $0xffff, v0  }
0x6c1: {  	v8 =	vld [tilespmem:$0x1FBA0]  }
0x6c2: {  	v5 =	vld.idx.msk [tilespmem:v5+s20+$0x0], $0xffff;
	v2 =	vadd.f32 v2, v49  }
0x6c3: {  	v30 =	vld.idx.msk [tilespmem:v28+s3+$0x0], $0xffff;
	v4 =	vor.u32 v44, v62  }
0x6c4: {  	v34 =	vshll.u32 v41, $0x7;
	v6 =	vmul.f32 v6, v10;
	[tilespmem:v40+s25+$0x0] =	vst.idx.msk $0xffff, v2;
	v2 =	vld.idx.msk [tilespmem:v36+s20+$0x0], $0xffff  }
0x6c5: {  	v31 =	vor.u32 v17, v57;
	v28 =	vor.u32 v17, v55;
	v7 =	vand.u32 $0x7FFFFC00, v34;
	v3 =	vld.idx.msk [tilespmem:v3+s20+$0x0], $0xffff  }
0x6c6: {  	v6 =	vadd.f32 v6, v51;
	v34 =	vor.u32 v8, v7;
	v8 =	vor.u32 v44, v63  }
0x6c7: {  	v1 =	vmul.f32 v1, v24;
	v5 =	vmul.f32 v5, v10;
	v7 =	vor.u32 v45, v34  }
0x6c8: {  	v0 =	vor.u32 v48, v39;
	[tilespmem:v4+s25+$0x0] =	vst.idx.msk $0xffff, v6;
	v6 =	vor.u32 v44, v60  }
0x6c9: {  	v5 =	vadd.f32 v5, v52;
	v45 =	vor.u32 v15, v53;
	v2 =	vmul.f32 v2, v10  }
0x6ca: {  	v1 =	vadd.f32 v1, v30;
	v3 =	vmul.f32 v3, v9  }
0x6cb: {  	v2 =	vadd.f32 v2, v50;
	[tilespmem:v8+s25+$0x0] =	vst.idx.msk $0xffff, v5  }
0x6cc: {  	v36 =	vor.u32 v48, v38;
	v4 =	vld.idx.msk [tilespmem:v28+s20+$0x0], $0xffff;
	v3 =	vadd.f32 v3, v49;
	[tilespmem:v7+s25+$0x0] =	vst.idx.msk $0xffff, v1  }
0x6cd: {  	v18 =	vmov v48;
	v48 =	vor.u32 v17, v43;
	v0 =	vld.idx.msk [tilespmem:v0+s20+$0x0], $0xffff;
	[tilespmem:v6+s25+$0x0] =	vst.idx.msk $0xffff, v2  }
0x6ce: {  	v5 =	vor.u32 v37, v54;
	v1 =	vld.idx.msk [tilespmem:v31+s20+$0x0], $0xffff;
	[tilespmem:v45+s25+$0x0] =	vst.idx.msk $0xffff, v3  }
0x6cf: {  	v3 =	vor.u32 v37, v55;
	v55 =	vld [tilespmem:$0x1FF40]  }
0x6d0: {  	v8 =	vor.u32 v15, v62  }
0x6d1: {  	v2 =	vmul.f32 v4, v9;
	v7 =	vld.idx.msk [tilespmem:v36+s20+$0x0], $0xffff  }
0x6d2: {  	v4 =	vld.idx.msk [tilespmem:v48+s20+$0x0], $0xffff  }
0x6d3: {  	v0 =	vmul.f32 v0, v58;
	v36 =	vor.u32 v15, v63;
	v2 =	vadd.f32 v2, v51;
	v5 =	vld.idx.msk [tilespmem:v5+s20+$0x0], $0xffff  }
0x6d4: {  	v1 =	vmul.f32 v1, v9;
	v6 =	vor.u32 v55, v27  }
0x6d5: {  	v0 =	vadd.f32 v0, v26;
	[tilespmem:v8+s25+$0x0] =	vst.idx.msk $0xffff, v2;
	v2 =	vor.u32 v55, v34  }
0x6d6: {  	v8 =	vor.u32 v15, v60;
	v7 =	vmul.f32 v7, v58;
	v1 =	vadd.f32 v1, v52  }
0x6d7: {  	v45 =	vor.u32 v37, v57;
	v57 =	vor.u32 v12, v53;
	v4 =	vmul.f32 v4, v9  }
0x6d8: {  	v7 =	vadd.f32 v7, v30;
	[tilespmem:v36+s25+$0x0] =	vst.idx.msk $0xffff, v1;
	v5 =	vmul.f32 v5, v11  }
0x6d9: {  	v4 =	vadd.f32 v4, v50;
	v1 =	vld [tilespmem:$0x1FB80];
	[tilespmem:v6+s25+$0x0] =	vst.idx.msk $0xffff, v0  }
0x6da: {  	v5 =	vadd.f32 v5, v49;
	[tilespmem:v2+s25+$0x0] =	vst.idx.msk $0xffff, v7  }
0x6db: {  	v6 =	vld [tilespmem:$0x1FBD0];
	[tilespmem:v8+s25+$0x0] =	vst.idx.msk $0xffff, v4  }
0x6dc: {  	v3 =	vld.idx.msk [tilespmem:v3+s20+$0x0], $0xffff;
	[tilespmem:v57+s25+$0x0] =	vst.idx.msk $0xffff, v5  }
0x6dd: {  	v16 =	vld [tilespmem:$0x1FBC0];
	_ =	sdelay $0x1  }
0x6de: {  	v1 =	vor.u32 $0x30, v1  }
0x6df: {  	v40 =	vand.u32 $0x3F, v1;
	v1 =	vshll.u32 v1, $0x7  }
0x6e0: {  	v62 =	vor.u32 v12, v62;
	v1 =	vand.u32 $0x1C00, v1  }
0x6e1: {  	v3 =	vmul.f32 v3, v11;
	v28 =	vor.u32 v16, v1;
	v16 =	vld [tilespmem:$0x1FB50];
	_ =	sdelay $0x1  }
0x6e2: {  	v0 =	vld.idx.msk [tilespmem:v45+s20+$0x0], $0xffff;
	v3 =	vadd.f32 v3, v51;
	_ =	sdelay $0x1  }
0x6e3: {  	v48 =	vor.u32 v37, v43;
	[tilespmem:v62+s25+$0x0] =	vst.idx.msk $0xffff, v3  }
0x6e4: {  	v2 =	vor.u32 v19, v40;
	v57 =	vor.u32 $0x30, v16;
	v16 =	vld [tilespmem:$0x1FA70]  }
0x6e5: {  	v36 =	vor.u32 v12, v63;
	v5 =	vor.u32 v25, v40  }
0x6e6: {  	v0 =	vmul.f32 v0, v11;
	v6 =	vor.u32 $0x30, v6  }
0x6e7: {  	v41 =	vand.u32 $0x3F, v6  }
0x6e8: {  	v7 =	vor.u32 v23, v39;
	v8 =	vld.idx.msk [tilespmem:v48+s20+$0x0], $0xffff;
	v0 =	vadd.f32 v0, v52;
	v4 =	vor.u32 v19, v41  }
0x6e9: {  	v54 =	vmovc v37;
	v3 =	vor.u32 v12, v60;
	v37 =	vor.u32 v25, v41;
	v2 =	vld.idx.msk [tilespmem:v2+s20+$0x0], $0xffff;
	v52 =	vor.u32 $0x30, v16  }
0x6ea: {  	v13 =	vmovc v44;
	v31 =	vld.idx.msk [tilespmem:v5+s3+$0x0], $0xffff;
	v5 =	vshll.u32 v6, $0x7;
	[tilespmem:v36+s25+$0x0] =	vst.idx.msk $0xffff, v0;
	v44 =	vand.u32 $0x3F, v57;
	v49 =	vand.u32 $0x3F, v52  }
0x6eb: {  	v0 =	vand.u32 $0x7FFFFC00, v5;
	v60 =	vor.u32 v19, v44;
	v5 =	vor.u32 v19, v49;
	v19 =	vld [tilespmem:$0x1FC00]  }
0x6ec: {  	v1 =	vor.u32 v23, v38  }
0x6ed: {  	v4 =	vld.idx.msk [tilespmem:v4+s20+$0x0], $0xffff  }
0x6ee: {  	v8 =	vmul.f32 v8, v11;
	v16 =	vlaneseq.u32  }
0x6ef: {  	v36 =	vld.idx.msk [tilespmem:v37+s3+$0x0], $0xffff;
	v62 =	vor.u32 v16, v28  }
0x6f0: {  	v7 =	vld.idx.msk [tilespmem:v7+s20+$0x0], $0xffff;
	v8 =	vadd.f32 v8, v50;
	v2 =	vmul.f32 v2, v24;
	v37 =	vor.u32 v19, v0  }
0x6f1: {  	v0 =	vld.idx.msk [tilespmem:v1+s20+$0x0], $0xffff;
	v1 =	vor.u32 v16, v37  }
0x6f2: {  	v2 =	vadd.f32 v2, v31;
	v4 =	vmul.f32 v4, v24;
	[tilespmem:v3+s25+$0x0] =	vst.idx.msk $0xffff, v8;
	v8 =	vld.idx.msk [tilespmem:v60+s20+$0x0], $0xffff  }
0x6f3: {  	v6 =	vor.u32 v25, v44;
	v60 =	vld [tilespmem:$0x1FA80]  }
0x6f4: {  	v4 =	vadd.f32 v4, v36;
	v19 =	vld [tilespmem:$0x1FF70];
	[tilespmem:v62+s25+$0x0] =	vst.idx.msk $0xffff, v2  }
0x6f5: {  	v3 =	vor.u32 v18, v40;
	v51 =	vld [tilespmem:$0x1FF60]  }
0x6f6: {  	v63 =	vor.u32 v25, v49;
	[tilespmem:v1+s25+$0x0] =	vst.idx.msk $0xffff, v4  }
0x6f7: {  	v62 =	vshll.u32 v52, $0x7;
	v52 =	vld [tilespmem:$0x1FA90]  }
0x6f8: {  	v53 =	vshll.u32 v57, $0x7;
	v57 =	vor.u32 v18, v41;
	v25 =	vld.idx.msk [tilespmem:v6+s3+$0x0], $0xffff  }
0x6f9: {  	v7 =	vmul.f32 v7, v22;
	v6 =	vand.u32 $0x1C00, v53;
	v5 =	vld.idx.msk [tilespmem:v5+s20+$0x0], $0xffff;
	v8 =	vmul.f32 v8, v24  }
0x6fa: {  	v16 =	vlaneseq.u32;
	v43 =	vor.u32 v60, v6;
	v3 =	vld.idx.msk [tilespmem:v3+s20+$0x0], $0xffff;
	v2 =	vor.u32 v51, v27  }
0x6fb: {  	v42 =	vld.idx.msk [tilespmem:v63+s3+$0x0], $0xffff;
	v6 =	vor.u32 v19, v39;
	v1 =	vor.u32 v16, v43;
	v4 =	vand.u32 $0x7FFFFC00, v62  }
0x6fc: {  	v63 =	vor.u32 v18, v44;
	v45 =	vor.u32 v52, v4  }
0x6fd: {  	v8 =	vadd.f32 v8, v25;
	v4 =	vadd.f32 v7, v26;
	v7 =	vld.idx.msk [tilespmem:v57+s20+$0x0], $0xffff;
	v53 =	vor.u32 v16, v45  }
0x6fe: {  	v0 =	vmul.f32 v0, v22;
	v5 =	vmul.f32 v5, v24;
	v24 =	vor.u32 v18, v49  }
0x6ff: {  	v3 =	vmul.f32 v3, v58;
	[tilespmem:v2+s25+$0x0] =	vst.idx.msk $0xffff, v4;
	v2 =	vor.u32 v51, v34  }
0x700: {  	[tilespmem:v1+s25+$0x0] =	vst.idx.msk $0xffff, v8;
	v1 =	vadd.f32 v5, v42;
	v4 =	vld.idx.msk [tilespmem:v6+s20+$0x0], $0xffff;
	v6 =	vor.u32 v55, v28  }
0x701: {  	v0 =	vadd.f32 v0, v30;
	v5 =	vor.u32 v23, v40;
	v8 =	vor.u32 v55, v37;
	v50 =	vld.idx.msk [tilespmem:v63+s20+$0x0], $0xffff  }
0x702: {  	v7 =	vmul.f32 v7, v58;
	[tilespmem:v53+s25+$0x0] =	vst.idx.msk $0xffff, v1;
	v1 =	vor.u32 v23, v41  }
0x703: {  	v3 =	vadd.f32 v3, v31;
	v57 =	vor.u32 v19, v38;
	v24 =	vld.idx.msk [tilespmem:v24+s20+$0x0], $0xffff  }
0x704: {  	[tilespmem:v2+s25+$0x0] =	vst.idx.msk $0xffff, v0;
	v0 =	vor.u32 v61, v27;
	v2 =	vadd.f32 v7, v36  }
0x705: {  	v52 =	vmov v23;
	v4 =	vmul.f32 v4, v21;
	[tilespmem:v6+s25+$0x0] =	vst.idx.msk $0xffff, v3;
	v3 =	vor.u32 v55, v43  }
0x706: {  	v6 =	vmul.f32 v50, v58;
	v5 =	vld.idx.msk [tilespmem:v5+s20+$0x0], $0xffff;
	[tilespmem:v8+s25+$0x0] =	vst.idx.msk $0xffff, v2;
	v2 =	vor.u32 v23, v44  }
0x707: {  	v7 =	vor.u32 v56, v39;
	v8 =	vor.u32 v55, v45;
	v4 =	vadd.f32 v4, v26;
	v1 =	vld.idx.msk [tilespmem:v1+s20+$0x0], $0xffff  }
0x708: {  	v6 =	vadd.f32 v6, v25;
	v60 =	vmul.f32 v24, v58;
	v24 =	vor.u32 v52, v49  }
0x709: {  	[tilespmem:v0+s25+$0x0] =	vst.idx.msk $0xffff, v4  }
0x70a: {  	v48 =	vld.idx.msk [tilespmem:v57+s20+$0x0], $0xffff;
	v0 =	vor.u32 v51, v28;
	[tilespmem:v3+s25+$0x0] =	vst.idx.msk $0xffff, v6;
	v3 =	vadd.f32 v60, v42  }
0x70b: {  	v4 =	vor.u32 v19, v40;
	v6 =	vor.u32 v51, v37;
	v5 =	vmul.f32 v5, v22;
	v2 =	vld.idx.msk [tilespmem:v2+s20+$0x0], $0xffff  }
0x70c: {  	v62 =	vor.u32 v19, v41;
	v7 =	vld.idx.msk [tilespmem:v7+s20+$0x0], $0xffff;
	v1 =	vmul.f32 v1, v22;
	[tilespmem:v8+s25+$0x0] =	vst.idx.msk $0xffff, v3  }
0x70d: {  	v63 =	vor.u32 v56, v38;
	v5 =	vadd.f32 v5, v31;
	v8 =	vld.idx.msk [tilespmem:v24+s20+$0x0], $0xffff  }
0x70e: {  	v57 =	vor.u32 v51, v45;
	v24 =	vor.u32 v61, v34;
	v1 =	vadd.f32 v1, v36  }
0x70f: {  	v3 =	vmul.f32 v48, v21;
	[tilespmem:v0+s25+$0x0] =	vst.idx.msk $0xffff, v5;
	v0 =	vor.u32 v51, v43  }
0x710: {  	v4 =	vld.idx.msk [tilespmem:v4+s20+$0x0], $0xffff;
	v2 =	vmul.f32 v2, v22;
	[tilespmem:v6+s25+$0x0] =	vst.idx.msk $0xffff, v1;
	v1 =	vor.u32 v19, v44  }
0x711: {  	v58 =	vor.u32 v19, v49;
	v3 =	vadd.f32 v3, v30;
	v5 =	vmul.f32 v7, v14;
	v7 =	vld.idx.msk [tilespmem:v62+s20+$0x0], $0xffff  }
0x712: {  	v6 =	vor.u32 v59, v27;
	v2 =	vadd.f32 v2, v25;
	v8 =	vmul.f32 v8, v22  }
0x713: {  	[tilespmem:v24+s25+$0x0] =	vst.idx.msk $0xffff, v3;
	v3 =	vadd.f32 v5, v26  }
0x714: {  	v24 =	vor.u32 v61, v28;
	v5 =	vld.idx.msk [tilespmem:v63+s20+$0x0], $0xffff;
	[tilespmem:v0+s25+$0x0] =	vst.idx.msk $0xffff, v2;
	v0 =	vadd.f32 v8, v42  }
0x715: {  	v2 =	vmul.f32 v4, v21;
	v4 =	vor.u32 v56, v40;
	v8 =	vor.u32 v61, v37;
	v1 =	vld.idx.msk [tilespmem:v1+s20+$0x0], $0xffff  }
0x716: {  	[tilespmem:v57+s25+$0x0] =	vst.idx.msk $0xffff, v0;
	v0 =	vmul.f32 v7, v21;
	v7 =	vor.u32 v56, v41  }
0x717: {  	[tilespmem:v6+s25+$0x0] =	vst.idx.msk $0xffff, v3;
	v2 =	vadd.f32 v2, v31;
	v3 =	vld.idx.msk [tilespmem:v58+s20+$0x0], $0xffff  }
0x718: {  	v60 =	vor.u32 v59, v34;
	v6 =	vor.u32 v20, v39;
	v0 =	vadd.f32 v0, v36  }
0x719: {  	v5 =	vmul.f32 v5, v14;
	[tilespmem:v24+s25+$0x0] =	vst.idx.msk $0xffff, v2;
	v2 =	vor.u32 v61, v43  }
0x71a: {  	v4 =	vld.idx.msk [tilespmem:v4+s20+$0x0], $0xffff;
	[tilespmem:v8+s25+$0x0] =	vst.idx.msk $0xffff, v0;
	v0 =	vmul.f32 v1, v21;
	v1 =	vor.u32 v56, v44  }
0x71b: {  	v62 =	vor.u32 v61, v45;
	v8 =	vor.u32 v20, v38;
	v5 =	vadd.f32 v5, v30;
	v7 =	vld.idx.msk [tilespmem:v7+s20+$0x0], $0xffff  }
0x71c: {  	v48 =	vor.u32 v56, v49;
	v0 =	vadd.f32 v0, v25;
	v3 =	vmul.f32 v3, v21  }
0x71d: {  	v6 =	vld.idx.msk [tilespmem:v6+s20+$0x0], $0xffff;
	[tilespmem:v60+s25+$0x0] =	vst.idx.msk $0xffff, v5  }
0x71e: {  	v5 =	vor.u32 v59, v28;
	[tilespmem:v2+s25+$0x0] =	vst.idx.msk $0xffff, v0;
	v0 =	vadd.f32 v3, v42  }
0x71f: {  	v2 =	vmul.f32 v4, v14;
	v3 =	vor.u32 v20, v40;
	v4 =	vor.u32 v59, v37;
	v1 =	vld.idx.msk [tilespmem:v1+s20+$0x0], $0xffff  }
0x720: {  	v50 =	vor.u32 v20, v41;
	v8 =	vld.idx.msk [tilespmem:v8+s20+$0x0], $0xffff;
	v7 =	vmul.f32 v7, v14;
	[tilespmem:v62+s25+$0x0] =	vst.idx.msk $0xffff, v0  }
0x721: {  	v57 =	vor.u32 v13, v27;
	v2 =	vadd.f32 v2, v31;
	v21 =	vld.idx.msk [tilespmem:v48+s20+$0x0], $0xffff  }
0x722: {  	v58 =	vor.u32 v59, v45;
	v6 =	vmul.f32 v6, v10;
	v7 =	vadd.f32 v7, v36  }
0x723: {  	v63 =	vmov v20;
	v0 =	vor.u32 v17, v39;
	[tilespmem:v5+s25+$0x0] =	vst.idx.msk $0xffff, v2;
	v5 =	vor.u32 v59, v43  }
0x724: {  	v3 =	vld.idx.msk [tilespmem:v3+s20+$0x0], $0xffff;
	[tilespmem:v4+s25+$0x0] =	vst.idx.msk $0xffff, v7;
	v1 =	vmul.f32 v1, v14;
	v4 =	vor.u32 v20, v44  }
0x725: {  	v6 =	vadd.f32 v6, v26;
	v48 =	vor.u32 v63, v49;
	v7 =	vmul.f32 v8, v10;
	v8 =	vld.idx.msk [tilespmem:v50+s20+$0x0], $0xffff  }
0x726: {  	v2 =	vor.u32 v13, v34;
	v1 =	vadd.f32 v1, v25;
	v60 =	vmul.f32 v21, v14  }
0x727: {  	[tilespmem:v57+s25+$0x0] =	vst.idx.msk $0xffff, v6;
	v6 =	vor.u32 v17, v38;
	v57 =	vor.u32 v13, v37  }
0x728: {  	v50 =	vor.u32 v13, v28;
	[tilespmem:v5+s25+$0x0] =	vst.idx.msk $0xffff, v1;
	v1 =	vadd.f32 v60, v42  }
0x729: {  	v7 =	vadd.f32 v7, v30;
	v5 =	vor.u32 v17, v40;
	v3 =	vmul.f32 v3, v10;
	v4 =	vld.idx.msk [tilespmem:v4+s20+$0x0], $0xffff  }
0x72a: {  	v0 =	vld.idx.msk [tilespmem:v0+s20+$0x0], $0xffff;
	[tilespmem:v58+s25+$0x0] =	vst.idx.msk $0xffff, v1;
	v1 =	vmul.f32 v8, v10;
	v8 =	vor.u32 v17, v41  }
0x72b: {  	[tilespmem:v2+s25+$0x0] =	vst.idx.msk $0xffff, v7;
	v2 =	vadd.f32 v3, v31;
	v3 =	vld.idx.msk [tilespmem:v48+s20+$0x0], $0xffff  }
0x72c: {  	v6 =	vld.idx.msk [tilespmem:v6+s20+$0x0], $0xffff;
	v1 =	vadd.f32 v1, v36  }
0x72d: {  	v53 =	vmov v19;
	[tilespmem:v50+s25+$0x0] =	vst.idx.msk $0xffff, v2;
	v2 =	vor.u32 v13, v43  }
0x72e: {  	v19 =	vor.u32 v17, v49;
	v5 =	vld.idx.msk [tilespmem:v5+s20+$0x0], $0xffff;
	[tilespmem:v57+s25+$0x0] =	vst.idx.msk $0xffff, v1;
	v1 =	vmul.f32 v4, v10  }
0x72f: {  	v7 =	vor.u32 v54, v39;
	v60 =	vor.u32 v13, v45;
	v58 =	vor.u32 v17, v44;
	v8 =	vld.idx.msk [tilespmem:v8+s20+$0x0], $0xffff  }
0x730: {  	v4 =	vor.u32 v15, v27;
	v3 =	vmul.f32 v3, v10;
	v1 =	vadd.f32 v1, v25  }
0x731: {  	v39 =	vor.u32 v15, v34;
	v0 =	vmul.f32 v0, v9;
	v6 =	vmul.f32 v6, v9  }
0x732: {  	[tilespmem:v2+s25+$0x0] =	vst.idx.msk $0xffff, v1;
	v1 =	vor.u32 v15, v28;
	v2 =	vadd.f32 v3, v42  }
0x733: {  	v0 =	vadd.f32 v0, v26;
	v3 =	vmul.f32 v5, v9;
	v5 =	vor.u32 v15, v37  }
0x734: {  	[tilespmem:v60+s25+$0x0] =	vst.idx.msk $0xffff, v2;
	v2 =	vadd.f32 v6, v30;
	v6 =	vmul.f32 v8, v9;
	v8 =	vld.idx.msk [tilespmem:v58+s20+$0x0], $0xffff  }
0x735: {  	[tilespmem:v4+s25+$0x0] =	vst.idx.msk $0xffff, v0;
	v0 =	vadd.f32 v3, v31;
	v3 =	vld.idx.msk [tilespmem:v19+s20+$0x0], $0xffff  }
0x736: {  	[tilespmem:v39+s25+$0x0] =	vst.idx.msk $0xffff, v2;
	v2 =	vor.u32 v54, v38;
	v4 =	vadd.f32 v6, v36  }
0x737: {  	[tilespmem:v1+s25+$0x0] =	vst.idx.msk $0xffff, v0;
	v0 =	vld.idx.msk [tilespmem:v47+s20+$0x0], $0xffff;
	v1 =	vor.u32 v54, v40  }
0x738: {  	v6 =	vld.idx.msk [tilespmem:v7+s20+$0x0], $0xffff;
	v7 =	vor.u32 v54, v41;
	[tilespmem:v5+s25+$0x0] =	vst.idx.msk $0xffff, v4;
	v4 =	vor.u32 v15, v43  }
0x739: {  	v19 =	vor.u32 v15, v45;
	v5 =	vor.u32 v54, v44;
	v8 =	vmul.f32 v8, v9  }
0x73a: {  	v49 =	vor.u32 v54, v49;
	v48 =	vor.u32 v12, v32;
	v3 =	vmul.f32 v3, v9  }
0x73b: {  	v50 =	vmul.f32 v46, v11;
	v57 =	vor.u32 v12, v35;
	v2 =	vld.idx.msk [tilespmem:v2+s20+$0x0], $0xffff;
	v8 =	vadd.f32 v8, v25  }
0x73c: {  	v58 =	vor.u32 v12, v27;
	v0 =	vmul.f32 v0, v11;
	v1 =	vld.idx.msk [tilespmem:v1+s20+$0x0], $0xffff;
	v3 =	vadd.f32 v3, v42  }
0x73d: {  	v6 =	vmul.f32 v6, v11;
	v7 =	vld.idx.msk [tilespmem:v7+s20+$0x0], $0xffff;
	[tilespmem:v4+s25+$0x0] =	vst.idx.msk $0xffff, v8;
	v4 =	vadd.f32 v50, v29  }
0x73e: {  	[tilespmem:v19+s25+$0x0] =	vst.idx.msk $0xffff, v3;
	v0 =	vadd.f32 v0, v33;
	v3 =	vld.idx.msk [tilespmem:v5+s20+$0x0], $0xffff  }
0x73f: {  	v5 =	vor.u32 v12, v34;
	[tilespmem:v48+s25+$0x0] =	vst.idx.msk $0xffff, v4;
	v4 =	vadd.f32 v6, v26;
	v6 =	vld.idx.msk [tilespmem:v49+s20+$0x0], $0xffff  }
0x740: {  	[tilespmem:v57+s25+$0x0] =	vst.idx.msk $0xffff, v0;
	v0 =	vmul.f32 v2, v11;
	v2 =	vor.u32 v12, v28  }
0x741: {  	[tilespmem:v58+s25+$0x0] =	vst.idx.msk $0xffff, v4;
	v1 =	vmul.f32 v1, v11;
	v4 =	vor.u32 v12, v37  }
0x742: {  	v8 =	vor.u32 v12, v43;
	v7 =	vmul.f32 v7, v11;
	v0 =	vadd.f32 v0, v30  }
0x743: {  	s30 =	sadd.s32 $0x1, s30;
	v60 =	vor.u32 v12, v45;
	v1 =	vadd.f32 v1, v31;
	v3 =	vmul.f32 v3, v11  }
0x744: {  	p0 =	sne.s32 s30, $0x64;
	[tilespmem:v5+s25+$0x0] =	vst.idx.msk $0xffff, v0;
	v0 =	vadd.f32 v7, v36;
	v5 =	vmul.f32 v6, v11  }
.Ltmp4:
0x745: {  	s0 =	sshll.u32 s31, $0x12;
	[tilespmem:v2+s25+$0x0] =	vst.idx.msk $0xffff, v1;
	v1 =	vadd.f32 v3, v25;
	(pc) =	sbr.rel @p0 .LBB2_2-.Ltmp4, $4  }
0x746: {  	s0 =	sor.u32 s11, s0;
	[tilespmem:v4+s25+$0x0] =	vst.idx.msk $0xffff, v0;
	v0 =	vadd.f32 v5, v42  }
0x747: {  	s0 =	sshrl.u32 s0, $0x3;
	v16 =	vmov v63;
	v62 =	vmov v13;
	[tilespmem:v8+s25+$0x0] =	vst.idx.msk $0xffff, v1  }
0x748: {  	s0 =	sadd.s32 s1, s0;
	v32 =	vmovc v17;
	v13 =	vmovc v15;
	v50 =	vmov v55;
	v12 =	vmov v54;
	v7 =	vmov v51;
	[tilespmem:v60+s25+$0x0] =	vst.idx.msk $0xffff, v0  }
0x749: {  	v6 =	vmovc v53;
	v25 =	vmovc v18;
	v4 =	vmov v56;
	v1 =	vlaneseq.u32;
	v60 =	vmov v59;
	[hbm4b:s0+s22] =	stream.strided.scatter [tilespmem:s25], [sflag:$0x6], $0x2000, s23, s22, $0x38;
	[tilespmem:$0xB300] =	vst v63  }
0x74a: {  	s29 =	sadd.s32 $0x1, s29  }
0x74b: {  	_ =	swait.ge [sflag:s26], $0x2000;
	p0 =	sne.s32 s29, s12  }
.Ltmp5:
0x74c: {  	[sflag:s26] =	ssyncset.done $0x0;
	(pc) =	sbr.rel @p0 .LBB2_1-.Ltmp5, $4  }
0x74d: {  	[sflag:s26] =	ssyncadd.s32 $0xFFFFE000  }
0x74e: {  	_ =	swait.ge [sflag:s28], $0x2000  }
0x74f: {  	[sflag:s28] =	ssyncset.done $0x0  }
0x750: {  	[sflag:s28] =	ssyncadd.s32 $0xFFFFE000  }
0x751: {  	_ =	sfence.sel $0x180000  }
0x752: {  	[bflag:$0x0] =	sbarrier.arrive $0xFFFF  }
0x753: {  	_ =	strace $0x90000047  }
0x754: {  	s0 =	stileid.u32;
	[bflag:$0x2] =	sbarrier.arrive $0xFFFF  }
0x755: {  	p0 =	sne.s32 s0, $0x0;
	s0 =	rddreg [dreg:$0x2]  }
0x756: {  	s0 =	sadd.s32 @!p0 $0x100000, s0  }
0x757: {  	[sflag:s0] =	ssyncadd.tile.s32 @!p0 $0x1;
	_ =	shalt  }
.Lfunc_end2:
_tile_overlayer_lowered:
.L_overlay_start_2:
0x758: {  	(tag) =	ssettag $0x2  }
0x759: {  	s0 =	rddreg [dreg:$0x0];
	s2 =	stileid.u32  }
0x75a: {  	s1 =	rddreg [dreg:$0x1];
	p0 =	sne.s32 s2, $0x0  }
0x75b: {  	s3 =	rddreg [dreg:$0x2];
	[bflag:$0x3] =	sbarrier.arrive $0xFFFF;
	s2 =	simm.s32 @!p0 $0x1C07  }
0x75c: {  	[timem:s3], [sflag:s2] =	dma.local @!p0 [hbm:s0], s1  }
0x75d: {  	s0 =	simm.s32 @!p0 $0x7  }
0x75e: {  	_ =	swait.ge @!p0 [sflag:s0], s1  }
0x75f: {  	s1 =	ssub.s32 @!p0 $0x0, s1;
	[sflag:s0] =	ssyncset.done @!p0 $0x0  }
0x760: {  	[sflag:s0] =	ssyncadd.s32 @!p0 s1  }
0x761: {  	[bflag:$0x3] =	sbarrier.arrive $0xFFFF  }
0x762: {  	_ =	shalt  }

</sc_bundles>
